<compile_context>
chip_gen: v7x
topology: tpu7x:2x2x1
jax: 0.10.2.dev20260603
libtpu: 0.0.44.dev20260713+nightly
codegen_flags: <defaults>
</compile_context>

<pallas_src>
import functools

import jax
import jax.numpy as jnp
from jax import lax
from jax.experimental import pallas as pl
from jax.experimental.pallas import tpu as pltpu
from jax.experimental.pallas import tpu_sc as plsc

B = 16
N = 1024
K = 20
NEG = -1e30
EPS = 1e-5

NC = 2
NS = 16
NW = NC * NS
PTS_W = (B * N) // NW
GP = 4
NCHUNK = PTS_W // GP

TP = 128
NT = N // TP



def _topk_body(rows_ref, full_ref, idx_ref, *, rows):
    b = pl.program_id(0)
    xr = rows_ref[0]
    xf = full_ref[0]
    g = lax.dot_general(xr, xf, (((1,), (1,)), ((), ())),
                        preferred_element_type=jnp.float32)
    xx_r = jnp.sum(xr * xr, axis=1)
    xx_f = jnp.sum(xf * xf, axis=1)
    pair = 2.0 * g - xx_r[:, None] - xx_f[None, :]
    iota = lax.broadcasted_iota(jnp.int32, (rows, N), 1)
    base = b * N
    for t in range(K):
        m = jnp.max(pair, axis=1, keepdims=True)
        cand = jnp.where(pair == m, iota, N)
        a = jnp.min(cand, axis=1)
        idx_ref[0, :, t] = a + base
        pair = jnp.where(iota == a[:, None], NEG, pair)


def _topk(x, rows=1024):
    _, _, c = x.shape
    grid = (B, N // rows)
    return pl.pallas_call(
        functools.partial(_topk_body, rows=rows),
        grid=grid,
        in_specs=[
            pl.BlockSpec((1, rows, c), lambda b, t: (b, t, 0)),
            pl.BlockSpec((1, N, c), lambda b, t: (b, 0, 0)),
        ],
        out_specs=pl.BlockSpec((1, rows, K), lambda b, t: (b, t, 0)),
        out_shape=jax.ShapeDtypeStruct((B, N, K), jnp.int32),
    )(x, x)



def _sc_gather(tab, idx_flat):
    cop = tab.shape[1]
    mesh = plsc.VectorSubcoreMesh(core_axis_name="c", subcore_axis_name="s")

    @functools.partial(
        pl.kernel, mesh=mesh,
        out_type=jax.ShapeDtypeStruct((B * N * K, cop), jnp.float32),
        scratch_types=[
            pltpu.VMEM((PTS_W * K,), jnp.int32),
            pltpu.VMEM((4, GP * K, cop), jnp.float32),
        ] + [pltpu.SemaphoreType.DMA] * 8,
    )
    def k(tab_hbm, i_hbm, out_hbm, idx_v, rows_v,
          g0, g1, g2, g3, w0, w1, w2, w3):
        wid = lax.axis_index("s") * NC + lax.axis_index("c")
        base = wid * PTS_W * K
        pltpu.sync_copy(i_hbm.at[pl.ds(base, PTS_W * K)], idx_v)
        nr = GP * K
        gsem = (g0, g1, g2, g3)
        wsem = (w0, w1, w2, w3)

        def gfire(ci, s):
            pltpu.async_copy(
                tab_hbm.at[idx_v.at[pl.ds(ci * nr, nr)]],
                rows_v.at[s], gsem[s])

        def gwait(s):
            pltpu.make_async_copy(
                tab_hbm.at[idx_v.at[pl.ds(0, nr)]],
                rows_v.at[s], gsem[s]).wait()

        def wfire(ci, s):
            pltpu.async_copy(
                rows_v.at[s], out_hbm.at[pl.ds(base + ci * nr, nr)], wsem[s])

        def wwait(s):
            pltpu.make_async_copy(
                rows_v.at[s], out_hbm.at[pl.ds(0, nr)], wsem[s]).wait()

        gfire(0, 0)
        gfire(1, 1)
        gfire(2, 2)
        gwait(0); wfire(0, 0); gfire(3, 3)
        gwait(1); wfire(1, 1); wwait(0); gfire(4, 0)
        gwait(2); wfire(2, 2); wwait(1); gfire(5, 1)
        gwait(3); wfire(3, 3); wwait(2); gfire(6, 2)

        def chunk_body(it, _):
            for s in range(4):
                ci = it * 4 + s
                gwait(s)
                wfire(ci, s)
                sf = (s + 3) % 4

                @pl.when(ci + 3 < NCHUNK)
                def _():
                    wwait(sf)
                    gfire(ci + 3, sf)
                return_val = 0
            return return_val

        lax.fori_loop(1, NCHUNK // 4, chunk_body, 0, unroll=False)
        for s in range(4):
            wwait(s)

    return k(tab, idx_flat)



def _conv_body(g_ref, x_ref, w_ref, m_ref, s1_ref, s2_ref, *, cop, c, o):
    g = g_ref[0].reshape(TP, K, cop)
    xi = x_ref[0]
    d = g[:, :, :c] - xi[:, None, :c]
    feat = jnp.concatenate(
        [d, jnp.broadcast_to(xi[:, None, :c], (TP, K, c))], axis=2)
    feat = feat.reshape(TP * K, 2 * c)
    y = lax.dot_general(feat, w_ref[...], (((1,), (0,)), ((), ())),
                        preferred_element_type=jnp.float32)
    y3 = y.reshape(TP, K, o)
    m_ref[0] = jnp.max(y3, axis=1)
    s1_ref[0, 0, :] = jnp.sum(y, axis=0)
    s2_ref[0, 0, :] = jnp.sum(y * y, axis=0)


def _conv(gathered, x, wt):
    cop = x.shape[2]
    c2, o = wt.shape
    return pl.pallas_call(
        functools.partial(_conv_body, cop=cop, c=c2 // 2, o=o),
        grid=(B, NT),
        in_specs=[
            pl.BlockSpec((1, TP * K, cop), lambda b, t: (b, t, 0)),
            pl.BlockSpec((1, TP, cop), lambda b, t: (b, t, 0)),
            pl.BlockSpec((c2, o), lambda b, t: (0, 0)),
        ],
        out_specs=[
            pl.BlockSpec((1, TP, o), lambda b, t: (b, t, 0)),
            pl.BlockSpec((1, 1, o), lambda b, t: (b * NT + t, 0, 0)),
            pl.BlockSpec((1, 1, o), lambda b, t: (b * NT + t, 0, 0)),
        ],
        out_shape=[
            jax.ShapeDtypeStruct((B, N, o), jnp.float32),
            jax.ShapeDtypeStruct((B * NT, 1, o), jnp.float32),
            jax.ShapeDtypeStruct((B * NT, 1, o), jnp.float32),
        ],
    )(gathered, x, wt)



def _norm_body(m_ref, s1_ref, s2_ref, o_ref, *, cnt, o, cop_out):
    s1 = jnp.sum(s1_ref[...], axis=(0, 1))
    s2 = jnp.sum(s2_ref[...], axis=(0, 1))
    mu = s1 / cnt
    var = s2 / cnt - mu * mu
    sd = jnp.sqrt(var + EPS)
    xn = (m_ref[0] - mu[None, :]) / sd[None, :]
    xn = jnp.where(xn >= 0, xn, 0.2 * xn)
    if cop_out > o:
        xn = jnp.pad(xn, ((0, 0), (0, cop_out - o)))
    o_ref[0] = xn


def _norm(m, s1, s2, cop_out):
    _, _, o = m.shape
    cnt = float(B * N * K)
    return pl.pallas_call(
        functools.partial(_norm_body, cnt=cnt, o=o, cop_out=cop_out),
        grid=(B,),
        in_specs=[
            pl.BlockSpec((1, N, o), lambda b: (b, 0, 0)),
            pl.BlockSpec((B * NT, 1, o), lambda b: (0, 0, 0)),
            pl.BlockSpec((B * NT, 1, o), lambda b: (0, 0, 0)),
        ],
        out_specs=pl.BlockSpec((1, N, cop_out), lambda b: (b, 0, 0)),
        out_shape=jax.ShapeDtypeStruct((B, N, cop_out), jnp.float32),
    )(m, s1, s2)



def _edge_layer(x, wt, o_real):
    idx = _topk(x)
    gathered = _sc_gather(x.reshape(B * N, x.shape[2]),
                          idx.reshape(B * N * K))
    m, s1, s2 = _conv(gathered.reshape(B, N * K, x.shape[2]), x, wt)
    cop_out = m.shape[2]
    return _norm(m, s1, s2, cop_out)



def _final_body(x1, x2, x3, x4, w_ref, y_ref, sum_ref, sq_ref):
    cat = jnp.concatenate(
        [x1[0][:, :64], x2[0][:, :64], x3[0], x4[0]], axis=1)
    y = lax.dot_general(w_ref[...], cat, (((1,), (1,)), ((), ())),
                        preferred_element_type=jnp.float32)
    y_ref[0] = y
    sum_ref[0, 0, :] = jnp.sum(y, axis=1)
    sq_ref[0, 0, :] = jnp.sum(y * y, axis=1)


def _final_norm_body(y_ref, sum_ref, sq_ref, o_ref):
    cnt = float(B * N)
    mu = jnp.sum(sum_ref[...], axis=(0, 1)) / cnt
    var = jnp.sum(sq_ref[...], axis=(0, 1)) / cnt - mu * mu
    sd = jnp.sqrt(var + EPS)
    yn = (y_ref[0] - mu[:, None]) / sd[:, None]
    o_ref[0] = jnp.where(yn >= 0, yn, 0.2 * yn)


def _final(x1, x2, x3, x4, w5):
    co = w5.shape[0]
    y, s1, s2 = pl.pallas_call(
        _final_body,
        grid=(B,),
        in_specs=[pl.BlockSpec((1, N, c), lambda b: (b, 0, 0))
                  for c in (128, 128, 128, 256)]
        + [pl.BlockSpec((co, 512), lambda b: (0, 0))],
        out_specs=[
            pl.BlockSpec((1, co, N), lambda b: (b, 0, 0)),
            pl.BlockSpec((1, 1, co), lambda b: (b, 0, 0)),
            pl.BlockSpec((1, 1, co), lambda b: (b, 0, 0)),
        ],
        out_shape=[
            jax.ShapeDtypeStruct((B, co, N), jnp.float32),
            jax.ShapeDtypeStruct((B, 1, co), jnp.float32),
            jax.ShapeDtypeStruct((B, 1, co), jnp.float32),
        ],
    )(x1, x2, x3, x4, w5)
    return pl.pallas_call(
        _final_norm_body,
        grid=(B,),
        in_specs=[
            pl.BlockSpec((1, co, N), lambda b: (b, 0, 0)),
            pl.BlockSpec((B, 1, co), lambda b: (0, 0, 0)),
            pl.BlockSpec((B, 1, co), lambda b: (0, 0, 0)),
        ],
        out_specs=pl.BlockSpec((1, co, N), lambda b: (b, 0, 0)),
        out_shape=jax.ShapeDtypeStruct((B, co, N), jnp.float32),
    )(y, s1, s2)



def kernel(x, W1, W2, W3, W4, W5, g1, b1, g2, b2, g3, b3, g4, b4, g5, b5):
    def prep(w, o_pad):
        o = w.shape[0]
        return jnp.pad(w.T, ((0, 0), (0, o_pad - o)))

    wt1 = prep(W1, 128)
    wt2 = prep(W2, 128)
    wt3 = prep(W3, 128)
    wt4 = prep(W4, 256)

    x0 = jnp.pad(jnp.transpose(x, (0, 2, 1)), ((0, 0), (0, 0), (0, 125)))
    x1 = _edge_layer(x0, wt1, 64)
    x2 = _edge_layer(x1, wt2, 64)
    x3 = _edge_layer(x2, wt3, 128)
    x4 = _edge_layer(x3, wt4, 256)
    return _final(x1, x2, x3, x4, W5)

# --- scband reference (transcript-rebuilt; emitter-appended) ---
"""Pipeline reference for scband-dgcnn-16329465660218 (READ-ONLY COPY).

The authoritative reference and input builder live on the scoring server;
editing this copy changes nothing except your own understanding.
"""

import jax, jax.numpy as jnp
import numpy as np

K = 20

def knn(x, k):
    inner = -2.0 * jnp.matmul(jnp.transpose(x, (0, 2, 1)), x)
    xx = jnp.sum(x ** 2, axis=1, keepdims=True)
    pairwise = -xx - inner - jnp.transpose(xx, (0, 2, 1))
    _, idx = jax.lax.top_k(pairwise, k)
    return idx

def get_graph_feature(x, k):
    B, C, N = x.shape
    idx = knn(x, k)
    x_t = jnp.transpose(x, (0, 2, 1))
    feature = x_t[jnp.arange(B)[:, None, None], idx]
    x_rep = jnp.broadcast_to(x_t[:, :, None, :], (B, N, k, C))
    feature = jnp.concatenate([feature - x_rep, x_rep], axis=3)
    return jnp.transpose(feature, (0, 3, 1, 2))

def bn(x, g, b, axes):
    m = jnp.mean(x, axis=axes, keepdims=True)
    v = jnp.var(x, axis=axes, keepdims=True)
    xhat = (x - m) / jnp.sqrt(v + 1e-5)
    shape = [1] * x.ndim
    shape[1] = -1
    return xhat * g.reshape(shape) + b.reshape(shape)

def lrelu(x):
    return jnp.where(x >= 0, x, 0.2 * x)

def dgcnn_forward(x, W1, W2, W3, W4, W5, g1, b1, g2, b2, g3, b3, g4, b4, g5, b5):
    h = get_graph_feature(x, K)
    h = lrelu(bn(jnp.einsum('oc,bcnk->bonk', W1, h), g1, b1, (0, 2, 3)))
    x1 = jnp.max(h, axis=-1)
    h = get_graph_feature(x1, K)
    h = lrelu(bn(jnp.einsum('oc,bcnk->bonk', W2, h), g2, b2, (0, 2, 3)))
    x2 = jnp.max(h, axis=-1)
    h = get_graph_feature(x2, K)
    h = lrelu(bn(jnp.einsum('oc,bcnk->bonk', W3, h), g3, b3, (0, 2, 3)))
    x3 = jnp.max(h, axis=-1)
    h = get_graph_feature(x3, K)
    h = lrelu(bn(jnp.einsum('oc,bcnk->bonk', W4, h), g4, b4, (0, 2, 3)))
    x4 = jnp.max(h, axis=-1)
    cat = jnp.concatenate([x1, x2, x3, x4], axis=1)
    out = lrelu(bn(jnp.einsum('oc,bcn->bon', W5, cat), g5, b5, (0, 2)))
    return out

def setup_inputs(seed: int = 0):
    key = jax.random.key(seed)
    ks = jax.random.split(key, 8)
    x = jax.random.normal(ks[0], (16, 3, 1024), dtype=jnp.float32)
    W1 = jax.random.normal(ks[1], (64, 6), dtype=jnp.float32) * 0.1
    W2 = jax.random.normal(ks[2], (64, 128), dtype=jnp.float32) * 0.1
    W3 = jax.random.normal(ks[3], (128, 128), dtype=jnp.float32) * 0.1
    W4 = jax.random.normal(ks[4], (256, 256), dtype=jnp.float32) * 0.1
    W5 = jax.random.normal(ks[5], (1024, 512), dtype=jnp.float32) * 0.1
    g1 = jnp.ones((64,), jnp.float32); b1 = jnp.zeros((64,), jnp.float32)
    g2 = jnp.ones((64,), jnp.float32); b2 = jnp.zeros((64,), jnp.float32)
    g3 = jnp.ones((128,), jnp.float32); b3 = jnp.zeros((128,), jnp.float32)
    g4 = jnp.ones((256,), jnp.float32); b4 = jnp.zeros((256,), jnp.float32)
    g5 = jnp.ones((1024,), jnp.float32); b5 = jnp.zeros((1024,), jnp.float32)
    return {'x': x, 'W1': W1, 'W2': W2, 'W3': W3, 'W4': W4, 'W5': W5,
            'g1': g1, 'b1': b1, 'g2': g2, 'b2': b2, 'g3': g3, 'b3': b3,
            'g4': g4, 'b4': b4, 'g5': g5, 'b5': b5}

def reference(x, W1, W2, W3, W4, W5, g1, b1, g2, b2, g3, b3, g4, b4, g5, b5):
    return dgcnn_forward(x, W1, W2, W3, W4, W5, g1, b1, g2, b2, g3, b3, g4, b4, g5, b5)

if __name__ == "__main__":
    import jax
    _d = setup_inputs()
    print(jax.jit(kernel)(*tuple(_d.values())))

</pallas_src>

<mosaic_0001>
#map = affine_map<(d0, d1) -> (0, 0)>
#map1 = affine_map<(d0, d1) -> (0)>
module attributes {stable_mosaic.version = 14 : i64} {
  func.func @k(%arg0: i32, %arg1: i32, %arg2: memref<16384x128xf32, #tpu.memory_space<hbm>>, %arg3: memref<327680xi32, #tpu.memory_space<hbm>>, %arg4: memref<327680x128xf32, #tpu.memory_space<hbm>>, %arg5: memref<10240xi32, #tpu.memory_space<vmem>>, %arg6: memref<4x80x128xf32, #tpu.memory_space<vmem>>, %arg7: memref<!tpu.dma_semaphore, #tpu.memory_space<semaphore_mem>>, %arg8: memref<!tpu.dma_semaphore, #tpu.memory_space<semaphore_mem>>, %arg9: memref<!tpu.dma_semaphore, #tpu.memory_space<semaphore_mem>>, %arg10: memref<!tpu.dma_semaphore, #tpu.memory_space<semaphore_mem>>, %arg11: memref<!tpu.dma_semaphore, #tpu.memory_space<semaphore_mem>>, %arg12: memref<!tpu.dma_semaphore, #tpu.memory_space<semaphore_mem>>, %arg13: memref<!tpu.dma_semaphore, #tpu.memory_space<semaphore_mem>>, %arg14: memref<!tpu.dma_semaphore, #tpu.memory_space<semaphore_mem>>) attributes {dimension_semantics = [#tpu.dimension_semantics<core_parallel>, #tpu.dimension_semantics<subcore_parallel>], iteration_bounds = array<i64: 2, 16>, scalar_prefetch = 0 : i64, scratch_operands = 10 : i64, tpu.core_type = #tpu.core_type<sc_vector_subcore>, window_params = [{transform_indices = #map}, {transform_indices = #map1}, {transform_indices = #map}]} {
    %mul3A = arith.constant 2 : i32
    %mul3A_0 = arith.muli %arg1, %mul3A : i32
    %add3A = arith.addi %mul3A_0, %arg0 : i32
    %mul3A_1 = arith.constant 512 : i32
    %mul3A_2 = arith.muli %add3A, %mul3A_1 : i32
    %mul3A_3 = arith.constant 20 : i32
    %mul3A_4 = arith.muli %mul3A_2, %mul3A_3 : i32
    "tpu.region"() ({
      %run_scoped3A = tpu.sem_alloc : memref<!tpu.dma_semaphore, #tpu.memory_space<semaphore_mem>>
      %dma_start3A_284 = tpu.memref_slice %arg3[%mul3A_4] : memref<327680xi32, #tpu.memory_space<hbm>> -> memref<10240xi32, #tpu.memory_space<hbm>>
      %dma_start3A_285 = tpu.memref_slice %arg3[%mul3A_4] : memref<327680xi32, #tpu.memory_space<hbm>> -> memref<10240xi32, #tpu.memory_space<hbm>>
      tpu.enqueue_dma source(%dma_start3A_285 : memref<10240xi32, #tpu.memory_space<hbm>>) target(%arg5 : memref<10240xi32, #tpu.memory_space<vmem>>) target_semaphore(%run_scoped3A : memref<!tpu.dma_semaphore, #tpu.memory_space<semaphore_mem>>)
      %dma_wait3A_286 = tpu.memref_slice %arg3[%mul3A_4] : memref<327680xi32, #tpu.memory_space<hbm>> -> memref<10240xi32, #tpu.memory_space<hbm>>
      %dma_wait3A_287 = tpu.memref_slice %arg3[%mul3A_4] : memref<327680xi32, #tpu.memory_space<hbm>> -> memref<10240xi32, #tpu.memory_space<hbm>>
      tpu.wait_dma2 semaphore(%run_scoped3A : memref<!tpu.dma_semaphore, #tpu.memory_space<semaphore_mem>>) src(%dma_wait3A_287 : memref<10240xi32, #tpu.memory_space<hbm>>) dst(%arg5 : memref<10240xi32, #tpu.memory_space<vmem>>)
      tpu.yield
    }) : () -> ()
    %dma_start3A = arith.constant 0 : i32
    %dma_start3A_5 = arith.constant 0 : i32
    %dma_start3A_6 = arith.constant 0 : i32
    %dma_start3A_7 = tpu.memref_slice %arg6[%dma_start3A, %dma_start3A_5, %dma_start3A_6] : memref<4x80x128xf32, #tpu.memory_space<vmem>> -> memref<1x80x128xf32, #tpu.memory_space<vmem>>
    %dma_start3A_8 = tpu.memref_squeeze %dma_start3A_7 : memref<1x80x128xf32, #tpu.memory_space<vmem>> -> memref<80x128xf32, #tpu.memory_space<vmem>>
    %dma_start3A_9 = arith.constant 0 : i32
    %dma_start3A_10 = tpu.memref_slice %arg5[%dma_start3A_9] : memref<10240xi32, #tpu.memory_space<vmem>> -> memref<80xi32, #tpu.memory_space<vmem>>
    %dma_start3A_11 = arith.constant 0 : i32
    %dma_start3A_12 = arith.constant 0 : i32
    %dma_start3A_13 = tpu.memref_slice %arg2[%dma_start3A_11, %dma_start3A_12] : memref<16384x128xf32, #tpu.memory_space<hbm>> -> memref<16384x128xf32, #tpu.memory_space<hbm>>
    tpu.enqueue_indirect_dma source(%dma_start3A_13 : memref<16384x128xf32, #tpu.memory_space<hbm>>) target(%dma_start3A_8 : memref<80x128xf32, #tpu.memory_space<vmem>>) offsets(%dma_start3A_10 : memref<80xi32, #tpu.memory_space<vmem>>) semaphore(%arg7 : memref<!tpu.dma_semaphore, #tpu.memory_space<semaphore_mem>>)
    %dma_start3A_14 = arith.constant 1 : i32
    %dma_start3A_15 = arith.constant 0 : i32
    %dma_start3A_16 = arith.constant 0 : i32
    %dma_start3A_17 = tpu.memref_slice %arg6[%dma_start3A_14, %dma_start3A_15, %dma_start3A_16] : memref<4x80x128xf32, #tpu.memory_space<vmem>> -> memref<1x80x128xf32, #tpu.memory_space<vmem>>
    %dma_start3A_18 = tpu.memref_squeeze %dma_start3A_17 : memref<1x80x128xf32, #tpu.memory_space<vmem>> -> memref<80x128xf32, #tpu.memory_space<vmem>>
    %dma_start3A_19 = arith.constant 80 : i32
    %dma_start3A_20 = tpu.memref_slice %arg5[%dma_start3A_19] : memref<10240xi32, #tpu.memory_space<vmem>> -> memref<80xi32, #tpu.memory_space<vmem>>
    %dma_start3A_21 = arith.constant 0 : i32
    %dma_start3A_22 = arith.constant 0 : i32
    %dma_start3A_23 = tpu.memref_slice %arg2[%dma_start3A_21, %dma_start3A_22] : memref<16384x128xf32, #tpu.memory_space<hbm>> -> memref<16384x128xf32, #tpu.memory_space<hbm>>
    tpu.enqueue_indirect_dma source(%dma_start3A_23 : memref<16384x128xf32, #tpu.memory_space<hbm>>) target(%dma_start3A_18 : memref<80x128xf32, #tpu.memory_space<vmem>>) offsets(%dma_start3A_20 : memref<80xi32, #tpu.memory_space<vmem>>) semaphore(%arg8 : memref<!tpu.dma_semaphore, #tpu.memory_space<semaphore_mem>>)
    %dma_start3A_24 = arith.constant 2 : i32
    %dma_start3A_25 = arith.constant 0 : i32
    %dma_start3A_26 = arith.constant 0 : i32
    %dma_start3A_27 = tpu.memref_slice %arg6[%dma_start3A_24, %dma_start3A_25, %dma_start3A_26] : memref<4x80x128xf32, #tpu.memory_space<vmem>> -> memref<1x80x128xf32, #tpu.memory_space<vmem>>
    %dma_start3A_28 = tpu.memref_squeeze %dma_start3A_27 : memref<1x80x128xf32, #tpu.memory_space<vmem>> -> memref<80x128xf32, #tpu.memory_space<vmem>>
    %dma_start3A_29 = arith.constant 160 : i32
    %dma_start3A_30 = tpu.memref_slice %arg5[%dma_start3A_29] : memref<10240xi32, #tpu.memory_space<vmem>> -> memref<80xi32, #tpu.memory_space<vmem>>
    %dma_start3A_31 = arith.constant 0 : i32
    %dma_start3A_32 = arith.constant 0 : i32
    %dma_start3A_33 = tpu.memref_slice %arg2[%dma_start3A_31, %dma_start3A_32] : memref<16384x128xf32, #tpu.memory_space<hbm>> -> memref<16384x128xf32, #tpu.memory_space<hbm>>
    tpu.enqueue_indirect_dma source(%dma_start3A_33 : memref<16384x128xf32, #tpu.memory_space<hbm>>) target(%dma_start3A_28 : memref<80x128xf32, #tpu.memory_space<vmem>>) offsets(%dma_start3A_30 : memref<80xi32, #tpu.memory_space<vmem>>) semaphore(%arg9 : memref<!tpu.dma_semaphore, #tpu.memory_space<semaphore_mem>>)
    %dma_wait3A = arith.constant 0 : i32
    %dma_wait3A_34 = arith.constant 0 : i32
    %dma_wait3A_35 = arith.constant 0 : i32
    %dma_wait3A_36 = tpu.memref_slice %arg6[%dma_wait3A, %dma_wait3A_34, %dma_wait3A_35] : memref<4x80x128xf32, #tpu.memory_space<vmem>> -> memref<1x80x128xf32, #tpu.memory_space<vmem>>
    %dma_wait3A_37 = tpu.memref_squeeze %dma_wait3A_36 : memref<1x80x128xf32, #tpu.memory_space<vmem>> -> memref<80x128xf32, #tpu.memory_space<vmem>>
    %dma_wait3A_38 = arith.constant 0 : i32
    %dma_wait3A_39 = tpu.memref_slice %arg5[%dma_wait3A_38] : memref<10240xi32, #tpu.memory_space<vmem>> -> memref<80xi32, #tpu.memory_space<vmem>>
    %dma_wait3A_40 = arith.constant 0 : i32
    %dma_wait3A_41 = arith.constant 0 : i32
    %dma_wait3A_42 = tpu.memref_slice %arg2[%dma_wait3A_40, %dma_wait3A_41] : memref<16384x128xf32, #tpu.memory_space<hbm>> -> memref<16384x128xf32, #tpu.memory_space<hbm>>
    tpu.wait_indirect_dma semaphore(%arg7 : memref<!tpu.dma_semaphore, #tpu.memory_space<semaphore_mem>>) src(%dma_wait3A_42 : memref<16384x128xf32, #tpu.memory_space<hbm>>) dst(%dma_wait3A_37 : memref<80x128xf32, #tpu.memory_space<vmem>>)
    %add3A_43 = arith.constant 0 : i32
    %add3A_44 = arith.addi %mul3A_4, %add3A_43 : i32
    %dma_start3A_45 = arith.constant 0 : i32
    %dma_start3A_46 = arith.constant 0 : i32
    %dma_start3A_47 = arith.constant 0 : i32
    %dma_start3A_48 = tpu.memref_slice %arg6[%dma_start3A_45, %dma_start3A_46, %dma_start3A_47] : memref<4x80x128xf32, #tpu.memory_space<vmem>> -> memref<1x80x128xf32, #tpu.memory_space<vmem>>
    %dma_start3A_49 = tpu.memref_squeeze %dma_start3A_48 : memref<1x80x128xf32, #tpu.memory_space<vmem>> -> memref<80x128xf32, #tpu.memory_space<vmem>>
    %dma_start3A_50 = arith.constant 0 : i32
    %dma_start3A_51 = tpu.memref_slice %arg4[%add3A_44, %dma_start3A_50] : memref<327680x128xf32, #tpu.memory_space<hbm>> -> memref<80x128xf32, #tpu.memory_space<hbm>>
    %dma_start3A_52 = arith.constant 0 : i32
    %dma_start3A_53 = tpu.memref_slice %arg4[%add3A_44, %dma_start3A_52] : memref<327680x128xf32, #tpu.memory_space<hbm>> -> memref<80x128xf32, #tpu.memory_space<hbm>>
    %dma_start3A_54 = arith.constant 0 : i32
    %dma_start3A_55 = arith.constant 0 : i32
    %dma_start3A_56 = tpu.memref_slice %arg6[%dma_start3A_45, %dma_start3A_54, %dma_start3A_55] : memref<4x80x128xf32, #tpu.memory_space<vmem>> -> memref<1x80x128xf32, #tpu.memory_space<vmem>>
    %dma_start3A_57 = tpu.memref_squeeze %dma_start3A_56 : memref<1x80x128xf32, #tpu.memory_space<vmem>> -> memref<80x128xf32, #tpu.memory_space<vmem>>
    tpu.enqueue_dma source(%dma_start3A_57 : memref<80x128xf32, #tpu.memory_space<vmem>>) target(%dma_start3A_53 : memref<80x128xf32, #tpu.memory_space<hbm>>) target_semaphore(%arg11 : memref<!tpu.dma_semaphore, #tpu.memory_space<semaphore_mem>>)
    %dma_start3A_58 = arith.constant 3 : i32
    %dma_start3A_59 = arith.constant 0 : i32
    %dma_start3A_60 = arith.constant 0 : i32
    %dma_start3A_61 = tpu.memref_slice %arg6[%dma_start3A_58, %dma_start3A_59, %dma_start3A_60] : memref<4x80x128xf32, #tpu.memory_space<vmem>> -> memref<1x80x128xf32, #tpu.memory_space<vmem>>
    %dma_start3A_62 = tpu.memref_squeeze %dma_start3A_61 : memref<1x80x128xf32, #tpu.memory_space<vmem>> -> memref<80x128xf32, #tpu.memory_space<vmem>>
    %dma_start3A_63 = arith.constant 240 : i32
    %dma_start3A_64 = tpu.memref_slice %arg5[%dma_start3A_63] : memref<10240xi32, #tpu.memory_space<vmem>> -> memref<80xi32, #tpu.memory_space<vmem>>
    %dma_start3A_65 = arith.constant 0 : i32
    %dma_start3A_66 = arith.constant 0 : i32
    %dma_start3A_67 = tpu.memref_slice %arg2[%dma_start3A_65, %dma_start3A_66] : memref<16384x128xf32, #tpu.memory_space<hbm>> -> memref<16384x128xf32, #tpu.memory_space<hbm>>
    tpu.enqueue_indirect_dma source(%dma_start3A_67 : memref<16384x128xf32, #tpu.memory_space<hbm>>) target(%dma_start3A_62 : memref<80x128xf32, #tpu.memory_space<vmem>>) offsets(%dma_start3A_64 : memref<80xi32, #tpu.memory_space<vmem>>) semaphore(%arg10 : memref<!tpu.dma_semaphore, #tpu.memory_space<semaphore_mem>>)
    %dma_wait3A_68 = arith.constant 1 : i32
    %dma_wait3A_69 = arith.constant 0 : i32
    %dma_wait3A_70 = arith.constant 0 : i32
    %dma_wait3A_71 = tpu.memref_slice %arg6[%dma_wait3A_68, %dma_wait3A_69, %dma_wait3A_70] : memref<4x80x128xf32, #tpu.memory_space<vmem>> -> memref<1x80x128xf32, #tpu.memory_space<vmem>>
    %dma_wait3A_72 = tpu.memref_squeeze %dma_wait3A_71 : memref<1x80x128xf32, #tpu.memory_space<vmem>> -> memref<80x128xf32, #tpu.memory_space<vmem>>
    %dma_wait3A_73 = arith.constant 0 : i32
    %dma_wait3A_74 = tpu.memref_slice %arg5[%dma_wait3A_73] : memref<10240xi32, #tpu.memory_space<vmem>> -> memref<80xi32, #tpu.memory_space<vmem>>
    %dma_wait3A_75 = arith.constant 0 : i32
    %dma_wait3A_76 = arith.constant 0 : i32
    %dma_wait3A_77 = tpu.memref_slice %arg2[%dma_wait3A_75, %dma_wait3A_76] : memref<16384x128xf32, #tpu.memory_space<hbm>> -> memref<16384x128xf32, #tpu.memory_space<hbm>>
    tpu.wait_indirect_dma semaphore(%arg8 : memref<!tpu.dma_semaphore, #tpu.memory_space<semaphore_mem>>) src(%dma_wait3A_77 : memref<16384x128xf32, #tpu.memory_space<hbm>>) dst(%dma_wait3A_72 : memref<80x128xf32, #tpu.memory_space<vmem>>)
    %add3A_78 = arith.constant 80 : i32
    %add3A_79 = arith.addi %mul3A_4, %add3A_78 : i32
    %dma_start3A_80 = arith.constant 1 : i32
    %dma_start3A_81 = arith.constant 0 : i32
    %dma_start3A_82 = arith.constant 0 : i32
    %dma_start3A_83 = tpu.memref_slice %arg6[%dma_start3A_80, %dma_start3A_81, %dma_start3A_82] : memref<4x80x128xf32, #tpu.memory_space<vmem>> -> memref<1x80x128xf32, #tpu.memory_space<vmem>>
    %dma_start3A_84 = tpu.memref_squeeze %dma_start3A_83 : memref<1x80x128xf32, #tpu.memory_space<vmem>> -> memref<80x128xf32, #tpu.memory_space<vmem>>
    %dma_start3A_85 = arith.constant 0 : i32
    %dma_start3A_86 = tpu.memref_slice %arg4[%add3A_79, %dma_start3A_85] : memref<327680x128xf32, #tpu.memory_space<hbm>> -> memref<80x128xf32, #tpu.memory_space<hbm>>
    %dma_start3A_87 = arith.constant 0 : i32
    %dma_start3A_88 = tpu.memref_slice %arg4[%add3A_79, %dma_start3A_87] : memref<327680x128xf32, #tpu.memory_space<hbm>> -> memref<80x128xf32, #tpu.memory_space<hbm>>
    %dma_start3A_89 = arith.constant 0 : i32
    %dma_start3A_90 = arith.constant 0 : i32
    %dma_start3A_91 = tpu.memref_slice %arg6[%dma_start3A_80, %dma_start3A_89, %dma_start3A_90] : memref<4x80x128xf32, #tpu.memory_space<vmem>> -> memref<1x80x128xf32, #tpu.memory_space<vmem>>
    %dma_start3A_92 = tpu.memref_squeeze %dma_start3A_91 : memref<1x80x128xf32, #tpu.memory_space<vmem>> -> memref<80x128xf32, #tpu.memory_space<vmem>>
    tpu.enqueue_dma source(%dma_start3A_92 : memref<80x128xf32, #tpu.memory_space<vmem>>) target(%dma_start3A_88 : memref<80x128xf32, #tpu.memory_space<hbm>>) target_semaphore(%arg12 : memref<!tpu.dma_semaphore, #tpu.memory_space<semaphore_mem>>)
    %dma_wait3A_93 = arith.constant 0 : i32
    %dma_wait3A_94 = arith.constant 0 : i32
    %dma_wait3A_95 = arith.constant 0 : i32
    %dma_wait3A_96 = tpu.memref_slice %arg6[%dma_wait3A_93, %dma_wait3A_94, %dma_wait3A_95] : memref<4x80x128xf32, #tpu.memory_space<vmem>> -> memref<1x80x128xf32, #tpu.memory_space<vmem>>
    %dma_wait3A_97 = tpu.memref_squeeze %dma_wait3A_96 : memref<1x80x128xf32, #tpu.memory_space<vmem>> -> memref<80x128xf32, #tpu.memory_space<vmem>>
    %dma_wait3A_98 = arith.constant 0 : i32
    %dma_wait3A_99 = arith.constant 0 : i32
    %dma_wait3A_100 = tpu.memref_slice %arg4[%dma_wait3A_98, %dma_wait3A_99] : memref<327680x128xf32, #tpu.memory_space<hbm>> -> memref<80x128xf32, #tpu.memory_space<hbm>>
    %dma_wait3A_101 = arith.constant 0 : i32
    %dma_wait3A_102 = arith.constant 0 : i32
    %dma_wait3A_103 = tpu.memref_slice %arg4[%dma_wait3A_101, %dma_wait3A_102] : memref<327680x128xf32, #tpu.memory_space<hbm>> -> memref<80x128xf32, #tpu.memory_space<hbm>>
    %dma_wait3A_104 = arith.constant 0 : i32
    %dma_wait3A_105 = arith.constant 0 : i32
    %dma_wait3A_106 = tpu.memref_slice %arg6[%dma_wait3A_93, %dma_wait3A_104, %dma_wait3A_105] : memref<4x80x128xf32, #tpu.memory_space<vmem>> -> memref<1x80x128xf32, #tpu.memory_space<vmem>>
    %dma_wait3A_107 = tpu.memref_squeeze %dma_wait3A_106 : memref<1x80x128xf32, #tpu.memory_space<vmem>> -> memref<80x128xf32, #tpu.memory_space<vmem>>
    tpu.wait_dma2 semaphore(%arg11 : memref<!tpu.dma_semaphore, #tpu.memory_space<semaphore_mem>>) src(%dma_wait3A_107 : memref<80x128xf32, #tpu.memory_space<vmem>>) dst(%dma_wait3A_103 : memref<80x128xf32, #tpu.memory_space<hbm>>)
    %dma_start3A_108 = arith.constant 0 : i32
    %dma_start3A_109 = arith.constant 0 : i32
    %dma_start3A_110 = arith.constant 0 : i32
    %dma_start3A_111 = tpu.memref_slice %arg6[%dma_start3A_108, %dma_start3A_109, %dma_start3A_110] : memref<4x80x128xf32, #tpu.memory_space<vmem>> -> memref<1x80x128xf32, #tpu.memory_space<vmem>>
    %dma_start3A_112 = tpu.memref_squeeze %dma_start3A_111 : memref<1x80x128xf32, #tpu.memory_space<vmem>> -> memref<80x128xf32, #tpu.memory_space<vmem>>
    %dma_start3A_113 = arith.constant 320 : i32
    %dma_start3A_114 = tpu.memref_slice %arg5[%dma_start3A_113] : memref<10240xi32, #tpu.memory_space<vmem>> -> memref<80xi32, #tpu.memory_space<vmem>>
    %dma_start3A_115 = arith.constant 0 : i32
    %dma_start3A_116 = arith.constant 0 : i32
    %dma_start3A_117 = tpu.memref_slice %arg2[%dma_start3A_115, %dma_start3A_116] : memref<16384x128xf32, #tpu.memory_space<hbm>> -> memref<16384x128xf32, #tpu.memory_space<hbm>>
    tpu.enqueue_indirect_dma source(%dma_start3A_117 : memref<16384x128xf32, #tpu.memory_space<hbm>>) target(%dma_start3A_112 : memref<80x128xf32, #tpu.memory_space<vmem>>) offsets(%dma_start3A_114 : memref<80xi32, #tpu.memory_space<vmem>>) semaphore(%arg7 : memref<!tpu.dma_semaphore, #tpu.memory_space<semaphore_mem>>)
    %dma_wait3A_118 = arith.constant 2 : i32
    %dma_wait3A_119 = arith.constant 0 : i32
    %dma_wait3A_120 = arith.constant 0 : i32
    %dma_wait3A_121 = tpu.memref_slice %arg6[%dma_wait3A_118, %dma_wait3A_119, %dma_wait3A_120] : memref<4x80x128xf32, #tpu.memory_space<vmem>> -> memref<1x80x128xf32, #tpu.memory_space<vmem>>
    %dma_wait3A_122 = tpu.memref_squeeze %dma_wait3A_121 : memref<1x80x128xf32, #tpu.memory_space<vmem>> -> memref<80x128xf32, #tpu.memory_space<vmem>>
    %dma_wait3A_123 = arith.constant 0 : i32
    %dma_wait3A_124 = tpu.memref_slice %arg5[%dma_wait3A_123] : memref<10240xi32, #tpu.memory_space<vmem>> -> memref<80xi32, #tpu.memory_space<vmem>>
    %dma_wait3A_125 = arith.constant 0 : i32
    %dma_wait3A_126 = arith.constant 0 : i32
    %dma_wait3A_127 = tpu.memref_slice %arg2[%dma_wait3A_125, %dma_wait3A_126] : memref<16384x128xf32, #tpu.memory_space<hbm>> -> memref<16384x128xf32, #tpu.memory_space<hbm>>
    tpu.wait_indirect_dma semaphore(%arg9 : memref<!tpu.dma_semaphore, #tpu.memory_space<semaphore_mem>>) src(%dma_wait3A_127 : memref<16384x128xf32, #tpu.memory_space<hbm>>) dst(%dma_wait3A_122 : memref<80x128xf32, #tpu.memory_space<vmem>>)
    %add3A_128 = arith.constant 160 : i32
    %add3A_129 = arith.addi %mul3A_4, %add3A_128 : i32
    %dma_start3A_130 = arith.constant 2 : i32
    %dma_start3A_131 = arith.constant 0 : i32
    %dma_start3A_132 = arith.constant 0 : i32
    %dma_start3A_133 = tpu.memref_slice %arg6[%dma_start3A_130, %dma_start3A_131, %dma_start3A_132] : memref<4x80x128xf32, #tpu.memory_space<vmem>> -> memref<1x80x128xf32, #tpu.memory_space<vmem>>
    %dma_start3A_134 = tpu.memref_squeeze %dma_start3A_133 : memref<1x80x128xf32, #tpu.memory_space<vmem>> -> memref<80x128xf32, #tpu.memory_space<vmem>>
    %dma_start3A_135 = arith.constant 0 : i32
    %dma_start3A_136 = tpu.memref_slice %arg4[%add3A_129, %dma_start3A_135] : memref<327680x128xf32, #tpu.memory_space<hbm>> -> memref<80x128xf32, #tpu.memory_space<hbm>>
    %dma_start3A_137 = arith.constant 0 : i32
    %dma_start3A_138 = tpu.memref_slice %arg4[%add3A_129, %dma_start3A_137] : memref<327680x128xf32, #tpu.memory_space<hbm>> -> memref<80x128xf32, #tpu.memory_space<hbm>>
    %dma_start3A_139 = arith.constant 0 : i32
    %dma_start3A_140 = arith.constant 0 : i32
    %dma_start3A_141 = tpu.memref_slice %arg6[%dma_start3A_130, %dma_start3A_139, %dma_start3A_140] : memref<4x80x128xf32, #tpu.memory_space<vmem>> -> memref<1x80x128xf32, #tpu.memory_space<vmem>>
    %dma_start3A_142 = tpu.memref_squeeze %dma_start3A_141 : memref<1x80x128xf32, #tpu.memory_space<vmem>> -> memref<80x128xf32, #tpu.memory_space<vmem>>
    tpu.enqueue_dma source(%dma_start3A_142 : memref<80x128xf32, #tpu.memory_space<vmem>>) target(%dma_start3A_138 : memref<80x128xf32, #tpu.memory_space<hbm>>) target_semaphore(%arg13 : memref<!tpu.dma_semaphore, #tpu.memory_space<semaphore_mem>>)
    %dma_wait3A_143 = arith.constant 1 : i32
    %dma_wait3A_144 = arith.constant 0 : i32
    %dma_wait3A_145 = arith.constant 0 : i32
    %dma_wait3A_146 = tpu.memref_slice %arg6[%dma_wait3A_143, %dma_wait3A_144, %dma_wait3A_145] : memref<4x80x128xf32, #tpu.memory_space<vmem>> -> memref<1x80x128xf32, #tpu.memory_space<vmem>>
    %dma_wait3A_147 = tpu.memref_squeeze %dma_wait3A_146 : memref<1x80x128xf32, #tpu.memory_space<vmem>> -> memref<80x128xf32, #tpu.memory_space<vmem>>
    %dma_wait3A_148 = arith.constant 0 : i32
    %dma_wait3A_149 = arith.constant 0 : i32
    %dma_wait3A_150 = tpu.memref_slice %arg4[%dma_wait3A_148, %dma_wait3A_149] : memref<327680x128xf32, #tpu.memory_space<hbm>> -> memref<80x128xf32, #tpu.memory_space<hbm>>
    %dma_wait3A_151 = arith.constant 0 : i32
    %dma_wait3A_152 = arith.constant 0 : i32
    %dma_wait3A_153 = tpu.memref_slice %arg4[%dma_wait3A_151, %dma_wait3A_152] : memref<327680x128xf32, #tpu.memory_space<hbm>> -> memref<80x128xf32, #tpu.memory_space<hbm>>
    %dma_wait3A_154 = arith.constant 0 : i32
    %dma_wait3A_155 = arith.constant 0 : i32
    %dma_wait3A_156 = tpu.memref_slice %arg6[%dma_wait3A_143, %dma_wait3A_154, %dma_wait3A_155] : memref<4x80x128xf32, #tpu.memory_space<vmem>> -> memref<1x80x128xf32, #tpu.memory_space<vmem>>
    %dma_wait3A_157 = tpu.memref_squeeze %dma_wait3A_156 : memref<1x80x128xf32, #tpu.memory_space<vmem>> -> memref<80x128xf32, #tpu.memory_space<vmem>>
    tpu.wait_dma2 semaphore(%arg12 : memref<!tpu.dma_semaphore, #tpu.memory_space<semaphore_mem>>) src(%dma_wait3A_157 : memref<80x128xf32, #tpu.memory_space<vmem>>) dst(%dma_wait3A_153 : memref<80x128xf32, #tpu.memory_space<hbm>>)
    %dma_start3A_158 = arith.constant 1 : i32
    %dma_start3A_159 = arith.constant 0 : i32
    %dma_start3A_160 = arith.constant 0 : i32
    %dma_start3A_161 = tpu.memref_slice %arg6[%dma_start3A_158, %dma_start3A_159, %dma_start3A_160] : memref<4x80x128xf32, #tpu.memory_space<vmem>> -> memref<1x80x128xf32, #tpu.memory_space<vmem>>
    %dma_start3A_162 = tpu.memref_squeeze %dma_start3A_161 : memref<1x80x128xf32, #tpu.memory_space<vmem>> -> memref<80x128xf32, #tpu.memory_space<vmem>>
    %dma_start3A_163 = arith.constant 400 : i32
    %dma_start3A_164 = tpu.memref_slice %arg5[%dma_start3A_163] : memref<10240xi32, #tpu.memory_space<vmem>> -> memref<80xi32, #tpu.memory_space<vmem>>
    %dma_start3A_165 = arith.constant 0 : i32
    %dma_start3A_166 = arith.constant 0 : i32
    %dma_start3A_167 = tpu.memref_slice %arg2[%dma_start3A_165, %dma_start3A_166] : memref<16384x128xf32, #tpu.memory_space<hbm>> -> memref<16384x128xf32, #tpu.memory_space<hbm>>
    tpu.enqueue_indirect_dma source(%dma_start3A_167 : memref<16384x128xf32, #tpu.memory_space<hbm>>) target(%dma_start3A_162 : memref<80x128xf32, #tpu.memory_space<vmem>>) offsets(%dma_start3A_164 : memref<80xi32, #tpu.memory_space<vmem>>) semaphore(%arg8 : memref<!tpu.dma_semaphore, #tpu.memory_space<semaphore_mem>>)
    %dma_wait3A_168 = arith.constant 3 : i32
    %dma_wait3A_169 = arith.constant 0 : i32
    %dma_wait3A_170 = arith.constant 0 : i32
    %dma_wait3A_171 = tpu.memref_slice %arg6[%dma_wait3A_168, %dma_wait3A_169, %dma_wait3A_170] : memref<4x80x128xf32, #tpu.memory_space<vmem>> -> memref<1x80x128xf32, #tpu.memory_space<vmem>>
    %dma_wait3A_172 = tpu.memref_squeeze %dma_wait3A_171 : memref<1x80x128xf32, #tpu.memory_space<vmem>> -> memref<80x128xf32, #tpu.memory_space<vmem>>
    %dma_wait3A_173 = arith.constant 0 : i32
    %dma_wait3A_174 = tpu.memref_slice %arg5[%dma_wait3A_173] : memref<10240xi32, #tpu.memory_space<vmem>> -> memref<80xi32, #tpu.memory_space<vmem>>
    %dma_wait3A_175 = arith.constant 0 : i32
    %dma_wait3A_176 = arith.constant 0 : i32
    %dma_wait3A_177 = tpu.memref_slice %arg2[%dma_wait3A_175, %dma_wait3A_176] : memref<16384x128xf32, #tpu.memory_space<hbm>> -> memref<16384x128xf32, #tpu.memory_space<hbm>>
    tpu.wait_indirect_dma semaphore(%arg10 : memref<!tpu.dma_semaphore, #tpu.memory_space<semaphore_mem>>) src(%dma_wait3A_177 : memref<16384x128xf32, #tpu.memory_space<hbm>>) dst(%dma_wait3A_172 : memref<80x128xf32, #tpu.memory_space<vmem>>)
    %add3A_178 = arith.constant 240 : i32
    %add3A_179 = arith.addi %mul3A_4, %add3A_178 : i32
    %dma_start3A_180 = arith.constant 3 : i32
    %dma_start3A_181 = arith.constant 0 : i32
    %dma_start3A_182 = arith.constant 0 : i32
    %dma_start3A_183 = tpu.memref_slice %arg6[%dma_start3A_180, %dma_start3A_181, %dma_start3A_182] : memref<4x80x128xf32, #tpu.memory_space<vmem>> -> memref<1x80x128xf32, #tpu.memory_space<vmem>>
    %dma_start3A_184 = tpu.memref_squeeze %dma_start3A_183 : memref<1x80x128xf32, #tpu.memory_space<vmem>> -> memref<80x128xf32, #tpu.memory_space<vmem>>
    %dma_start3A_185 = arith.constant 0 : i32
    %dma_start3A_186 = tpu.memref_slice %arg4[%add3A_179, %dma_start3A_185] : memref<327680x128xf32, #tpu.memory_space<hbm>> -> memref<80x128xf32, #tpu.memory_space<hbm>>
    %dma_start3A_187 = arith.constant 0 : i32
    %dma_start3A_188 = tpu.memref_slice %arg4[%add3A_179, %dma_start3A_187] : memref<327680x128xf32, #tpu.memory_space<hbm>> -> memref<80x128xf32, #tpu.memory_space<hbm>>
    %dma_start3A_189 = arith.constant 0 : i32
    %dma_start3A_190 = arith.constant 0 : i32
    %dma_start3A_191 = tpu.memref_slice %arg6[%dma_start3A_180, %dma_start3A_189, %dma_start3A_190] : memref<4x80x128xf32, #tpu.memory_space<vmem>> -> memref<1x80x128xf32, #tpu.memory_space<vmem>>
    %dma_start3A_192 = tpu.memref_squeeze %dma_start3A_191 : memref<1x80x128xf32, #tpu.memory_space<vmem>> -> memref<80x128xf32, #tpu.memory_space<vmem>>
    tpu.enqueue_dma source(%dma_start3A_192 : memref<80x128xf32, #tpu.memory_space<vmem>>) target(%dma_start3A_188 : memref<80x128xf32, #tpu.memory_space<hbm>>) target_semaphore(%arg14 : memref<!tpu.dma_semaphore, #tpu.memory_space<semaphore_mem>>)
    %dma_wait3A_193 = arith.constant 2 : i32
    %dma_wait3A_194 = arith.constant 0 : i32
    %dma_wait3A_195 = arith.constant 0 : i32
    %dma_wait3A_196 = tpu.memref_slice %arg6[%dma_wait3A_193, %dma_wait3A_194, %dma_wait3A_195] : memref<4x80x128xf32, #tpu.memory_space<vmem>> -> memref<1x80x128xf32, #tpu.memory_space<vmem>>
    %dma_wait3A_197 = tpu.memref_squeeze %dma_wait3A_196 : memref<1x80x128xf32, #tpu.memory_space<vmem>> -> memref<80x128xf32, #tpu.memory_space<vmem>>
    %dma_wait3A_198 = arith.constant 0 : i32
    %dma_wait3A_199 = arith.constant 0 : i32
    %dma_wait3A_200 = tpu.memref_slice %arg4[%dma_wait3A_198, %dma_wait3A_199] : memref<327680x128xf32, #tpu.memory_space<hbm>> -> memref<80x128xf32, #tpu.memory_space<hbm>>
    %dma_wait3A_201 = arith.constant 0 : i32
    %dma_wait3A_202 = arith.constant 0 : i32
    %dma_wait3A_203 = tpu.memref_slice %arg4[%dma_wait3A_201, %dma_wait3A_202] : memref<327680x128xf32, #tpu.memory_space<hbm>> -> memref<80x128xf32, #tpu.memory_space<hbm>>
    %dma_wait3A_204 = arith.constant 0 : i32
    %dma_wait3A_205 = arith.constant 0 : i32
    %dma_wait3A_206 = tpu.memref_slice %arg6[%dma_wait3A_193, %dma_wait3A_204, %dma_wait3A_205] : memref<4x80x128xf32, #tpu.memory_space<vmem>> -> memref<1x80x128xf32, #tpu.memory_space<vmem>>
    %dma_wait3A_207 = tpu.memref_squeeze %dma_wait3A_206 : memref<1x80x128xf32, #tpu.memory_space<vmem>> -> memref<80x128xf32, #tpu.memory_space<vmem>>
    tpu.wait_dma2 semaphore(%arg13 : memref<!tpu.dma_semaphore, #tpu.memory_space<semaphore_mem>>) src(%dma_wait3A_207 : memref<80x128xf32, #tpu.memory_space<vmem>>) dst(%dma_wait3A_203 : memref<80x128xf32, #tpu.memory_space<hbm>>)
    %dma_start3A_208 = arith.constant 2 : i32
    %dma_start3A_209 = arith.constant 0 : i32
    %dma_start3A_210 = arith.constant 0 : i32
    %dma_start3A_211 = tpu.memref_slice %arg6[%dma_start3A_208, %dma_start3A_209, %dma_start3A_210] : memref<4x80x128xf32, #tpu.memory_space<vmem>> -> memref<1x80x128xf32, #tpu.memory_space<vmem>>
    %dma_start3A_212 = tpu.memref_squeeze %dma_start3A_211 : memref<1x80x128xf32, #tpu.memory_space<vmem>> -> memref<80x128xf32, #tpu.memory_space<vmem>>
    %dma_start3A_213 = arith.constant 480 : i32
    %dma_start3A_214 = tpu.memref_slice %arg5[%dma_start3A_213] : memref<10240xi32, #tpu.memory_space<vmem>> -> memref<80xi32, #tpu.memory_space<vmem>>
    %dma_start3A_215 = arith.constant 0 : i32
    %dma_start3A_216 = arith.constant 0 : i32
    %dma_start3A_217 = tpu.memref_slice %arg2[%dma_start3A_215, %dma_start3A_216] : memref<16384x128xf32, #tpu.memory_space<hbm>> -> memref<16384x128xf32, #tpu.memory_space<hbm>>
    tpu.enqueue_indirect_dma source(%dma_start3A_217 : memref<16384x128xf32, #tpu.memory_space<hbm>>) target(%dma_start3A_212 : memref<80x128xf32, #tpu.memory_space<vmem>>) offsets(%dma_start3A_214 : memref<80xi32, #tpu.memory_space<vmem>>) semaphore(%arg9 : memref<!tpu.dma_semaphore, #tpu.memory_space<semaphore_mem>>)
    %scan3A = arith.constant 0 : i32
    %scan3A_218 = arith.constant 1 : i32
    %scan3A_219 = arith.constant 31 : i32
    %scan3A_220 = arith.addi %scan3A_218, %scan3A_219 : i32
    %scan3A_221 = arith.constant 1 : i32
    %scan3A_222 = scf.for %scan3A_284 = %scan3A_218 to %scan3A_220 step %scan3A_221 iter_args(%scan3A_285 = %scan3A) -> (i32)  : i32 {
      %mul3A_286 = arith.constant 4 : i32
      %mul3A_287 = arith.muli %scan3A_284, %mul3A_286 : i32
      %add3A_288 = arith.constant 0 : i32
      %add3A_289 = arith.addi %mul3A_287, %add3A_288 : i32
      %dma_wait3A_290 = arith.constant 0 : i32
      %dma_wait3A_291 = arith.constant 0 : i32
      %dma_wait3A_292 = arith.constant 0 : i32
      %dma_wait3A_293 = tpu.memref_slice %arg6[%dma_wait3A_290, %dma_wait3A_291, %dma_wait3A_292] : memref<4x80x128xf32, #tpu.memory_space<vmem>> -> memref<1x80x128xf32, #tpu.memory_space<vmem>>
      %dma_wait3A_294 = tpu.memref_squeeze %dma_wait3A_293 : memref<1x80x128xf32, #tpu.memory_space<vmem>> -> memref<80x128xf32, #tpu.memory_space<vmem>>
      %dma_wait3A_295 = arith.constant 0 : i32
      %dma_wait3A_296 = tpu.memref_slice %arg5[%dma_wait3A_295] : memref<10240xi32, #tpu.memory_space<vmem>> -> memref<80xi32, #tpu.memory_space<vmem>>
      %dma_wait3A_297 = arith.constant 0 : i32
      %dma_wait3A_298 = arith.constant 0 : i32
      %dma_wait3A_299 = tpu.memref_slice %arg2[%dma_wait3A_297, %dma_wait3A_298] : memref<16384x128xf32, #tpu.memory_space<hbm>> -> memref<16384x128xf32, #tpu.memory_space<hbm>>
      tpu.wait_indirect_dma semaphore(%arg7 : memref<!tpu.dma_semaphore, #tpu.memory_space<semaphore_mem>>) src(%dma_wait3A_299 : memref<16384x128xf32, #tpu.memory_space<hbm>>) dst(%dma_wait3A_294 : memref<80x128xf32, #tpu.memory_space<vmem>>)
      %mul3A_300 = arith.constant 80 : i32
      %mul3A_301 = arith.muli %add3A_289, %mul3A_300 : i32
      %add3A_302 = arith.addi %mul3A_4, %mul3A_301 : i32
      %dma_start3A_303 = arith.constant 0 : i32
      %dma_start3A_304 = arith.constant 0 : i32
      %dma_start3A_305 = arith.constant 0 : i32
      %dma_start3A_306 = tpu.memref_slice %arg6[%dma_start3A_303, %dma_start3A_304, %dma_start3A_305] : memref<4x80x128xf32, #tpu.memory_space<vmem>> -> memref<1x80x128xf32, #tpu.memory_space<vmem>>
      %dma_start3A_307 = tpu.memref_squeeze %dma_start3A_306 : memref<1x80x128xf32, #tpu.memory_space<vmem>> -> memref<80x128xf32, #tpu.memory_space<vmem>>
      %dma_start3A_308 = arith.constant 0 : i32
      %dma_start3A_309 = tpu.memref_slice %arg4[%add3A_302, %dma_start3A_308] : memref<327680x128xf32, #tpu.memory_space<hbm>> -> memref<80x128xf32, #tpu.memory_space<hbm>>
      %dma_start3A_310 = arith.constant 0 : i32
      %dma_start3A_311 = tpu.memref_slice %arg4[%add3A_302, %dma_start3A_310] : memref<327680x128xf32, #tpu.memory_space<hbm>> -> memref<80x128xf32, #tpu.memory_space<hbm>>
      %dma_start3A_312 = arith.constant 0 : i32
      %dma_start3A_313 = arith.constant 0 : i32
      %dma_start3A_314 = tpu.memref_slice %arg6[%dma_start3A_303, %dma_start3A_312, %dma_start3A_313] : memref<4x80x128xf32, #tpu.memory_space<vmem>> -> memref<1x80x128xf32, #tpu.memory_space<vmem>>
      %dma_start3A_315 = tpu.memref_squeeze %dma_start3A_314 : memref<1x80x128xf32, #tpu.memory_space<vmem>> -> memref<80x128xf32, #tpu.memory_space<vmem>>
      tpu.enqueue_dma source(%dma_start3A_315 : memref<80x128xf32, #tpu.memory_space<vmem>>) target(%dma_start3A_311 : memref<80x128xf32, #tpu.memory_space<hbm>>) target_semaphore(%arg11 : memref<!tpu.dma_semaphore, #tpu.memory_space<semaphore_mem>>)
      %add3A_316 = arith.constant 3 : i32
      %add3A_317 = arith.addi %add3A_289, %add3A_316 : i32
      %lt3A = arith.constant 128 : i32
      %lt3A_318 = arith.cmpi slt, %add3A_317, %lt3A : i32
      %convert_element_type3A = arith.extui %lt3A_318 : i1 to i32
      %cond3A = arith.constant 0 : i32
      %cond3A_319 = arith.cmpi ne, %convert_element_type3A, %cond3A : i32
      scf.if %cond3A_319 {
        %dma_wait3A_432 = arith.constant 3 : i32
        %dma_wait3A_433 = arith.constant 0 : i32
        %dma_wait3A_434 = arith.constant 0 : i32
        %dma_wait3A_435 = tpu.memref_slice %arg6[%dma_wait3A_432, %dma_wait3A_433, %dma_wait3A_434] : memref<4x80x128xf32, #tpu.memory_space<vmem>> -> memref<1x80x128xf32, #tpu.memory_space<vmem>>
        %dma_wait3A_436 = tpu.memref_squeeze %dma_wait3A_435 : memref<1x80x128xf32, #tpu.memory_space<vmem>> -> memref<80x128xf32, #tpu.memory_space<vmem>>
        %dma_wait3A_437 = arith.constant 0 : i32
        %dma_wait3A_438 = arith.constant 0 : i32
        %dma_wait3A_439 = tpu.memref_slice %arg4[%dma_wait3A_437, %dma_wait3A_438] : memref<327680x128xf32, #tpu.memory_space<hbm>> -> memref<80x128xf32, #tpu.memory_space<hbm>>
        %dma_wait3A_440 = arith.constant 0 : i32
        %dma_wait3A_441 = arith.constant 0 : i32
        %dma_wait3A_442 = tpu.memref_slice %arg4[%dma_wait3A_440, %dma_wait3A_441] : memref<327680x128xf32, #tpu.memory_space<hbm>> -> memref<80x128xf32, #tpu.memory_space<hbm>>
        %dma_wait3A_443 = arith.constant 0 : i32
        %dma_wait3A_444 = arith.constant 0 : i32
        %dma_wait3A_445 = tpu.memref_slice %arg6[%dma_wait3A_432, %dma_wait3A_443, %dma_wait3A_444] : memref<4x80x128xf32, #tpu.memory_space<vmem>> -> memref<1x80x128xf32, #tpu.memory_space<vmem>>
        %dma_wait3A_446 = tpu.memref_squeeze %dma_wait3A_445 : memref<1x80x128xf32, #tpu.memory_space<vmem>> -> memref<80x128xf32, #tpu.memory_space<vmem>>
        tpu.wait_dma2 semaphore(%arg14 : memref<!tpu.dma_semaphore, #tpu.memory_space<semaphore_mem>>) src(%dma_wait3A_446 : memref<80x128xf32, #tpu.memory_space<vmem>>) dst(%dma_wait3A_442 : memref<80x128xf32, #tpu.memory_space<hbm>>)
        %add3A_447 = arith.constant 3 : i32
        %add3A_448 = arith.addi %add3A_289, %add3A_447 : i32
        %mul3A_449 = arith.constant 80 : i32
        %mul3A_450 = arith.muli %add3A_448, %mul3A_449 : i32
        %dma_start3A_451 = arith.constant 3 : i32
        %dma_start3A_452 = arith.constant 0 : i32
        %dma_start3A_453 = arith.constant 0 : i32
        %dma_start3A_454 = tpu.memref_slice %arg6[%dma_start3A_451, %dma_start3A_452, %dma_start3A_453] : memref<4x80x128xf32, #tpu.memory_space<vmem>> -> memref<1x80x128xf32, #tpu.memory_space<vmem>>
        %dma_start3A_455 = tpu.memref_squeeze %dma_start3A_454 : memref<1x80x128xf32, #tpu.memory_space<vmem>> -> memref<80x128xf32, #tpu.memory_space<vmem>>
        %dma_start3A_456 = tpu.memref_slice %arg5[%mul3A_450] : memref<10240xi32, #tpu.memory_space<vmem>> -> memref<80xi32, #tpu.memory_space<vmem>>
        %dma_start3A_457 = arith.constant 0 : i32
        %dma_start3A_458 = arith.constant 0 : i32
        %dma_start3A_459 = tpu.memref_slice %arg2[%dma_start3A_457, %dma_start3A_458] : memref<16384x128xf32, #tpu.memory_space<hbm>> -> memref<16384x128xf32, #tpu.memory_space<hbm>>
        tpu.enqueue_indirect_dma source(%dma_start3A_459 : memref<16384x128xf32, #tpu.memory_space<hbm>>) target(%dma_start3A_455 : memref<80x128xf32, #tpu.memory_space<vmem>>) offsets(%dma_start3A_456 : memref<80xi32, #tpu.memory_space<vmem>>) semaphore(%arg10 : memref<!tpu.dma_semaphore, #tpu.memory_space<semaphore_mem>>)
      } else {
      }
      %mul3A_320 = arith.constant 4 : i32
      %mul3A_321 = arith.muli %scan3A_284, %mul3A_320 : i32
      %add3A_322 = arith.constant 1 : i32
      %add3A_323 = arith.addi %mul3A_321, %add3A_322 : i32
      %dma_wait3A_324 = arith.constant 1 : i32
      %dma_wait3A_325 = arith.constant 0 : i32
      %dma_wait3A_326 = arith.constant 0 : i32
      %dma_wait3A_327 = tpu.memref_slice %arg6[%dma_wait3A_324, %dma_wait3A_325, %dma_wait3A_326] : memref<4x80x128xf32, #tpu.memory_space<vmem>> -> memref<1x80x128xf32, #tpu.memory_space<vmem>>
      %dma_wait3A_328 = tpu.memref_squeeze %dma_wait3A_327 : memref<1x80x128xf32, #tpu.memory_space<vmem>> -> memref<80x128xf32, #tpu.memory_space<vmem>>
      %dma_wait3A_329 = arith.constant 0 : i32
      %dma_wait3A_330 = tpu.memref_slice %arg5[%dma_wait3A_329] : memref<10240xi32, #tpu.memory_space<vmem>> -> memref<80xi32, #tpu.memory_space<vmem>>
      %dma_wait3A_331 = arith.constant 0 : i32
      %dma_wait3A_332 = arith.constant 0 : i32
      %dma_wait3A_333 = tpu.memref_slice %arg2[%dma_wait3A_331, %dma_wait3A_332] : memref<16384x128xf32, #tpu.memory_space<hbm>> -> memref<16384x128xf32, #tpu.memory_space<hbm>>
      tpu.wait_indirect_dma semaphore(%arg8 : memref<!tpu.dma_semaphore, #tpu.memory_space<semaphore_mem>>) src(%dma_wait3A_333 : memref<16384x128xf32, #tpu.memory_space<hbm>>) dst(%dma_wait3A_328 : memref<80x128xf32, #tpu.memory_space<vmem>>)
      %mul3A_334 = arith.constant 80 : i32
      %mul3A_335 = arith.muli %add3A_323, %mul3A_334 : i32
      %add3A_336 = arith.addi %mul3A_4, %mul3A_335 : i32
      %dma_start3A_337 = arith.constant 1 : i32
      %dma_start3A_338 = arith.constant 0 : i32
      %dma_start3A_339 = arith.constant 0 : i32
      %dma_start3A_340 = tpu.memref_slice %arg6[%dma_start3A_337, %dma_start3A_338, %dma_start3A_339] : memref<4x80x128xf32, #tpu.memory_space<vmem>> -> memref<1x80x128xf32, #tpu.memory_space<vmem>>
      %dma_start3A_341 = tpu.memref_squeeze %dma_start3A_340 : memref<1x80x128xf32, #tpu.memory_space<vmem>> -> memref<80x128xf32, #tpu.memory_space<vmem>>
      %dma_start3A_342 = arith.constant 0 : i32
      %dma_start3A_343 = tpu.memref_slice %arg4[%add3A_336, %dma_start3A_342] : memref<327680x128xf32, #tpu.memory_space<hbm>> -> memref<80x128xf32, #tpu.memory_space<hbm>>
      %dma_start3A_344 = arith.constant 0 : i32
      %dma_start3A_345 = tpu.memref_slice %arg4[%add3A_336, %dma_start3A_344] : memref<327680x128xf32, #tpu.memory_space<hbm>> -> memref<80x128xf32, #tpu.memory_space<hbm>>
      %dma_start3A_346 = arith.constant 0 : i32
      %dma_start3A_347 = arith.constant 0 : i32
      %dma_start3A_348 = tpu.memref_slice %arg6[%dma_start3A_337, %dma_start3A_346, %dma_start3A_347] : memref<4x80x128xf32, #tpu.memory_space<vmem>> -> memref<1x80x128xf32, #tpu.memory_space<vmem>>
      %dma_start3A_349 = tpu.memref_squeeze %dma_start3A_348 : memref<1x80x128xf32, #tpu.memory_space<vmem>> -> memref<80x128xf32, #tpu.memory_space<vmem>>
      tpu.enqueue_dma source(%dma_start3A_349 : memref<80x128xf32, #tpu.memory_space<vmem>>) target(%dma_start3A_345 : memref<80x128xf32, #tpu.memory_space<hbm>>) target_semaphore(%arg12 : memref<!tpu.dma_semaphore, #tpu.memory_space<semaphore_mem>>)
      %add3A_350 = arith.constant 3 : i32
      %add3A_351 = arith.addi %add3A_323, %add3A_350 : i32
      %lt3A_352 = arith.constant 128 : i32
      %lt3A_353 = arith.cmpi slt, %add3A_351, %lt3A_352 : i32
      %convert_element_type3A_354 = arith.extui %lt3A_353 : i1 to i32
      %cond3A_355 = arith.constant 0 : i32
      %cond3A_356 = arith.cmpi ne, %convert_element_type3A_354, %cond3A_355 : i32
      scf.if %cond3A_356 {
        %dma_wait3A_432 = arith.constant 0 : i32
        %dma_wait3A_433 = arith.constant 0 : i32
        %dma_wait3A_434 = arith.constant 0 : i32
        %dma_wait3A_435 = tpu.memref_slice %arg6[%dma_wait3A_432, %dma_wait3A_433, %dma_wait3A_434] : memref<4x80x128xf32, #tpu.memory_space<vmem>> -> memref<1x80x128xf32, #tpu.memory_space<vmem>>
        %dma_wait3A_436 = tpu.memref_squeeze %dma_wait3A_435 : memref<1x80x128xf32, #tpu.memory_space<vmem>> -> memref<80x128xf32, #tpu.memory_space<vmem>>
        %dma_wait3A_437 = arith.constant 0 : i32
        %dma_wait3A_438 = arith.constant 0 : i32
        %dma_wait3A_439 = tpu.memref_slice %arg4[%dma_wait3A_437, %dma_wait3A_438] : memref<327680x128xf32, #tpu.memory_space<hbm>> -> memref<80x128xf32, #tpu.memory_space<hbm>>
        %dma_wait3A_440 = arith.constant 0 : i32
        %dma_wait3A_441 = arith.constant 0 : i32
        %dma_wait3A_442 = tpu.memref_slice %arg4[%dma_wait3A_440, %dma_wait3A_441] : memref<327680x128xf32, #tpu.memory_space<hbm>> -> memref<80x128xf32, #tpu.memory_space<hbm>>
        %dma_wait3A_443 = arith.constant 0 : i32
        %dma_wait3A_444 = arith.constant 0 : i32
        %dma_wait3A_445 = tpu.memref_slice %arg6[%dma_wait3A_432, %dma_wait3A_443, %dma_wait3A_444] : memref<4x80x128xf32, #tpu.memory_space<vmem>> -> memref<1x80x128xf32, #tpu.memory_space<vmem>>
        %dma_wait3A_446 = tpu.memref_squeeze %dma_wait3A_445 : memref<1x80x128xf32, #tpu.memory_space<vmem>> -> memref<80x128xf32, #tpu.memory_space<vmem>>
        tpu.wait_dma2 semaphore(%arg11 : memref<!tpu.dma_semaphore, #tpu.memory_space<semaphore_mem>>) src(%dma_wait3A_446 : memref<80x128xf32, #tpu.memory_space<vmem>>) dst(%dma_wait3A_442 : memref<80x128xf32, #tpu.memory_space<hbm>>)
        %add3A_447 = arith.constant 3 : i32
        %add3A_448 = arith.addi %add3A_323, %add3A_447 : i32
        %mul3A_449 = arith.constant 80 : i32
        %mul3A_450 = arith.muli %add3A_448, %mul3A_449 : i32
        %dma_start3A_451 = arith.constant 0 : i32
        %dma_start3A_452 = arith.constant 0 : i32
        %dma_start3A_453 = arith.constant 0 : i32
        %dma_start3A_454 = tpu.memref_slice %arg6[%dma_start3A_451, %dma_start3A_452, %dma_start3A_453] : memref<4x80x128xf32, #tpu.memory_space<vmem>> -> memref<1x80x128xf32, #tpu.memory_space<vmem>>
        %dma_start3A_455 = tpu.memref_squeeze %dma_start3A_454 : memref<1x80x128xf32, #tpu.memory_space<vmem>> -> memref<80x128xf32, #tpu.memory_space<vmem>>
        %dma_start3A_456 = tpu.memref_slice %arg5[%mul3A_450] : memref<10240xi32, #tpu.memory_space<vmem>> -> memref<80xi32, #tpu.memory_space<vmem>>
        %dma_start3A_457 = arith.constant 0 : i32
        %dma_start3A_458 = arith.constant 0 : i32
        %dma_start3A_459 = tpu.memref_slice %arg2[%dma_start3A_457, %dma_start3A_458] : memref<16384x128xf32, #tpu.memory_space<hbm>> -> memref<16384x128xf32, #tpu.memory_space<hbm>>
        tpu.enqueue_indirect_dma source(%dma_start3A_459 : memref<16384x128xf32, #tpu.memory_space<hbm>>) target(%dma_start3A_455 : memref<80x128xf32, #tpu.memory_space<vmem>>) offsets(%dma_start3A_456 : memref<80xi32, #tpu.memory_space<vmem>>) semaphore(%arg7 : memref<!tpu.dma_semaphore, #tpu.memory_space<semaphore_mem>>)
      } else {
      }
      %mul3A_357 = arith.constant 4 : i32
      %mul3A_358 = arith.muli %scan3A_284, %mul3A_357 : i32
      %add3A_359 = arith.constant 2 : i32
      %add3A_360 = arith.addi %mul3A_358, %add3A_359 : i32
      %dma_wait3A_361 = arith.constant 2 : i32
      %dma_wait3A_362 = arith.constant 0 : i32
      %dma_wait3A_363 = arith.constant 0 : i32
      %dma_wait3A_364 = tpu.memref_slice %arg6[%dma_wait3A_361, %dma_wait3A_362, %dma_wait3A_363] : memref<4x80x128xf32, #tpu.memory_space<vmem>> -> memref<1x80x128xf32, #tpu.memory_space<vmem>>
      %dma_wait3A_365 = tpu.memref_squeeze %dma_wait3A_364 : memref<1x80x128xf32, #tpu.memory_space<vmem>> -> memref<80x128xf32, #tpu.memory_space<vmem>>
      %dma_wait3A_366 = arith.constant 0 : i32
      %dma_wait3A_367 = tpu.memref_slice %arg5[%dma_wait3A_366] : memref<10240xi32, #tpu.memory_space<vmem>> -> memref<80xi32, #tpu.memory_space<vmem>>
      %dma_wait3A_368 = arith.constant 0 : i32
      %dma_wait3A_369 = arith.constant 0 : i32
      %dma_wait3A_370 = tpu.memref_slice %arg2[%dma_wait3A_368, %dma_wait3A_369] : memref<16384x128xf32, #tpu.memory_space<hbm>> -> memref<16384x128xf32, #tpu.memory_space<hbm>>
      tpu.wait_indirect_dma semaphore(%arg9 : memref<!tpu.dma_semaphore, #tpu.memory_space<semaphore_mem>>) src(%dma_wait3A_370 : memref<16384x128xf32, #tpu.memory_space<hbm>>) dst(%dma_wait3A_365 : memref<80x128xf32, #tpu.memory_space<vmem>>)
      %mul3A_371 = arith.constant 80 : i32
      %mul3A_372 = arith.muli %add3A_360, %mul3A_371 : i32
      %add3A_373 = arith.addi %mul3A_4, %mul3A_372 : i32
      %dma_start3A_374 = arith.constant 2 : i32
      %dma_start3A_375 = arith.constant 0 : i32
      %dma_start3A_376 = arith.constant 0 : i32
      %dma_start3A_377 = tpu.memref_slice %arg6[%dma_start3A_374, %dma_start3A_375, %dma_start3A_376] : memref<4x80x128xf32, #tpu.memory_space<vmem>> -> memref<1x80x128xf32, #tpu.memory_space<vmem>>
      %dma_start3A_378 = tpu.memref_squeeze %dma_start3A_377 : memref<1x80x128xf32, #tpu.memory_space<vmem>> -> memref<80x128xf32, #tpu.memory_space<vmem>>
      %dma_start3A_379 = arith.constant 0 : i32
      %dma_start3A_380 = tpu.memref_slice %arg4[%add3A_373, %dma_start3A_379] : memref<327680x128xf32, #tpu.memory_space<hbm>> -> memref<80x128xf32, #tpu.memory_space<hbm>>
      %dma_start3A_381 = arith.constant 0 : i32
      %dma_start3A_382 = tpu.memref_slice %arg4[%add3A_373, %dma_start3A_381] : memref<327680x128xf32, #tpu.memory_space<hbm>> -> memref<80x128xf32, #tpu.memory_space<hbm>>
      %dma_start3A_383 = arith.constant 0 : i32
      %dma_start3A_384 = arith.constant 0 : i32
      %dma_start3A_385 = tpu.memref_slice %arg6[%dma_start3A_374, %dma_start3A_383, %dma_start3A_384] : memref<4x80x128xf32, #tpu.memory_space<vmem>> -> memref<1x80x128xf32, #tpu.memory_space<vmem>>
      %dma_start3A_386 = tpu.memref_squeeze %dma_start3A_385 : memref<1x80x128xf32, #tpu.memory_space<vmem>> -> memref<80x128xf32, #tpu.memory_space<vmem>>
      tpu.enqueue_dma source(%dma_start3A_386 : memref<80x128xf32, #tpu.memory_space<vmem>>) target(%dma_start3A_382 : memref<80x128xf32, #tpu.memory_space<hbm>>) target_semaphore(%arg13 : memref<!tpu.dma_semaphore, #tpu.memory_space<semaphore_mem>>)
      %add3A_387 = arith.constant 3 : i32
      %add3A_388 = arith.addi %add3A_360, %add3A_387 : i32
      %lt3A_389 = arith.constant 128 : i32
      %lt3A_390 = arith.cmpi slt, %add3A_388, %lt3A_389 : i32
      %convert_element_type3A_391 = arith.extui %lt3A_390 : i1 to i32
      %cond3A_392 = arith.constant 0 : i32
      %cond3A_393 = arith.cmpi ne, %convert_element_type3A_391, %cond3A_392 : i32
      scf.if %cond3A_393 {
        %dma_wait3A_432 = arith.constant 1 : i32
        %dma_wait3A_433 = arith.constant 0 : i32
        %dma_wait3A_434 = arith.constant 0 : i32
        %dma_wait3A_435 = tpu.memref_slice %arg6[%dma_wait3A_432, %dma_wait3A_433, %dma_wait3A_434] : memref<4x80x128xf32, #tpu.memory_space<vmem>> -> memref<1x80x128xf32, #tpu.memory_space<vmem>>
        %dma_wait3A_436 = tpu.memref_squeeze %dma_wait3A_435 : memref<1x80x128xf32, #tpu.memory_space<vmem>> -> memref<80x128xf32, #tpu.memory_space<vmem>>
        %dma_wait3A_437 = arith.constant 0 : i32
        %dma_wait3A_438 = arith.constant 0 : i32
        %dma_wait3A_439 = tpu.memref_slice %arg4[%dma_wait3A_437, %dma_wait3A_438] : memref<327680x128xf32, #tpu.memory_space<hbm>> -> memref<80x128xf32, #tpu.memory_space<hbm>>
        %dma_wait3A_440 = arith.constant 0 : i32
        %dma_wait3A_441 = arith.constant 0 : i32
        %dma_wait3A_442 = tpu.memref_slice %arg4[%dma_wait3A_440, %dma_wait3A_441] : memref<327680x128xf32, #tpu.memory_space<hbm>> -> memref<80x128xf32, #tpu.memory_space<hbm>>
        %dma_wait3A_443 = arith.constant 0 : i32
        %dma_wait3A_444 = arith.constant 0 : i32
        %dma_wait3A_445 = tpu.memref_slice %arg6[%dma_wait3A_432, %dma_wait3A_443, %dma_wait3A_444] : memref<4x80x128xf32, #tpu.memory_space<vmem>> -> memref<1x80x128xf32, #tpu.memory_space<vmem>>
        %dma_wait3A_446 = tpu.memref_squeeze %dma_wait3A_445 : memref<1x80x128xf32, #tpu.memory_space<vmem>> -> memref<80x128xf32, #tpu.memory_space<vmem>>
        tpu.wait_dma2 semaphore(%arg12 : memref<!tpu.dma_semaphore, #tpu.memory_space<semaphore_mem>>) src(%dma_wait3A_446 : memref<80x128xf32, #tpu.memory_space<vmem>>) dst(%dma_wait3A_442 : memref<80x128xf32, #tpu.memory_space<hbm>>)
        %add3A_447 = arith.constant 3 : i32
        %add3A_448 = arith.addi %add3A_360, %add3A_447 : i32
        %mul3A_449 = arith.constant 80 : i32
        %mul3A_450 = arith.muli %add3A_448, %mul3A_449 : i32
        %dma_start3A_451 = arith.constant 1 : i32
        %dma_start3A_452 = arith.constant 0 : i32
        %dma_start3A_453 = arith.constant 0 : i32
        %dma_start3A_454 = tpu.memref_slice %arg6[%dma_start3A_451, %dma_start3A_452, %dma_start3A_453] : memref<4x80x128xf32, #tpu.memory_space<vmem>> -> memref<1x80x128xf32, #tpu.memory_space<vmem>>
        %dma_start3A_455 = tpu.memref_squeeze %dma_start3A_454 : memref<1x80x128xf32, #tpu.memory_space<vmem>> -> memref<80x128xf32, #tpu.memory_space<vmem>>
        %dma_start3A_456 = tpu.memref_slice %arg5[%mul3A_450] : memref<10240xi32, #tpu.memory_space<vmem>> -> memref<80xi32, #tpu.memory_space<vmem>>
        %dma_start3A_457 = arith.constant 0 : i32
        %dma_start3A_458 = arith.constant 0 : i32
        %dma_start3A_459 = tpu.memref_slice %arg2[%dma_start3A_457, %dma_start3A_458] : memref<16384x128xf32, #tpu.memory_space<hbm>> -> memref<16384x128xf32, #tpu.memory_space<hbm>>
        tpu.enqueue_indirect_dma source(%dma_start3A_459 : memref<16384x128xf32, #tpu.memory_space<hbm>>) target(%dma_start3A_455 : memref<80x128xf32, #tpu.memory_space<vmem>>) offsets(%dma_start3A_456 : memref<80xi32, #tpu.memory_space<vmem>>) semaphore(%arg8 : memref<!tpu.dma_semaphore, #tpu.memory_space<semaphore_mem>>)
      } else {
      }
      %mul3A_394 = arith.constant 4 : i32
      %mul3A_395 = arith.muli %scan3A_284, %mul3A_394 : i32
      %add3A_396 = arith.constant 3 : i32
      %add3A_397 = arith.addi %mul3A_395, %add3A_396 : i32
      %dma_wait3A_398 = arith.constant 3 : i32
      %dma_wait3A_399 = arith.constant 0 : i32
      %dma_wait3A_400 = arith.constant 0 : i32
      %dma_wait3A_401 = tpu.memref_slice %arg6[%dma_wait3A_398, %dma_wait3A_399, %dma_wait3A_400] : memref<4x80x128xf32, #tpu.memory_space<vmem>> -> memref<1x80x128xf32, #tpu.memory_space<vmem>>
      %dma_wait3A_402 = tpu.memref_squeeze %dma_wait3A_401 : memref<1x80x128xf32, #tpu.memory_space<vmem>> -> memref<80x128xf32, #tpu.memory_space<vmem>>
      %dma_wait3A_403 = arith.constant 0 : i32
      %dma_wait3A_404 = tpu.memref_slice %arg5[%dma_wait3A_403] : memref<10240xi32, #tpu.memory_space<vmem>> -> memref<80xi32, #tpu.memory_space<vmem>>
      %dma_wait3A_405 = arith.constant 0 : i32
      %dma_wait3A_406 = arith.constant 0 : i32
      %dma_wait3A_407 = tpu.memref_slice %arg2[%dma_wait3A_405, %dma_wait3A_406] : memref<16384x128xf32, #tpu.memory_space<hbm>> -> memref<16384x128xf32, #tpu.memory_space<hbm>>
      tpu.wait_indirect_dma semaphore(%arg10 : memref<!tpu.dma_semaphore, #tpu.memory_space<semaphore_mem>>) src(%dma_wait3A_407 : memref<16384x128xf32, #tpu.memory_space<hbm>>) dst(%dma_wait3A_402 : memref<80x128xf32, #tpu.memory_space<vmem>>)
      %mul3A_408 = arith.constant 80 : i32
      %mul3A_409 = arith.muli %add3A_397, %mul3A_408 : i32
      %add3A_410 = arith.addi %mul3A_4, %mul3A_409 : i32
      %dma_start3A_411 = arith.constant 3 : i32
      %dma_start3A_412 = arith.constant 0 : i32
      %dma_start3A_413 = arith.constant 0 : i32
      %dma_start3A_414 = tpu.memref_slice %arg6[%dma_start3A_411, %dma_start3A_412, %dma_start3A_413] : memref<4x80x128xf32, #tpu.memory_space<vmem>> -> memref<1x80x128xf32, #tpu.memory_space<vmem>>
      %dma_start3A_415 = tpu.memref_squeeze %dma_start3A_414 : memref<1x80x128xf32, #tpu.memory_space<vmem>> -> memref<80x128xf32, #tpu.memory_space<vmem>>
      %dma_start3A_416 = arith.constant 0 : i32
      %dma_start3A_417 = tpu.memref_slice %arg4[%add3A_410, %dma_start3A_416] : memref<327680x128xf32, #tpu.memory_space<hbm>> -> memref<80x128xf32, #tpu.memory_space<hbm>>
      %dma_start3A_418 = arith.constant 0 : i32
      %dma_start3A_419 = tpu.memref_slice %arg4[%add3A_410, %dma_start3A_418] : memref<327680x128xf32, #tpu.memory_space<hbm>> -> memref<80x128xf32, #tpu.memory_space<hbm>>
      %dma_start3A_420 = arith.constant 0 : i32
      %dma_start3A_421 = arith.constant 0 : i32
      %dma_start3A_422 = tpu.memref_slice %arg6[%dma_start3A_411, %dma_start3A_420, %dma_start3A_421] : memref<4x80x128xf32, #tpu.memory_space<vmem>> -> memref<1x80x128xf32, #tpu.memory_space<vmem>>
      %dma_start3A_423 = tpu.memref_squeeze %dma_start3A_422 : memref<1x80x128xf32, #tpu.memory_space<vmem>> -> memref<80x128xf32, #tpu.memory_space<vmem>>
      tpu.enqueue_dma source(%dma_start3A_423 : memref<80x128xf32, #tpu.memory_space<vmem>>) target(%dma_start3A_419 : memref<80x128xf32, #tpu.memory_space<hbm>>) target_semaphore(%arg14 : memref<!tpu.dma_semaphore, #tpu.memory_space<semaphore_mem>>)
      %add3A_424 = arith.constant 3 : i32
      %add3A_425 = arith.addi %add3A_397, %add3A_424 : i32
      %lt3A_426 = arith.constant 128 : i32
      %lt3A_427 = arith.cmpi slt, %add3A_425, %lt3A_426 : i32
      %convert_element_type3A_428 = arith.extui %lt3A_427 : i1 to i32
      %cond3A_429 = arith.constant 0 : i32
      %cond3A_430 = arith.cmpi ne, %convert_element_type3A_428, %cond3A_429 : i32
      scf.if %cond3A_430 {
        %dma_wait3A_432 = arith.constant 2 : i32
        %dma_wait3A_433 = arith.constant 0 : i32
        %dma_wait3A_434 = arith.constant 0 : i32
        %dma_wait3A_435 = tpu.memref_slice %arg6[%dma_wait3A_432, %dma_wait3A_433, %dma_wait3A_434] : memref<4x80x128xf32, #tpu.memory_space<vmem>> -> memref<1x80x128xf32, #tpu.memory_space<vmem>>
        %dma_wait3A_436 = tpu.memref_squeeze %dma_wait3A_435 : memref<1x80x128xf32, #tpu.memory_space<vmem>> -> memref<80x128xf32, #tpu.memory_space<vmem>>
        %dma_wait3A_437 = arith.constant 0 : i32
        %dma_wait3A_438 = arith.constant 0 : i32
        %dma_wait3A_439 = tpu.memref_slice %arg4[%dma_wait3A_437, %dma_wait3A_438] : memref<327680x128xf32, #tpu.memory_space<hbm>> -> memref<80x128xf32, #tpu.memory_space<hbm>>
        %dma_wait3A_440 = arith.constant 0 : i32
        %dma_wait3A_441 = arith.constant 0 : i32
        %dma_wait3A_442 = tpu.memref_slice %arg4[%dma_wait3A_440, %dma_wait3A_441] : memref<327680x128xf32, #tpu.memory_space<hbm>> -> memref<80x128xf32, #tpu.memory_space<hbm>>
        %dma_wait3A_443 = arith.constant 0 : i32
        %dma_wait3A_444 = arith.constant 0 : i32
        %dma_wait3A_445 = tpu.memref_slice %arg6[%dma_wait3A_432, %dma_wait3A_443, %dma_wait3A_444] : memref<4x80x128xf32, #tpu.memory_space<vmem>> -> memref<1x80x128xf32, #tpu.memory_space<vmem>>
        %dma_wait3A_446 = tpu.memref_squeeze %dma_wait3A_445 : memref<1x80x128xf32, #tpu.memory_space<vmem>> -> memref<80x128xf32, #tpu.memory_space<vmem>>
        tpu.wait_dma2 semaphore(%arg13 : memref<!tpu.dma_semaphore, #tpu.memory_space<semaphore_mem>>) src(%dma_wait3A_446 : memref<80x128xf32, #tpu.memory_space<vmem>>) dst(%dma_wait3A_442 : memref<80x128xf32, #tpu.memory_space<hbm>>)
        %add3A_447 = arith.constant 3 : i32
        %add3A_448 = arith.addi %add3A_397, %add3A_447 : i32
        %mul3A_449 = arith.constant 80 : i32
        %mul3A_450 = arith.muli %add3A_448, %mul3A_449 : i32
        %dma_start3A_451 = arith.constant 2 : i32
        %dma_start3A_452 = arith.constant 0 : i32
        %dma_start3A_453 = arith.constant 0 : i32
        %dma_start3A_454 = tpu.memref_slice %arg6[%dma_start3A_451, %dma_start3A_452, %dma_start3A_453] : memref<4x80x128xf32, #tpu.memory_space<vmem>> -> memref<1x80x128xf32, #tpu.memory_space<vmem>>
        %dma_start3A_455 = tpu.memref_squeeze %dma_start3A_454 : memref<1x80x128xf32, #tpu.memory_space<vmem>> -> memref<80x128xf32, #tpu.memory_space<vmem>>
        %dma_start3A_456 = tpu.memref_slice %arg5[%mul3A_450] : memref<10240xi32, #tpu.memory_space<vmem>> -> memref<80xi32, #tpu.memory_space<vmem>>
        %dma_start3A_457 = arith.constant 0 : i32
        %dma_start3A_458 = arith.constant 0 : i32
        %dma_start3A_459 = tpu.memref_slice %arg2[%dma_start3A_457, %dma_start3A_458] : memref<16384x128xf32, #tpu.memory_space<hbm>> -> memref<16384x128xf32, #tpu.memory_space<hbm>>
        tpu.enqueue_indirect_dma source(%dma_start3A_459 : memref<16384x128xf32, #tpu.memory_space<hbm>>) target(%dma_start3A_455 : memref<80x128xf32, #tpu.memory_space<vmem>>) offsets(%dma_start3A_456 : memref<80xi32, #tpu.memory_space<vmem>>) semaphore(%arg9 : memref<!tpu.dma_semaphore, #tpu.memory_space<semaphore_mem>>)
      } else {
      }
      %scan3A_431 = arith.constant 0 : i32
      scf.yield %scan3A_431 : i32
    }
    %scan3A_223 = arith.constant 31 : i32
    %dma_wait3A_224 = arith.constant 0 : i32
    %dma_wait3A_225 = arith.constant 0 : i32
    %dma_wait3A_226 = arith.constant 0 : i32
    %dma_wait3A_227 = tpu.memref_slice %arg6[%dma_wait3A_224, %dma_wait3A_225, %dma_wait3A_226] : memref<4x80x128xf32, #tpu.memory_space<vmem>> -> memref<1x80x128xf32, #tpu.memory_space<vmem>>
    %dma_wait3A_228 = tpu.memref_squeeze %dma_wait3A_227 : memref<1x80x128xf32, #tpu.memory_space<vmem>> -> memref<80x128xf32, #tpu.memory_space<vmem>>
    %dma_wait3A_229 = arith.constant 0 : i32
    %dma_wait3A_230 = arith.constant 0 : i32
    %dma_wait3A_231 = tpu.memref_slice %arg4[%dma_wait3A_229, %dma_wait3A_230] : memref<327680x128xf32, #tpu.memory_space<hbm>> -> memref<80x128xf32, #tpu.memory_space<hbm>>
    %dma_wait3A_232 = arith.constant 0 : i32
    %dma_wait3A_233 = arith.constant 0 : i32
    %dma_wait3A_234 = tpu.memref_slice %arg4[%dma_wait3A_232, %dma_wait3A_233] : memref<327680x128xf32, #tpu.memory_space<hbm>> -> memref<80x128xf32, #tpu.memory_space<hbm>>
    %dma_wait3A_235 = arith.constant 0 : i32
    %dma_wait3A_236 = arith.constant 0 : i32
    %dma_wait3A_237 = tpu.memref_slice %arg6[%dma_wait3A_224, %dma_wait3A_235, %dma_wait3A_236] : memref<4x80x128xf32, #tpu.memory_space<vmem>> -> memref<1x80x128xf32, #tpu.memory_space<vmem>>
    %dma_wait3A_238 = tpu.memref_squeeze %dma_wait3A_237 : memref<1x80x128xf32, #tpu.memory_space<vmem>> -> memref<80x128xf32, #tpu.memory_space<vmem>>
    tpu.wait_dma2 semaphore(%arg11 : memref<!tpu.dma_semaphore, #tpu.memory_space<semaphore_mem>>) src(%dma_wait3A_238 : memref<80x128xf32, #tpu.memory_space<vmem>>) dst(%dma_wait3A_234 : memref<80x128xf32, #tpu.memory_space<hbm>>)
    %dma_wait3A_239 = arith.constant 1 : i32
    %dma_wait3A_240 = arith.constant 0 : i32
    %dma_wait3A_241 = arith.constant 0 : i32
    %dma_wait3A_242 = tpu.memref_slice %arg6[%dma_wait3A_239, %dma_wait3A_240, %dma_wait3A_241] : memref<4x80x128xf32, #tpu.memory_space<vmem>> -> memref<1x80x128xf32, #tpu.memory_space<vmem>>
    %dma_wait3A_243 = tpu.memref_squeeze %dma_wait3A_242 : memref<1x80x128xf32, #tpu.memory_space<vmem>> -> memref<80x128xf32, #tpu.memory_space<vmem>>
    %dma_wait3A_244 = arith.constant 0 : i32
    %dma_wait3A_245 = arith.constant 0 : i32
    %dma_wait3A_246 = tpu.memref_slice %arg4[%dma_wait3A_244, %dma_wait3A_245] : memref<327680x128xf32, #tpu.memory_space<hbm>> -> memref<80x128xf32, #tpu.memory_space<hbm>>
    %dma_wait3A_247 = arith.constant 0 : i32
    %dma_wait3A_248 = arith.constant 0 : i32
    %dma_wait3A_249 = tpu.memref_slice %arg4[%dma_wait3A_247, %dma_wait3A_248] : memref<327680x128xf32, #tpu.memory_space<hbm>> -> memref<80x128xf32, #tpu.memory_space<hbm>>
    %dma_wait3A_250 = arith.constant 0 : i32
    %dma_wait3A_251 = arith.constant 0 : i32
    %dma_wait3A_252 = tpu.memref_slice %arg6[%dma_wait3A_239, %dma_wait3A_250, %dma_wait3A_251] : memref<4x80x128xf32, #tpu.memory_space<vmem>> -> memref<1x80x128xf32, #tpu.memory_space<vmem>>
    %dma_wait3A_253 = tpu.memref_squeeze %dma_wait3A_252 : memref<1x80x128xf32, #tpu.memory_space<vmem>> -> memref<80x128xf32, #tpu.memory_space<vmem>>
    tpu.wait_dma2 semaphore(%arg12 : memref<!tpu.dma_semaphore, #tpu.memory_space<semaphore_mem>>) src(%dma_wait3A_253 : memref<80x128xf32, #tpu.memory_space<vmem>>) dst(%dma_wait3A_249 : memref<80x128xf32, #tpu.memory_space<hbm>>)
    %dma_wait3A_254 = arith.constant 2 : i32
    %dma_wait3A_255 = arith.constant 0 : i32
    %dma_wait3A_256 = arith.constant 0 : i32
    %dma_wait3A_257 = tpu.memref_slice %arg6[%dma_wait3A_254, %dma_wait3A_255, %dma_wait3A_256] : memref<4x80x128xf32, #tpu.memory_space<vmem>> -> memref<1x80x128xf32, #tpu.memory_space<vmem>>
    %dma_wait3A_258 = tpu.memref_squeeze %dma_wait3A_257 : memref<1x80x128xf32, #tpu.memory_space<vmem>> -> memref<80x128xf32, #tpu.memory_space<vmem>>
    %dma_wait3A_259 = arith.constant 0 : i32
    %dma_wait3A_260 = arith.constant 0 : i32
    %dma_wait3A_261 = tpu.memref_slice %arg4[%dma_wait3A_259, %dma_wait3A_260] : memref<327680x128xf32, #tpu.memory_space<hbm>> -> memref<80x128xf32, #tpu.memory_space<hbm>>
    %dma_wait3A_262 = arith.constant 0 : i32
    %dma_wait3A_263 = arith.constant 0 : i32
    %dma_wait3A_264 = tpu.memref_slice %arg4[%dma_wait3A_262, %dma_wait3A_263] : memref<327680x128xf32, #tpu.memory_space<hbm>> -> memref<80x128xf32, #tpu.memory_space<hbm>>
    %dma_wait3A_265 = arith.constant 0 : i32
    %dma_wait3A_266 = arith.constant 0 : i32
    %dma_wait3A_267 = tpu.memref_slice %arg6[%dma_wait3A_254, %dma_wait3A_265, %dma_wait3A_266] : memref<4x80x128xf32, #tpu.memory_space<vmem>> -> memref<1x80x128xf32, #tpu.memory_space<vmem>>
    %dma_wait3A_268 = tpu.memref_squeeze %dma_wait3A_267 : memref<1x80x128xf32, #tpu.memory_space<vmem>> -> memref<80x128xf32, #tpu.memory_space<vmem>>
    tpu.wait_dma2 semaphore(%arg13 : memref<!tpu.dma_semaphore, #tpu.memory_space<semaphore_mem>>) src(%dma_wait3A_268 : memref<80x128xf32, #tpu.memory_space<vmem>>) dst(%dma_wait3A_264 : memref<80x128xf32, #tpu.memory_space<hbm>>)
    %dma_wait3A_269 = arith.constant 3 : i32
    %dma_wait3A_270 = arith.constant 0 : i32
    %dma_wait3A_271 = arith.constant 0 : i32
    %dma_wait3A_272 = tpu.memref_slice %arg6[%dma_wait3A_269, %dma_wait3A_270, %dma_wait3A_271] : memref<4x80x128xf32, #tpu.memory_space<vmem>> -> memref<1x80x128xf32, #tpu.memory_space<vmem>>
    %dma_wait3A_273 = tpu.memref_squeeze %dma_wait3A_272 : memref<1x80x128xf32, #tpu.memory_space<vmem>> -> memref<80x128xf32, #tpu.memory_space<vmem>>
    %dma_wait3A_274 = arith.constant 0 : i32
    %dma_wait3A_275 = arith.constant 0 : i32
    %dma_wait3A_276 = tpu.memref_slice %arg4[%dma_wait3A_274, %dma_wait3A_275] : memref<327680x128xf32, #tpu.memory_space<hbm>> -> memref<80x128xf32, #tpu.memory_space<hbm>>
    %dma_wait3A_277 = arith.constant 0 : i32
    %dma_wait3A_278 = arith.constant 0 : i32
    %dma_wait3A_279 = tpu.memref_slice %arg4[%dma_wait3A_277, %dma_wait3A_278] : memref<327680x128xf32, #tpu.memory_space<hbm>> -> memref<80x128xf32, #tpu.memory_space<hbm>>
    %dma_wait3A_280 = arith.constant 0 : i32
    %dma_wait3A_281 = arith.constant 0 : i32
    %dma_wait3A_282 = tpu.memref_slice %arg6[%dma_wait3A_269, %dma_wait3A_280, %dma_wait3A_281] : memref<4x80x128xf32, #tpu.memory_space<vmem>> -> memref<1x80x128xf32, #tpu.memory_space<vmem>>
    %dma_wait3A_283 = tpu.memref_squeeze %dma_wait3A_282 : memref<1x80x128xf32, #tpu.memory_space<vmem>> -> memref<80x128xf32, #tpu.memory_space<vmem>>
    tpu.wait_dma2 semaphore(%arg14 : memref<!tpu.dma_semaphore, #tpu.memory_space<semaphore_mem>>) src(%dma_wait3A_283 : memref<80x128xf32, #tpu.memory_space<vmem>>) dst(%dma_wait3A_279 : memref<80x128xf32, #tpu.memory_space<hbm>>)
    return
  }
}

#map = affine_map<(d0, d1) -> (0, 0)>
#map1 = affine_map<(d0, d1) -> (0)>
module attributes {stable_mosaic.version = 14 : i64} {
  func.func @k(%arg0: i32, %arg1: i32, %arg2: memref<16384x128xf32, #tpu.memory_space<hbm>>, %arg3: memref<327680xi32, #tpu.memory_space<hbm>>, %arg4: memref<327680x128xf32, #tpu.memory_space<hbm>>, %arg5: memref<10240xi32, #tpu.memory_space<vmem>>, %arg6: memref<4x80x128xf32, #tpu.memory_space<vmem>>, %arg7: memref<!tpu.dma_semaphore, #tpu.memory_space<semaphore_mem>>, %arg8: memref<!tpu.dma_semaphore, #tpu.memory_space<semaphore_mem>>, %arg9: memref<!tpu.dma_semaphore, #tpu.memory_space<semaphore_mem>>, %arg10: memref<!tpu.dma_semaphore, #tpu.memory_space<semaphore_mem>>, %arg11: memref<!tpu.dma_semaphore, #tpu.memory_space<semaphore_mem>>, %arg12: memref<!tpu.dma_semaphore, #tpu.memory_space<semaphore_mem>>, %arg13: memref<!tpu.dma_semaphore, #tpu.memory_space<semaphore_mem>>, %arg14: memref<!tpu.dma_semaphore, #tpu.memory_space<semaphore_mem>>) attributes {dimension_semantics = [#tpu.dimension_semantics<core_parallel>, #tpu.dimension_semantics<subcore_parallel>], iteration_bounds = array<i64: 2, 16>, scalar_prefetch = 0 : i64, scratch_operands = 10 : i64, tpu.core_type = #tpu.core_type<sc_vector_subcore>, window_params = [{transform_indices = #map}, {transform_indices = #map1}, {transform_indices = #map}]} {
    %mul3A = arith.constant 2 : i32
    %mul3A_0 = arith.muli %arg1, %mul3A : i32
    %add3A = arith.addi %mul3A_0, %arg0 : i32
    %mul3A_1 = arith.constant 512 : i32
    %mul3A_2 = arith.muli %add3A, %mul3A_1 : i32
    %mul3A_3 = arith.constant 20 : i32
    %mul3A_4 = arith.muli %mul3A_2, %mul3A_3 : i32
    "tpu.region"() ({
      %run_scoped3A = tpu.sem_alloc : memref<!tpu.dma_semaphore, #tpu.memory_space<semaphore_mem>>
      %dma_start3A_284 = tpu.memref_slice %arg3[%mul3A_4] : memref<327680xi32, #tpu.memory_space<hbm>> -> memref<10240xi32, #tpu.memory_space<hbm>>
      %dma_start3A_285 = tpu.memref_slice %arg3[%mul3A_4] : memref<327680xi32, #tpu.memory_space<hbm>> -> memref<10240xi32, #tpu.memory_space<hbm>>
      tpu.enqueue_dma source(%dma_start3A_285 : memref<10240xi32, #tpu.memory_space<hbm>>) target(%arg5 : memref<10240xi32, #tpu.memory_space<vmem>>) target_semaphore(%run_scoped3A : memref<!tpu.dma_semaphore, #tpu.memory_space<semaphore_mem>>)
      %dma_wait3A_286 = tpu.memref_slice %arg3[%mul3A_4] : memref<327680xi32, #tpu.memory_space<hbm>> -> memref<10240xi32, #tpu.memory_space<hbm>>
      %dma_wait3A_287 = tpu.memref_slice %arg3[%mul3A_4] : memref<327680xi32, #tpu.memory_space<hbm>> -> memref<10240xi32, #tpu.memory_space<hbm>>
      tpu.wait_dma2 semaphore(%run_scoped3A : memref<!tpu.dma_semaphore, #tpu.memory_space<semaphore_mem>>) src(%dma_wait3A_287 : memref<10240xi32, #tpu.memory_space<hbm>>) dst(%arg5 : memref<10240xi32, #tpu.memory_space<vmem>>)
      tpu.yield
    }) : () -> ()
    %dma_start3A = arith.constant 0 : i32
    %dma_start3A_5 = arith.constant 0 : i32
    %dma_start3A_6 = arith.constant 0 : i32
    %dma_start3A_7 = tpu.memref_slice %arg6[%dma_start3A, %dma_start3A_5, %dma_start3A_6] : memref<4x80x128xf32, #tpu.memory_space<vmem>> -> memref<1x80x128xf32, #tpu.memory_space<vmem>>
    %dma_start3A_8 = tpu.memref_squeeze %dma_start3A_7 : memref<1x80x128xf32, #tpu.memory_space<vmem>> -> memref<80x128xf32, #tpu.memory_space<vmem>>
    %dma_start3A_9 = arith.constant 0 : i32
    %dma_start3A_10 = tpu.memref_slice %arg5[%dma_start3A_9] : memref<10240xi32, #tpu.memory_space<vmem>> -> memref<80xi32, #tpu.memory_space<vmem>>
    %dma_start3A_11 = arith.constant 0 : i32
    %dma_start3A_12 = arith.constant 0 : i32
    %dma_start3A_13 = tpu.memref_slice %arg2[%dma_start3A_11, %dma_start3A_12] : memref<16384x128xf32, #tpu.memory_space<hbm>> -> memref<16384x128xf32, #tpu.memory_space<hbm>>
    tpu.enqueue_indirect_dma source(%dma_start3A_13 : memref<16384x128xf32, #tpu.memory_space<hbm>>) target(%dma_start3A_8 : memref<80x128xf32, #tpu.memory_space<vmem>>) offsets(%dma_start3A_10 : memref<80xi32, #tpu.memory_space<vmem>>) semaphore(%arg7 : memref<!tpu.dma_semaphore, #tpu.memory_space<semaphore_mem>>)
    %dma_start3A_14 = arith.constant 1 : i32
    %dma_start3A_15 = arith.constant 0 : i32
    %dma_start3A_16 = arith.constant 0 : i32
    %dma_start3A_17 = tpu.memref_slice %arg6[%dma_start3A_14, %dma_start3A_15, %dma_start3A_16] : memref<4x80x128xf32, #tpu.memory_space<vmem>> -> memref<1x80x128xf32, #tpu.memory_space<vmem>>
    %dma_start3A_18 = tpu.memref_squeeze %dma_start3A_17 : memref<1x80x128xf32, #tpu.memory_space<vmem>> -> memref<80x128xf32, #tpu.memory_space<vmem>>
    %dma_start3A_19 = arith.constant 80 : i32
    %dma_start3A_20 = tpu.memref_slice %arg5[%dma_start3A_19] : memref<10240xi32, #tpu.memory_space<vmem>> -> memref<80xi32, #tpu.memory_space<vmem>>
    %dma_start3A_21 = arith.constant 0 : i32
    %dma_start3A_22 = arith.constant 0 : i32
    %dma_start3A_23 = tpu.memref_slice %arg2[%dma_start3A_21, %dma_start3A_22] : memref<16384x128xf32, #tpu.memory_space<hbm>> -> memref<16384x128xf32, #tpu.memory_space<hbm>>
    tpu.enqueue_indirect_dma source(%dma_start3A_23 : memref<16384x128xf32, #tpu.memory_space<hbm>>) target(%dma_start3A_18 : memref<80x128xf32, #tpu.memory_space<vmem>>) offsets(%dma_start3A_20 : memref<80xi32, #tpu.memory_space<vmem>>) semaphore(%arg8 : memref<!tpu.dma_semaphore, #tpu.memory_space<semaphore_mem>>)
    %dma_start3A_24 = arith.constant 2 : i32
    %dma_start3A_25 = arith.constant 0 : i32
    %dma_start3A_26 = arith.constant 0 : i32
    %dma_start3A_27 = tpu.memref_slice %arg6[%dma_start3A_24, %dma_start3A_25, %dma_start3A_26] : memref<4x80x128xf32, #tpu.memory_space<vmem>> -> memref<1x80x128xf32, #tpu.memory_space<vmem>>
    %dma_start3A_28 = tpu.memref_squeeze %dma_start3A_27 : memref<1x80x128xf32, #tpu.memory_space<vmem>> -> memref<80x128xf32, #tpu.memory_space<vmem>>
    %dma_start3A_29 = arith.constant 160 : i32
    %dma_start3A_30 = tpu.memref_slice %arg5[%dma_start3A_29] : memref<10240xi32, #tpu.memory_space<vmem>> -> memref<80xi32, #tpu.memory_space<vmem>>
    %dma_start3A_31 = arith.constant 0 : i32
    %dma_start3A_32 = arith.constant 0 : i32
    %dma_start3A_33 = tpu.memref_slice %arg2[%dma_start3A_31, %dma_start3A_32] : memref<16384x128xf32, #tpu.memory_space<hbm>> -> memref<16384x128xf32, #tpu.memory_space<hbm>>
    tpu.enqueue_indirect_dma source(%dma_start3A_33 : memref<16384x128xf32, #tpu.memory_space<hbm>>) target(%dma_start3A_28 : memref<80x128xf32, #tpu.memory_space<vmem>>) offsets(%dma_start3A_30 : memref<80xi32, #tpu.memory_space<vmem>>) semaphore(%arg9 : memref<!tpu.dma_semaphore, #tpu.memory_space<semaphore_mem>>)
    %dma_wait3A = arith.constant 0 : i32
    %dma_wait3A_34 = arith.constant 0 : i32
    %dma_wait3A_35 = arith.constant 0 : i32
    %dma_wait3A_36 = tpu.memref_slice %arg6[%dma_wait3A, %dma_wait3A_34, %dma_wait3A_35] : memref<4x80x128xf32, #tpu.memory_space<vmem>> -> memref<1x80x128xf32, #tpu.memory_space<vmem>>
    %dma_wait3A_37 = tpu.memref_squeeze %dma_wait3A_36 : memref<1x80x128xf32, #tpu.memory_space<vmem>> -> memref<80x128xf32, #tpu.memory_space<vmem>>
    %dma_wait3A_38 = arith.constant 0 : i32
    %dma_wait3A_39 = tpu.memref_slice %arg5[%dma_wait3A_38] : memref<10240xi32, #tpu.memory_space<vmem>> -> memref<80xi32, #tpu.memory_space<vmem>>
    %dma_wait3A_40 = arith.constant 0 : i32
    %dma_wait3A_41 = arith.constant 0 : i32
    %dma_wait3A_42 = tpu.memref_slice %arg2[%dma_wait3A_40, %dma_wait3A_41] : memref<16384x128xf32, #tpu.memory_space<hbm>> -> memref<16384x128xf32, #tpu.memory_space<hbm>>
    tpu.wait_indirect_dma semaphore(%arg7 : memref<!tpu.dma_semaphore, #tpu.memory_space<semaphore_mem>>) src(%dma_wait3A_42 : memref<16384x128xf32, #tpu.memory_space<hbm>>) dst(%dma_wait3A_37 : memref<80x128xf32, #tpu.memory_space<vmem>>)
    %add3A_43 = arith.constant 0 : i32
    %add3A_44 = arith.addi %mul3A_4, %add3A_43 : i32
    %dma_start3A_45 = arith.constant 0 : i32
    %dma_start3A_46 = arith.constant 0 : i32
    %dma_start3A_47 = arith.constant 0 : i32
    %dma_start3A_48 = tpu.memref_slice %arg6[%dma_start3A_45, %dma_start3A_46, %dma_start3A_47] : memref<4x80x128xf32, #tpu.memory_space<vmem>> -> memref<1x80x128xf32, #tpu.memory_space<vmem>>
    %dma_start3A_49 = tpu.memref_squeeze %dma_start3A_48 : memref<1x80x128xf32, #tpu.memory_space<vmem>> -> memref<80x128xf32, #tpu.memory_space<vmem>>
    %dma_start3A_50 = arith.constant 0 : i32
    %dma_start3A_51 = tpu.memref_slice %arg4[%add3A_44, %dma_start3A_50] : memref<327680x128xf32, #tpu.memory_space<hbm>> -> memref<80x128xf32, #tpu.memory_space<hbm>>
    %dma_start3A_52 = arith.constant 0 : i32
    %dma_start3A_53 = tpu.memref_slice %arg4[%add3A_44, %dma_start3A_52] : memref<327680x128xf32, #tpu.memory_space<hbm>> -> memref<80x128xf32, #tpu.memory_space<hbm>>
    %dma_start3A_54 = arith.constant 0 : i32
    %dma_start3A_55 = arith.constant 0 : i32
    %dma_start3A_56 = tpu.memref_slice %arg6[%dma_start3A_45, %dma_start3A_54, %dma_start3A_55] : memref<4x80x128xf32, #tpu.memory_space<vmem>> -> memref<1x80x128xf32, #tpu.memory_space<vmem>>
    %dma_start3A_57 = tpu.memref_squeeze %dma_start3A_56 : memref<1x80x128xf32, #tpu.memory_space<vmem>> -> memref<80x128xf32, #tpu.memory_space<vmem>>
    tpu.enqueue_dma source(%dma_start3A_57 : memref<80x128xf32, #tpu.memory_space<vmem>>) target(%dma_start3A_53 : memref<80x128xf32, #tpu.memory_space<hbm>>) target_semaphore(%arg11 : memref<!tpu.dma_semaphore, #tpu.memory_space<semaphore_mem>>)
    %dma_start3A_58 = arith.constant 3 : i32
    %dma_start3A_59 = arith.constant 0 : i32
    %dma_start3A_60 = arith.constant 0 : i32
    %dma_start3A_61 = tpu.memref_slice %arg6[%dma_start3A_58, %dma_start3A_59, %dma_start3A_60] : memref<4x80x128xf32, #tpu.memory_space<vmem>> -> memref<1x80x128xf32, #tpu.memory_space<vmem>>
    %dma_start3A_62 = tpu.memref_squeeze %dma_start3A_61 : memref<1x80x128xf32, #tpu.memory_space<vmem>> -> memref<80x128xf32, #tpu.memory_space<vmem>>
    %dma_start3A_63 = arith.constant 240 : i32
    %dma_start3A_64 = tpu.memref_slice %arg5[%dma_start3A_63] : memref<10240xi32, #tpu.memory_space<vmem>> -> memref<80xi32, #tpu.memory_space<vmem>>
    %dma_start3A_65 = arith.constant 0 : i32
    %dma_start3A_66 = arith.constant 0 : i32
    %dma_start3A_67 = tpu.memref_slice %arg2[%dma_start3A_65, %dma_start3A_66] : memref<16384x128xf32, #tpu.memory_space<hbm>> -> memref<16384x128xf32, #tpu.memory_space<hbm>>
    tpu.enqueue_indirect_dma source(%dma_start3A_67 : memref<16384x128xf32, #tpu.memory_space<hbm>>) target(%dma_start3A_62 : memref<80x128xf32, #tpu.memory_space<vmem>>) offsets(%dma_start3A_64 : memref<80xi32, #tpu.memory_space<vmem>>) semaphore(%arg10 : memref<!tpu.dma_semaphore, #tpu.memory_space<semaphore_mem>>)
    %dma_wait3A_68 = arith.constant 1 : i32
    %dma_wait3A_69 = arith.constant 0 : i32
    %dma_wait3A_70 = arith.constant 0 : i32
    %dma_wait3A_71 = tpu.memref_slice %arg6[%dma_wait3A_68, %dma_wait3A_69, %dma_wait3A_70] : memref<4x80x128xf32, #tpu.memory_space<vmem>> -> memref<1x80x128xf32, #tpu.memory_space<vmem>>
    %dma_wait3A_72 = tpu.memref_squeeze %dma_wait3A_71 : memref<1x80x128xf32, #tpu.memory_space<vmem>> -> memref<80x128xf32, #tpu.memory_space<vmem>>
    %dma_wait3A_73 = arith.constant 0 : i32
    %dma_wait3A_74 = tpu.memref_slice %arg5[%dma_wait3A_73] : memref<10240xi32, #tpu.memory_space<vmem>> -> memref<80xi32, #tpu.memory_space<vmem>>
    %dma_wait3A_75 = arith.constant 0 : i32
    %dma_wait3A_76 = arith.constant 0 : i32
    %dma_wait3A_77 = tpu.memref_slice %arg2[%dma_wait3A_75, %dma_wait3A_76] : memref<16384x128xf32, #tpu.memory_space<hbm>> -> memref<16384x128xf32, #tpu.memory_space<hbm>>
    tpu.wait_indirect_dma semaphore(%arg8 : memref<!tpu.dma_semaphore, #tpu.memory_space<semaphore_mem>>) src(%dma_wait3A_77 : memref<16384x128xf32, #tpu.memory_space<hbm>>) dst(%dma_wait3A_72 : memref<80x128xf32, #tpu.memory_space<vmem>>)
    %add3A_78 = arith.constant 80 : i32
    %add3A_79 = arith.addi %mul3A_4, %add3A_78 : i32
    %dma_start3A_80 = arith.constant 1 : i32
    %dma_start3A_81 = arith.constant 0 : i32
    %dma_start3A_82 = arith.constant 0 : i32
    %dma_start3A_83 = tpu.memref_slice %arg6[%dma_start3A_80, %dma_start3A_81, %dma_start3A_82] : memref<4x80x128xf32, #tpu.memory_space<vmem>> -> memref<1x80x128xf32, #tpu.memory_space<vmem>>
    %dma_start3A_84 = tpu.memref_squeeze %dma_start3A_83 : memref<1x80x128xf32, #tpu.memory_space<vmem>> -> memref<80x128xf32, #tpu.memory_space<vmem>>
    %dma_start3A_85 = arith.constant 0 : i32
    %dma_start3A_86 = tpu.memref_slice %arg4[%add3A_79, %dma_start3A_85] : memref<327680x128xf32, #tpu.memory_space<hbm>> -> memref<80x128xf32, #tpu.memory_space<hbm>>
    %dma_start3A_87 = arith.constant 0 : i32
    %dma_start3A_88 = tpu.memref_slice %arg4[%add3A_79, %dma_start3A_87] : memref<327680x128xf32, #tpu.memory_space<hbm>> -> memref<80x128xf32, #tpu.memory_space<hbm>>
    %dma_start3A_89 = arith.constant 0 : i32
    %dma_start3A_90 = arith.constant 0 : i32
    %dma_start3A_91 = tpu.memref_slice %arg6[%dma_start3A_80, %dma_start3A_89, %dma_start3A_90] : memref<4x80x128xf32, #tpu.memory_space<vmem>> -> memref<1x80x128xf32, #tpu.memory_space<vmem>>
    %dma_start3A_92 = tpu.memref_squeeze %dma_start3A_91 : memref<1x80x128xf32, #tpu.memory_space<vmem>> -> memref<80x128xf32, #tpu.memory_space<vmem>>
    tpu.enqueue_dma source(%dma_start3A_92 : memref<80x128xf32, #tpu.memory_space<vmem>>) target(%dma_start3A_88 : memref<80x128xf32, #tpu.memory_space<hbm>>) target_semaphore(%arg12 : memref<!tpu.dma_semaphore, #tpu.memory_space<semaphore_mem>>)
    %dma_wait3A_93 = arith.constant 0 : i32
    %dma_wait3A_94 = arith.constant 0 : i32
    %dma_wait3A_95 = arith.constant 0 : i32
    %dma_wait3A_96 = tpu.memref_slice %arg6[%dma_wait3A_93, %dma_wait3A_94, %dma_wait3A_95] : memref<4x80x128xf32, #tpu.memory_space<vmem>> -> memref<1x80x128xf32, #tpu.memory_space<vmem>>
    %dma_wait3A_97 = tpu.memref_squeeze %dma_wait3A_96 : memref<1x80x128xf32, #tpu.memory_space<vmem>> -> memref<80x128xf32, #tpu.memory_space<vmem>>
    %dma_wait3A_98 = arith.constant 0 : i32
    %dma_wait3A_99 = arith.constant 0 : i32
    %dma_wait3A_100 = tpu.memref_slice %arg4[%dma_wait3A_98, %dma_wait3A_99] : memref<327680x128xf32, #tpu.memory_space<hbm>> -> memref<80x128xf32, #tpu.memory_space<hbm>>
    %dma_wait3A_101 = arith.constant 0 : i32
    %dma_wait3A_102 = arith.constant 0 : i32
    %dma_wait3A_103 = tpu.memref_slice %arg4[%dma_wait3A_101, %dma_wait3A_102] : memref<327680x128xf32, #tpu.memory_space<hbm>> -> memref<80x128xf32, #tpu.memory_space<hbm>>
    %dma_wait3A_104 = arith.constant 0 : i32
    %dma_wait3A_105 = arith.constant 0 : i32
    %dma_wait3A_106 = tpu.memref_slice %arg6[%dma_wait3A_93, %dma_wait3A_104, %dma_wait3A_105] : memref<4x80x128xf32, #tpu.memory_space<vmem>> -> memref<1x80x128xf32, #tpu.memory_space<vmem>>
    %dma_wait3A_107 = tpu.memref_squeeze %dma_wait3A_106 : memref<1x80x128xf32, #tpu.memory_space<vmem>> -> memref<80x128xf32, #tpu.memory_space<vmem>>
    tpu.wait_dma2 semaphore(%arg11 : memref<!tpu.dma_semaphore, #tpu.memory_space<semaphore_mem>>) src(%dma_wait3A_107 : memref<80x128xf32, #tpu.memory_space<vmem>>) dst(%dma_wait3A_103 : memref<80x128xf32, #tpu.memory_space<hbm>>)
    %dma_start3A_108 = arith.constant 0 : i32
    %dma_start3A_109 = arith.constant 0 : i32
    %dma_start3A_110 = arith.constant 0 : i32
    %dma_start3A_111 = tpu.memref_slice %arg6[%dma_start3A_108, %dma_start3A_109, %dma_start3A_110] : memref<4x80x128xf32, #tpu.memory_space<vmem>> -> memref<1x80x128xf32, #tpu.memory_space<vmem>>
    %dma_start3A_112 = tpu.memref_squeeze %dma_start3A_111 : memref<1x80x128xf32, #tpu.memory_space<vmem>> -> memref<80x128xf32, #tpu.memory_space<vmem>>
    %dma_start3A_113 = arith.constant 320 : i32
    %dma_start3A_114 = tpu.memref_slice %arg5[%dma_start3A_113] : memref<10240xi32, #tpu.memory_space<vmem>> -> memref<80xi32, #tpu.memory_space<vmem>>
    %dma_start3A_115 = arith.constant 0 : i32
    %dma_start3A_116 = arith.constant 0 : i32
    %dma_start3A_117 = tpu.memref_slice %arg2[%dma_start3A_115, %dma_start3A_116] : memref<16384x128xf32, #tpu.memory_space<hbm>> -> memref<16384x128xf32, #tpu.memory_space<hbm>>
    tpu.enqueue_indirect_dma source(%dma_start3A_117 : memref<16384x128xf32, #tpu.memory_space<hbm>>) target(%dma_start3A_112 : memref<80x128xf32, #tpu.memory_space<vmem>>) offsets(%dma_start3A_114 : memref<80xi32, #tpu.memory_space<vmem>>) semaphore(%arg7 : memref<!tpu.dma_semaphore, #tpu.memory_space<semaphore_mem>>)
    %dma_wait3A_118 = arith.constant 2 : i32
    %dma_wait3A_119 = arith.constant 0 : i32
    %dma_wait3A_120 = arith.constant 0 : i32
    %dma_wait3A_121 = tpu.memref_slice %arg6[%dma_wait3A_118, %dma_wait3A_119, %dma_wait3A_120] : memref<4x80x128xf32, #tpu.memory_space<vmem>> -> memref<1x80x128xf32, #tpu.memory_space<vmem>>
    %dma_wait3A_122 = tpu.memref_squeeze %dma_wait3A_121 : memref<1x80x128xf32, #tpu.memory_space<vmem>> -> memref<80x128xf32, #tpu.memory_space<vmem>>
    %dma_wait3A_123 = arith.constant 0 : i32
    %dma_wait3A_124 = tpu.memref_slice %arg5[%dma_wait3A_123] : memref<10240xi32, #tpu.memory_space<vmem>> -> memref<80xi32, #tpu.memory_space<vmem>>
    %dma_wait3A_125 = arith.constant 0 : i32
    %dma_wait3A_126 = arith.constant 0 : i32
    %dma_wait3A_127 = tpu.memref_slice %arg2[%dma_wait3A_125, %dma_wait3A_126] : memref<16384x128xf32, #tpu.memory_space<hbm>> -> memref<16384x128xf32, #tpu.memory_space<hbm>>
    tpu.wait_indirect_dma semaphore(%arg9 : memref<!tpu.dma_semaphore, #tpu.memory_space<semaphore_mem>>) src(%dma_wait3A_127 : memref<16384x128xf32, #tpu.memory_space<hbm>>) dst(%dma_wait3A_122 : memref<80x128xf32, #tpu.memory_space<vmem>>)
    %add3A_128 = arith.constant 160 : i32
    %add3A_129 = arith.addi %mul3A_4, %add3A_128 : i32
    %dma_start3A_130 = arith.constant 2 : i32
    %dma_start3A_131 = arith.constant 0 : i32
    %dma_start3A_132 = arith.constant 0 : i32
    %dma_start3A_133 = tpu.memref_slice %arg6[%dma_start3A_130, %dma_start3A_131, %dma_start3A_132] : memref<4x80x128xf32, #tpu.memory_space<vmem>> -> memref<1x80x128xf32, #tpu.memory_space<vmem>>
    %dma_start3A_134 = tpu.memref_squeeze %dma_start3A_133 : memref<1x80x128xf32, #tpu.memory_space<vmem>> -> memref<80x128xf32, #tpu.memory_space<vmem>>
    %dma_start3A_135 = arith.constant 0 : i32
    %dma_start3A_136 = tpu.memref_slice %arg4[%add3A_129, %dma_start3A_135] : memref<327680x128xf32, #tpu.memory_space<hbm>> -> memref<80x128xf32, #tpu.memory_space<hbm>>
    %dma_start3A_137 = arith.constant 0 : i32
    %dma_start3A_138 = tpu.memref_slice %arg4[%add3A_129, %dma_start3A_137] : memref<327680x128xf32, #tpu.memory_space<hbm>> -> memref<80x128xf32, #tpu.memory_space<hbm>>
    %dma_start3A_139 = arith.constant 0 : i32
    %dma_start3A_140 = arith.constant 0 : i32
    %dma_start3A_141 = tpu.memref_slice %arg6[%dma_start3A_130, %dma_start3A_139, %dma_start3A_140] : memref<4x80x128xf32, #tpu.memory_space<vmem>> -> memref<1x80x128xf32, #tpu.memory_space<vmem>>
    %dma_start3A_142 = tpu.memref_squeeze %dma_start3A_141 : memref<1x80x128xf32, #tpu.memory_space<vmem>> -> memref<80x128xf32, #tpu.memory_space<vmem>>
    tpu.enqueue_dma source(%dma_start3A_142 : memref<80x128xf32, #tpu.memory_space<vmem>>) target(%dma_start3A_138 : memref<80x128xf32, #tpu.memory_space<hbm>>) target_semaphore(%arg13 : memref<!tpu.dma_semaphore, #tpu.memory_space<semaphore_mem>>)
    %dma_wait3A_143 = arith.constant 1 : i32
    %dma_wait3A_144 = arith.constant 0 : i32
    %dma_wait3A_145 = arith.constant 0 : i32
    %dma_wait3A_146 = tpu.memref_slice %arg6[%dma_wait3A_143, %dma_wait3A_144, %dma_wait3A_145] : memref<4x80x128xf32, #tpu.memory_space<vmem>> -> memref<1x80x128xf32, #tpu.memory_space<vmem>>
    %dma_wait3A_147 = tpu.memref_squeeze %dma_wait3A_146 : memref<1x80x128xf32, #tpu.memory_space<vmem>> -> memref<80x128xf32, #tpu.memory_space<vmem>>
    %dma_wait3A_148 = arith.constant 0 : i32
    %dma_wait3A_149 = arith.constant 0 : i32
    %dma_wait3A_150 = tpu.memref_slice %arg4[%dma_wait3A_148, %dma_wait3A_149] : memref<327680x128xf32, #tpu.memory_space<hbm>> -> memref<80x128xf32, #tpu.memory_space<hbm>>
    %dma_wait3A_151 = arith.constant 0 : i32
    %dma_wait3A_152 = arith.constant 0 : i32
    %dma_wait3A_153 = tpu.memref_slice %arg4[%dma_wait3A_151, %dma_wait3A_152] : memref<327680x128xf32, #tpu.memory_space<hbm>> -> memref<80x128xf32, #tpu.memory_space<hbm>>
    %dma_wait3A_154 = arith.constant 0 : i32
    %dma_wait3A_155 = arith.constant 0 : i32
    %dma_wait3A_156 = tpu.memref_slice %arg6[%dma_wait3A_143, %dma_wait3A_154, %dma_wait3A_155] : memref<4x80x128xf32, #tpu.memory_space<vmem>> -> memref<1x80x128xf32, #tpu.memory_space<vmem>>
    %dma_wait3A_157 = tpu.memref_squeeze %dma_wait3A_156 : memref<1x80x128xf32, #tpu.memory_space<vmem>> -> memref<80x128xf32, #tpu.memory_space<vmem>>
    tpu.wait_dma2 semaphore(%arg12 : memref<!tpu.dma_semaphore, #tpu.memory_space<semaphore_mem>>) src(%dma_wait3A_157 : memref<80x128xf32, #tpu.memory_space<vmem>>) dst(%dma_wait3A_153 : memref<80x128xf32, #tpu.memory_space<hbm>>)
    %dma_start3A_158 = arith.constant 1 : i32
    %dma_start3A_159 = arith.constant 0 : i32
    %dma_start3A_160 = arith.constant 0 : i32
    %dma_start3A_161 = tpu.memref_slice %arg6[%dma_start3A_158, %dma_start3A_159, %dma_start3A_160] : memref<4x80x128xf32, #tpu.memory_space<vmem>> -> memref<1x80x128xf32, #tpu.memory_space<vmem>>
    %dma_start3A_162 = tpu.memref_squeeze %dma_start3A_161 : memref<1x80x128xf32, #tpu.memory_space<vmem>> -> memref<80x128xf32, #tpu.memory_space<vmem>>
    %dma_start3A_163 = arith.constant 400 : i32
    %dma_start3A_164 = tpu.memref_slice %arg5[%dma_start3A_163] : memref<10240xi32, #tpu.memory_space<vmem>> -> memref<80xi32, #tpu.memory_space<vmem>>
    %dma_start3A_165 = arith.constant 0 : i32
    %dma_start3A_166 = arith.constant 0 : i32
    %dma_start3A_167 = tpu.memref_slice %arg2[%dma_start3A_165, %dma_start3A_166] : memref<16384x128xf32, #tpu.memory_space<hbm>> -> memref<16384x128xf32, #tpu.memory_space<hbm>>
    tpu.enqueue_indirect_dma source(%dma_start3A_167 : memref<16384x128xf32, #tpu.memory_space<hbm>>) target(%dma_start3A_162 : memref<80x128xf32, #tpu.memory_space<vmem>>) offsets(%dma_start3A_164 : memref<80xi32, #tpu.memory_space<vmem>>) semaphore(%arg8 : memref<!tpu.dma_semaphore, #tpu.memory_space<semaphore_mem>>)
    %dma_wait3A_168 = arith.constant 3 : i32
    %dma_wait3A_169 = arith.constant 0 : i32
    %dma_wait3A_170 = arith.constant 0 : i32
    %dma_wait3A_171 = tpu.memref_slice %arg6[%dma_wait3A_168, %dma_wait3A_169, %dma_wait3A_170] : memref<4x80x128xf32, #tpu.memory_space<vmem>> -> memref<1x80x128xf32, #tpu.memory_space<vmem>>
    %dma_wait3A_172 = tpu.memref_squeeze %dma_wait3A_171 : memref<1x80x128xf32, #tpu.memory_space<vmem>> -> memref<80x128xf32, #tpu.memory_space<vmem>>
    %dma_wait3A_173 = arith.constant 0 : i32
    %dma_wait3A_174 = tpu.memref_slice %arg5[%dma_wait3A_173] : memref<10240xi32, #tpu.memory_space<vmem>> -> memref<80xi32, #tpu.memory_space<vmem>>
    %dma_wait3A_175 = arith.constant 0 : i32
    %dma_wait3A_176 = arith.constant 0 : i32
    %dma_wait3A_177 = tpu.memref_slice %arg2[%dma_wait3A_175, %dma_wait3A_176] : memref<16384x128xf32, #tpu.memory_space<hbm>> -> memref<16384x128xf32, #tpu.memory_space<hbm>>
    tpu.wait_indirect_dma semaphore(%arg10 : memref<!tpu.dma_semaphore, #tpu.memory_space<semaphore_mem>>) src(%dma_wait3A_177 : memref<16384x128xf32, #tpu.memory_space<hbm>>) dst(%dma_wait3A_172 : memref<80x128xf32, #tpu.memory_space<vmem>>)
    %add3A_178 = arith.constant 240 : i32
    %add3A_179 = arith.addi %mul3A_4, %add3A_178 : i32
    %dma_start3A_180 = arith.constant 3 : i32
    %dma_start3A_181 = arith.constant 0 : i32
    %dma_start3A_182 = arith.constant 0 : i32
    %dma_start3A_183 = tpu.memref_slice %arg6[%dma_start3A_180, %dma_start3A_181, %dma_start3A_182] : memref<4x80x128xf32, #tpu.memory_space<vmem>> -> memref<1x80x128xf32, #tpu.memory_space<vmem>>
    %dma_start3A_184 = tpu.memref_squeeze %dma_start3A_183 : memref<1x80x128xf32, #tpu.memory_space<vmem>> -> memref<80x128xf32, #tpu.memory_space<vmem>>
    %dma_start3A_185 = arith.constant 0 : i32
    %dma_start3A_186 = tpu.memref_slice %arg4[%add3A_179, %dma_start3A_185] : memref<327680x128xf32, #tpu.memory_space<hbm>> -> memref<80x128xf32, #tpu.memory_space<hbm>>
    %dma_start3A_187 = arith.constant 0 : i32
    %dma_start3A_188 = tpu.memref_slice %arg4[%add3A_179, %dma_start3A_187] : memref<327680x128xf32, #tpu.memory_space<hbm>> -> memref<80x128xf32, #tpu.memory_space<hbm>>
    %dma_start3A_189 = arith.constant 0 : i32
    %dma_start3A_190 = arith.constant 0 : i32
    %dma_start3A_191 = tpu.memref_slice %arg6[%dma_start3A_180, %dma_start3A_189, %dma_start3A_190] : memref<4x80x128xf32, #tpu.memory_space<vmem>> -> memref<1x80x128xf32, #tpu.memory_space<vmem>>
    %dma_start3A_192 = tpu.memref_squeeze %dma_start3A_191 : memref<1x80x128xf32, #tpu.memory_space<vmem>> -> memref<80x128xf32, #tpu.memory_space<vmem>>
    tpu.enqueue_dma source(%dma_start3A_192 : memref<80x128xf32, #tpu.memory_space<vmem>>) target(%dma_start3A_188 : memref<80x128xf32, #tpu.memory_space<hbm>>) target_semaphore(%arg14 : memref<!tpu.dma_semaphore, #tpu.memory_space<semaphore_mem>>)
    %dma_wait3A_193 = arith.constant 2 : i32
    %dma_wait3A_194 = arith.constant 0 : i32
    %dma_wait3A_195 = arith.constant 0 : i32
    %dma_wait3A_196 = tpu.memref_slice %arg6[%dma_wait3A_193, %dma_wait3A_194, %dma_wait3A_195] : memref<4x80x128xf32, #tpu.memory_space<vmem>> -> memref<1x80x128xf32, #tpu.memory_space<vmem>>
    %dma_wait3A_197 = tpu.memref_squeeze %dma_wait3A_196 : memref<1x80x128xf32, #tpu.memory_space<vmem>> -> memref<80x128xf32, #tpu.memory_space<vmem>>
    %dma_wait3A_198 = arith.constant 0 : i32
    %dma_wait3A_199 = arith.constant 0 : i32
    %dma_wait3A_200 = tpu.memref_slice %arg4[%dma_wait3A_198, %dma_wait3A_199] : memref<327680x128xf32, #tpu.memory_space<hbm>> -> memref<80x128xf32, #tpu.memory_space<hbm>>
    %dma_wait3A_201 = arith.constant 0 : i32
    %dma_wait3A_202 = arith.constant 0 : i32
    %dma_wait3A_203 = tpu.memref_slice %arg4[%dma_wait3A_201, %dma_wait3A_202] : memref<327680x128xf32, #tpu.memory_space<hbm>> -> memref<80x128xf32, #tpu.memory_space<hbm>>
    %dma_wait3A_204 = arith.constant 0 : i32
    %dma_wait3A_205 = arith.constant 0 : i32
    %dma_wait3A_206 = tpu.memref_slice %arg6[%dma_wait3A_193, %dma_wait3A_204, %dma_wait3A_205] : memref<4x80x128xf32, #tpu.memory_space<vmem>> -> memref<1x80x128xf32, #tpu.memory_space<vmem>>
    %dma_wait3A_207 = tpu.memref_squeeze %dma_wait3A_206 : memref<1x80x128xf32, #tpu.memory_space<vmem>> -> memref<80x128xf32, #tpu.memory_space<vmem>>
    tpu.wait_dma2 semaphore(%arg13 : memref<!tpu.dma_semaphore, #tpu.memory_space<semaphore_mem>>) src(%dma_wait3A_207 : memref<80x128xf32, #tpu.memory_space<vmem>>) dst(%dma_wait3A_203 : memref<80x128xf32, #tpu.memory_space<hbm>>)
    %dma_start3A_208 = arith.constant 2 : i32
    %dma_start3A_209 = arith.constant 0 : i32
    %dma_start3A_210 = arith.constant 0 : i32
    %dma_start3A_211 = tpu.memref_slice %arg6[%dma_start3A_208, %dma_start3A_209, %dma_start3A_210] : memref<4x80x128xf32, #tpu.memory_space<vmem>> -> memref<1x80x128xf32, #tpu.memory_space<vmem>>
    %dma_start3A_212 = tpu.memref_squeeze %dma_start3A_211 : memref<1x80x128xf32, #tpu.memory_space<vmem>> -> memref<80x128xf32, #tpu.memory_space<vmem>>
    %dma_start3A_213 = arith.constant 480 : i32
    %dma_start3A_214 = tpu.memref_slice %arg5[%dma_start3A_213] : memref<10240xi32, #tpu.memory_space<vmem>> -> memref<80xi32, #tpu.memory_space<vmem>>
    %dma_start3A_215 = arith.constant 0 : i32
    %dma_start3A_216 = arith.constant 0 : i32
    %dma_start3A_217 = tpu.memref_slice %arg2[%dma_start3A_215, %dma_start3A_216] : memref<16384x128xf32, #tpu.memory_space<hbm>> -> memref<16384x128xf32, #tpu.memory_space<hbm>>
    tpu.enqueue_indirect_dma source(%dma_start3A_217 : memref<16384x128xf32, #tpu.memory_space<hbm>>) target(%dma_start3A_212 : memref<80x128xf32, #tpu.memory_space<vmem>>) offsets(%dma_start3A_214 : memref<80xi32, #tpu.memory_space<vmem>>) semaphore(%arg9 : memref<!tpu.dma_semaphore, #tpu.memory_space<semaphore_mem>>)
    %scan3A = arith.constant 0 : i32
    %scan3A_218 = arith.constant 1 : i32
    %scan3A_219 = arith.constant 31 : i32
    %scan3A_220 = arith.addi %scan3A_218, %scan3A_219 : i32
    %scan3A_221 = arith.constant 1 : i32
    %scan3A_222 = scf.for %scan3A_284 = %scan3A_218 to %scan3A_220 step %scan3A_221 iter_args(%scan3A_285 = %scan3A) -> (i32)  : i32 {
      %mul3A_286 = arith.constant 4 : i32
      %mul3A_287 = arith.muli %scan3A_284, %mul3A_286 : i32
      %add3A_288 = arith.constant 0 : i32
      %add3A_289 = arith.addi %mul3A_287, %add3A_288 : i32
      %dma_wait3A_290 = arith.constant 0 : i32
      %dma_wait3A_291 = arith.constant 0 : i32
      %dma_wait3A_292 = arith.constant 0 : i32
      %dma_wait3A_293 = tpu.memref_slice %arg6[%dma_wait3A_290, %dma_wait3A_291, %dma_wait3A_292] : memref<4x80x128xf32, #tpu.memory_space<vmem>> -> memref<1x80x128xf32, #tpu.memory_space<vmem>>
      %dma_wait3A_294 = tpu.memref_squeeze %dma_wait3A_293 : memref<1x80x128xf32, #tpu.memory_space<vmem>> -> memref<80x128xf32, #tpu.memory_space<vmem>>
      %dma_wait3A_295 = arith.constant 0 : i32
      %dma_wait3A_296 = tpu.memref_slice %arg5[%dma_wait3A_295] : memref<10240xi32, #tpu.memory_space<vmem>> -> memref<80xi32, #tpu.memory_space<vmem>>
      %dma_wait3A_297 = arith.constant 0 : i32
      %dma_wait3A_298 = arith.constant 0 : i32
      %dma_wait3A_299 = tpu.memref_slice %arg2[%dma_wait3A_297, %dma_wait3A_298] : memref<16384x128xf32, #tpu.memory_space<hbm>> -> memref<16384x128xf32, #tpu.memory_space<hbm>>
      tpu.wait_indirect_dma semaphore(%arg7 : memref<!tpu.dma_semaphore, #tpu.memory_space<semaphore_mem>>) src(%dma_wait3A_299 : memref<16384x128xf32, #tpu.memory_space<hbm>>) dst(%dma_wait3A_294 : memref<80x128xf32, #tpu.memory_space<vmem>>)
      %mul3A_300 = arith.constant 80 : i32
      %mul3A_301 = arith.muli %add3A_289, %mul3A_300 : i32
      %add3A_302 = arith.addi %mul3A_4, %mul3A_301 : i32
      %dma_start3A_303 = arith.constant 0 : i32
      %dma_start3A_304 = arith.constant 0 : i32
      %dma_start3A_305 = arith.constant 0 : i32
      %dma_start3A_306 = tpu.memref_slice %arg6[%dma_start3A_303, %dma_start3A_304, %dma_start3A_305] : memref<4x80x128xf32, #tpu.memory_space<vmem>> -> memref<1x80x128xf32, #tpu.memory_space<vmem>>
      %dma_start3A_307 = tpu.memref_squeeze %dma_start3A_306 : memref<1x80x128xf32, #tpu.memory_space<vmem>> -> memref<80x128xf32, #tpu.memory_space<vmem>>
      %dma_start3A_308 = arith.constant 0 : i32
      %dma_start3A_309 = tpu.memref_slice %arg4[%add3A_302, %dma_start3A_308] : memref<327680x128xf32, #tpu.memory_space<hbm>> -> memref<80x128xf32, #tpu.memory_space<hbm>>
      %dma_start3A_310 = arith.constant 0 : i32
      %dma_start3A_311 = tpu.memref_slice %arg4[%add3A_302, %dma_start3A_310] : memref<327680x128xf32, #tpu.memory_space<hbm>> -> memref<80x128xf32, #tpu.memory_space<hbm>>
      %dma_start3A_312 = arith.constant 0 : i32
      %dma_start3A_313 = arith.constant 0 : i32
      %dma_start3A_314 = tpu.memref_slice %arg6[%dma_start3A_303, %dma_start3A_312, %dma_start3A_313] : memref<4x80x128xf32, #tpu.memory_space<vmem>> -> memref<1x80x128xf32, #tpu.memory_space<vmem>>
      %dma_start3A_315 = tpu.memref_squeeze %dma_start3A_314 : memref<1x80x128xf32, #tpu.memory_space<vmem>> -> memref<80x128xf32, #tpu.memory_space<vmem>>
      tpu.enqueue_dma source(%dma_start3A_315 : memref<80x128xf32, #tpu.memory_space<vmem>>) target(%dma_start3A_311 : memref<80x128xf32, #tpu.memory_space<hbm>>) target_semaphore(%arg11 : memref<!tpu.dma_semaphore, #tpu.memory_space<semaphore_mem>>)
      %add3A_316 = arith.constant 3 : i32
      %add3A_317 = arith.addi %add3A_289, %add3A_316 : i32
      %lt3A = arith.constant 128 : i32
      %lt3A_318 = arith.cmpi slt, %add3A_317, %lt3A : i32
      %convert_element_type3A = arith.extui %lt3A_318 : i1 to i32
      %cond3A = arith.constant 0 : i32
      %cond3A_319 = arith.cmpi ne, %convert_element_type3A, %cond3A : i32
      scf.if %cond3A_319 {
        %dma_wait3A_432 = arith.constant 3 : i32
        %dma_wait3A_433 = arith.constant 0 : i32
        %dma_wait3A_434 = arith.constant 0 : i32
        %dma_wait3A_435 = tpu.memref_slice %arg6[%dma_wait3A_432, %dma_wait3A_433, %dma_wait3A_434] : memref<4x80x128xf32, #tpu.memory_space<vmem>> -> memref<1x80x128xf32, #tpu.memory_space<vmem>>
        %dma_wait3A_436 = tpu.memref_squeeze %dma_wait3A_435 : memref<1x80x128xf32, #tpu.memory_space<vmem>> -> memref<80x128xf32, #tpu.memory_space<vmem>>
        %dma_wait3A_437 = arith.constant 0 : i32
        %dma_wait3A_438 = arith.constant 0 : i32
        %dma_wait3A_439 = tpu.memref_slice %arg4[%dma_wait3A_437, %dma_wait3A_438] : memref<327680x128xf32, #tpu.memory_space<hbm>> -> memref<80x128xf32, #tpu.memory_space<hbm>>
        %dma_wait3A_440 = arith.constant 0 : i32
        %dma_wait3A_441 = arith.constant 0 : i32
        %dma_wait3A_442 = tpu.memref_slice %arg4[%dma_wait3A_440, %dma_wait3A_441] : memref<327680x128xf32, #tpu.memory_space<hbm>> -> memref<80x128xf32, #tpu.memory_space<hbm>>
        %dma_wait3A_443 = arith.constant 0 : i32
        %dma_wait3A_444 = arith.constant 0 : i32
        %dma_wait3A_445 = tpu.memref_slice %arg6[%dma_wait3A_432, %dma_wait3A_443, %dma_wait3A_444] : memref<4x80x128xf32, #tpu.memory_space<vmem>> -> memref<1x80x128xf32, #tpu.memory_space<vmem>>
        %dma_wait3A_446 = tpu.memref_squeeze %dma_wait3A_445 : memref<1x80x128xf32, #tpu.memory_space<vmem>> -> memref<80x128xf32, #tpu.memory_space<vmem>>
        tpu.wait_dma2 semaphore(%arg14 : memref<!tpu.dma_semaphore, #tpu.memory_space<semaphore_mem>>) src(%dma_wait3A_446 : memref<80x128xf32, #tpu.memory_space<vmem>>) dst(%dma_wait3A_442 : memref<80x128xf32, #tpu.memory_space<hbm>>)
        %add3A_447 = arith.constant 3 : i32
        %add3A_448 = arith.addi %add3A_289, %add3A_447 : i32
        %mul3A_449 = arith.constant 80 : i32
        %mul3A_450 = arith.muli %add3A_448, %mul3A_449 : i32
        %dma_start3A_451 = arith.constant 3 : i32
        %dma_start3A_452 = arith.constant 0 : i32
        %dma_start3A_453 = arith.constant 0 : i32
        %dma_start3A_454 = tpu.memref_slice %arg6[%dma_start3A_451, %dma_start3A_452, %dma_start3A_453] : memref<4x80x128xf32, #tpu.memory_space<vmem>> -> memref<1x80x128xf32, #tpu.memory_space<vmem>>
        %dma_start3A_455 = tpu.memref_squeeze %dma_start3A_454 : memref<1x80x128xf32, #tpu.memory_space<vmem>> -> memref<80x128xf32, #tpu.memory_space<vmem>>
        %dma_start3A_456 = tpu.memref_slice %arg5[%mul3A_450] : memref<10240xi32, #tpu.memory_space<vmem>> -> memref<80xi32, #tpu.memory_space<vmem>>
        %dma_start3A_457 = arith.constant 0 : i32
        %dma_start3A_458 = arith.constant 0 : i32
        %dma_start3A_459 = tpu.memref_slice %arg2[%dma_start3A_457, %dma_start3A_458] : memref<16384x128xf32, #tpu.memory_space<hbm>> -> memref<16384x128xf32, #tpu.memory_space<hbm>>
        tpu.enqueue_indirect_dma source(%dma_start3A_459 : memref<16384x128xf32, #tpu.memory_space<hbm>>) target(%dma_start3A_455 : memref<80x128xf32, #tpu.memory_space<vmem>>) offsets(%dma_start3A_456 : memref<80xi32, #tpu.memory_space<vmem>>) semaphore(%arg10 : memref<!tpu.dma_semaphore, #tpu.memory_space<semaphore_mem>>)
      } else {
      }
      %mul3A_320 = arith.constant 4 : i32
      %mul3A_321 = arith.muli %scan3A_284, %mul3A_320 : i32
      %add3A_322 = arith.constant 1 : i32
      %add3A_323 = arith.addi %mul3A_321, %add3A_322 : i32
      %dma_wait3A_324 = arith.constant 1 : i32
      %dma_wait3A_325 = arith.constant 0 : i32
      %dma_wait3A_326 = arith.constant 0 : i32
      %dma_wait3A_327 = tpu.memref_slice %arg6[%dma_wait3A_324, %dma_wait3A_325, %dma_wait3A_326] : memref<4x80x128xf32, #tpu.memory_space<vmem>> -> memref<1x80x128xf32, #tpu.memory_space<vmem>>
      %dma_wait3A_328 = tpu.memref_squeeze %dma_wait3A_327 : memref<1x80x128xf32, #tpu.memory_space<vmem>> -> memref<80x128xf32, #tpu.memory_space<vmem>>
      %dma_wait3A_329 = arith.constant 0 : i32
      %dma_wait3A_330 = tpu.memref_slice %arg5[%dma_wait3A_329] : memref<10240xi32, #tpu.memory_space<vmem>> -> memref<80xi32, #tpu.memory_space<vmem>>
      %dma_wait3A_331 = arith.constant 0 : i32
      %dma_wait3A_332 = arith.constant 0 : i32
      %dma_wait3A_333 = tpu.memref_slice %arg2[%dma_wait3A_331, %dma_wait3A_332] : memref<16384x128xf32, #tpu.memory_space<hbm>> -> memref<16384x128xf32, #tpu.memory_space<hbm>>
      tpu.wait_indirect_dma semaphore(%arg8 : memref<!tpu.dma_semaphore, #tpu.memory_space<semaphore_mem>>) src(%dma_wait3A_333 : memref<16384x128xf32, #tpu.memory_space<hbm>>) dst(%dma_wait3A_328 : memref<80x128xf32, #tpu.memory_space<vmem>>)
      %mul3A_334 = arith.constant 80 : i32
      %mul3A_335 = arith.muli %add3A_323, %mul3A_334 : i32
      %add3A_336 = arith.addi %mul3A_4, %mul3A_335 : i32
      %dma_start3A_337 = arith.constant 1 : i32
      %dma_start3A_338 = arith.constant 0 : i32
      %dma_start3A_339 = arith.constant 0 : i32
      %dma_start3A_340 = tpu.memref_slice %arg6[%dma_start3A_337, %dma_start3A_338, %dma_start3A_339] : memref<4x80x128xf32, #tpu.memory_space<vmem>> -> memref<1x80x128xf32, #tpu.memory_space<vmem>>
      %dma_start3A_341 = tpu.memref_squeeze %dma_start3A_340 : memref<1x80x128xf32, #tpu.memory_space<vmem>> -> memref<80x128xf32, #tpu.memory_space<vmem>>
      %dma_start3A_342 = arith.constant 0 : i32
      %dma_start3A_343 = tpu.memref_slice %arg4[%add3A_336, %dma_start3A_342] : memref<327680x128xf32, #tpu.memory_space<hbm>> -> memref<80x128xf32, #tpu.memory_space<hbm>>
      %dma_start3A_344 = arith.constant 0 : i32
      %dma_start3A_345 = tpu.memref_slice %arg4[%add3A_336, %dma_start3A_344] : memref<327680x128xf32, #tpu.memory_space<hbm>> -> memref<80x128xf32, #tpu.memory_space<hbm>>
      %dma_start3A_346 = arith.constant 0 : i32
      %dma_start3A_347 = arith.constant 0 : i32
      %dma_start3A_348 = tpu.memref_slice %arg6[%dma_start3A_337, %dma_start3A_346, %dma_start3A_347] : memref<4x80x128xf32, #tpu.memory_space<vmem>> -> memref<1x80x128xf32, #tpu.memory_space<vmem>>
      %dma_start3A_349 = tpu.memref_squeeze %dma_start3A_348 : memref<1x80x128xf32, #tpu.memory_space<vmem>> -> memref<80x128xf32, #tpu.memory_space<vmem>>
      tpu.enqueue_dma source(%dma_start3A_349 : memref<80x128xf32, #tpu.memory_space<vmem>>) target(%dma_start3A_345 : memref<80x128xf32, #tpu.memory_space<hbm>>) target_semaphore(%arg12 : memref<!tpu.dma_semaphore, #tpu.memory_space<semaphore_mem>>)
      %add3A_350 = arith.constant 3 : i32
      %add3A_351 = arith.addi %add3A_323, %add3A_350 : i32
      %lt3A_352 = arith.constant 128 : i32
      %lt3A_353 = arith.cmpi slt, %add3A_351, %lt3A_352 : i32
      %convert_element_type3A_354 = arith.extui %lt3A_353 : i1 to i32
      %cond3A_355 = arith.constant 0 : i32
      %cond3A_356 = arith.cmpi ne, %convert_element_type3A_354, %cond3A_355 : i32
      scf.if %cond3A_356 {
        %dma_wait3A_432 = arith.constant 0 : i32
        %dma_wait3A_433 = arith.constant 0 : i32
        %dma_wait3A_434 = arith.constant 0 : i32
        %dma_wait3A_435 = tpu.memref_slice %arg6[%dma_wait3A_432, %dma_wait3A_433, %dma_wait3A_434] : memref<4x80x128xf32, #tpu.memory_space<vmem>> -> memref<1x80x128xf32, #tpu.memory_space<vmem>>
        %dma_wait3A_436 = tpu.memref_squeeze %dma_wait3A_435 : memref<1x80x128xf32, #tpu.memory_space<vmem>> -> memref<80x128xf32, #tpu.memory_space<vmem>>
        %dma_wait3A_437 = arith.constant 0 : i32
        %dma_wait3A_438 = arith.constant 0 : i32
        %dma_wait3A_439 = tpu.memref_slice %arg4[%dma_wait3A_437, %dma_wait3A_438] : memref<327680x128xf32, #tpu.memory_space<hbm>> -> memref<80x128xf32, #tpu.memory_space<hbm>>
        %dma_wait3A_440 = arith.constant 0 : i32
        %dma_wait3A_441 = arith.constant 0 : i32
        %dma_wait3A_442 = tpu.memref_slice %arg4[%dma_wait3A_440, %dma_wait3A_441] : memref<327680x128xf32, #tpu.memory_space<hbm>> -> memref<80x128xf32, #tpu.memory_space<hbm>>
        %dma_wait3A_443 = arith.constant 0 : i32
        %dma_wait3A_444 = arith.constant 0 : i32
        %dma_wait3A_445 = tpu.memref_slice %arg6[%dma_wait3A_432, %dma_wait3A_443, %dma_wait3A_444] : memref<4x80x128xf32, #tpu.memory_space<vmem>> -> memref<1x80x128xf32, #tpu.memory_space<vmem>>
        %dma_wait3A_446 = tpu.memref_squeeze %dma_wait3A_445 : memref<1x80x128xf32, #tpu.memory_space<vmem>> -> memref<80x128xf32, #tpu.memory_space<vmem>>
        tpu.wait_dma2 semaphore(%arg11 : memref<!tpu.dma_semaphore, #tpu.memory_space<semaphore_mem>>) src(%dma_wait3A_446 : memref<80x128xf32, #tpu.memory_space<vmem>>) dst(%dma_wait3A_442 : memref<80x128xf32, #tpu.memory_space<hbm>>)
        %add3A_447 = arith.constant 3 : i32
        %add3A_448 = arith.addi %add3A_323, %add3A_447 : i32
        %mul3A_449 = arith.constant 80 : i32
        %mul3A_450 = arith.muli %add3A_448, %mul3A_449 : i32
        %dma_start3A_451 = arith.constant 0 : i32
        %dma_start3A_452 = arith.constant 0 : i32
        %dma_start3A_453 = arith.constant 0 : i32
        %dma_start3A_454 = tpu.memref_slice %arg6[%dma_start3A_451, %dma_start3A_452, %dma_start3A_453] : memref<4x80x128xf32, #tpu.memory_space<vmem>> -> memref<1x80x128xf32, #tpu.memory_space<vmem>>
        %dma_start3A_455 = tpu.memref_squeeze %dma_start3A_454 : memref<1x80x128xf32, #tpu.memory_space<vmem>> -> memref<80x128xf32, #tpu.memory_space<vmem>>
        %dma_start3A_456 = tpu.memref_slice %arg5[%mul3A_450] : memref<10240xi32, #tpu.memory_space<vmem>> -> memref<80xi32, #tpu.memory_space<vmem>>
        %dma_start3A_457 = arith.constant 0 : i32
        %dma_start3A_458 = arith.constant 0 : i32
        %dma_start3A_459 = tpu.memref_slice %arg2[%dma_start3A_457, %dma_start3A_458] : memref<16384x128xf32, #tpu.memory_space<hbm>> -> memref<16384x128xf32, #tpu.memory_space<hbm>>
        tpu.enqueue_indirect_dma source(%dma_start3A_459 : memref<16384x128xf32, #tpu.memory_space<hbm>>) target(%dma_start3A_455 : memref<80x128xf32, #tpu.memory_space<vmem>>) offsets(%dma_start3A_456 : memref<80xi32, #tpu.memory_space<vmem>>) semaphore(%arg7 : memref<!tpu.dma_semaphore, #tpu.memory_space<semaphore_mem>>)
      } else {
      }
      %mul3A_357 = arith.constant 4 : i32
      %mul3A_358 = arith.muli %scan3A_284, %mul3A_357 : i32
      %add3A_359 = arith.constant 2 : i32
      %add3A_360 = arith.addi %mul3A_358, %add3A_359 : i32
      %dma_wait3A_361 = arith.constant 2 : i32
      %dma_wait3A_362 = arith.constant 0 : i32
      %dma_wait3A_363 = arith.constant 0 : i32
      %dma_wait3A_364 = tpu.memref_slice %arg6[%dma_wait3A_361, %dma_wait3A_362, %dma_wait3A_363] : memref<4x80x128xf32, #tpu.memory_space<vmem>> -> memref<1x80x128xf32, #tpu.memory_space<vmem>>
      %dma_wait3A_365 = tpu.memref_squeeze %dma_wait3A_364 : memref<1x80x128xf32, #tpu.memory_space<vmem>> -> memref<80x128xf32, #tpu.memory_space<vmem>>
      %dma_wait3A_366 = arith.constant 0 : i32
      %dma_wait3A_367 = tpu.memref_slice %arg5[%dma_wait3A_366] : memref<10240xi32, #tpu.memory_space<vmem>> -> memref<80xi32, #tpu.memory_space<vmem>>
      %dma_wait3A_368 = arith.constant 0 : i32
      %dma_wait3A_369 = arith.constant 0 : i32
      %dma_wait3A_370 = tpu.memref_slice %arg2[%dma_wait3A_368, %dma_wait3A_369] : memref<16384x128xf32, #tpu.memory_space<hbm>> -> memref<16384x128xf32, #tpu.memory_space<hbm>>
      tpu.wait_indirect_dma semaphore(%arg9 : memref<!tpu.dma_semaphore, #tpu.memory_space<semaphore_mem>>) src(%dma_wait3A_370 : memref<16384x128xf32, #tpu.memory_space<hbm>>) dst(%dma_wait3A_365 : memref<80x128xf32, #tpu.memory_space<vmem>>)
      %mul3A_371 = arith.constant 80 : i32
      %mul3A_372 = arith.muli %add3A_360, %mul3A_371 : i32
      %add3A_373 = arith.addi %mul3A_4, %mul3A_372 : i32
      %dma_start3A_374 = arith.constant 2 : i32
      %dma_start3A_375 = arith.constant 0 : i32
      %dma_start3A_376 = arith.constant 0 : i32
      %dma_start3A_377 = tpu.memref_slice %arg6[%dma_start3A_374, %dma_start3A_375, %dma_start3A_376] : memref<4x80x128xf32, #tpu.memory_space<vmem>> -> memref<1x80x128xf32, #tpu.memory_space<vmem>>
      %dma_start3A_378 = tpu.memref_squeeze %dma_start3A_377 : memref<1x80x128xf32, #tpu.memory_space<vmem>> -> memref<80x128xf32, #tpu.memory_space<vmem>>
      %dma_start3A_379 = arith.constant 0 : i32
      %dma_start3A_380 = tpu.memref_slice %arg4[%add3A_373, %dma_start3A_379] : memref<327680x128xf32, #tpu.memory_space<hbm>> -> memref<80x128xf32, #tpu.memory_space<hbm>>
      %dma_start3A_381 = arith.constant 0 : i32
      %dma_start3A_382 = tpu.memref_slice %arg4[%add3A_373, %dma_start3A_381] : memref<327680x128xf32, #tpu.memory_space<hbm>> -> memref<80x128xf32, #tpu.memory_space<hbm>>
      %dma_start3A_383 = arith.constant 0 : i32
      %dma_start3A_384 = arith.constant 0 : i32
      %dma_start3A_385 = tpu.memref_slice %arg6[%dma_start3A_374, %dma_start3A_383, %dma_start3A_384] : memref<4x80x128xf32, #tpu.memory_space<vmem>> -> memref<1x80x128xf32, #tpu.memory_space<vmem>>
      %dma_start3A_386 = tpu.memref_squeeze %dma_start3A_385 : memref<1x80x128xf32, #tpu.memory_space<vmem>> -> memref<80x128xf32, #tpu.memory_space<vmem>>
      tpu.enqueue_dma source(%dma_start3A_386 : memref<80x128xf32, #tpu.memory_space<vmem>>) target(%dma_start3A_382 : memref<80x128xf32, #tpu.memory_space<hbm>>) target_semaphore(%arg13 : memref<!tpu.dma_semaphore, #tpu.memory_space<semaphore_mem>>)
      %add3A_387 = arith.constant 3 : i32
      %add3A_388 = arith.addi %add3A_360, %add3A_387 : i32
      %lt3A_389 = arith.constant 128 : i32
      %lt3A_390 = arith.cmpi slt, %add3A_388, %lt3A_389 : i32
      %convert_element_type3A_391 = arith.extui %lt3A_390 : i1 to i32
      %cond3A_392 = arith.constant 0 : i32
      %cond3A_393 = arith.cmpi ne, %convert_element_type3A_391, %cond3A_392 : i32
      scf.if %cond3A_393 {
        %dma_wait3A_432 = arith.constant 1 : i32
        %dma_wait3A_433 = arith.constant 0 : i32
        %dma_wait3A_434 = arith.constant 0 : i32
        %dma_wait3A_435 = tpu.memref_slice %arg6[%dma_wait3A_432, %dma_wait3A_433, %dma_wait3A_434] : memref<4x80x128xf32, #tpu.memory_space<vmem>> -> memref<1x80x128xf32, #tpu.memory_space<vmem>>
        %dma_wait3A_436 = tpu.memref_squeeze %dma_wait3A_435 : memref<1x80x128xf32, #tpu.memory_space<vmem>> -> memref<80x128xf32, #tpu.memory_space<vmem>>
        %dma_wait3A_437 = arith.constant 0 : i32
        %dma_wait3A_438 = arith.constant 0 : i32
        %dma_wait3A_439 = tpu.memref_slice %arg4[%dma_wait3A_437, %dma_wait3A_438] : memref<327680x128xf32, #tpu.memory_space<hbm>> -> memref<80x128xf32, #tpu.memory_space<hbm>>
        %dma_wait3A_440 = arith.constant 0 : i32
        %dma_wait3A_441 = arith.constant 0 : i32
        %dma_wait3A_442 = tpu.memref_slice %arg4[%dma_wait3A_440, %dma_wait3A_441] : memref<327680x128xf32, #tpu.memory_space<hbm>> -> memref<80x128xf32, #tpu.memory_space<hbm>>
        %dma_wait3A_443 = arith.constant 0 : i32
        %dma_wait3A_444 = arith.constant 0 : i32
        %dma_wait3A_445 = tpu.memref_slice %arg6[%dma_wait3A_432, %dma_wait3A_443, %dma_wait3A_444] : memref<4x80x128xf32, #tpu.memory_space<vmem>> -> memref<1x80x128xf32, #tpu.memory_space<vmem>>
        %dma_wait3A_446 = tpu.memref_squeeze %dma_wait3A_445 : memref<1x80x128xf32, #tpu.memory_space<vmem>> -> memref<80x128xf32, #tpu.memory_space<vmem>>
        tpu.wait_dma2 semaphore(%arg12 : memref<!tpu.dma_semaphore, #tpu.memory_space<semaphore_mem>>) src(%dma_wait3A_446 : memref<80x128xf32, #tpu.memory_space<vmem>>) dst(%dma_wait3A_442 : memref<80x128xf32, #tpu.memory_space<hbm>>)
        %add3A_447 = arith.constant 3 : i32
        %add3A_448 = arith.addi %add3A_360, %add3A_447 : i32
        %mul3A_449 = arith.constant 80 : i32
        %mul3A_450 = arith.muli %add3A_448, %mul3A_449 : i32
        %dma_start3A_451 = arith.constant 1 : i32
        %dma_start3A_452 = arith.constant 0 : i32
        %dma_start3A_453 = arith.constant 0 : i32
        %dma_start3A_454 = tpu.memref_slice %arg6[%dma_start3A_451, %dma_start3A_452, %dma_start3A_453] : memref<4x80x128xf32, #tpu.memory_space<vmem>> -> memref<1x80x128xf32, #tpu.memory_space<vmem>>
        %dma_start3A_455 = tpu.memref_squeeze %dma_start3A_454 : memref<1x80x128xf32, #tpu.memory_space<vmem>> -> memref<80x128xf32, #tpu.memory_space<vmem>>
        %dma_start3A_456 = tpu.memref_slice %arg5[%mul3A_450] : memref<10240xi32, #tpu.memory_space<vmem>> -> memref<80xi32, #tpu.memory_space<vmem>>
        %dma_start3A_457 = arith.constant 0 : i32
        %dma_start3A_458 = arith.constant 0 : i32
        %dma_start3A_459 = tpu.memref_slice %arg2[%dma_start3A_457, %dma_start3A_458] : memref<16384x128xf32, #tpu.memory_space<hbm>> -> memref<16384x128xf32, #tpu.memory_space<hbm>>
        tpu.enqueue_indirect_dma source(%dma_start3A_459 : memref<16384x128xf32, #tpu.memory_space<hbm>>) target(%dma_start3A_455 : memref<80x128xf32, #tpu.memory_space<vmem>>) offsets(%dma_start3A_456 : memref<80xi32, #tpu.memory_space<vmem>>) semaphore(%arg8 : memref<!tpu.dma_semaphore, #tpu.memory_space<semaphore_mem>>)
      } else {
      }
      %mul3A_394 = arith.constant 4 : i32
      %mul3A_395 = arith.muli %scan3A_284, %mul3A_394 : i32
      %add3A_396 = arith.constant 3 : i32
      %add3A_397 = arith.addi %mul3A_395, %add3A_396 : i32
      %dma_wait3A_398 = arith.constant 3 : i32
      %dma_wait3A_399 = arith.constant 0 : i32
      %dma_wait3A_400 = arith.constant 0 : i32
      %dma_wait3A_401 = tpu.memref_slice %arg6[%dma_wait3A_398, %dma_wait3A_399, %dma_wait3A_400] : memref<4x80x128xf32, #tpu.memory_space<vmem>> -> memref<1x80x128xf32, #tpu.memory_space<vmem>>
      %dma_wait3A_402 = tpu.memref_squeeze %dma_wait3A_401 : memref<1x80x128xf32, #tpu.memory_space<vmem>> -> memref<80x128xf32, #tpu.memory_space<vmem>>
      %dma_wait3A_403 = arith.constant 0 : i32
      %dma_wait3A_404 = tpu.memref_slice %arg5[%dma_wait3A_403] : memref<10240xi32, #tpu.memory_space<vmem>> -> memref<80xi32, #tpu.memory_space<vmem>>
      %dma_wait3A_405 = arith.constant 0 : i32
      %dma_wait3A_406 = arith.constant 0 : i32
      %dma_wait3A_407 = tpu.memref_slice %arg2[%dma_wait3A_405, %dma_wait3A_406] : memref<16384x128xf32, #tpu.memory_space<hbm>> -> memref<16384x128xf32, #tpu.memory_space<hbm>>
      tpu.wait_indirect_dma semaphore(%arg10 : memref<!tpu.dma_semaphore, #tpu.memory_space<semaphore_mem>>) src(%dma_wait3A_407 : memref<16384x128xf32, #tpu.memory_space<hbm>>) dst(%dma_wait3A_402 : memref<80x128xf32, #tpu.memory_space<vmem>>)
      %mul3A_408 = arith.constant 80 : i32
      %mul3A_409 = arith.muli %add3A_397, %mul3A_408 : i32
      %add3A_410 = arith.addi %mul3A_4, %mul3A_409 : i32
      %dma_start3A_411 = arith.constant 3 : i32
      %dma_start3A_412 = arith.constant 0 : i32
      %dma_start3A_413 = arith.constant 0 : i32
      %dma_start3A_414 = tpu.memref_slice %arg6[%dma_start3A_411, %dma_start3A_412, %dma_start3A_413] : memref<4x80x128xf32, #tpu.memory_space<vmem>> -> memref<1x80x128xf32, #tpu.memory_space<vmem>>
      %dma_start3A_415 = tpu.memref_squeeze %dma_start3A_414 : memref<1x80x128xf32, #tpu.memory_space<vmem>> -> memref<80x128xf32, #tpu.memory_space<vmem>>
      %dma_start3A_416 = arith.constant 0 : i32
      %dma_start3A_417 = tpu.memref_slice %arg4[%add3A_410, %dma_start3A_416] : memref<327680x128xf32, #tpu.memory_space<hbm>> -> memref<80x128xf32, #tpu.memory_space<hbm>>
      %dma_start3A_418 = arith.constant 0 : i32
      %dma_start3A_419 = tpu.memref_slice %arg4[%add3A_410, %dma_start3A_418] : memref<327680x128xf32, #tpu.memory_space<hbm>> -> memref<80x128xf32, #tpu.memory_space<hbm>>
      %dma_start3A_420 = arith.constant 0 : i32
      %dma_start3A_421 = arith.constant 0 : i32
      %dma_start3A_422 = tpu.memref_slice %arg6[%dma_start3A_411, %dma_start3A_420, %dma_start3A_421] : memref<4x80x128xf32, #tpu.memory_space<vmem>> -> memref<1x80x128xf32, #tpu.memory_space<vmem>>
      %dma_start3A_423 = tpu.memref_squeeze %dma_start3A_422 : memref<1x80x128xf32, #tpu.memory_space<vmem>> -> memref<80x128xf32, #tpu.memory_space<vmem>>
      tpu.enqueue_dma source(%dma_start3A_423 : memref<80x128xf32, #tpu.memory_space<vmem>>) target(%dma_start3A_419 : memref<80x128xf32, #tpu.memory_space<hbm>>) target_semaphore(%arg14 : memref<!tpu.dma_semaphore, #tpu.memory_space<semaphore_mem>>)
      %add3A_424 = arith.constant 3 : i32
      %add3A_425 = arith.addi %add3A_397, %add3A_424 : i32
      %lt3A_426 = arith.constant 128 : i32
      %lt3A_427 = arith.cmpi slt, %add3A_425, %lt3A_426 : i32
      %convert_element_type3A_428 = arith.extui %lt3A_427 : i1 to i32
      %cond3A_429 = arith.constant 0 : i32
      %cond3A_430 = arith.cmpi ne, %convert_element_type3A_428, %cond3A_429 : i32
      scf.if %cond3A_430 {
        %dma_wait3A_432 = arith.constant 2 : i32
        %dma_wait3A_433 = arith.constant 0 : i32
        %dma_wait3A_434 = arith.constant 0 : i32
        %dma_wait3A_435 = tpu.memref_slice %arg6[%dma_wait3A_432, %dma_wait3A_433, %dma_wait3A_434] : memref<4x80x128xf32, #tpu.memory_space<vmem>> -> memref<1x80x128xf32, #tpu.memory_space<vmem>>
        %dma_wait3A_436 = tpu.memref_squeeze %dma_wait3A_435 : memref<1x80x128xf32, #tpu.memory_space<vmem>> -> memref<80x128xf32, #tpu.memory_space<vmem>>
        %dma_wait3A_437 = arith.constant 0 : i32
        %dma_wait3A_438 = arith.constant 0 : i32
        %dma_wait3A_439 = tpu.memref_slice %arg4[%dma_wait3A_437, %dma_wait3A_438] : memref<327680x128xf32, #tpu.memory_space<hbm>> -> memref<80x128xf32, #tpu.memory_space<hbm>>
        %dma_wait3A_440 = arith.constant 0 : i32
        %dma_wait3A_441 = arith.constant 0 : i32
        %dma_wait3A_442 = tpu.memref_slice %arg4[%dma_wait3A_440, %dma_wait3A_441] : memref<327680x128xf32, #tpu.memory_space<hbm>> -> memref<80x128xf32, #tpu.memory_space<hbm>>
        %dma_wait3A_443 = arith.constant 0 : i32
        %dma_wait3A_444 = arith.constant 0 : i32
        %dma_wait3A_445 = tpu.memref_slice %arg6[%dma_wait3A_432, %dma_wait3A_443, %dma_wait3A_444] : memref<4x80x128xf32, #tpu.memory_space<vmem>> -> memref<1x80x128xf32, #tpu.memory_space<vmem>>
        %dma_wait3A_446 = tpu.memref_squeeze %dma_wait3A_445 : memref<1x80x128xf32, #tpu.memory_space<vmem>> -> memref<80x128xf32, #tpu.memory_space<vmem>>
        tpu.wait_dma2 semaphore(%arg13 : memref<!tpu.dma_semaphore, #tpu.memory_space<semaphore_mem>>) src(%dma_wait3A_446 : memref<80x128xf32, #tpu.memory_space<vmem>>) dst(%dma_wait3A_442 : memref<80x128xf32, #tpu.memory_space<hbm>>)
        %add3A_447 = arith.constant 3 : i32
        %add3A_448 = arith.addi %add3A_397, %add3A_447 : i32
        %mul3A_449 = arith.constant 80 : i32
        %mul3A_450 = arith.muli %add3A_448, %mul3A_449 : i32
        %dma_start3A_451 = arith.constant 2 : i32
        %dma_start3A_452 = arith.constant 0 : i32
        %dma_start3A_453 = arith.constant 0 : i32
        %dma_start3A_454 = tpu.memref_slice %arg6[%dma_start3A_451, %dma_start3A_452, %dma_start3A_453] : memref<4x80x128xf32, #tpu.memory_space<vmem>> -> memref<1x80x128xf32, #tpu.memory_space<vmem>>
        %dma_start3A_455 = tpu.memref_squeeze %dma_start3A_454 : memref<1x80x128xf32, #tpu.memory_space<vmem>> -> memref<80x128xf32, #tpu.memory_space<vmem>>
        %dma_start3A_456 = tpu.memref_slice %arg5[%mul3A_450] : memref<10240xi32, #tpu.memory_space<vmem>> -> memref<80xi32, #tpu.memory_space<vmem>>
        %dma_start3A_457 = arith.constant 0 : i32
        %dma_start3A_458 = arith.constant 0 : i32
        %dma_start3A_459 = tpu.memref_slice %arg2[%dma_start3A_457, %dma_start3A_458] : memref<16384x128xf32, #tpu.memory_space<hbm>> -> memref<16384x128xf32, #tpu.memory_space<hbm>>
        tpu.enqueue_indirect_dma source(%dma_start3A_459 : memref<16384x128xf32, #tpu.memory_space<hbm>>) target(%dma_start3A_455 : memref<80x128xf32, #tpu.memory_space<vmem>>) offsets(%dma_start3A_456 : memref<80xi32, #tpu.memory_space<vmem>>) semaphore(%arg9 : memref<!tpu.dma_semaphore, #tpu.memory_space<semaphore_mem>>)
      } else {
      }
      %scan3A_431 = arith.constant 0 : i32
      scf.yield %scan3A_431 : i32
    }
    %scan3A_223 = arith.constant 31 : i32
    %dma_wait3A_224 = arith.constant 0 : i32
    %dma_wait3A_225 = arith.constant 0 : i32
    %dma_wait3A_226 = arith.constant 0 : i32
    %dma_wait3A_227 = tpu.memref_slice %arg6[%dma_wait3A_224, %dma_wait3A_225, %dma_wait3A_226] : memref<4x80x128xf32, #tpu.memory_space<vmem>> -> memref<1x80x128xf32, #tpu.memory_space<vmem>>
    %dma_wait3A_228 = tpu.memref_squeeze %dma_wait3A_227 : memref<1x80x128xf32, #tpu.memory_space<vmem>> -> memref<80x128xf32, #tpu.memory_space<vmem>>
    %dma_wait3A_229 = arith.constant 0 : i32
    %dma_wait3A_230 = arith.constant 0 : i32
    %dma_wait3A_231 = tpu.memref_slice %arg4[%dma_wait3A_229, %dma_wait3A_230] : memref<327680x128xf32, #tpu.memory_space<hbm>> -> memref<80x128xf32, #tpu.memory_space<hbm>>
    %dma_wait3A_232 = arith.constant 0 : i32
    %dma_wait3A_233 = arith.constant 0 : i32
    %dma_wait3A_234 = tpu.memref_slice %arg4[%dma_wait3A_232, %dma_wait3A_233] : memref<327680x128xf32, #tpu.memory_space<hbm>> -> memref<80x128xf32, #tpu.memory_space<hbm>>
    %dma_wait3A_235 = arith.constant 0 : i32
    %dma_wait3A_236 = arith.constant 0 : i32
    %dma_wait3A_237 = tpu.memref_slice %arg6[%dma_wait3A_224, %dma_wait3A_235, %dma_wait3A_236] : memref<4x80x128xf32, #tpu.memory_space<vmem>> -> memref<1x80x128xf32, #tpu.memory_space<vmem>>
    %dma_wait3A_238 = tpu.memref_squeeze %dma_wait3A_237 : memref<1x80x128xf32, #tpu.memory_space<vmem>> -> memref<80x128xf32, #tpu.memory_space<vmem>>
    tpu.wait_dma2 semaphore(%arg11 : memref<!tpu.dma_semaphore, #tpu.memory_space<semaphore_mem>>) src(%dma_wait3A_238 : memref<80x128xf32, #tpu.memory_space<vmem>>) dst(%dma_wait3A_234 : memref<80x128xf32, #tpu.memory_space<hbm>>)
    %dma_wait3A_239 = arith.constant 1 : i32
    %dma_wait3A_240 = arith.constant 0 : i32
    %dma_wait3A_241 = arith.constant 0 : i32
    %dma_wait3A_242 = tpu.memref_slice %arg6[%dma_wait3A_239, %dma_wait3A_240, %dma_wait3A_241] : memref<4x80x128xf32, #tpu.memory_space<vmem>> -> memref<1x80x128xf32, #tpu.memory_space<vmem>>
    %dma_wait3A_243 = tpu.memref_squeeze %dma_wait3A_242 : memref<1x80x128xf32, #tpu.memory_space<vmem>> -> memref<80x128xf32, #tpu.memory_space<vmem>>
    %dma_wait3A_244 = arith.constant 0 : i32
    %dma_wait3A_245 = arith.constant 0 : i32
    %dma_wait3A_246 = tpu.memref_slice %arg4[%dma_wait3A_244, %dma_wait3A_245] : memref<327680x128xf32, #tpu.memory_space<hbm>> -> memref<80x128xf32, #tpu.memory_space<hbm>>
    %dma_wait3A_247 = arith.constant 0 : i32
    %dma_wait3A_248 = arith.constant 0 : i32
    %dma_wait3A_249 = tpu.memref_slice %arg4[%dma_wait3A_247, %dma_wait3A_248] : memref<327680x128xf32, #tpu.memory_space<hbm>> -> memref<80x128xf32, #tpu.memory_space<hbm>>
    %dma_wait3A_250 = arith.constant 0 : i32
    %dma_wait3A_251 = arith.constant 0 : i32
    %dma_wait3A_252 = tpu.memref_slice %arg6[%dma_wait3A_239, %dma_wait3A_250, %dma_wait3A_251] : memref<4x80x128xf32, #tpu.memory_space<vmem>> -> memref<1x80x128xf32, #tpu.memory_space<vmem>>
    %dma_wait3A_253 = tpu.memref_squeeze %dma_wait3A_252 : memref<1x80x128xf32, #tpu.memory_space<vmem>> -> memref<80x128xf32, #tpu.memory_space<vmem>>
    tpu.wait_dma2 semaphore(%arg12 : memref<!tpu.dma_semaphore, #tpu.memory_space<semaphore_mem>>) src(%dma_wait3A_253 : memref<80x128xf32, #tpu.memory_space<vmem>>) dst(%dma_wait3A_249 : memref<80x128xf32, #tpu.memory_space<hbm>>)
    %dma_wait3A_254 = arith.constant 2 : i32
    %dma_wait3A_255 = arith.constant 0 : i32
    %dma_wait3A_256 = arith.constant 0 : i32
    %dma_wait3A_257 = tpu.memref_slice %arg6[%dma_wait3A_254, %dma_wait3A_255, %dma_wait3A_256] : memref<4x80x128xf32, #tpu.memory_space<vmem>> -> memref<1x80x128xf32, #tpu.memory_space<vmem>>
    %dma_wait3A_258 = tpu.memref_squeeze %dma_wait3A_257 : memref<1x80x128xf32, #tpu.memory_space<vmem>> -> memref<80x128xf32, #tpu.memory_space<vmem>>
    %dma_wait3A_259 = arith.constant 0 : i32
    %dma_wait3A_260 = arith.constant 0 : i32
    %dma_wait3A_261 = tpu.memref_slice %arg4[%dma_wait3A_259, %dma_wait3A_260] : memref<327680x128xf32, #tpu.memory_space<hbm>> -> memref<80x128xf32, #tpu.memory_space<hbm>>
    %dma_wait3A_262 = arith.constant 0 : i32
    %dma_wait3A_263 = arith.constant 0 : i32
    %dma_wait3A_264 = tpu.memref_slice %arg4[%dma_wait3A_262, %dma_wait3A_263] : memref<327680x128xf32, #tpu.memory_space<hbm>> -> memref<80x128xf32, #tpu.memory_space<hbm>>
    %dma_wait3A_265 = arith.constant 0 : i32
    %dma_wait3A_266 = arith.constant 0 : i32
    %dma_wait3A_267 = tpu.memref_slice %arg6[%dma_wait3A_254, %dma_wait3A_265, %dma_wait3A_266] : memref<4x80x128xf32, #tpu.memory_space<vmem>> -> memref<1x80x128xf32, #tpu.memory_space<vmem>>
    %dma_wait3A_268 = tpu.memref_squeeze %dma_wait3A_267 : memref<1x80x128xf32, #tpu.memory_space<vmem>> -> memref<80x128xf32, #tpu.memory_space<vmem>>
    tpu.wait_dma2 semaphore(%arg13 : memref<!tpu.dma_semaphore, #tpu.memory_space<semaphore_mem>>) src(%dma_wait3A_268 : memref<80x128xf32, #tpu.memory_space<vmem>>) dst(%dma_wait3A_264 : memref<80x128xf32, #tpu.memory_space<hbm>>)
    %dma_wait3A_269 = arith.constant 3 : i32
    %dma_wait3A_270 = arith.constant 0 : i32
    %dma_wait3A_271 = arith.constant 0 : i32
    %dma_wait3A_272 = tpu.memref_slice %arg6[%dma_wait3A_269, %dma_wait3A_270, %dma_wait3A_271] : memref<4x80x128xf32, #tpu.memory_space<vmem>> -> memref<1x80x128xf32, #tpu.memory_space<vmem>>
    %dma_wait3A_273 = tpu.memref_squeeze %dma_wait3A_272 : memref<1x80x128xf32, #tpu.memory_space<vmem>> -> memref<80x128xf32, #tpu.memory_space<vmem>>
    %dma_wait3A_274 = arith.constant 0 : i32
    %dma_wait3A_275 = arith.constant 0 : i32
    %dma_wait3A_276 = tpu.memref_slice %arg4[%dma_wait3A_274, %dma_wait3A_275] : memref<327680x128xf32, #tpu.memory_space<hbm>> -> memref<80x128xf32, #tpu.memory_space<hbm>>
    %dma_wait3A_277 = arith.constant 0 : i32
    %dma_wait3A_278 = arith.constant 0 : i32
    %dma_wait3A_279 = tpu.memref_slice %arg4[%dma_wait3A_277, %dma_wait3A_278] : memref<327680x128xf32, #tpu.memory_space<hbm>> -> memref<80x128xf32, #tpu.memory_space<hbm>>
    %dma_wait3A_280 = arith.constant 0 : i32
    %dma_wait3A_281 = arith.constant 0 : i32
    %dma_wait3A_282 = tpu.memref_slice %arg6[%dma_wait3A_269, %dma_wait3A_280, %dma_wait3A_281] : memref<4x80x128xf32, #tpu.memory_space<vmem>> -> memref<1x80x128xf32, #tpu.memory_space<vmem>>
    %dma_wait3A_283 = tpu.memref_squeeze %dma_wait3A_282 : memref<1x80x128xf32, #tpu.memory_space<vmem>> -> memref<80x128xf32, #tpu.memory_space<vmem>>
    tpu.wait_dma2 semaphore(%arg14 : memref<!tpu.dma_semaphore, #tpu.memory_space<semaphore_mem>>) src(%dma_wait3A_283 : memref<80x128xf32, #tpu.memory_space<vmem>>) dst(%dma_wait3A_279 : memref<80x128xf32, #tpu.memory_space<hbm>>)
    return
  }
}

#map = affine_map<(d0, d1) -> (0, 0)>
#map1 = affine_map<(d0, d1) -> (0)>
module attributes {stable_mosaic.version = 14 : i64} {
  func.func @k(%arg0: i32, %arg1: i32, %arg2: memref<16384x128xf32, #tpu.memory_space<hbm>>, %arg3: memref<327680xi32, #tpu.memory_space<hbm>>, %arg4: memref<327680x128xf32, #tpu.memory_space<hbm>>, %arg5: memref<10240xi32, #tpu.memory_space<vmem>>, %arg6: memref<4x80x128xf32, #tpu.memory_space<vmem>>, %arg7: memref<!tpu.dma_semaphore, #tpu.memory_space<semaphore_mem>>, %arg8: memref<!tpu.dma_semaphore, #tpu.memory_space<semaphore_mem>>, %arg9: memref<!tpu.dma_semaphore, #tpu.memory_space<semaphore_mem>>, %arg10: memref<!tpu.dma_semaphore, #tpu.memory_space<semaphore_mem>>, %arg11: memref<!tpu.dma_semaphore, #tpu.memory_space<semaphore_mem>>, %arg12: memref<!tpu.dma_semaphore, #tpu.memory_space<semaphore_mem>>, %arg13: memref<!tpu.dma_semaphore, #tpu.memory_space<semaphore_mem>>, %arg14: memref<!tpu.dma_semaphore, #tpu.memory_space<semaphore_mem>>) attributes {dimension_semantics = [#tpu.dimension_semantics<core_parallel>, #tpu.dimension_semantics<subcore_parallel>], iteration_bounds = array<i64: 2, 16>, scalar_prefetch = 0 : i64, scratch_operands = 10 : i64, tpu.core_type = #tpu.core_type<sc_vector_subcore>, window_params = [{transform_indices = #map}, {transform_indices = #map1}, {transform_indices = #map}]} {
    %mul3A = arith.constant 2 : i32
    %mul3A_0 = arith.muli %arg1, %mul3A : i32
    %add3A = arith.addi %mul3A_0, %arg0 : i32
    %mul3A_1 = arith.constant 512 : i32
    %mul3A_2 = arith.muli %add3A, %mul3A_1 : i32
    %mul3A_3 = arith.constant 20 : i32
    %mul3A_4 = arith.muli %mul3A_2, %mul3A_3 : i32
    "tpu.region"() ({
      %run_scoped3A = tpu.sem_alloc : memref<!tpu.dma_semaphore, #tpu.memory_space<semaphore_mem>>
      %dma_start3A_284 = tpu.memref_slice %arg3[%mul3A_4] : memref<327680xi32, #tpu.memory_space<hbm>> -> memref<10240xi32, #tpu.memory_space<hbm>>
      %dma_start3A_285 = tpu.memref_slice %arg3[%mul3A_4] : memref<327680xi32, #tpu.memory_space<hbm>> -> memref<10240xi32, #tpu.memory_space<hbm>>
      tpu.enqueue_dma source(%dma_start3A_285 : memref<10240xi32, #tpu.memory_space<hbm>>) target(%arg5 : memref<10240xi32, #tpu.memory_space<vmem>>) target_semaphore(%run_scoped3A : memref<!tpu.dma_semaphore, #tpu.memory_space<semaphore_mem>>)
      %dma_wait3A_286 = tpu.memref_slice %arg3[%mul3A_4] : memref<327680xi32, #tpu.memory_space<hbm>> -> memref<10240xi32, #tpu.memory_space<hbm>>
      %dma_wait3A_287 = tpu.memref_slice %arg3[%mul3A_4] : memref<327680xi32, #tpu.memory_space<hbm>> -> memref<10240xi32, #tpu.memory_space<hbm>>
      tpu.wait_dma2 semaphore(%run_scoped3A : memref<!tpu.dma_semaphore, #tpu.memory_space<semaphore_mem>>) src(%dma_wait3A_287 : memref<10240xi32, #tpu.memory_space<hbm>>) dst(%arg5 : memref<10240xi32, #tpu.memory_space<vmem>>)
      tpu.yield
    }) : () -> ()
    %dma_start3A = arith.constant 0 : i32
    %dma_start3A_5 = arith.constant 0 : i32
    %dma_start3A_6 = arith.constant 0 : i32
    %dma_start3A_7 = tpu.memref_slice %arg6[%dma_start3A, %dma_start3A_5, %dma_start3A_6] : memref<4x80x128xf32, #tpu.memory_space<vmem>> -> memref<1x80x128xf32, #tpu.memory_space<vmem>>
    %dma_start3A_8 = tpu.memref_squeeze %dma_start3A_7 : memref<1x80x128xf32, #tpu.memory_space<vmem>> -> memref<80x128xf32, #tpu.memory_space<vmem>>
    %dma_start3A_9 = arith.constant 0 : i32
    %dma_start3A_10 = tpu.memref_slice %arg5[%dma_start3A_9] : memref<10240xi32, #tpu.memory_space<vmem>> -> memref<80xi32, #tpu.memory_space<vmem>>
    %dma_start3A_11 = arith.constant 0 : i32
    %dma_start3A_12 = arith.constant 0 : i32
    %dma_start3A_13 = tpu.memref_slice %arg2[%dma_start3A_11, %dma_start3A_12] : memref<16384x128xf32, #tpu.memory_space<hbm>> -> memref<16384x128xf32, #tpu.memory_space<hbm>>
    tpu.enqueue_indirect_dma source(%dma_start3A_13 : memref<16384x128xf32, #tpu.memory_space<hbm>>) target(%dma_start3A_8 : memref<80x128xf32, #tpu.memory_space<vmem>>) offsets(%dma_start3A_10 : memref<80xi32, #tpu.memory_space<vmem>>) semaphore(%arg7 : memref<!tpu.dma_semaphore, #tpu.memory_space<semaphore_mem>>)
    %dma_start3A_14 = arith.constant 1 : i32
    %dma_start3A_15 = arith.constant 0 : i32
    %dma_start3A_16 = arith.constant 0 : i32
    %dma_start3A_17 = tpu.memref_slice %arg6[%dma_start3A_14, %dma_start3A_15, %dma_start3A_16] : memref<4x80x128xf32, #tpu.memory_space<vmem>> -> memref<1x80x128xf32, #tpu.memory_space<vmem>>
    %dma_start3A_18 = tpu.memref_squeeze %dma_start3A_17 : memref<1x80x128xf32, #tpu.memory_space<vmem>> -> memref<80x128xf32, #tpu.memory_space<vmem>>
    %dma_start3A_19 = arith.constant 80 : i32
    %dma_start3A_20 = tpu.memref_slice %arg5[%dma_start3A_19] : memref<10240xi32, #tpu.memory_space<vmem>> -> memref<80xi32, #tpu.memory_space<vmem>>
    %dma_start3A_21 = arith.constant 0 : i32
    %dma_start3A_22 = arith.constant 0 : i32
    %dma_start3A_23 = tpu.memref_slice %arg2[%dma_start3A_21, %dma_start3A_22] : memref<16384x128xf32, #tpu.memory_space<hbm>> -> memref<16384x128xf32, #tpu.memory_space<hbm>>
    tpu.enqueue_indirect_dma source(%dma_start3A_23 : memref<16384x128xf32, #tpu.memory_space<hbm>>) target(%dma_start3A_18 : memref<80x128xf32, #tpu.memory_space<vmem>>) offsets(%dma_start3A_20 : memref<80xi32, #tpu.memory_space<vmem>>) semaphore(%arg8 : memref<!tpu.dma_semaphore, #tpu.memory_space<semaphore_mem>>)
    %dma_start3A_24 = arith.constant 2 : i32
    %dma_start3A_25 = arith.constant 0 : i32
    %dma_start3A_26 = arith.constant 0 : i32
    %dma_start3A_27 = tpu.memref_slice %arg6[%dma_start3A_24, %dma_start3A_25, %dma_start3A_26] : memref<4x80x128xf32, #tpu.memory_space<vmem>> -> memref<1x80x128xf32, #tpu.memory_space<vmem>>
    %dma_start3A_28 = tpu.memref_squeeze %dma_start3A_27 : memref<1x80x128xf32, #tpu.memory_space<vmem>> -> memref<80x128xf32, #tpu.memory_space<vmem>>
    %dma_start3A_29 = arith.constant 160 : i32
    %dma_start3A_30 = tpu.memref_slice %arg5[%dma_start3A_29] : memref<10240xi32, #tpu.memory_space<vmem>> -> memref<80xi32, #tpu.memory_space<vmem>>
    %dma_start3A_31 = arith.constant 0 : i32
    %dma_start3A_32 = arith.constant 0 : i32
    %dma_start3A_33 = tpu.memref_slice %arg2[%dma_start3A_31, %dma_start3A_32] : memref<16384x128xf32, #tpu.memory_space<hbm>> -> memref<16384x128xf32, #tpu.memory_space<hbm>>
    tpu.enqueue_indirect_dma source(%dma_start3A_33 : memref<16384x128xf32, #tpu.memory_space<hbm>>) target(%dma_start3A_28 : memref<80x128xf32, #tpu.memory_space<vmem>>) offsets(%dma_start3A_30 : memref<80xi32, #tpu.memory_space<vmem>>) semaphore(%arg9 : memref<!tpu.dma_semaphore, #tpu.memory_space<semaphore_mem>>)
    %dma_wait3A = arith.constant 0 : i32
    %dma_wait3A_34 = arith.constant 0 : i32
    %dma_wait3A_35 = arith.constant 0 : i32
    %dma_wait3A_36 = tpu.memref_slice %arg6[%dma_wait3A, %dma_wait3A_34, %dma_wait3A_35] : memref<4x80x128xf32, #tpu.memory_space<vmem>> -> memref<1x80x128xf32, #tpu.memory_space<vmem>>
    %dma_wait3A_37 = tpu.memref_squeeze %dma_wait3A_36 : memref<1x80x128xf32, #tpu.memory_space<vmem>> -> memref<80x128xf32, #tpu.memory_space<vmem>>
    %dma_wait3A_38 = arith.constant 0 : i32
    %dma_wait3A_39 = tpu.memref_slice %arg5[%dma_wait3A_38] : memref<10240xi32, #tpu.memory_space<vmem>> -> memref<80xi32, #tpu.memory_space<vmem>>
    %dma_wait3A_40 = arith.constant 0 : i32
    %dma_wait3A_41 = arith.constant 0 : i32
    %dma_wait3A_42 = tpu.memref_slice %arg2[%dma_wait3A_40, %dma_wait3A_41] : memref<16384x128xf32, #tpu.memory_space<hbm>> -> memref<16384x128xf32, #tpu.memory_space<hbm>>
    tpu.wait_indirect_dma semaphore(%arg7 : memref<!tpu.dma_semaphore, #tpu.memory_space<semaphore_mem>>) src(%dma_wait3A_42 : memref<16384x128xf32, #tpu.memory_space<hbm>>) dst(%dma_wait3A_37 : memref<80x128xf32, #tpu.memory_space<vmem>>)
    %add3A_43 = arith.constant 0 : i32
    %add3A_44 = arith.addi %mul3A_4, %add3A_43 : i32
    %dma_start3A_45 = arith.constant 0 : i32
    %dma_start3A_46 = arith.constant 0 : i32
    %dma_start3A_47 = arith.constant 0 : i32
    %dma_start3A_48 = tpu.memref_slice %arg6[%dma_start3A_45, %dma_start3A_46, %dma_start3A_47] : memref<4x80x128xf32, #tpu.memory_space<vmem>> -> memref<1x80x128xf32, #tpu.memory_space<vmem>>
    %dma_start3A_49 = tpu.memref_squeeze %dma_start3A_48 : memref<1x80x128xf32, #tpu.memory_space<vmem>> -> memref<80x128xf32, #tpu.memory_space<vmem>>
    %dma_start3A_50 = arith.constant 0 : i32
    %dma_start3A_51 = tpu.memref_slice %arg4[%add3A_44, %dma_start3A_50] : memref<327680x128xf32, #tpu.memory_space<hbm>> -> memref<80x128xf32, #tpu.memory_space<hbm>>
    %dma_start3A_52 = arith.constant 0 : i32
    %dma_start3A_53 = tpu.memref_slice %arg4[%add3A_44, %dma_start3A_52] : memref<327680x128xf32, #tpu.memory_space<hbm>> -> memref<80x128xf32, #tpu.memory_space<hbm>>
    %dma_start3A_54 = arith.constant 0 : i32
    %dma_start3A_55 = arith.constant 0 : i32
    %dma_start3A_56 = tpu.memref_slice %arg6[%dma_start3A_45, %dma_start3A_54, %dma_start3A_55] : memref<4x80x128xf32, #tpu.memory_space<vmem>> -> memref<1x80x128xf32, #tpu.memory_space<vmem>>
    %dma_start3A_57 = tpu.memref_squeeze %dma_start3A_56 : memref<1x80x128xf32, #tpu.memory_space<vmem>> -> memref<80x128xf32, #tpu.memory_space<vmem>>
    tpu.enqueue_dma source(%dma_start3A_57 : memref<80x128xf32, #tpu.memory_space<vmem>>) target(%dma_start3A_53 : memref<80x128xf32, #tpu.memory_space<hbm>>) target_semaphore(%arg11 : memref<!tpu.dma_semaphore, #tpu.memory_space<semaphore_mem>>)
    %dma_start3A_58 = arith.constant 3 : i32
    %dma_start3A_59 = arith.constant 0 : i32
    %dma_start3A_60 = arith.constant 0 : i32
    %dma_start3A_61 = tpu.memref_slice %arg6[%dma_start3A_58, %dma_start3A_59, %dma_start3A_60] : memref<4x80x128xf32, #tpu.memory_space<vmem>> -> memref<1x80x128xf32, #tpu.memory_space<vmem>>
    %dma_start3A_62 = tpu.memref_squeeze %dma_start3A_61 : memref<1x80x128xf32, #tpu.memory_space<vmem>> -> memref<80x128xf32, #tpu.memory_space<vmem>>
    %dma_start3A_63 = arith.constant 240 : i32
    %dma_start3A_64 = tpu.memref_slice %arg5[%dma_start3A_63] : memref<10240xi32, #tpu.memory_space<vmem>> -> memref<80xi32, #tpu.memory_space<vmem>>
    %dma_start3A_65 = arith.constant 0 : i32
    %dma_start3A_66 = arith.constant 0 : i32
    %dma_start3A_67 = tpu.memref_slice %arg2[%dma_start3A_65, %dma_start3A_66] : memref<16384x128xf32, #tpu.memory_space<hbm>> -> memref<16384x128xf32, #tpu.memory_space<hbm>>
    tpu.enqueue_indirect_dma source(%dma_start3A_67 : memref<16384x128xf32, #tpu.memory_space<hbm>>) target(%dma_start3A_62 : memref<80x128xf32, #tpu.memory_space<vmem>>) offsets(%dma_start3A_64 : memref<80xi32, #tpu.memory_space<vmem>>) semaphore(%arg10 : memref<!tpu.dma_semaphore, #tpu.memory_space<semaphore_mem>>)
    %dma_wait3A_68 = arith.constant 1 : i32
    %dma_wait3A_69 = arith.constant 0 : i32
    %dma_wait3A_70 = arith.constant 0 : i32
    %dma_wait3A_71 = tpu.memref_slice %arg6[%dma_wait3A_68, %dma_wait3A_69, %dma_wait3A_70] : memref<4x80x128xf32, #tpu.memory_space<vmem>> -> memref<1x80x128xf32, #tpu.memory_space<vmem>>
    %dma_wait3A_72 = tpu.memref_squeeze %dma_wait3A_71 : memref<1x80x128xf32, #tpu.memory_space<vmem>> -> memref<80x128xf32, #tpu.memory_space<vmem>>
    %dma_wait3A_73 = arith.constant 0 : i32
    %dma_wait3A_74 = tpu.memref_slice %arg5[%dma_wait3A_73] : memref<10240xi32, #tpu.memory_space<vmem>> -> memref<80xi32, #tpu.memory_space<vmem>>
    %dma_wait3A_75 = arith.constant 0 : i32
    %dma_wait3A_76 = arith.constant 0 : i32
    %dma_wait3A_77 = tpu.memref_slice %arg2[%dma_wait3A_75, %dma_wait3A_76] : memref<16384x128xf32, #tpu.memory_space<hbm>> -> memref<16384x128xf32, #tpu.memory_space<hbm>>
    tpu.wait_indirect_dma semaphore(%arg8 : memref<!tpu.dma_semaphore, #tpu.memory_space<semaphore_mem>>) src(%dma_wait3A_77 : memref<16384x128xf32, #tpu.memory_space<hbm>>) dst(%dma_wait3A_72 : memref<80x128xf32, #tpu.memory_space<vmem>>)
    %add3A_78 = arith.constant 80 : i32
    %add3A_79 = arith.addi %mul3A_4, %add3A_78 : i32
    %dma_start3A_80 = arith.constant 1 : i32
    %dma_start3A_81 = arith.constant 0 : i32
    %dma_start3A_82 = arith.constant 0 : i32
    %dma_start3A_83 = tpu.memref_slice %arg6[%dma_start3A_80, %dma_start3A_81, %dma_start3A_82] : memref<4x80x128xf32, #tpu.memory_space<vmem>> -> memref<1x80x128xf32, #tpu.memory_space<vmem>>
    %dma_start3A_84 = tpu.memref_squeeze %dma_start3A_83 : memref<1x80x128xf32, #tpu.memory_space<vmem>> -> memref<80x128xf32, #tpu.memory_space<vmem>>
    %dma_start3A_85 = arith.constant 0 : i32
    %dma_start3A_86 = tpu.memref_slice %arg4[%add3A_79, %dma_start3A_85] : memref<327680x128xf32, #tpu.memory_space<hbm>> -> memref<80x128xf32, #tpu.memory_space<hbm>>
    %dma_start3A_87 = arith.constant 0 : i32
    %dma_start3A_88 = tpu.memref_slice %arg4[%add3A_79, %dma_start3A_87] : memref<327680x128xf32, #tpu.memory_space<hbm>> -> memref<80x128xf32, #tpu.memory_space<hbm>>
    %dma_start3A_89 = arith.constant 0 : i32
    %dma_start3A_90 = arith.constant 0 : i32
    %dma_start3A_91 = tpu.memref_slice %arg6[%dma_start3A_80, %dma_start3A_89, %dma_start3A_90] : memref<4x80x128xf32, #tpu.memory_space<vmem>> -> memref<1x80x128xf32, #tpu.memory_space<vmem>>
    %dma_start3A_92 = tpu.memref_squeeze %dma_start3A_91 : memref<1x80x128xf32, #tpu.memory_space<vmem>> -> memref<80x128xf32, #tpu.memory_space<vmem>>
    tpu.enqueue_dma source(%dma_start3A_92 : memref<80x128xf32, #tpu.memory_space<vmem>>) target(%dma_start3A_88 : memref<80x128xf32, #tpu.memory_space<hbm>>) target_semaphore(%arg12 : memref<!tpu.dma_semaphore, #tpu.memory_space<semaphore_mem>>)
    %dma_wait3A_93 = arith.constant 0 : i32
    %dma_wait3A_94 = arith.constant 0 : i32
    %dma_wait3A_95 = arith.constant 0 : i32
    %dma_wait3A_96 = tpu.memref_slice %arg6[%dma_wait3A_93, %dma_wait3A_94, %dma_wait3A_95] : memref<4x80x128xf32, #tpu.memory_space<vmem>> -> memref<1x80x128xf32, #tpu.memory_space<vmem>>
    %dma_wait3A_97 = tpu.memref_squeeze %dma_wait3A_96 : memref<1x80x128xf32, #tpu.memory_space<vmem>> -> memref<80x128xf32, #tpu.memory_space<vmem>>
    %dma_wait3A_98 = arith.constant 0 : i32
    %dma_wait3A_99 = arith.constant 0 : i32
    %dma_wait3A_100 = tpu.memref_slice %arg4[%dma_wait3A_98, %dma_wait3A_99] : memref<327680x128xf32, #tpu.memory_space<hbm>> -> memref<80x128xf32, #tpu.memory_space<hbm>>
    %dma_wait3A_101 = arith.constant 0 : i32
    %dma_wait3A_102 = arith.constant 0 : i32
    %dma_wait3A_103 = tpu.memref_slice %arg4[%dma_wait3A_101, %dma_wait3A_102] : memref<327680x128xf32, #tpu.memory_space<hbm>> -> memref<80x128xf32, #tpu.memory_space<hbm>>
    %dma_wait3A_104 = arith.constant 0 : i32
    %dma_wait3A_105 = arith.constant 0 : i32
    %dma_wait3A_106 = tpu.memref_slice %arg6[%dma_wait3A_93, %dma_wait3A_104, %dma_wait3A_105] : memref<4x80x128xf32, #tpu.memory_space<vmem>> -> memref<1x80x128xf32, #tpu.memory_space<vmem>>
    %dma_wait3A_107 = tpu.memref_squeeze %dma_wait3A_106 : memref<1x80x128xf32, #tpu.memory_space<vmem>> -> memref<80x128xf32, #tpu.memory_space<vmem>>
    tpu.wait_dma2 semaphore(%arg11 : memref<!tpu.dma_semaphore, #tpu.memory_space<semaphore_mem>>) src(%dma_wait3A_107 : memref<80x128xf32, #tpu.memory_space<vmem>>) dst(%dma_wait3A_103 : memref<80x128xf32, #tpu.memory_space<hbm>>)
    %dma_start3A_108 = arith.constant 0 : i32
    %dma_start3A_109 = arith.constant 0 : i32
    %dma_start3A_110 = arith.constant 0 : i32
    %dma_start3A_111 = tpu.memref_slice %arg6[%dma_start3A_108, %dma_start3A_109, %dma_start3A_110] : memref<4x80x128xf32, #tpu.memory_space<vmem>> -> memref<1x80x128xf32, #tpu.memory_space<vmem>>
    %dma_start3A_112 = tpu.memref_squeeze %dma_start3A_111 : memref<1x80x128xf32, #tpu.memory_space<vmem>> -> memref<80x128xf32, #tpu.memory_space<vmem>>
    %dma_start3A_113 = arith.constant 320 : i32
    %dma_start3A_114 = tpu.memref_slice %arg5[%dma_start3A_113] : memref<10240xi32, #tpu.memory_space<vmem>> -> memref<80xi32, #tpu.memory_space<vmem>>
    %dma_start3A_115 = arith.constant 0 : i32
    %dma_start3A_116 = arith.constant 0 : i32
    %dma_start3A_117 = tpu.memref_slice %arg2[%dma_start3A_115, %dma_start3A_116] : memref<16384x128xf32, #tpu.memory_space<hbm>> -> memref<16384x128xf32, #tpu.memory_space<hbm>>
    tpu.enqueue_indirect_dma source(%dma_start3A_117 : memref<16384x128xf32, #tpu.memory_space<hbm>>) target(%dma_start3A_112 : memref<80x128xf32, #tpu.memory_space<vmem>>) offsets(%dma_start3A_114 : memref<80xi32, #tpu.memory_space<vmem>>) semaphore(%arg7 : memref<!tpu.dma_semaphore, #tpu.memory_space<semaphore_mem>>)
    %dma_wait3A_118 = arith.constant 2 : i32
    %dma_wait3A_119 = arith.constant 0 : i32
    %dma_wait3A_120 = arith.constant 0 : i32
    %dma_wait3A_121 = tpu.memref_slice %arg6[%dma_wait3A_118, %dma_wait3A_119, %dma_wait3A_120] : memref<4x80x128xf32, #tpu.memory_space<vmem>> -> memref<1x80x128xf32, #tpu.memory_space<vmem>>
    %dma_wait3A_122 = tpu.memref_squeeze %dma_wait3A_121 : memref<1x80x128xf32, #tpu.memory_space<vmem>> -> memref<80x128xf32, #tpu.memory_space<vmem>>
    %dma_wait3A_123 = arith.constant 0 : i32
    %dma_wait3A_124 = tpu.memref_slice %arg5[%dma_wait3A_123] : memref<10240xi32, #tpu.memory_space<vmem>> -> memref<80xi32, #tpu.memory_space<vmem>>
    %dma_wait3A_125 = arith.constant 0 : i32
    %dma_wait3A_126 = arith.constant 0 : i32
    %dma_wait3A_127 = tpu.memref_slice %arg2[%dma_wait3A_125, %dma_wait3A_126] : memref<16384x128xf32, #tpu.memory_space<hbm>> -> memref<16384x128xf32, #tpu.memory_space<hbm>>
    tpu.wait_indirect_dma semaphore(%arg9 : memref<!tpu.dma_semaphore, #tpu.memory_space<semaphore_mem>>) src(%dma_wait3A_127 : memref<16384x128xf32, #tpu.memory_space<hbm>>) dst(%dma_wait3A_122 : memref<80x128xf32, #tpu.memory_space<vmem>>)
    %add3A_128 = arith.constant 160 : i32
    %add3A_129 = arith.addi %mul3A_4, %add3A_128 : i32
    %dma_start3A_130 = arith.constant 2 : i32
    %dma_start3A_131 = arith.constant 0 : i32
    %dma_start3A_132 = arith.constant 0 : i32
    %dma_start3A_133 = tpu.memref_slice %arg6[%dma_start3A_130, %dma_start3A_131, %dma_start3A_132] : memref<4x80x128xf32, #tpu.memory_space<vmem>> -> memref<1x80x128xf32, #tpu.memory_space<vmem>>
    %dma_start3A_134 = tpu.memref_squeeze %dma_start3A_133 : memref<1x80x128xf32, #tpu.memory_space<vmem>> -> memref<80x128xf32, #tpu.memory_space<vmem>>
    %dma_start3A_135 = arith.constant 0 : i32
    %dma_start3A_136 = tpu.memref_slice %arg4[%add3A_129, %dma_start3A_135] : memref<327680x128xf32, #tpu.memory_space<hbm>> -> memref<80x128xf32, #tpu.memory_space<hbm>>
    %dma_start3A_137 = arith.constant 0 : i32
    %dma_start3A_138 = tpu.memref_slice %arg4[%add3A_129, %dma_start3A_137] : memref<327680x128xf32, #tpu.memory_space<hbm>> -> memref<80x128xf32, #tpu.memory_space<hbm>>
    %dma_start3A_139 = arith.constant 0 : i32
    %dma_start3A_140 = arith.constant 0 : i32
    %dma_start3A_141 = tpu.memref_slice %arg6[%dma_start3A_130, %dma_start3A_139, %dma_start3A_140] : memref<4x80x128xf32, #tpu.memory_space<vmem>> -> memref<1x80x128xf32, #tpu.memory_space<vmem>>
    %dma_start3A_142 = tpu.memref_squeeze %dma_start3A_141 : memref<1x80x128xf32, #tpu.memory_space<vmem>> -> memref<80x128xf32, #tpu.memory_space<vmem>>
    tpu.enqueue_dma source(%dma_start3A_142 : memref<80x128xf32, #tpu.memory_space<vmem>>) target(%dma_start3A_138 : memref<80x128xf32, #tpu.memory_space<hbm>>) target_semaphore(%arg13 : memref<!tpu.dma_semaphore, #tpu.memory_space<semaphore_mem>>)
    %dma_wait3A_143 = arith.constant 1 : i32
    %dma_wait3A_144 = arith.constant 0 : i32
    %dma_wait3A_145 = arith.constant 0 : i32
    %dma_wait3A_146 = tpu.memref_slice %arg6[%dma_wait3A_143, %dma_wait3A_144, %dma_wait3A_145] : memref<4x80x128xf32, #tpu.memory_space<vmem>> -> memref<1x80x128xf32, #tpu.memory_space<vmem>>
    %dma_wait3A_147 = tpu.memref_squeeze %dma_wait3A_146 : memref<1x80x128xf32, #tpu.memory_space<vmem>> -> memref<80x128xf32, #tpu.memory_space<vmem>>
    %dma_wait3A_148 = arith.constant 0 : i32
    %dma_wait3A_149 = arith.constant 0 : i32
    %dma_wait3A_150 = tpu.memref_slice %arg4[%dma_wait3A_148, %dma_wait3A_149] : memref<327680x128xf32, #tpu.memory_space<hbm>> -> memref<80x128xf32, #tpu.memory_space<hbm>>
    %dma_wait3A_151 = arith.constant 0 : i32
    %dma_wait3A_152 = arith.constant 0 : i32
    %dma_wait3A_153 = tpu.memref_slice %arg4[%dma_wait3A_151, %dma_wait3A_152] : memref<327680x128xf32, #tpu.memory_space<hbm>> -> memref<80x128xf32, #tpu.memory_space<hbm>>
    %dma_wait3A_154 = arith.constant 0 : i32
    %dma_wait3A_155 = arith.constant 0 : i32
    %dma_wait3A_156 = tpu.memref_slice %arg6[%dma_wait3A_143, %dma_wait3A_154, %dma_wait3A_155] : memref<4x80x128xf32, #tpu.memory_space<vmem>> -> memref<1x80x128xf32, #tpu.memory_space<vmem>>
    %dma_wait3A_157 = tpu.memref_squeeze %dma_wait3A_156 : memref<1x80x128xf32, #tpu.memory_space<vmem>> -> memref<80x128xf32, #tpu.memory_space<vmem>>
    tpu.wait_dma2 semaphore(%arg12 : memref<!tpu.dma_semaphore, #tpu.memory_space<semaphore_mem>>) src(%dma_wait3A_157 : memref<80x128xf32, #tpu.memory_space<vmem>>) dst(%dma_wait3A_153 : memref<80x128xf32, #tpu.memory_space<hbm>>)
    %dma_start3A_158 = arith.constant 1 : i32
    %dma_start3A_159 = arith.constant 0 : i32
    %dma_start3A_160 = arith.constant 0 : i32
    %dma_start3A_161 = tpu.memref_slice %arg6[%dma_start3A_158, %dma_start3A_159, %dma_start3A_160] : memref<4x80x128xf32, #tpu.memory_space<vmem>> -> memref<1x80x128xf32, #tpu.memory_space<vmem>>
    %dma_start3A_162 = tpu.memref_squeeze %dma_start3A_161 : memref<1x80x128xf32, #tpu.memory_space<vmem>> -> memref<80x128xf32, #tpu.memory_space<vmem>>
    %dma_start3A_163 = arith.constant 400 : i32
    %dma_start3A_164 = tpu.memref_slice %arg5[%dma_start3A_163] : memref<10240xi32, #tpu.memory_space<vmem>> -> memref<80xi32, #tpu.memory_space<vmem>>
    %dma_start3A_165 = arith.constant 0 : i32
    %dma_start3A_166 = arith.constant 0 : i32
    %dma_start3A_167 = tpu.memref_slice %arg2[%dma_start3A_165, %dma_start3A_166] : memref<16384x128xf32, #tpu.memory_space<hbm>> -> memref<16384x128xf32, #tpu.memory_space<hbm>>
    tpu.enqueue_indirect_dma source(%dma_start3A_167 : memref<16384x128xf32, #tpu.memory_space<hbm>>) target(%dma_start3A_162 : memref<80x128xf32, #tpu.memory_space<vmem>>) offsets(%dma_start3A_164 : memref<80xi32, #tpu.memory_space<vmem>>) semaphore(%arg8 : memref<!tpu.dma_semaphore, #tpu.memory_space<semaphore_mem>>)
    %dma_wait3A_168 = arith.constant 3 : i32
    %dma_wait3A_169 = arith.constant 0 : i32
    %dma_wait3A_170 = arith.constant 0 : i32
    %dma_wait3A_171 = tpu.memref_slice %arg6[%dma_wait3A_168, %dma_wait3A_169, %dma_wait3A_170] : memref<4x80x128xf32, #tpu.memory_space<vmem>> -> memref<1x80x128xf32, #tpu.memory_space<vmem>>
    %dma_wait3A_172 = tpu.memref_squeeze %dma_wait3A_171 : memref<1x80x128xf32, #tpu.memory_space<vmem>> -> memref<80x128xf32, #tpu.memory_space<vmem>>
    %dma_wait3A_173 = arith.constant 0 : i32
    %dma_wait3A_174 = tpu.memref_slice %arg5[%dma_wait3A_173] : memref<10240xi32, #tpu.memory_space<vmem>> -> memref<80xi32, #tpu.memory_space<vmem>>
    %dma_wait3A_175 = arith.constant 0 : i32
    %dma_wait3A_176 = arith.constant 0 : i32
    %dma_wait3A_177 = tpu.memref_slice %arg2[%dma_wait3A_175, %dma_wait3A_176] : memref<16384x128xf32, #tpu.memory_space<hbm>> -> memref<16384x128xf32, #tpu.memory_space<hbm>>
    tpu.wait_indirect_dma semaphore(%arg10 : memref<!tpu.dma_semaphore, #tpu.memory_space<semaphore_mem>>) src(%dma_wait3A_177 : memref<16384x128xf32, #tpu.memory_space<hbm>>) dst(%dma_wait3A_172 : memref<80x128xf32, #tpu.memory_space<vmem>>)
    %add3A_178 = arith.constant 240 : i32
    %add3A_179 = arith.addi %mul3A_4, %add3A_178 : i32
    %dma_start3A_180 = arith.constant 3 : i32
    %dma_start3A_181 = arith.constant 0 : i32
    %dma_start3A_182 = arith.constant 0 : i32
    %dma_start3A_183 = tpu.memref_slice %arg6[%dma_start3A_180, %dma_start3A_181, %dma_start3A_182] : memref<4x80x128xf32, #tpu.memory_space<vmem>> -> memref<1x80x128xf32, #tpu.memory_space<vmem>>
    %dma_start3A_184 = tpu.memref_squeeze %dma_start3A_183 : memref<1x80x128xf32, #tpu.memory_space<vmem>> -> memref<80x128xf32, #tpu.memory_space<vmem>>
    %dma_start3A_185 = arith.constant 0 : i32
    %dma_start3A_186 = tpu.memref_slice %arg4[%add3A_179, %dma_start3A_185] : memref<327680x128xf32, #tpu.memory_space<hbm>> -> memref<80x128xf32, #tpu.memory_space<hbm>>
    %dma_start3A_187 = arith.constant 0 : i32
    %dma_start3A_188 = tpu.memref_slice %arg4[%add3A_179, %dma_start3A_187] : memref<327680x128xf32, #tpu.memory_space<hbm>> -> memref<80x128xf32, #tpu.memory_space<hbm>>
    %dma_start3A_189 = arith.constant 0 : i32
    %dma_start3A_190 = arith.constant 0 : i32
    %dma_start3A_191 = tpu.memref_slice %arg6[%dma_start3A_180, %dma_start3A_189, %dma_start3A_190] : memref<4x80x128xf32, #tpu.memory_space<vmem>> -> memref<1x80x128xf32, #tpu.memory_space<vmem>>
    %dma_start3A_192 = tpu.memref_squeeze %dma_start3A_191 : memref<1x80x128xf32, #tpu.memory_space<vmem>> -> memref<80x128xf32, #tpu.memory_space<vmem>>
    tpu.enqueue_dma source(%dma_start3A_192 : memref<80x128xf32, #tpu.memory_space<vmem>>) target(%dma_start3A_188 : memref<80x128xf32, #tpu.memory_space<hbm>>) target_semaphore(%arg14 : memref<!tpu.dma_semaphore, #tpu.memory_space<semaphore_mem>>)
    %dma_wait3A_193 = arith.constant 2 : i32
    %dma_wait3A_194 = arith.constant 0 : i32
    %dma_wait3A_195 = arith.constant 0 : i32
    %dma_wait3A_196 = tpu.memref_slice %arg6[%dma_wait3A_193, %dma_wait3A_194, %dma_wait3A_195] : memref<4x80x128xf32, #tpu.memory_space<vmem>> -> memref<1x80x128xf32, #tpu.memory_space<vmem>>
    %dma_wait3A_197 = tpu.memref_squeeze %dma_wait3A_196 : memref<1x80x128xf32, #tpu.memory_space<vmem>> -> memref<80x128xf32, #tpu.memory_space<vmem>>
    %dma_wait3A_198 = arith.constant 0 : i32
    %dma_wait3A_199 = arith.constant 0 : i32
    %dma_wait3A_200 = tpu.memref_slice %arg4[%dma_wait3A_198, %dma_wait3A_199] : memref<327680x128xf32, #tpu.memory_space<hbm>> -> memref<80x128xf32, #tpu.memory_space<hbm>>
    %dma_wait3A_201 = arith.constant 0 : i32
    %dma_wait3A_202 = arith.constant 0 : i32
    %dma_wait3A_203 = tpu.memref_slice %arg4[%dma_wait3A_201, %dma_wait3A_202] : memref<327680x128xf32, #tpu.memory_space<hbm>> -> memref<80x128xf32, #tpu.memory_space<hbm>>
    %dma_wait3A_204 = arith.constant 0 : i32
    %dma_wait3A_205 = arith.constant 0 : i32
    %dma_wait3A_206 = tpu.memref_slice %arg6[%dma_wait3A_193, %dma_wait3A_204, %dma_wait3A_205] : memref<4x80x128xf32, #tpu.memory_space<vmem>> -> memref<1x80x128xf32, #tpu.memory_space<vmem>>
    %dma_wait3A_207 = tpu.memref_squeeze %dma_wait3A_206 : memref<1x80x128xf32, #tpu.memory_space<vmem>> -> memref<80x128xf32, #tpu.memory_space<vmem>>
    tpu.wait_dma2 semaphore(%arg13 : memref<!tpu.dma_semaphore, #tpu.memory_space<semaphore_mem>>) src(%dma_wait3A_207 : memref<80x128xf32, #tpu.memory_space<vmem>>) dst(%dma_wait3A_203 : memref<80x128xf32, #tpu.memory_space<hbm>>)
    %dma_start3A_208 = arith.constant 2 : i32
    %dma_start3A_209 = arith.constant 0 : i32
    %dma_start3A_210 = arith.constant 0 : i32
    %dma_start3A_211 = tpu.memref_slice %arg6[%dma_start3A_208, %dma_start3A_209, %dma_start3A_210] : memref<4x80x128xf32, #tpu.memory_space<vmem>> -> memref<1x80x128xf32, #tpu.memory_space<vmem>>
    %dma_start3A_212 = tpu.memref_squeeze %dma_start3A_211 : memref<1x80x128xf32, #tpu.memory_space<vmem>> -> memref<80x128xf32, #tpu.memory_space<vmem>>
    %dma_start3A_213 = arith.constant 480 : i32
    %dma_start3A_214 = tpu.memref_slice %arg5[%dma_start3A_213] : memref<10240xi32, #tpu.memory_space<vmem>> -> memref<80xi32, #tpu.memory_space<vmem>>
    %dma_start3A_215 = arith.constant 0 : i32
    %dma_start3A_216 = arith.constant 0 : i32
    %dma_start3A_217 = tpu.memref_slice %arg2[%dma_start3A_215, %dma_start3A_216] : memref<16384x128xf32, #tpu.memory_space<hbm>> -> memref<16384x128xf32, #tpu.memory_space<hbm>>
    tpu.enqueue_indirect_dma source(%dma_start3A_217 : memref<16384x128xf32, #tpu.memory_space<hbm>>) target(%dma_start3A_212 : memref<80x128xf32, #tpu.memory_space<vmem>>) offsets(%dma_start3A_214 : memref<80xi32, #tpu.memory_space<vmem>>) semaphore(%arg9 : memref<!tpu.dma_semaphore, #tpu.memory_space<semaphore_mem>>)
    %scan3A = arith.constant 0 : i32
    %scan3A_218 = arith.constant 1 : i32
    %scan3A_219 = arith.constant 31 : i32
    %scan3A_220 = arith.addi %scan3A_218, %scan3A_219 : i32
    %scan3A_221 = arith.constant 1 : i32
    %scan3A_222 = scf.for %scan3A_284 = %scan3A_218 to %scan3A_220 step %scan3A_221 iter_args(%scan3A_285 = %scan3A) -> (i32)  : i32 {
      %mul3A_286 = arith.constant 4 : i32
      %mul3A_287 = arith.muli %scan3A_284, %mul3A_286 : i32
      %add3A_288 = arith.constant 0 : i32
      %add3A_289 = arith.addi %mul3A_287, %add3A_288 : i32
      %dma_wait3A_290 = arith.constant 0 : i32
      %dma_wait3A_291 = arith.constant 0 : i32
      %dma_wait3A_292 = arith.constant 0 : i32
      %dma_wait3A_293 = tpu.memref_slice %arg6[%dma_wait3A_290, %dma_wait3A_291, %dma_wait3A_292] : memref<4x80x128xf32, #tpu.memory_space<vmem>> -> memref<1x80x128xf32, #tpu.memory_space<vmem>>
      %dma_wait3A_294 = tpu.memref_squeeze %dma_wait3A_293 : memref<1x80x128xf32, #tpu.memory_space<vmem>> -> memref<80x128xf32, #tpu.memory_space<vmem>>
      %dma_wait3A_295 = arith.constant 0 : i32
      %dma_wait3A_296 = tpu.memref_slice %arg5[%dma_wait3A_295] : memref<10240xi32, #tpu.memory_space<vmem>> -> memref<80xi32, #tpu.memory_space<vmem>>
      %dma_wait3A_297 = arith.constant 0 : i32
      %dma_wait3A_298 = arith.constant 0 : i32
      %dma_wait3A_299 = tpu.memref_slice %arg2[%dma_wait3A_297, %dma_wait3A_298] : memref<16384x128xf32, #tpu.memory_space<hbm>> -> memref<16384x128xf32, #tpu.memory_space<hbm>>
      tpu.wait_indirect_dma semaphore(%arg7 : memref<!tpu.dma_semaphore, #tpu.memory_space<semaphore_mem>>) src(%dma_wait3A_299 : memref<16384x128xf32, #tpu.memory_space<hbm>>) dst(%dma_wait3A_294 : memref<80x128xf32, #tpu.memory_space<vmem>>)
      %mul3A_300 = arith.constant 80 : i32
      %mul3A_301 = arith.muli %add3A_289, %mul3A_300 : i32
      %add3A_302 = arith.addi %mul3A_4, %mul3A_301 : i32
      %dma_start3A_303 = arith.constant 0 : i32
      %dma_start3A_304 = arith.constant 0 : i32
      %dma_start3A_305 = arith.constant 0 : i32
      %dma_start3A_306 = tpu.memref_slice %arg6[%dma_start3A_303, %dma_start3A_304, %dma_start3A_305] : memref<4x80x128xf32, #tpu.memory_space<vmem>> -> memref<1x80x128xf32, #tpu.memory_space<vmem>>
      %dma_start3A_307 = tpu.memref_squeeze %dma_start3A_306 : memref<1x80x128xf32, #tpu.memory_space<vmem>> -> memref<80x128xf32, #tpu.memory_space<vmem>>
      %dma_start3A_308 = arith.constant 0 : i32
      %dma_start3A_309 = tpu.memref_slice %arg4[%add3A_302, %dma_start3A_308] : memref<327680x128xf32, #tpu.memory_space<hbm>> -> memref<80x128xf32, #tpu.memory_space<hbm>>
      %dma_start3A_310 = arith.constant 0 : i32
      %dma_start3A_311 = tpu.memref_slice %arg4[%add3A_302, %dma_start3A_310] : memref<327680x128xf32, #tpu.memory_space<hbm>> -> memref<80x128xf32, #tpu.memory_space<hbm>>
      %dma_start3A_312 = arith.constant 0 : i32
      %dma_start3A_313 = arith.constant 0 : i32
      %dma_start3A_314 = tpu.memref_slice %arg6[%dma_start3A_303, %dma_start3A_312, %dma_start3A_313] : memref<4x80x128xf32, #tpu.memory_space<vmem>> -> memref<1x80x128xf32, #tpu.memory_space<vmem>>
      %dma_start3A_315 = tpu.memref_squeeze %dma_start3A_314 : memref<1x80x128xf32, #tpu.memory_space<vmem>> -> memref<80x128xf32, #tpu.memory_space<vmem>>
      tpu.enqueue_dma source(%dma_start3A_315 : memref<80x128xf32, #tpu.memory_space<vmem>>) target(%dma_start3A_311 : memref<80x128xf32, #tpu.memory_space<hbm>>) target_semaphore(%arg11 : memref<!tpu.dma_semaphore, #tpu.memory_space<semaphore_mem>>)
      %add3A_316 = arith.constant 3 : i32
      %add3A_317 = arith.addi %add3A_289, %add3A_316 : i32
      %lt3A = arith.constant 128 : i32
      %lt3A_318 = arith.cmpi slt, %add3A_317, %lt3A : i32
      %convert_element_type3A = arith.extui %lt3A_318 : i1 to i32
      %cond3A = arith.constant 0 : i32
      %cond3A_319 = arith.cmpi ne, %convert_element_type3A, %cond3A : i32
      scf.if %cond3A_319 {
        %dma_wait3A_432 = arith.constant 3 : i32
        %dma_wait3A_433 = arith.constant 0 : i32
        %dma_wait3A_434 = arith.constant 0 : i32
        %dma_wait3A_435 = tpu.memref_slice %arg6[%dma_wait3A_432, %dma_wait3A_433, %dma_wait3A_434] : memref<4x80x128xf32, #tpu.memory_space<vmem>> -> memref<1x80x128xf32, #tpu.memory_space<vmem>>
        %dma_wait3A_436 = tpu.memref_squeeze %dma_wait3A_435 : memref<1x80x128xf32, #tpu.memory_space<vmem>> -> memref<80x128xf32, #tpu.memory_space<vmem>>
        %dma_wait3A_437 = arith.constant 0 : i32
        %dma_wait3A_438 = arith.constant 0 : i32
        %dma_wait3A_439 = tpu.memref_slice %arg4[%dma_wait3A_437, %dma_wait3A_438] : memref<327680x128xf32, #tpu.memory_space<hbm>> -> memref<80x128xf32, #tpu.memory_space<hbm>>
        %dma_wait3A_440 = arith.constant 0 : i32
        %dma_wait3A_441 = arith.constant 0 : i32
        %dma_wait3A_442 = tpu.memref_slice %arg4[%dma_wait3A_440, %dma_wait3A_441] : memref<327680x128xf32, #tpu.memory_space<hbm>> -> memref<80x128xf32, #tpu.memory_space<hbm>>
        %dma_wait3A_443 = arith.constant 0 : i32
        %dma_wait3A_444 = arith.constant 0 : i32
        %dma_wait3A_445 = tpu.memref_slice %arg6[%dma_wait3A_432, %dma_wait3A_443, %dma_wait3A_444] : memref<4x80x128xf32, #tpu.memory_space<vmem>> -> memref<1x80x128xf32, #tpu.memory_space<vmem>>
        %dma_wait3A_446 = tpu.memref_squeeze %dma_wait3A_445 : memref<1x80x128xf32, #tpu.memory_space<vmem>> -> memref<80x128xf32, #tpu.memory_space<vmem>>
        tpu.wait_dma2 semaphore(%arg14 : memref<!tpu.dma_semaphore, #tpu.memory_space<semaphore_mem>>) src(%dma_wait3A_446 : memref<80x128xf32, #tpu.memory_space<vmem>>) dst(%dma_wait3A_442 : memref<80x128xf32, #tpu.memory_space<hbm>>)
        %add3A_447 = arith.constant 3 : i32
        %add3A_448 = arith.addi %add3A_289, %add3A_447 : i32
        %mul3A_449 = arith.constant 80 : i32
        %mul3A_450 = arith.muli %add3A_448, %mul3A_449 : i32
        %dma_start3A_451 = arith.constant 3 : i32
        %dma_start3A_452 = arith.constant 0 : i32
        %dma_start3A_453 = arith.constant 0 : i32
        %dma_start3A_454 = tpu.memref_slice %arg6[%dma_start3A_451, %dma_start3A_452, %dma_start3A_453] : memref<4x80x128xf32, #tpu.memory_space<vmem>> -> memref<1x80x128xf32, #tpu.memory_space<vmem>>
        %dma_start3A_455 = tpu.memref_squeeze %dma_start3A_454 : memref<1x80x128xf32, #tpu.memory_space<vmem>> -> memref<80x128xf32, #tpu.memory_space<vmem>>
        %dma_start3A_456 = tpu.memref_slice %arg5[%mul3A_450] : memref<10240xi32, #tpu.memory_space<vmem>> -> memref<80xi32, #tpu.memory_space<vmem>>
        %dma_start3A_457 = arith.constant 0 : i32
        %dma_start3A_458 = arith.constant 0 : i32
        %dma_start3A_459 = tpu.memref_slice %arg2[%dma_start3A_457, %dma_start3A_458] : memref<16384x128xf32, #tpu.memory_space<hbm>> -> memref<16384x128xf32, #tpu.memory_space<hbm>>
        tpu.enqueue_indirect_dma source(%dma_start3A_459 : memref<16384x128xf32, #tpu.memory_space<hbm>>) target(%dma_start3A_455 : memref<80x128xf32, #tpu.memory_space<vmem>>) offsets(%dma_start3A_456 : memref<80xi32, #tpu.memory_space<vmem>>) semaphore(%arg10 : memref<!tpu.dma_semaphore, #tpu.memory_space<semaphore_mem>>)
      } else {
      }
      %mul3A_320 = arith.constant 4 : i32
      %mul3A_321 = arith.muli %scan3A_284, %mul3A_320 : i32
      %add3A_322 = arith.constant 1 : i32
      %add3A_323 = arith.addi %mul3A_321, %add3A_322 : i32
      %dma_wait3A_324 = arith.constant 1 : i32
      %dma_wait3A_325 = arith.constant 0 : i32
      %dma_wait3A_326 = arith.constant 0 : i32
      %dma_wait3A_327 = tpu.memref_slice %arg6[%dma_wait3A_324, %dma_wait3A_325, %dma_wait3A_326] : memref<4x80x128xf32, #tpu.memory_space<vmem>> -> memref<1x80x128xf32, #tpu.memory_space<vmem>>
      %dma_wait3A_328 = tpu.memref_squeeze %dma_wait3A_327 : memref<1x80x128xf32, #tpu.memory_space<vmem>> -> memref<80x128xf32, #tpu.memory_space<vmem>>
      %dma_wait3A_329 = arith.constant 0 : i32
      %dma_wait3A_330 = tpu.memref_slice %arg5[%dma_wait3A_329] : memref<10240xi32, #tpu.memory_space<vmem>> -> memref<80xi32, #tpu.memory_space<vmem>>
      %dma_wait3A_331 = arith.constant 0 : i32
      %dma_wait3A_332 = arith.constant 0 : i32
      %dma_wait3A_333 = tpu.memref_slice %arg2[%dma_wait3A_331, %dma_wait3A_332] : memref<16384x128xf32, #tpu.memory_space<hbm>> -> memref<16384x128xf32, #tpu.memory_space<hbm>>
      tpu.wait_indirect_dma semaphore(%arg8 : memref<!tpu.dma_semaphore, #tpu.memory_space<semaphore_mem>>) src(%dma_wait3A_333 : memref<16384x128xf32, #tpu.memory_space<hbm>>) dst(%dma_wait3A_328 : memref<80x128xf32, #tpu.memory_space<vmem>>)
      %mul3A_334 = arith.constant 80 : i32
      %mul3A_335 = arith.muli %add3A_323, %mul3A_334 : i32
      %add3A_336 = arith.addi %mul3A_4, %mul3A_335 : i32
      %dma_start3A_337 = arith.constant 1 : i32
      %dma_start3A_338 = arith.constant 0 : i32
      %dma_start3A_339 = arith.constant 0 : i32
      %dma_start3A_340 = tpu.memref_slice %arg6[%dma_start3A_337, %dma_start3A_338, %dma_start3A_339] : memref<4x80x128xf32, #tpu.memory_space<vmem>> -> memref<1x80x128xf32, #tpu.memory_space<vmem>>
      %dma_start3A_341 = tpu.memref_squeeze %dma_start3A_340 : memref<1x80x128xf32, #tpu.memory_space<vmem>> -> memref<80x128xf32, #tpu.memory_space<vmem>>
      %dma_start3A_342 = arith.constant 0 : i32
      %dma_start3A_343 = tpu.memref_slice %arg4[%add3A_336, %dma_start3A_342] : memref<327680x128xf32, #tpu.memory_space<hbm>> -> memref<80x128xf32, #tpu.memory_space<hbm>>
      %dma_start3A_344 = arith.constant 0 : i32
      %dma_start3A_345 = tpu.memref_slice %arg4[%add3A_336, %dma_start3A_344] : memref<327680x128xf32, #tpu.memory_space<hbm>> -> memref<80x128xf32, #tpu.memory_space<hbm>>
      %dma_start3A_346 = arith.constant 0 : i32
      %dma_start3A_347 = arith.constant 0 : i32
      %dma_start3A_348 = tpu.memref_slice %arg6[%dma_start3A_337, %dma_start3A_346, %dma_start3A_347] : memref<4x80x128xf32, #tpu.memory_space<vmem>> -> memref<1x80x128xf32, #tpu.memory_space<vmem>>
      %dma_start3A_349 = tpu.memref_squeeze %dma_start3A_348 : memref<1x80x128xf32, #tpu.memory_space<vmem>> -> memref<80x128xf32, #tpu.memory_space<vmem>>
      tpu.enqueue_dma source(%dma_start3A_349 : memref<80x128xf32, #tpu.memory_space<vmem>>) target(%dma_start3A_345 : memref<80x128xf32, #tpu.memory_space<hbm>>) target_semaphore(%arg12 : memref<!tpu.dma_semaphore, #tpu.memory_space<semaphore_mem>>)
      %add3A_350 = arith.constant 3 : i32
      %add3A_351 = arith.addi %add3A_323, %add3A_350 : i32
      %lt3A_352 = arith.constant 128 : i32
      %lt3A_353 = arith.cmpi slt, %add3A_351, %lt3A_352 : i32
      %convert_element_type3A_354 = arith.extui %lt3A_353 : i1 to i32
      %cond3A_355 = arith.constant 0 : i32
      %cond3A_356 = arith.cmpi ne, %convert_element_type3A_354, %cond3A_355 : i32
      scf.if %cond3A_356 {
        %dma_wait3A_432 = arith.constant 0 : i32
        %dma_wait3A_433 = arith.constant 0 : i32
        %dma_wait3A_434 = arith.constant 0 : i32
        %dma_wait3A_435 = tpu.memref_slice %arg6[%dma_wait3A_432, %dma_wait3A_433, %dma_wait3A_434] : memref<4x80x128xf32, #tpu.memory_space<vmem>> -> memref<1x80x128xf32, #tpu.memory_space<vmem>>
        %dma_wait3A_436 = tpu.memref_squeeze %dma_wait3A_435 : memref<1x80x128xf32, #tpu.memory_space<vmem>> -> memref<80x128xf32, #tpu.memory_space<vmem>>
        %dma_wait3A_437 = arith.constant 0 : i32
        %dma_wait3A_438 = arith.constant 0 : i32
        %dma_wait3A_439 = tpu.memref_slice %arg4[%dma_wait3A_437, %dma_wait3A_438] : memref<327680x128xf32, #tpu.memory_space<hbm>> -> memref<80x128xf32, #tpu.memory_space<hbm>>
        %dma_wait3A_440 = arith.constant 0 : i32
        %dma_wait3A_441 = arith.constant 0 : i32
        %dma_wait3A_442 = tpu.memref_slice %arg4[%dma_wait3A_440, %dma_wait3A_441] : memref<327680x128xf32, #tpu.memory_space<hbm>> -> memref<80x128xf32, #tpu.memory_space<hbm>>
        %dma_wait3A_443 = arith.constant 0 : i32
        %dma_wait3A_444 = arith.constant 0 : i32
        %dma_wait3A_445 = tpu.memref_slice %arg6[%dma_wait3A_432, %dma_wait3A_443, %dma_wait3A_444] : memref<4x80x128xf32, #tpu.memory_space<vmem>> -> memref<1x80x128xf32, #tpu.memory_space<vmem>>
        %dma_wait3A_446 = tpu.memref_squeeze %dma_wait3A_445 : memref<1x80x128xf32, #tpu.memory_space<vmem>> -> memref<80x128xf32, #tpu.memory_space<vmem>>
        tpu.wait_dma2 semaphore(%arg11 : memref<!tpu.dma_semaphore, #tpu.memory_space<semaphore_mem>>) src(%dma_wait3A_446 : memref<80x128xf32, #tpu.memory_space<vmem>>) dst(%dma_wait3A_442 : memref<80x128xf32, #tpu.memory_space<hbm>>)
        %add3A_447 = arith.constant 3 : i32
        %add3A_448 = arith.addi %add3A_323, %add3A_447 : i32
        %mul3A_449 = arith.constant 80 : i32
        %mul3A_450 = arith.muli %add3A_448, %mul3A_449 : i32
        %dma_start3A_451 = arith.constant 0 : i32
        %dma_start3A_452 = arith.constant 0 : i32
        %dma_start3A_453 = arith.constant 0 : i32
        %dma_start3A_454 = tpu.memref_slice %arg6[%dma_start3A_451, %dma_start3A_452, %dma_start3A_453] : memref<4x80x128xf32, #tpu.memory_space<vmem>> -> memref<1x80x128xf32, #tpu.memory_space<vmem>>
        %dma_start3A_455 = tpu.memref_squeeze %dma_start3A_454 : memref<1x80x128xf32, #tpu.memory_space<vmem>> -> memref<80x128xf32, #tpu.memory_space<vmem>>
        %dma_start3A_456 = tpu.memref_slice %arg5[%mul3A_450] : memref<10240xi32, #tpu.memory_space<vmem>> -> memref<80xi32, #tpu.memory_space<vmem>>
        %dma_start3A_457 = arith.constant 0 : i32
        %dma_start3A_458 = arith.constant 0 : i32
        %dma_start3A_459 = tpu.memref_slice %arg2[%dma_start3A_457, %dma_start3A_458] : memref<16384x128xf32, #tpu.memory_space<hbm>> -> memref<16384x128xf32, #tpu.memory_space<hbm>>
        tpu.enqueue_indirect_dma source(%dma_start3A_459 : memref<16384x128xf32, #tpu.memory_space<hbm>>) target(%dma_start3A_455 : memref<80x128xf32, #tpu.memory_space<vmem>>) offsets(%dma_start3A_456 : memref<80xi32, #tpu.memory_space<vmem>>) semaphore(%arg7 : memref<!tpu.dma_semaphore, #tpu.memory_space<semaphore_mem>>)
      } else {
      }
      %mul3A_357 = arith.constant 4 : i32
      %mul3A_358 = arith.muli %scan3A_284, %mul3A_357 : i32
      %add3A_359 = arith.constant 2 : i32
      %add3A_360 = arith.addi %mul3A_358, %add3A_359 : i32
      %dma_wait3A_361 = arith.constant 2 : i32
      %dma_wait3A_362 = arith.constant 0 : i32
      %dma_wait3A_363 = arith.constant 0 : i32
      %dma_wait3A_364 = tpu.memref_slice %arg6[%dma_wait3A_361, %dma_wait3A_362, %dma_wait3A_363] : memref<4x80x128xf32, #tpu.memory_space<vmem>> -> memref<1x80x128xf32, #tpu.memory_space<vmem>>
      %dma_wait3A_365 = tpu.memref_squeeze %dma_wait3A_364 : memref<1x80x128xf32, #tpu.memory_space<vmem>> -> memref<80x128xf32, #tpu.memory_space<vmem>>
      %dma_wait3A_366 = arith.constant 0 : i32
      %dma_wait3A_367 = tpu.memref_slice %arg5[%dma_wait3A_366] : memref<10240xi32, #tpu.memory_space<vmem>> -> memref<80xi32, #tpu.memory_space<vmem>>
      %dma_wait3A_368 = arith.constant 0 : i32
      %dma_wait3A_369 = arith.constant 0 : i32
      %dma_wait3A_370 = tpu.memref_slice %arg2[%dma_wait3A_368, %dma_wait3A_369] : memref<16384x128xf32, #tpu.memory_space<hbm>> -> memref<16384x128xf32, #tpu.memory_space<hbm>>
      tpu.wait_indirect_dma semaphore(%arg9 : memref<!tpu.dma_semaphore, #tpu.memory_space<semaphore_mem>>) src(%dma_wait3A_370 : memref<16384x128xf32, #tpu.memory_space<hbm>>) dst(%dma_wait3A_365 : memref<80x128xf32, #tpu.memory_space<vmem>>)
      %mul3A_371 = arith.constant 80 : i32
      %mul3A_372 = arith.muli %add3A_360, %mul3A_371 : i32
      %add3A_373 = arith.addi %mul3A_4, %mul3A_372 : i32
      %dma_start3A_374 = arith.constant 2 : i32
      %dma_start3A_375 = arith.constant 0 : i32
      %dma_start3A_376 = arith.constant 0 : i32
      %dma_start3A_377 = tpu.memref_slice %arg6[%dma_start3A_374, %dma_start3A_375, %dma_start3A_376] : memref<4x80x128xf32, #tpu.memory_space<vmem>> -> memref<1x80x128xf32, #tpu.memory_space<vmem>>
      %dma_start3A_378 = tpu.memref_squeeze %dma_start3A_377 : memref<1x80x128xf32, #tpu.memory_space<vmem>> -> memref<80x128xf32, #tpu.memory_space<vmem>>
      %dma_start3A_379 = arith.constant 0 : i32
      %dma_start3A_380 = tpu.memref_slice %arg4[%add3A_373, %dma_start3A_379] : memref<327680x128xf32, #tpu.memory_space<hbm>> -> memref<80x128xf32, #tpu.memory_space<hbm>>
      %dma_start3A_381 = arith.constant 0 : i32
      %dma_start3A_382 = tpu.memref_slice %arg4[%add3A_373, %dma_start3A_381] : memref<327680x128xf32, #tpu.memory_space<hbm>> -> memref<80x128xf32, #tpu.memory_space<hbm>>
      %dma_start3A_383 = arith.constant 0 : i32
      %dma_start3A_384 = arith.constant 0 : i32
      %dma_start3A_385 = tpu.memref_slice %arg6[%dma_start3A_374, %dma_start3A_383, %dma_start3A_384] : memref<4x80x128xf32, #tpu.memory_space<vmem>> -> memref<1x80x128xf32, #tpu.memory_space<vmem>>
      %dma_start3A_386 = tpu.memref_squeeze %dma_start3A_385 : memref<1x80x128xf32, #tpu.memory_space<vmem>> -> memref<80x128xf32, #tpu.memory_space<vmem>>
      tpu.enqueue_dma source(%dma_start3A_386 : memref<80x128xf32, #tpu.memory_space<vmem>>) target(%dma_start3A_382 : memref<80x128xf32, #tpu.memory_space<hbm>>) target_semaphore(%arg13 : memref<!tpu.dma_semaphore, #tpu.memory_space<semaphore_mem>>)
      %add3A_387 = arith.constant 3 : i32
      %add3A_388 = arith.addi %add3A_360, %add3A_387 : i32
      %lt3A_389 = arith.constant 128 : i32
      %lt3A_390 = arith.cmpi slt, %add3A_388, %lt3A_389 : i32
      %convert_element_type3A_391 = arith.extui %lt3A_390 : i1 to i32
      %cond3A_392 = arith.constant 0 : i32
      %cond3A_393 = arith.cmpi ne, %convert_element_type3A_391, %cond3A_392 : i32
      scf.if %cond3A_393 {
        %dma_wait3A_432 = arith.constant 1 : i32
        %dma_wait3A_433 = arith.constant 0 : i32
        %dma_wait3A_434 = arith.constant 0 : i32
        %dma_wait3A_435 = tpu.memref_slice %arg6[%dma_wait3A_432, %dma_wait3A_433, %dma_wait3A_434] : memref<4x80x128xf32, #tpu.memory_space<vmem>> -> memref<1x80x128xf32, #tpu.memory_space<vmem>>
        %dma_wait3A_436 = tpu.memref_squeeze %dma_wait3A_435 : memref<1x80x128xf32, #tpu.memory_space<vmem>> -> memref<80x128xf32, #tpu.memory_space<vmem>>
        %dma_wait3A_437 = arith.constant 0 : i32
        %dma_wait3A_438 = arith.constant 0 : i32
        %dma_wait3A_439 = tpu.memref_slice %arg4[%dma_wait3A_437, %dma_wait3A_438] : memref<327680x128xf32, #tpu.memory_space<hbm>> -> memref<80x128xf32, #tpu.memory_space<hbm>>
        %dma_wait3A_440 = arith.constant 0 : i32
        %dma_wait3A_441 = arith.constant 0 : i32
        %dma_wait3A_442 = tpu.memref_slice %arg4[%dma_wait3A_440, %dma_wait3A_441] : memref<327680x128xf32, #tpu.memory_space<hbm>> -> memref<80x128xf32, #tpu.memory_space<hbm>>
        %dma_wait3A_443 = arith.constant 0 : i32
        %dma_wait3A_444 = arith.constant 0 : i32
        %dma_wait3A_445 = tpu.memref_slice %arg6[%dma_wait3A_432, %dma_wait3A_443, %dma_wait3A_444] : memref<4x80x128xf32, #tpu.memory_space<vmem>> -> memref<1x80x128xf32, #tpu.memory_space<vmem>>
        %dma_wait3A_446 = tpu.memref_squeeze %dma_wait3A_445 : memref<1x80x128xf32, #tpu.memory_space<vmem>> -> memref<80x128xf32, #tpu.memory_space<vmem>>
        tpu.wait_dma2 semaphore(%arg12 : memref<!tpu.dma_semaphore, #tpu.memory_space<semaphore_mem>>) src(%dma_wait3A_446 : memref<80x128xf32, #tpu.memory_space<vmem>>) dst(%dma_wait3A_442 : memref<80x128xf32, #tpu.memory_space<hbm>>)
        %add3A_447 = arith.constant 3 : i32
        %add3A_448 = arith.addi %add3A_360, %add3A_447 : i32
        %mul3A_449 = arith.constant 80 : i32
        %mul3A_450 = arith.muli %add3A_448, %mul3A_449 : i32
        %dma_start3A_451 = arith.constant 1 : i32
        %dma_start3A_452 = arith.constant 0 : i32
        %dma_start3A_453 = arith.constant 0 : i32
        %dma_start3A_454 = tpu.memref_slice %arg6[%dma_start3A_451, %dma_start3A_452, %dma_start3A_453] : memref<4x80x128xf32, #tpu.memory_space<vmem>> -> memref<1x80x128xf32, #tpu.memory_space<vmem>>
        %dma_start3A_455 = tpu.memref_squeeze %dma_start3A_454 : memref<1x80x128xf32, #tpu.memory_space<vmem>> -> memref<80x128xf32, #tpu.memory_space<vmem>>
        %dma_start3A_456 = tpu.memref_slice %arg5[%mul3A_450] : memref<10240xi32, #tpu.memory_space<vmem>> -> memref<80xi32, #tpu.memory_space<vmem>>
        %dma_start3A_457 = arith.constant 0 : i32
        %dma_start3A_458 = arith.constant 0 : i32
        %dma_start3A_459 = tpu.memref_slice %arg2[%dma_start3A_457, %dma_start3A_458] : memref<16384x128xf32, #tpu.memory_space<hbm>> -> memref<16384x128xf32, #tpu.memory_space<hbm>>
        tpu.enqueue_indirect_dma source(%dma_start3A_459 : memref<16384x128xf32, #tpu.memory_space<hbm>>) target(%dma_start3A_455 : memref<80x128xf32, #tpu.memory_space<vmem>>) offsets(%dma_start3A_456 : memref<80xi32, #tpu.memory_space<vmem>>) semaphore(%arg8 : memref<!tpu.dma_semaphore, #tpu.memory_space<semaphore_mem>>)
      } else {
      }
      %mul3A_394 = arith.constant 4 : i32
      %mul3A_395 = arith.muli %scan3A_284, %mul3A_394 : i32
      %add3A_396 = arith.constant 3 : i32
      %add3A_397 = arith.addi %mul3A_395, %add3A_396 : i32
      %dma_wait3A_398 = arith.constant 3 : i32
      %dma_wait3A_399 = arith.constant 0 : i32
      %dma_wait3A_400 = arith.constant 0 : i32
      %dma_wait3A_401 = tpu.memref_slice %arg6[%dma_wait3A_398, %dma_wait3A_399, %dma_wait3A_400] : memref<4x80x128xf32, #tpu.memory_space<vmem>> -> memref<1x80x128xf32, #tpu.memory_space<vmem>>
      %dma_wait3A_402 = tpu.memref_squeeze %dma_wait3A_401 : memref<1x80x128xf32, #tpu.memory_space<vmem>> -> memref<80x128xf32, #tpu.memory_space<vmem>>
      %dma_wait3A_403 = arith.constant 0 : i32
      %dma_wait3A_404 = tpu.memref_slice %arg5[%dma_wait3A_403] : memref<10240xi32, #tpu.memory_space<vmem>> -> memref<80xi32, #tpu.memory_space<vmem>>
      %dma_wait3A_405 = arith.constant 0 : i32
      %dma_wait3A_406 = arith.constant 0 : i32
      %dma_wait3A_407 = tpu.memref_slice %arg2[%dma_wait3A_405, %dma_wait3A_406] : memref<16384x128xf32, #tpu.memory_space<hbm>> -> memref<16384x128xf32, #tpu.memory_space<hbm>>
      tpu.wait_indirect_dma semaphore(%arg10 : memref<!tpu.dma_semaphore, #tpu.memory_space<semaphore_mem>>) src(%dma_wait3A_407 : memref<16384x128xf32, #tpu.memory_space<hbm>>) dst(%dma_wait3A_402 : memref<80x128xf32, #tpu.memory_space<vmem>>)
      %mul3A_408 = arith.constant 80 : i32
      %mul3A_409 = arith.muli %add3A_397, %mul3A_408 : i32
      %add3A_410 = arith.addi %mul3A_4, %mul3A_409 : i32
      %dma_start3A_411 = arith.constant 3 : i32
      %dma_start3A_412 = arith.constant 0 : i32
      %dma_start3A_413 = arith.constant 0 : i32
      %dma_start3A_414 = tpu.memref_slice %arg6[%dma_start3A_411, %dma_start3A_412, %dma_start3A_413] : memref<4x80x128xf32, #tpu.memory_space<vmem>> -> memref<1x80x128xf32, #tpu.memory_space<vmem>>
      %dma_start3A_415 = tpu.memref_squeeze %dma_start3A_414 : memref<1x80x128xf32, #tpu.memory_space<vmem>> -> memref<80x128xf32, #tpu.memory_space<vmem>>
      %dma_start3A_416 = arith.constant 0 : i32
      %dma_start3A_417 = tpu.memref_slice %arg4[%add3A_410, %dma_start3A_416] : memref<327680x128xf32, #tpu.memory_space<hbm>> -> memref<80x128xf32, #tpu.memory_space<hbm>>
      %dma_start3A_418 = arith.constant 0 : i32
      %dma_start3A_419 = tpu.memref_slice %arg4[%add3A_410, %dma_start3A_418] : memref<327680x128xf32, #tpu.memory_space<hbm>> -> memref<80x128xf32, #tpu.memory_space<hbm>>
      %dma_start3A_420 = arith.constant 0 : i32
      %dma_start3A_421 = arith.constant 0 : i32
      %dma_start3A_422 = tpu.memref_slice %arg6[%dma_start3A_411, %dma_start3A_420, %dma_start3A_421] : memref<4x80x128xf32, #tpu.memory_space<vmem>> -> memref<1x80x128xf32, #tpu.memory_space<vmem>>
      %dma_start3A_423 = tpu.memref_squeeze %dma_start3A_422 : memref<1x80x128xf32, #tpu.memory_space<vmem>> -> memref<80x128xf32, #tpu.memory_space<vmem>>
      tpu.enqueue_dma source(%dma_start3A_423 : memref<80x128xf32, #tpu.memory_space<vmem>>) target(%dma_start3A_419 : memref<80x128xf32, #tpu.memory_space<hbm>>) target_semaphore(%arg14 : memref<!tpu.dma_semaphore, #tpu.memory_space<semaphore_mem>>)
      %add3A_424 = arith.constant 3 : i32
      %add3A_425 = arith.addi %add3A_397, %add3A_424 : i32
      %lt3A_426 = arith.constant 128 : i32
      %lt3A_427 = arith.cmpi slt, %add3A_425, %lt3A_426 : i32
      %convert_element_type3A_428 = arith.extui %lt3A_427 : i1 to i32
      %cond3A_429 = arith.constant 0 : i32
      %cond3A_430 = arith.cmpi ne, %convert_element_type3A_428, %cond3A_429 : i32
      scf.if %cond3A_430 {
        %dma_wait3A_432 = arith.constant 2 : i32
        %dma_wait3A_433 = arith.constant 0 : i32
        %dma_wait3A_434 = arith.constant 0 : i32
        %dma_wait3A_435 = tpu.memref_slice %arg6[%dma_wait3A_432, %dma_wait3A_433, %dma_wait3A_434] : memref<4x80x128xf32, #tpu.memory_space<vmem>> -> memref<1x80x128xf32, #tpu.memory_space<vmem>>
        %dma_wait3A_436 = tpu.memref_squeeze %dma_wait3A_435 : memref<1x80x128xf32, #tpu.memory_space<vmem>> -> memref<80x128xf32, #tpu.memory_space<vmem>>
        %dma_wait3A_437 = arith.constant 0 : i32
        %dma_wait3A_438 = arith.constant 0 : i32
        %dma_wait3A_439 = tpu.memref_slice %arg4[%dma_wait3A_437, %dma_wait3A_438] : memref<327680x128xf32, #tpu.memory_space<hbm>> -> memref<80x128xf32, #tpu.memory_space<hbm>>
        %dma_wait3A_440 = arith.constant 0 : i32
        %dma_wait3A_441 = arith.constant 0 : i32
        %dma_wait3A_442 = tpu.memref_slice %arg4[%dma_wait3A_440, %dma_wait3A_441] : memref<327680x128xf32, #tpu.memory_space<hbm>> -> memref<80x128xf32, #tpu.memory_space<hbm>>
        %dma_wait3A_443 = arith.constant 0 : i32
        %dma_wait3A_444 = arith.constant 0 : i32
        %dma_wait3A_445 = tpu.memref_slice %arg6[%dma_wait3A_432, %dma_wait3A_443, %dma_wait3A_444] : memref<4x80x128xf32, #tpu.memory_space<vmem>> -> memref<1x80x128xf32, #tpu.memory_space<vmem>>
        %dma_wait3A_446 = tpu.memref_squeeze %dma_wait3A_445 : memref<1x80x128xf32, #tpu.memory_space<vmem>> -> memref<80x128xf32, #tpu.memory_space<vmem>>
        tpu.wait_dma2 semaphore(%arg13 : memref<!tpu.dma_semaphore, #tpu.memory_space<semaphore_mem>>) src(%dma_wait3A_446 : memref<80x128xf32, #tpu.memory_space<vmem>>) dst(%dma_wait3A_442 : memref<80x128xf32, #tpu.memory_space<hbm>>)
        %add3A_447 = arith.constant 3 : i32
        %add3A_448 = arith.addi %add3A_397, %add3A_447 : i32
        %mul3A_449 = arith.constant 80 : i32
        %mul3A_450 = arith.muli %add3A_448, %mul3A_449 : i32
        %dma_start3A_451 = arith.constant 2 : i32
        %dma_start3A_452 = arith.constant 0 : i32
        %dma_start3A_453 = arith.constant 0 : i32
        %dma_start3A_454 = tpu.memref_slice %arg6[%dma_start3A_451, %dma_start3A_452, %dma_start3A_453] : memref<4x80x128xf32, #tpu.memory_space<vmem>> -> memref<1x80x128xf32, #tpu.memory_space<vmem>>
        %dma_start3A_455 = tpu.memref_squeeze %dma_start3A_454 : memref<1x80x128xf32, #tpu.memory_space<vmem>> -> memref<80x128xf32, #tpu.memory_space<vmem>>
        %dma_start3A_456 = tpu.memref_slice %arg5[%mul3A_450] : memref<10240xi32, #tpu.memory_space<vmem>> -> memref<80xi32, #tpu.memory_space<vmem>>
        %dma_start3A_457 = arith.constant 0 : i32
        %dma_start3A_458 = arith.constant 0 : i32
        %dma_start3A_459 = tpu.memref_slice %arg2[%dma_start3A_457, %dma_start3A_458] : memref<16384x128xf32, #tpu.memory_space<hbm>> -> memref<16384x128xf32, #tpu.memory_space<hbm>>
        tpu.enqueue_indirect_dma source(%dma_start3A_459 : memref<16384x128xf32, #tpu.memory_space<hbm>>) target(%dma_start3A_455 : memref<80x128xf32, #tpu.memory_space<vmem>>) offsets(%dma_start3A_456 : memref<80xi32, #tpu.memory_space<vmem>>) semaphore(%arg9 : memref<!tpu.dma_semaphore, #tpu.memory_space<semaphore_mem>>)
      } else {
      }
      %scan3A_431 = arith.constant 0 : i32
      scf.yield %scan3A_431 : i32
    }
    %scan3A_223 = arith.constant 31 : i32
    %dma_wait3A_224 = arith.constant 0 : i32
    %dma_wait3A_225 = arith.constant 0 : i32
    %dma_wait3A_226 = arith.constant 0 : i32
    %dma_wait3A_227 = tpu.memref_slice %arg6[%dma_wait3A_224, %dma_wait3A_225, %dma_wait3A_226] : memref<4x80x128xf32, #tpu.memory_space<vmem>> -> memref<1x80x128xf32, #tpu.memory_space<vmem>>
    %dma_wait3A_228 = tpu.memref_squeeze %dma_wait3A_227 : memref<1x80x128xf32, #tpu.memory_space<vmem>> -> memref<80x128xf32, #tpu.memory_space<vmem>>
    %dma_wait3A_229 = arith.constant 0 : i32
    %dma_wait3A_230 = arith.constant 0 : i32
    %dma_wait3A_231 = tpu.memref_slice %arg4[%dma_wait3A_229, %dma_wait3A_230] : memref<327680x128xf32, #tpu.memory_space<hbm>> -> memref<80x128xf32, #tpu.memory_space<hbm>>
    %dma_wait3A_232 = arith.constant 0 : i32
    %dma_wait3A_233 = arith.constant 0 : i32
    %dma_wait3A_234 = tpu.memref_slice %arg4[%dma_wait3A_232, %dma_wait3A_233] : memref<327680x128xf32, #tpu.memory_space<hbm>> -> memref<80x128xf32, #tpu.memory_space<hbm>>
    %dma_wait3A_235 = arith.constant 0 : i32
    %dma_wait3A_236 = arith.constant 0 : i32
    %dma_wait3A_237 = tpu.memref_slice %arg6[%dma_wait3A_224, %dma_wait3A_235, %dma_wait3A_236] : memref<4x80x128xf32, #tpu.memory_space<vmem>> -> memref<1x80x128xf32, #tpu.memory_space<vmem>>
    %dma_wait3A_238 = tpu.memref_squeeze %dma_wait3A_237 : memref<1x80x128xf32, #tpu.memory_space<vmem>> -> memref<80x128xf32, #tpu.memory_space<vmem>>
    tpu.wait_dma2 semaphore(%arg11 : memref<!tpu.dma_semaphore, #tpu.memory_space<semaphore_mem>>) src(%dma_wait3A_238 : memref<80x128xf32, #tpu.memory_space<vmem>>) dst(%dma_wait3A_234 : memref<80x128xf32, #tpu.memory_space<hbm>>)
    %dma_wait3A_239 = arith.constant 1 : i32
    %dma_wait3A_240 = arith.constant 0 : i32
    %dma_wait3A_241 = arith.constant 0 : i32
    %dma_wait3A_242 = tpu.memref_slice %arg6[%dma_wait3A_239, %dma_wait3A_240, %dma_wait3A_241] : memref<4x80x128xf32, #tpu.memory_space<vmem>> -> memref<1x80x128xf32, #tpu.memory_space<vmem>>
    %dma_wait3A_243 = tpu.memref_squeeze %dma_wait3A_242 : memref<1x80x128xf32, #tpu.memory_space<vmem>> -> memref<80x128xf32, #tpu.memory_space<vmem>>
    %dma_wait3A_244 = arith.constant 0 : i32
    %dma_wait3A_245 = arith.constant 0 : i32
    %dma_wait3A_246 = tpu.memref_slice %arg4[%dma_wait3A_244, %dma_wait3A_245] : memref<327680x128xf32, #tpu.memory_space<hbm>> -> memref<80x128xf32, #tpu.memory_space<hbm>>
    %dma_wait3A_247 = arith.constant 0 : i32
    %dma_wait3A_248 = arith.constant 0 : i32
    %dma_wait3A_249 = tpu.memref_slice %arg4[%dma_wait3A_247, %dma_wait3A_248] : memref<327680x128xf32, #tpu.memory_space<hbm>> -> memref<80x128xf32, #tpu.memory_space<hbm>>
    %dma_wait3A_250 = arith.constant 0 : i32
    %dma_wait3A_251 = arith.constant 0 : i32
    %dma_wait3A_252 = tpu.memref_slice %arg6[%dma_wait3A_239, %dma_wait3A_250, %dma_wait3A_251] : memref<4x80x128xf32, #tpu.memory_space<vmem>> -> memref<1x80x128xf32, #tpu.memory_space<vmem>>
    %dma_wait3A_253 = tpu.memref_squeeze %dma_wait3A_252 : memref<1x80x128xf32, #tpu.memory_space<vmem>> -> memref<80x128xf32, #tpu.memory_space<vmem>>
    tpu.wait_dma2 semaphore(%arg12 : memref<!tpu.dma_semaphore, #tpu.memory_space<semaphore_mem>>) src(%dma_wait3A_253 : memref<80x128xf32, #tpu.memory_space<vmem>>) dst(%dma_wait3A_249 : memref<80x128xf32, #tpu.memory_space<hbm>>)
    %dma_wait3A_254 = arith.constant 2 : i32
    %dma_wait3A_255 = arith.constant 0 : i32
    %dma_wait3A_256 = arith.constant 0 : i32
    %dma_wait3A_257 = tpu.memref_slice %arg6[%dma_wait3A_254, %dma_wait3A_255, %dma_wait3A_256] : memref<4x80x128xf32, #tpu.memory_space<vmem>> -> memref<1x80x128xf32, #tpu.memory_space<vmem>>
    %dma_wait3A_258 = tpu.memref_squeeze %dma_wait3A_257 : memref<1x80x128xf32, #tpu.memory_space<vmem>> -> memref<80x128xf32, #tpu.memory_space<vmem>>
    %dma_wait3A_259 = arith.constant 0 : i32
    %dma_wait3A_260 = arith.constant 0 : i32
    %dma_wait3A_261 = tpu.memref_slice %arg4[%dma_wait3A_259, %dma_wait3A_260] : memref<327680x128xf32, #tpu.memory_space<hbm>> -> memref<80x128xf32, #tpu.memory_space<hbm>>
    %dma_wait3A_262 = arith.constant 0 : i32
    %dma_wait3A_263 = arith.constant 0 : i32
    %dma_wait3A_264 = tpu.memref_slice %arg4[%dma_wait3A_262, %dma_wait3A_263] : memref<327680x128xf32, #tpu.memory_space<hbm>> -> memref<80x128xf32, #tpu.memory_space<hbm>>
    %dma_wait3A_265 = arith.constant 0 : i32
    %dma_wait3A_266 = arith.constant 0 : i32
    %dma_wait3A_267 = tpu.memref_slice %arg6[%dma_wait3A_254, %dma_wait3A_265, %dma_wait3A_266] : memref<4x80x128xf32, #tpu.memory_space<vmem>> -> memref<1x80x128xf32, #tpu.memory_space<vmem>>
    %dma_wait3A_268 = tpu.memref_squeeze %dma_wait3A_267 : memref<1x80x128xf32, #tpu.memory_space<vmem>> -> memref<80x128xf32, #tpu.memory_space<vmem>>
    tpu.wait_dma2 semaphore(%arg13 : memref<!tpu.dma_semaphore, #tpu.memory_space<semaphore_mem>>) src(%dma_wait3A_268 : memref<80x128xf32, #tpu.memory_space<vmem>>) dst(%dma_wait3A_264 : memref<80x128xf32, #tpu.memory_space<hbm>>)
    %dma_wait3A_269 = arith.constant 3 : i32
    %dma_wait3A_270 = arith.constant 0 : i32
    %dma_wait3A_271 = arith.constant 0 : i32
    %dma_wait3A_272 = tpu.memref_slice %arg6[%dma_wait3A_269, %dma_wait3A_270, %dma_wait3A_271] : memref<4x80x128xf32, #tpu.memory_space<vmem>> -> memref<1x80x128xf32, #tpu.memory_space<vmem>>
    %dma_wait3A_273 = tpu.memref_squeeze %dma_wait3A_272 : memref<1x80x128xf32, #tpu.memory_space<vmem>> -> memref<80x128xf32, #tpu.memory_space<vmem>>
    %dma_wait3A_274 = arith.constant 0 : i32
    %dma_wait3A_275 = arith.constant 0 : i32
    %dma_wait3A_276 = tpu.memref_slice %arg4[%dma_wait3A_274, %dma_wait3A_275] : memref<327680x128xf32, #tpu.memory_space<hbm>> -> memref<80x128xf32, #tpu.memory_space<hbm>>
    %dma_wait3A_277 = arith.constant 0 : i32
    %dma_wait3A_278 = arith.constant 0 : i32
    %dma_wait3A_279 = tpu.memref_slice %arg4[%dma_wait3A_277, %dma_wait3A_278] : memref<327680x128xf32, #tpu.memory_space<hbm>> -> memref<80x128xf32, #tpu.memory_space<hbm>>
    %dma_wait3A_280 = arith.constant 0 : i32
    %dma_wait3A_281 = arith.constant 0 : i32
    %dma_wait3A_282 = tpu.memref_slice %arg6[%dma_wait3A_269, %dma_wait3A_280, %dma_wait3A_281] : memref<4x80x128xf32, #tpu.memory_space<vmem>> -> memref<1x80x128xf32, #tpu.memory_space<vmem>>
    %dma_wait3A_283 = tpu.memref_squeeze %dma_wait3A_282 : memref<1x80x128xf32, #tpu.memory_space<vmem>> -> memref<80x128xf32, #tpu.memory_space<vmem>>
    tpu.wait_dma2 semaphore(%arg14 : memref<!tpu.dma_semaphore, #tpu.memory_space<semaphore_mem>>) src(%dma_wait3A_283 : memref<80x128xf32, #tpu.memory_space<vmem>>) dst(%dma_wait3A_279 : memref<80x128xf32, #tpu.memory_space<hbm>>)
    return
  }
}

#map = affine_map<(d0, d1) -> (0, 0)>
#map1 = affine_map<(d0, d1) -> (0)>
module attributes {stable_mosaic.version = 14 : i64} {
  func.func @k(%arg0: i32, %arg1: i32, %arg2: memref<16384x128xf32, #tpu.memory_space<hbm>>, %arg3: memref<327680xi32, #tpu.memory_space<hbm>>, %arg4: memref<327680x128xf32, #tpu.memory_space<hbm>>, %arg5: memref<10240xi32, #tpu.memory_space<vmem>>, %arg6: memref<4x80x128xf32, #tpu.memory_space<vmem>>, %arg7: memref<!tpu.dma_semaphore, #tpu.memory_space<semaphore_mem>>, %arg8: memref<!tpu.dma_semaphore, #tpu.memory_space<semaphore_mem>>, %arg9: memref<!tpu.dma_semaphore, #tpu.memory_space<semaphore_mem>>, %arg10: memref<!tpu.dma_semaphore, #tpu.memory_space<semaphore_mem>>, %arg11: memref<!tpu.dma_semaphore, #tpu.memory_space<semaphore_mem>>, %arg12: memref<!tpu.dma_semaphore, #tpu.memory_space<semaphore_mem>>, %arg13: memref<!tpu.dma_semaphore, #tpu.memory_space<semaphore_mem>>, %arg14: memref<!tpu.dma_semaphore, #tpu.memory_space<semaphore_mem>>) attributes {dimension_semantics = [#tpu.dimension_semantics<core_parallel>, #tpu.dimension_semantics<subcore_parallel>], iteration_bounds = array<i64: 2, 16>, scalar_prefetch = 0 : i64, scratch_operands = 10 : i64, tpu.core_type = #tpu.core_type<sc_vector_subcore>, window_params = [{transform_indices = #map}, {transform_indices = #map1}, {transform_indices = #map}]} {
    %mul3A = arith.constant 2 : i32
    %mul3A_0 = arith.muli %arg1, %mul3A : i32
    %add3A = arith.addi %mul3A_0, %arg0 : i32
    %mul3A_1 = arith.constant 512 : i32
    %mul3A_2 = arith.muli %add3A, %mul3A_1 : i32
    %mul3A_3 = arith.constant 20 : i32
    %mul3A_4 = arith.muli %mul3A_2, %mul3A_3 : i32
    "tpu.region"() ({
      %run_scoped3A = tpu.sem_alloc : memref<!tpu.dma_semaphore, #tpu.memory_space<semaphore_mem>>
      %dma_start3A_284 = tpu.memref_slice %arg3[%mul3A_4] : memref<327680xi32, #tpu.memory_space<hbm>> -> memref<10240xi32, #tpu.memory_space<hbm>>
      %dma_start3A_285 = tpu.memref_slice %arg3[%mul3A_4] : memref<327680xi32, #tpu.memory_space<hbm>> -> memref<10240xi32, #tpu.memory_space<hbm>>
      tpu.enqueue_dma source(%dma_start3A_285 : memref<10240xi32, #tpu.memory_space<hbm>>) target(%arg5 : memref<10240xi32, #tpu.memory_space<vmem>>) target_semaphore(%run_scoped3A : memref<!tpu.dma_semaphore, #tpu.memory_space<semaphore_mem>>)
      %dma_wait3A_286 = tpu.memref_slice %arg3[%mul3A_4] : memref<327680xi32, #tpu.memory_space<hbm>> -> memref<10240xi32, #tpu.memory_space<hbm>>
      %dma_wait3A_287 = tpu.memref_slice %arg3[%mul3A_4] : memref<327680xi32, #tpu.memory_space<hbm>> -> memref<10240xi32, #tpu.memory_space<hbm>>
      tpu.wait_dma2 semaphore(%run_scoped3A : memref<!tpu.dma_semaphore, #tpu.memory_space<semaphore_mem>>) src(%dma_wait3A_287 : memref<10240xi32, #tpu.memory_space<hbm>>) dst(%arg5 : memref<10240xi32, #tpu.memory_space<vmem>>)
      tpu.yield
    }) : () -> ()
    %dma_start3A = arith.constant 0 : i32
    %dma_start3A_5 = arith.constant 0 : i32
    %dma_start3A_6 = arith.constant 0 : i32
    %dma_start3A_7 = tpu.memref_slice %arg6[%dma_start3A, %dma_start3A_5, %dma_start3A_6] : memref<4x80x128xf32, #tpu.memory_space<vmem>> -> memref<1x80x128xf32, #tpu.memory_space<vmem>>
    %dma_start3A_8 = tpu.memref_squeeze %dma_start3A_7 : memref<1x80x128xf32, #tpu.memory_space<vmem>> -> memref<80x128xf32, #tpu.memory_space<vmem>>
    %dma_start3A_9 = arith.constant 0 : i32
    %dma_start3A_10 = tpu.memref_slice %arg5[%dma_start3A_9] : memref<10240xi32, #tpu.memory_space<vmem>> -> memref<80xi32, #tpu.memory_space<vmem>>
    %dma_start3A_11 = arith.constant 0 : i32
    %dma_start3A_12 = arith.constant 0 : i32
    %dma_start3A_13 = tpu.memref_slice %arg2[%dma_start3A_11, %dma_start3A_12] : memref<16384x128xf32, #tpu.memory_space<hbm>> -> memref<16384x128xf32, #tpu.memory_space<hbm>>
    tpu.enqueue_indirect_dma source(%dma_start3A_13 : memref<16384x128xf32, #tpu.memory_space<hbm>>) target(%dma_start3A_8 : memref<80x128xf32, #tpu.memory_space<vmem>>) offsets(%dma_start3A_10 : memref<80xi32, #tpu.memory_space<vmem>>) semaphore(%arg7 : memref<!tpu.dma_semaphore, #tpu.memory_space<semaphore_mem>>)
    %dma_start3A_14 = arith.constant 1 : i32
    %dma_start3A_15 = arith.constant 0 : i32
    %dma_start3A_16 = arith.constant 0 : i32
    %dma_start3A_17 = tpu.memref_slice %arg6[%dma_start3A_14, %dma_start3A_15, %dma_start3A_16] : memref<4x80x128xf32, #tpu.memory_space<vmem>> -> memref<1x80x128xf32, #tpu.memory_space<vmem>>
    %dma_start3A_18 = tpu.memref_squeeze %dma_start3A_17 : memref<1x80x128xf32, #tpu.memory_space<vmem>> -> memref<80x128xf32, #tpu.memory_space<vmem>>
    %dma_start3A_19 = arith.constant 80 : i32
    %dma_start3A_20 = tpu.memref_slice %arg5[%dma_start3A_19] : memref<10240xi32, #tpu.memory_space<vmem>> -> memref<80xi32, #tpu.memory_space<vmem>>
    %dma_start3A_21 = arith.constant 0 : i32
    %dma_start3A_22 = arith.constant 0 : i32
    %dma_start3A_23 = tpu.memref_slice %arg2[%dma_start3A_21, %dma_start3A_22] : memref<16384x128xf32, #tpu.memory_space<hbm>> -> memref<16384x128xf32, #tpu.memory_space<hbm>>
    tpu.enqueue_indirect_dma source(%dma_start3A_23 : memref<16384x128xf32, #tpu.memory_space<hbm>>) target(%dma_start3A_18 : memref<80x128xf32, #tpu.memory_space<vmem>>) offsets(%dma_start3A_20 : memref<80xi32, #tpu.memory_space<vmem>>) semaphore(%arg8 : memref<!tpu.dma_semaphore, #tpu.memory_space<semaphore_mem>>)
    %dma_start3A_24 = arith.constant 2 : i32
    %dma_start3A_25 = arith.constant 0 : i32
    %dma_start3A_26 = arith.constant 0 : i32
    %dma_start3A_27 = tpu.memref_slice %arg6[%dma_start3A_24, %dma_start3A_25, %dma_start3A_26] : memref<4x80x128xf32, #tpu.memory_space<vmem>> -> memref<1x80x128xf32, #tpu.memory_space<vmem>>
    %dma_start3A_28 = tpu.memref_squeeze %dma_start3A_27 : memref<1x80x128xf32, #tpu.memory_space<vmem>> -> memref<80x128xf32, #tpu.memory_space<vmem>>
    %dma_start3A_29 = arith.constant 160 : i32
    %dma_start3A_30 = tpu.memref_slice %arg5[%dma_start3A_29] : memref<10240xi32, #tpu.memory_space<vmem>> -> memref<80xi32, #tpu.memory_space<vmem>>
    %dma_start3A_31 = arith.constant 0 : i32
    %dma_start3A_32 = arith.constant 0 : i32
    %dma_start3A_33 = tpu.memref_slice %arg2[%dma_start3A_31, %dma_start3A_32] : memref<16384x128xf32, #tpu.memory_space<hbm>> -> memref<16384x128xf32, #tpu.memory_space<hbm>>
    tpu.enqueue_indirect_dma source(%dma_start3A_33 : memref<16384x128xf32, #tpu.memory_space<hbm>>) target(%dma_start3A_28 : memref<80x128xf32, #tpu.memory_space<vmem>>) offsets(%dma_start3A_30 : memref<80xi32, #tpu.memory_space<vmem>>) semaphore(%arg9 : memref<!tpu.dma_semaphore, #tpu.memory_space<semaphore_mem>>)
    %dma_wait3A = arith.constant 0 : i32
    %dma_wait3A_34 = arith.constant 0 : i32
    %dma_wait3A_35 = arith.constant 0 : i32
    %dma_wait3A_36 = tpu.memref_slice %arg6[%dma_wait3A, %dma_wait3A_34, %dma_wait3A_35] : memref<4x80x128xf32, #tpu.memory_space<vmem>> -> memref<1x80x128xf32, #tpu.memory_space<vmem>>
    %dma_wait3A_37 = tpu.memref_squeeze %dma_wait3A_36 : memref<1x80x128xf32, #tpu.memory_space<vmem>> -> memref<80x128xf32, #tpu.memory_space<vmem>>
    %dma_wait3A_38 = arith.constant 0 : i32
    %dma_wait3A_39 = tpu.memref_slice %arg5[%dma_wait3A_38] : memref<10240xi32, #tpu.memory_space<vmem>> -> memref<80xi32, #tpu.memory_space<vmem>>
    %dma_wait3A_40 = arith.constant 0 : i32
    %dma_wait3A_41 = arith.constant 0 : i32
    %dma_wait3A_42 = tpu.memref_slice %arg2[%dma_wait3A_40, %dma_wait3A_41] : memref<16384x128xf32, #tpu.memory_space<hbm>> -> memref<16384x128xf32, #tpu.memory_space<hbm>>
    tpu.wait_indirect_dma semaphore(%arg7 : memref<!tpu.dma_semaphore, #tpu.memory_space<semaphore_mem>>) src(%dma_wait3A_42 : memref<16384x128xf32, #tpu.memory_space<hbm>>) dst(%dma_wait3A_37 : memref<80x128xf32, #tpu.memory_space<vmem>>)
    %add3A_43 = arith.constant 0 : i32
    %add3A_44 = arith.addi %mul3A_4, %add3A_43 : i32
    %dma_start3A_45 = arith.constant 0 : i32
    %dma_start3A_46 = arith.constant 0 : i32
    %dma_start3A_47 = arith.constant 0 : i32
    %dma_start3A_48 = tpu.memref_slice %arg6[%dma_start3A_45, %dma_start3A_46, %dma_start3A_47] : memref<4x80x128xf32, #tpu.memory_space<vmem>> -> memref<1x80x128xf32, #tpu.memory_space<vmem>>
    %dma_start3A_49 = tpu.memref_squeeze %dma_start3A_48 : memref<1x80x128xf32, #tpu.memory_space<vmem>> -> memref<80x128xf32, #tpu.memory_space<vmem>>
    %dma_start3A_50 = arith.constant 0 : i32
    %dma_start3A_51 = tpu.memref_slice %arg4[%add3A_44, %dma_start3A_50] : memref<327680x128xf32, #tpu.memory_space<hbm>> -> memref<80x128xf32, #tpu.memory_space<hbm>>
    %dma_start3A_52 = arith.constant 0 : i32
    %dma_start3A_53 = tpu.memref_slice %arg4[%add3A_44, %dma_start3A_52] : memref<327680x128xf32, #tpu.memory_space<hbm>> -> memref<80x128xf32, #tpu.memory_space<hbm>>
    %dma_start3A_54 = arith.constant 0 : i32
    %dma_start3A_55 = arith.constant 0 : i32
    %dma_start3A_56 = tpu.memref_slice %arg6[%dma_start3A_45, %dma_start3A_54, %dma_start3A_55] : memref<4x80x128xf32, #tpu.memory_space<vmem>> -> memref<1x80x128xf32, #tpu.memory_space<vmem>>
    %dma_start3A_57 = tpu.memref_squeeze %dma_start3A_56 : memref<1x80x128xf32, #tpu.memory_space<vmem>> -> memref<80x128xf32, #tpu.memory_space<vmem>>
    tpu.enqueue_dma source(%dma_start3A_57 : memref<80x128xf32, #tpu.memory_space<vmem>>) target(%dma_start3A_53 : memref<80x128xf32, #tpu.memory_space<hbm>>) target_semaphore(%arg11 : memref<!tpu.dma_semaphore, #tpu.memory_space<semaphore_mem>>)
    %dma_start3A_58 = arith.constant 3 : i32
    %dma_start3A_59 = arith.constant 0 : i32
    %dma_start3A_60 = arith.constant 0 : i32
    %dma_start3A_61 = tpu.memref_slice %arg6[%dma_start3A_58, %dma_start3A_59, %dma_start3A_60] : memref<4x80x128xf32, #tpu.memory_space<vmem>> -> memref<1x80x128xf32, #tpu.memory_space<vmem>>
    %dma_start3A_62 = tpu.memref_squeeze %dma_start3A_61 : memref<1x80x128xf32, #tpu.memory_space<vmem>> -> memref<80x128xf32, #tpu.memory_space<vmem>>
    %dma_start3A_63 = arith.constant 240 : i32
    %dma_start3A_64 = tpu.memref_slice %arg5[%dma_start3A_63] : memref<10240xi32, #tpu.memory_space<vmem>> -> memref<80xi32, #tpu.memory_space<vmem>>
    %dma_start3A_65 = arith.constant 0 : i32
    %dma_start3A_66 = arith.constant 0 : i32
    %dma_start3A_67 = tpu.memref_slice %arg2[%dma_start3A_65, %dma_start3A_66] : memref<16384x128xf32, #tpu.memory_space<hbm>> -> memref<16384x128xf32, #tpu.memory_space<hbm>>
    tpu.enqueue_indirect_dma source(%dma_start3A_67 : memref<16384x128xf32, #tpu.memory_space<hbm>>) target(%dma_start3A_62 : memref<80x128xf32, #tpu.memory_space<vmem>>) offsets(%dma_start3A_64 : memref<80xi32, #tpu.memory_space<vmem>>) semaphore(%arg10 : memref<!tpu.dma_semaphore, #tpu.memory_space<semaphore_mem>>)
    %dma_wait3A_68 = arith.constant 1 : i32
    %dma_wait3A_69 = arith.constant 0 : i32
    %dma_wait3A_70 = arith.constant 0 : i32
    %dma_wait3A_71 = tpu.memref_slice %arg6[%dma_wait3A_68, %dma_wait3A_69, %dma_wait3A_70] : memref<4x80x128xf32, #tpu.memory_space<vmem>> -> memref<1x80x128xf32, #tpu.memory_space<vmem>>
    %dma_wait3A_72 = tpu.memref_squeeze %dma_wait3A_71 : memref<1x80x128xf32, #tpu.memory_space<vmem>> -> memref<80x128xf32, #tpu.memory_space<vmem>>
    %dma_wait3A_73 = arith.constant 0 : i32
    %dma_wait3A_74 = tpu.memref_slice %arg5[%dma_wait3A_73] : memref<10240xi32, #tpu.memory_space<vmem>> -> memref<80xi32, #tpu.memory_space<vmem>>
    %dma_wait3A_75 = arith.constant 0 : i32
    %dma_wait3A_76 = arith.constant 0 : i32
    %dma_wait3A_77 = tpu.memref_slice %arg2[%dma_wait3A_75, %dma_wait3A_76] : memref<16384x128xf32, #tpu.memory_space<hbm>> -> memref<16384x128xf32, #tpu.memory_space<hbm>>
    tpu.wait_indirect_dma semaphore(%arg8 : memref<!tpu.dma_semaphore, #tpu.memory_space<semaphore_mem>>) src(%dma_wait3A_77 : memref<16384x128xf32, #tpu.memory_space<hbm>>) dst(%dma_wait3A_72 : memref<80x128xf32, #tpu.memory_space<vmem>>)
    %add3A_78 = arith.constant 80 : i32
    %add3A_79 = arith.addi %mul3A_4, %add3A_78 : i32
    %dma_start3A_80 = arith.constant 1 : i32
    %dma_start3A_81 = arith.constant 0 : i32
    %dma_start3A_82 = arith.constant 0 : i32
    %dma_start3A_83 = tpu.memref_slice %arg6[%dma_start3A_80, %dma_start3A_81, %dma_start3A_82] : memref<4x80x128xf32, #tpu.memory_space<vmem>> -> memref<1x80x128xf32, #tpu.memory_space<vmem>>
    %dma_start3A_84 = tpu.memref_squeeze %dma_start3A_83 : memref<1x80x128xf32, #tpu.memory_space<vmem>> -> memref<80x128xf32, #tpu.memory_space<vmem>>
    %dma_start3A_85 = arith.constant 0 : i32
    %dma_start3A_86 = tpu.memref_slice %arg4[%add3A_79, %dma_start3A_85] : memref<327680x128xf32, #tpu.memory_space<hbm>> -> memref<80x128xf32, #tpu.memory_space<hbm>>
    %dma_start3A_87 = arith.constant 0 : i32
    %dma_start3A_88 = tpu.memref_slice %arg4[%add3A_79, %dma_start3A_87] : memref<327680x128xf32, #tpu.memory_space<hbm>> -> memref<80x128xf32, #tpu.memory_space<hbm>>
    %dma_start3A_89 = arith.constant 0 : i32
    %dma_start3A_90 = arith.constant 0 : i32
    %dma_start3A_91 = tpu.memref_slice %arg6[%dma_start3A_80, %dma_start3A_89, %dma_start3A_90] : memref<4x80x128xf32, #tpu.memory_space<vmem>> -> memref<1x80x128xf32, #tpu.memory_space<vmem>>
    %dma_start3A_92 = tpu.memref_squeeze %dma_start3A_91 : memref<1x80x128xf32, #tpu.memory_space<vmem>> -> memref<80x128xf32, #tpu.memory_space<vmem>>
    tpu.enqueue_dma source(%dma_start3A_92 : memref<80x128xf32, #tpu.memory_space<vmem>>) target(%dma_start3A_88 : memref<80x128xf32, #tpu.memory_space<hbm>>) target_semaphore(%arg12 : memref<!tpu.dma_semaphore, #tpu.memory_space<semaphore_mem>>)
    %dma_wait3A_93 = arith.constant 0 : i32
    %dma_wait3A_94 = arith.constant 0 : i32
    %dma_wait3A_95 = arith.constant 0 : i32
    %dma_wait3A_96 = tpu.memref_slice %arg6[%dma_wait3A_93, %dma_wait3A_94, %dma_wait3A_95] : memref<4x80x128xf32, #tpu.memory_space<vmem>> -> memref<1x80x128xf32, #tpu.memory_space<vmem>>
    %dma_wait3A_97 = tpu.memref_squeeze %dma_wait3A_96 : memref<1x80x128xf32, #tpu.memory_space<vmem>> -> memref<80x128xf32, #tpu.memory_space<vmem>>
    %dma_wait3A_98 = arith.constant 0 : i32
    %dma_wait3A_99 = arith.constant 0 : i32
    %dma_wait3A_100 = tpu.memref_slice %arg4[%dma_wait3A_98, %dma_wait3A_99] : memref<327680x128xf32, #tpu.memory_space<hbm>> -> memref<80x128xf32, #tpu.memory_space<hbm>>
    %dma_wait3A_101 = arith.constant 0 : i32
    %dma_wait3A_102 = arith.constant 0 : i32
    %dma_wait3A_103 = tpu.memref_slice %arg4[%dma_wait3A_101, %dma_wait3A_102] : memref<327680x128xf32, #tpu.memory_space<hbm>> -> memref<80x128xf32, #tpu.memory_space<hbm>>
    %dma_wait3A_104 = arith.constant 0 : i32
    %dma_wait3A_105 = arith.constant 0 : i32
    %dma_wait3A_106 = tpu.memref_slice %arg6[%dma_wait3A_93, %dma_wait3A_104, %dma_wait3A_105] : memref<4x80x128xf32, #tpu.memory_space<vmem>> -> memref<1x80x128xf32, #tpu.memory_space<vmem>>
    %dma_wait3A_107 = tpu.memref_squeeze %dma_wait3A_106 : memref<1x80x128xf32, #tpu.memory_space<vmem>> -> memref<80x128xf32, #tpu.memory_space<vmem>>
    tpu.wait_dma2 semaphore(%arg11 : memref<!tpu.dma_semaphore, #tpu.memory_space<semaphore_mem>>) src(%dma_wait3A_107 : memref<80x128xf32, #tpu.memory_space<vmem>>) dst(%dma_wait3A_103 : memref<80x128xf32, #tpu.memory_space<hbm>>)
    %dma_start3A_108 = arith.constant 0 : i32
    %dma_start3A_109 = arith.constant 0 : i32
    %dma_start3A_110 = arith.constant 0 : i32
    %dma_start3A_111 = tpu.memref_slice %arg6[%dma_start3A_108, %dma_start3A_109, %dma_start3A_110] : memref<4x80x128xf32, #tpu.memory_space<vmem>> -> memref<1x80x128xf32, #tpu.memory_space<vmem>>
    %dma_start3A_112 = tpu.memref_squeeze %dma_start3A_111 : memref<1x80x128xf32, #tpu.memory_space<vmem>> -> memref<80x128xf32, #tpu.memory_space<vmem>>
    %dma_start3A_113 = arith.constant 320 : i32
    %dma_start3A_114 = tpu.memref_slice %arg5[%dma_start3A_113] : memref<10240xi32, #tpu.memory_space<vmem>> -> memref<80xi32, #tpu.memory_space<vmem>>
    %dma_start3A_115 = arith.constant 0 : i32
    %dma_start3A_116 = arith.constant 0 : i32
    %dma_start3A_117 = tpu.memref_slice %arg2[%dma_start3A_115, %dma_start3A_116] : memref<16384x128xf32, #tpu.memory_space<hbm>> -> memref<16384x128xf32, #tpu.memory_space<hbm>>
    tpu.enqueue_indirect_dma source(%dma_start3A_117 : memref<16384x128xf32, #tpu.memory_space<hbm>>) target(%dma_start3A_112 : memref<80x128xf32, #tpu.memory_space<vmem>>) offsets(%dma_start3A_114 : memref<80xi32, #tpu.memory_space<vmem>>) semaphore(%arg7 : memref<!tpu.dma_semaphore, #tpu.memory_space<semaphore_mem>>)
    %dma_wait3A_118 = arith.constant 2 : i32
    %dma_wait3A_119 = arith.constant 0 : i32
    %dma_wait3A_120 = arith.constant 0 : i32
    %dma_wait3A_121 = tpu.memref_slice %arg6[%dma_wait3A_118, %dma_wait3A_119, %dma_wait3A_120] : memref<4x80x128xf32, #tpu.memory_space<vmem>> -> memref<1x80x128xf32, #tpu.memory_space<vmem>>
    %dma_wait3A_122 = tpu.memref_squeeze %dma_wait3A_121 : memref<1x80x128xf32, #tpu.memory_space<vmem>> -> memref<80x128xf32, #tpu.memory_space<vmem>>
    %dma_wait3A_123 = arith.constant 0 : i32
    %dma_wait3A_124 = tpu.memref_slice %arg5[%dma_wait3A_123] : memref<10240xi32, #tpu.memory_space<vmem>> -> memref<80xi32, #tpu.memory_space<vmem>>
    %dma_wait3A_125 = arith.constant 0 : i32
    %dma_wait3A_126 = arith.constant 0 : i32
    %dma_wait3A_127 = tpu.memref_slice %arg2[%dma_wait3A_125, %dma_wait3A_126] : memref<16384x128xf32, #tpu.memory_space<hbm>> -> memref<16384x128xf32, #tpu.memory_space<hbm>>
    tpu.wait_indirect_dma semaphore(%arg9 : memref<!tpu.dma_semaphore, #tpu.memory_space<semaphore_mem>>) src(%dma_wait3A_127 : memref<16384x128xf32, #tpu.memory_space<hbm>>) dst(%dma_wait3A_122 : memref<80x128xf32, #tpu.memory_space<vmem>>)
    %add3A_128 = arith.constant 160 : i32
    %add3A_129 = arith.addi %mul3A_4, %add3A_128 : i32
    %dma_start3A_130 = arith.constant 2 : i32
    %dma_start3A_131 = arith.constant 0 : i32
    %dma_start3A_132 = arith.constant 0 : i32
    %dma_start3A_133 = tpu.memref_slice %arg6[%dma_start3A_130, %dma_start3A_131, %dma_start3A_132] : memref<4x80x128xf32, #tpu.memory_space<vmem>> -> memref<1x80x128xf32, #tpu.memory_space<vmem>>
    %dma_start3A_134 = tpu.memref_squeeze %dma_start3A_133 : memref<1x80x128xf32, #tpu.memory_space<vmem>> -> memref<80x128xf32, #tpu.memory_space<vmem>>
    %dma_start3A_135 = arith.constant 0 : i32
    %dma_start3A_136 = tpu.memref_slice %arg4[%add3A_129, %dma_start3A_135] : memref<327680x128xf32, #tpu.memory_space<hbm>> -> memref<80x128xf32, #tpu.memory_space<hbm>>
    %dma_start3A_137 = arith.constant 0 : i32
    %dma_start3A_138 = tpu.memref_slice %arg4[%add3A_129, %dma_start3A_137] : memref<327680x128xf32, #tpu.memory_space<hbm>> -> memref<80x128xf32, #tpu.memory_space<hbm>>
    %dma_start3A_139 = arith.constant 0 : i32
    %dma_start3A_140 = arith.constant 0 : i32
    %dma_start3A_141 = tpu.memref_slice %arg6[%dma_start3A_130, %dma_start3A_139, %dma_start3A_140] : memref<4x80x128xf32, #tpu.memory_space<vmem>> -> memref<1x80x128xf32, #tpu.memory_space<vmem>>
    %dma_start3A_142 = tpu.memref_squeeze %dma_start3A_141 : memref<1x80x128xf32, #tpu.memory_space<vmem>> -> memref<80x128xf32, #tpu.memory_space<vmem>>
    tpu.enqueue_dma source(%dma_start3A_142 : memref<80x128xf32, #tpu.memory_space<vmem>>) target(%dma_start3A_138 : memref<80x128xf32, #tpu.memory_space<hbm>>) target_semaphore(%arg13 : memref<!tpu.dma_semaphore, #tpu.memory_space<semaphore_mem>>)
    %dma_wait3A_143 = arith.constant 1 : i32
    %dma_wait3A_144 = arith.constant 0 : i32
    %dma_wait3A_145 = arith.constant 0 : i32
    %dma_wait3A_146 = tpu.memref_slice %arg6[%dma_wait3A_143, %dma_wait3A_144, %dma_wait3A_145] : memref<4x80x128xf32, #tpu.memory_space<vmem>> -> memref<1x80x128xf32, #tpu.memory_space<vmem>>
    %dma_wait3A_147 = tpu.memref_squeeze %dma_wait3A_146 : memref<1x80x128xf32, #tpu.memory_space<vmem>> -> memref<80x128xf32, #tpu.memory_space<vmem>>
    %dma_wait3A_148 = arith.constant 0 : i32
    %dma_wait3A_149 = arith.constant 0 : i32
    %dma_wait3A_150 = tpu.memref_slice %arg4[%dma_wait3A_148, %dma_wait3A_149] : memref<327680x128xf32, #tpu.memory_space<hbm>> -> memref<80x128xf32, #tpu.memory_space<hbm>>
    %dma_wait3A_151 = arith.constant 0 : i32
    %dma_wait3A_152 = arith.constant 0 : i32
    %dma_wait3A_153 = tpu.memref_slice %arg4[%dma_wait3A_151, %dma_wait3A_152] : memref<327680x128xf32, #tpu.memory_space<hbm>> -> memref<80x128xf32, #tpu.memory_space<hbm>>
    %dma_wait3A_154 = arith.constant 0 : i32
    %dma_wait3A_155 = arith.constant 0 : i32
    %dma_wait3A_156 = tpu.memref_slice %arg6[%dma_wait3A_143, %dma_wait3A_154, %dma_wait3A_155] : memref<4x80x128xf32, #tpu.memory_space<vmem>> -> memref<1x80x128xf32, #tpu.memory_space<vmem>>
    %dma_wait3A_157 = tpu.memref_squeeze %dma_wait3A_156 : memref<1x80x128xf32, #tpu.memory_space<vmem>> -> memref<80x128xf32, #tpu.memory_space<vmem>>
    tpu.wait_dma2 semaphore(%arg12 : memref<!tpu.dma_semaphore, #tpu.memory_space<semaphore_mem>>) src(%dma_wait3A_157 : memref<80x128xf32, #tpu.memory_space<vmem>>) dst(%dma_wait3A_153 : memref<80x128xf32, #tpu.memory_space<hbm>>)
    %dma_start3A_158 = arith.constant 1 : i32
    %dma_start3A_159 = arith.constant 0 : i32
    %dma_start3A_160 = arith.constant 0 : i32
    %dma_start3A_161 = tpu.memref_slice %arg6[%dma_start3A_158, %dma_start3A_159, %dma_start3A_160] : memref<4x80x128xf32, #tpu.memory_space<vmem>> -> memref<1x80x128xf32, #tpu.memory_space<vmem>>
    %dma_start3A_162 = tpu.memref_squeeze %dma_start3A_161 : memref<1x80x128xf32, #tpu.memory_space<vmem>> -> memref<80x128xf32, #tpu.memory_space<vmem>>
    %dma_start3A_163 = arith.constant 400 : i32
    %dma_start3A_164 = tpu.memref_slice %arg5[%dma_start3A_163] : memref<10240xi32, #tpu.memory_space<vmem>> -> memref<80xi32, #tpu.memory_space<vmem>>
    %dma_start3A_165 = arith.constant 0 : i32
    %dma_start3A_166 = arith.constant 0 : i32
    %dma_start3A_167 = tpu.memref_slice %arg2[%dma_start3A_165, %dma_start3A_166] : memref<16384x128xf32, #tpu.memory_space<hbm>> -> memref<16384x128xf32, #tpu.memory_space<hbm>>
    tpu.enqueue_indirect_dma source(%dma_start3A_167 : memref<16384x128xf32, #tpu.memory_space<hbm>>) target(%dma_start3A_162 : memref<80x128xf32, #tpu.memory_space<vmem>>) offsets(%dma_start3A_164 : memref<80xi32, #tpu.memory_space<vmem>>) semaphore(%arg8 : memref<!tpu.dma_semaphore, #tpu.memory_space<semaphore_mem>>)
    %dma_wait3A_168 = arith.constant 3 : i32
    %dma_wait3A_169 = arith.constant 0 : i32
    %dma_wait3A_170 = arith.constant 0 : i32
    %dma_wait3A_171 = tpu.memref_slice %arg6[%dma_wait3A_168, %dma_wait3A_169, %dma_wait3A_170] : memref<4x80x128xf32, #tpu.memory_space<vmem>> -> memref<1x80x128xf32, #tpu.memory_space<vmem>>
    %dma_wait3A_172 = tpu.memref_squeeze %dma_wait3A_171 : memref<1x80x128xf32, #tpu.memory_space<vmem>> -> memref<80x128xf32, #tpu.memory_space<vmem>>
    %dma_wait3A_173 = arith.constant 0 : i32
    %dma_wait3A_174 = tpu.memref_slice %arg5[%dma_wait3A_173] : memref<10240xi32, #tpu.memory_space<vmem>> -> memref<80xi32, #tpu.memory_space<vmem>>
    %dma_wait3A_175 = arith.constant 0 : i32
    %dma_wait3A_176 = arith.constant 0 : i32
    %dma_wait3A_177 = tpu.memref_slice %arg2[%dma_wait3A_175, %dma_wait3A_176] : memref<16384x128xf32, #tpu.memory_space<hbm>> -> memref<16384x128xf32, #tpu.memory_space<hbm>>
    tpu.wait_indirect_dma semaphore(%arg10 : memref<!tpu.dma_semaphore, #tpu.memory_space<semaphore_mem>>) src(%dma_wait3A_177 : memref<16384x128xf32, #tpu.memory_space<hbm>>) dst(%dma_wait3A_172 : memref<80x128xf32, #tpu.memory_space<vmem>>)
    %add3A_178 = arith.constant 240 : i32
    %add3A_179 = arith.addi %mul3A_4, %add3A_178 : i32
    %dma_start3A_180 = arith.constant 3 : i32
    %dma_start3A_181 = arith.constant 0 : i32
    %dma_start3A_182 = arith.constant 0 : i32
    %dma_start3A_183 = tpu.memref_slice %arg6[%dma_start3A_180, %dma_start3A_181, %dma_start3A_182] : memref<4x80x128xf32, #tpu.memory_space<vmem>> -> memref<1x80x128xf32, #tpu.memory_space<vmem>>
    %dma_start3A_184 = tpu.memref_squeeze %dma_start3A_183 : memref<1x80x128xf32, #tpu.memory_space<vmem>> -> memref<80x128xf32, #tpu.memory_space<vmem>>
    %dma_start3A_185 = arith.constant 0 : i32
    %dma_start3A_186 = tpu.memref_slice %arg4[%add3A_179, %dma_start3A_185] : memref<327680x128xf32, #tpu.memory_space<hbm>> -> memref<80x128xf32, #tpu.memory_space<hbm>>
    %dma_start3A_187 = arith.constant 0 : i32
    %dma_start3A_188 = tpu.memref_slice %arg4[%add3A_179, %dma_start3A_187] : memref<327680x128xf32, #tpu.memory_space<hbm>> -> memref<80x128xf32, #tpu.memory_space<hbm>>
    %dma_start3A_189 = arith.constant 0 : i32
    %dma_start3A_190 = arith.constant 0 : i32
    %dma_start3A_191 = tpu.memref_slice %arg6[%dma_start3A_180, %dma_start3A_189, %dma_start3A_190] : memref<4x80x128xf32, #tpu.memory_space<vmem>> -> memref<1x80x128xf32, #tpu.memory_space<vmem>>
    %dma_start3A_192 = tpu.memref_squeeze %dma_start3A_191 : memref<1x80x128xf32, #tpu.memory_space<vmem>> -> memref<80x128xf32, #tpu.memory_space<vmem>>
    tpu.enqueue_dma source(%dma_start3A_192 : memref<80x128xf32, #tpu.memory_space<vmem>>) target(%dma_start3A_188 : memref<80x128xf32, #tpu.memory_space<hbm>>) target_semaphore(%arg14 : memref<!tpu.dma_semaphore, #tpu.memory_space<semaphore_mem>>)
    %dma_wait3A_193 = arith.constant 2 : i32
    %dma_wait3A_194 = arith.constant 0 : i32
    %dma_wait3A_195 = arith.constant 0 : i32
    %dma_wait3A_196 = tpu.memref_slice %arg6[%dma_wait3A_193, %dma_wait3A_194, %dma_wait3A_195] : memref<4x80x128xf32, #tpu.memory_space<vmem>> -> memref<1x80x128xf32, #tpu.memory_space<vmem>>
    %dma_wait3A_197 = tpu.memref_squeeze %dma_wait3A_196 : memref<1x80x128xf32, #tpu.memory_space<vmem>> -> memref<80x128xf32, #tpu.memory_space<vmem>>
    %dma_wait3A_198 = arith.constant 0 : i32
    %dma_wait3A_199 = arith.constant 0 : i32
    %dma_wait3A_200 = tpu.memref_slice %arg4[%dma_wait3A_198, %dma_wait3A_199] : memref<327680x128xf32, #tpu.memory_space<hbm>> -> memref<80x128xf32, #tpu.memory_space<hbm>>
    %dma_wait3A_201 = arith.constant 0 : i32
    %dma_wait3A_202 = arith.constant 0 : i32
    %dma_wait3A_203 = tpu.memref_slice %arg4[%dma_wait3A_201, %dma_wait3A_202] : memref<327680x128xf32, #tpu.memory_space<hbm>> -> memref<80x128xf32, #tpu.memory_space<hbm>>
    %dma_wait3A_204 = arith.constant 0 : i32
    %dma_wait3A_205 = arith.constant 0 : i32
    %dma_wait3A_206 = tpu.memref_slice %arg6[%dma_wait3A_193, %dma_wait3A_204, %dma_wait3A_205] : memref<4x80x128xf32, #tpu.memory_space<vmem>> -> memref<1x80x128xf32, #tpu.memory_space<vmem>>
    %dma_wait3A_207 = tpu.memref_squeeze %dma_wait3A_206 : memref<1x80x128xf32, #tpu.memory_space<vmem>> -> memref<80x128xf32, #tpu.memory_space<vmem>>
    tpu.wait_dma2 semaphore(%arg13 : memref<!tpu.dma_semaphore, #tpu.memory_space<semaphore_mem>>) src(%dma_wait3A_207 : memref<80x128xf32, #tpu.memory_space<vmem>>) dst(%dma_wait3A_203 : memref<80x128xf32, #tpu.memory_space<hbm>>)
    %dma_start3A_208 = arith.constant 2 : i32
    %dma_start3A_209 = arith.constant 0 : i32
    %dma_start3A_210 = arith.constant 0 : i32
    %dma_start3A_211 = tpu.memref_slice %arg6[%dma_start3A_208, %dma_start3A_209, %dma_start3A_210] : memref<4x80x128xf32, #tpu.memory_space<vmem>> -> memref<1x80x128xf32, #tpu.memory_space<vmem>>
    %dma_start3A_212 = tpu.memref_squeeze %dma_start3A_211 : memref<1x80x128xf32, #tpu.memory_space<vmem>> -> memref<80x128xf32, #tpu.memory_space<vmem>>
    %dma_start3A_213 = arith.constant 480 : i32
    %dma_start3A_214 = tpu.memref_slice %arg5[%dma_start3A_213] : memref<10240xi32, #tpu.memory_space<vmem>> -> memref<80xi32, #tpu.memory_space<vmem>>
    %dma_start3A_215 = arith.constant 0 : i32
    %dma_start3A_216 = arith.constant 0 : i32
    %dma_start3A_217 = tpu.memref_slice %arg2[%dma_start3A_215, %dma_start3A_216] : memref<16384x128xf32, #tpu.memory_space<hbm>> -> memref<16384x128xf32, #tpu.memory_space<hbm>>
    tpu.enqueue_indirect_dma source(%dma_start3A_217 : memref<16384x128xf32, #tpu.memory_space<hbm>>) target(%dma_start3A_212 : memref<80x128xf32, #tpu.memory_space<vmem>>) offsets(%dma_start3A_214 : memref<80xi32, #tpu.memory_space<vmem>>) semaphore(%arg9 : memref<!tpu.dma_semaphore, #tpu.memory_space<semaphore_mem>>)
    %scan3A = arith.constant 0 : i32
    %scan3A_218 = arith.constant 1 : i32
    %scan3A_219 = arith.constant 31 : i32
    %scan3A_220 = arith.addi %scan3A_218, %scan3A_219 : i32
    %scan3A_221 = arith.constant 1 : i32
    %scan3A_222 = scf.for %scan3A_284 = %scan3A_218 to %scan3A_220 step %scan3A_221 iter_args(%scan3A_285 = %scan3A) -> (i32)  : i32 {
      %mul3A_286 = arith.constant 4 : i32
      %mul3A_287 = arith.muli %scan3A_284, %mul3A_286 : i32
      %add3A_288 = arith.constant 0 : i32
      %add3A_289 = arith.addi %mul3A_287, %add3A_288 : i32
      %dma_wait3A_290 = arith.constant 0 : i32
      %dma_wait3A_291 = arith.constant 0 : i32
      %dma_wait3A_292 = arith.constant 0 : i32
      %dma_wait3A_293 = tpu.memref_slice %arg6[%dma_wait3A_290, %dma_wait3A_291, %dma_wait3A_292] : memref<4x80x128xf32, #tpu.memory_space<vmem>> -> memref<1x80x128xf32, #tpu.memory_space<vmem>>
      %dma_wait3A_294 = tpu.memref_squeeze %dma_wait3A_293 : memref<1x80x128xf32, #tpu.memory_space<vmem>> -> memref<80x128xf32, #tpu.memory_space<vmem>>
      %dma_wait3A_295 = arith.constant 0 : i32
      %dma_wait3A_296 = tpu.memref_slice %arg5[%dma_wait3A_295] : memref<10240xi32, #tpu.memory_space<vmem>> -> memref<80xi32, #tpu.memory_space<vmem>>
      %dma_wait3A_297 = arith.constant 0 : i32
      %dma_wait3A_298 = arith.constant 0 : i32
      %dma_wait3A_299 = tpu.memref_slice %arg2[%dma_wait3A_297, %dma_wait3A_298] : memref<16384x128xf32, #tpu.memory_space<hbm>> -> memref<16384x128xf32, #tpu.memory_space<hbm>>
      tpu.wait_indirect_dma semaphore(%arg7 : memref<!tpu.dma_semaphore, #tpu.memory_space<semaphore_mem>>) src(%dma_wait3A_299 : memref<16384x128xf32, #tpu.memory_space<hbm>>) dst(%dma_wait3A_294 : memref<80x128xf32, #tpu.memory_space<vmem>>)
      %mul3A_300 = arith.constant 80 : i32
      %mul3A_301 = arith.muli %add3A_289, %mul3A_300 : i32
      %add3A_302 = arith.addi %mul3A_4, %mul3A_301 : i32
      %dma_start3A_303 = arith.constant 0 : i32
      %dma_start3A_304 = arith.constant 0 : i32
      %dma_start3A_305 = arith.constant 0 : i32
      %dma_start3A_306 = tpu.memref_slice %arg6[%dma_start3A_303, %dma_start3A_304, %dma_start3A_305] : memref<4x80x128xf32, #tpu.memory_space<vmem>> -> memref<1x80x128xf32, #tpu.memory_space<vmem>>
      %dma_start3A_307 = tpu.memref_squeeze %dma_start3A_306 : memref<1x80x128xf32, #tpu.memory_space<vmem>> -> memref<80x128xf32, #tpu.memory_space<vmem>>
      %dma_start3A_308 = arith.constant 0 : i32
      %dma_start3A_309 = tpu.memref_slice %arg4[%add3A_302, %dma_start3A_308] : memref<327680x128xf32, #tpu.memory_space<hbm>> -> memref<80x128xf32, #tpu.memory_space<hbm>>
      %dma_start3A_310 = arith.constant 0 : i32
      %dma_start3A_311 = tpu.memref_slice %arg4[%add3A_302, %dma_start3A_310] : memref<327680x128xf32, #tpu.memory_space<hbm>> -> memref<80x128xf32, #tpu.memory_space<hbm>>
      %dma_start3A_312 = arith.constant 0 : i32
      %dma_start3A_313 = arith.constant 0 : i32
      %dma_start3A_314 = tpu.memref_slice %arg6[%dma_start3A_303, %dma_start3A_312, %dma_start3A_313] : memref<4x80x128xf32, #tpu.memory_space<vmem>> -> memref<1x80x128xf32, #tpu.memory_space<vmem>>
      %dma_start3A_315 = tpu.memref_squeeze %dma_start3A_314 : memref<1x80x128xf32, #tpu.memory_space<vmem>> -> memref<80x128xf32, #tpu.memory_space<vmem>>
      tpu.enqueue_dma source(%dma_start3A_315 : memref<80x128xf32, #tpu.memory_space<vmem>>) target(%dma_start3A_311 : memref<80x128xf32, #tpu.memory_space<hbm>>) target_semaphore(%arg11 : memref<!tpu.dma_semaphore, #tpu.memory_space<semaphore_mem>>)
      %add3A_316 = arith.constant 3 : i32
      %add3A_317 = arith.addi %add3A_289, %add3A_316 : i32
      %lt3A = arith.constant 128 : i32
      %lt3A_318 = arith.cmpi slt, %add3A_317, %lt3A : i32
      %convert_element_type3A = arith.extui %lt3A_318 : i1 to i32
      %cond3A = arith.constant 0 : i32
      %cond3A_319 = arith.cmpi ne, %convert_element_type3A, %cond3A : i32
      scf.if %cond3A_319 {
        %dma_wait3A_432 = arith.constant 3 : i32
        %dma_wait3A_433 = arith.constant 0 : i32
        %dma_wait3A_434 = arith.constant 0 : i32
        %dma_wait3A_435 = tpu.memref_slice %arg6[%dma_wait3A_432, %dma_wait3A_433, %dma_wait3A_434] : memref<4x80x128xf32, #tpu.memory_space<vmem>> -> memref<1x80x128xf32, #tpu.memory_space<vmem>>
        %dma_wait3A_436 = tpu.memref_squeeze %dma_wait3A_435 : memref<1x80x128xf32, #tpu.memory_space<vmem>> -> memref<80x128xf32, #tpu.memory_space<vmem>>
        %dma_wait3A_437 = arith.constant 0 : i32
        %dma_wait3A_438 = arith.constant 0 : i32
        %dma_wait3A_439 = tpu.memref_slice %arg4[%dma_wait3A_437, %dma_wait3A_438] : memref<327680x128xf32, #tpu.memory_space<hbm>> -> memref<80x128xf32, #tpu.memory_space<hbm>>
        %dma_wait3A_440 = arith.constant 0 : i32
        %dma_wait3A_441 = arith.constant 0 : i32
        %dma_wait3A_442 = tpu.memref_slice %arg4[%dma_wait3A_440, %dma_wait3A_441] : memref<327680x128xf32, #tpu.memory_space<hbm>> -> memref<80x128xf32, #tpu.memory_space<hbm>>
        %dma_wait3A_443 = arith.constant 0 : i32
        %dma_wait3A_444 = arith.constant 0 : i32
        %dma_wait3A_445 = tpu.memref_slice %arg6[%dma_wait3A_432, %dma_wait3A_443, %dma_wait3A_444] : memref<4x80x128xf32, #tpu.memory_space<vmem>> -> memref<1x80x128xf32, #tpu.memory_space<vmem>>
        %dma_wait3A_446 = tpu.memref_squeeze %dma_wait3A_445 : memref<1x80x128xf32, #tpu.memory_space<vmem>> -> memref<80x128xf32, #tpu.memory_space<vmem>>
        tpu.wait_dma2 semaphore(%arg14 : memref<!tpu.dma_semaphore, #tpu.memory_space<semaphore_mem>>) src(%dma_wait3A_446 : memref<80x128xf32, #tpu.memory_space<vmem>>) dst(%dma_wait3A_442 : memref<80x128xf32, #tpu.memory_space<hbm>>)
        %add3A_447 = arith.constant 3 : i32
        %add3A_448 = arith.addi %add3A_289, %add3A_447 : i32
        %mul3A_449 = arith.constant 80 : i32
        %mul3A_450 = arith.muli %add3A_448, %mul3A_449 : i32
        %dma_start3A_451 = arith.constant 3 : i32
        %dma_start3A_452 = arith.constant 0 : i32
        %dma_start3A_453 = arith.constant 0 : i32
        %dma_start3A_454 = tpu.memref_slice %arg6[%dma_start3A_451, %dma_start3A_452, %dma_start3A_453] : memref<4x80x128xf32, #tpu.memory_space<vmem>> -> memref<1x80x128xf32, #tpu.memory_space<vmem>>
        %dma_start3A_455 = tpu.memref_squeeze %dma_start3A_454 : memref<1x80x128xf32, #tpu.memory_space<vmem>> -> memref<80x128xf32, #tpu.memory_space<vmem>>
        %dma_start3A_456 = tpu.memref_slice %arg5[%mul3A_450] : memref<10240xi32, #tpu.memory_space<vmem>> -> memref<80xi32, #tpu.memory_space<vmem>>
        %dma_start3A_457 = arith.constant 0 : i32
        %dma_start3A_458 = arith.constant 0 : i32
        %dma_start3A_459 = tpu.memref_slice %arg2[%dma_start3A_457, %dma_start3A_458] : memref<16384x128xf32, #tpu.memory_space<hbm>> -> memref<16384x128xf32, #tpu.memory_space<hbm>>
        tpu.enqueue_indirect_dma source(%dma_start3A_459 : memref<16384x128xf32, #tpu.memory_space<hbm>>) target(%dma_start3A_455 : memref<80x128xf32, #tpu.memory_space<vmem>>) offsets(%dma_start3A_456 : memref<80xi32, #tpu.memory_space<vmem>>) semaphore(%arg10 : memref<!tpu.dma_semaphore, #tpu.memory_space<semaphore_mem>>)
      } else {
      }
      %mul3A_320 = arith.constant 4 : i32
      %mul3A_321 = arith.muli %scan3A_284, %mul3A_320 : i32
      %add3A_322 = arith.constant 1 : i32
      %add3A_323 = arith.addi %mul3A_321, %add3A_322 : i32
      %dma_wait3A_324 = arith.constant 1 : i32
      %dma_wait3A_325 = arith.constant 0 : i32
      %dma_wait3A_326 = arith.constant 0 : i32
      %dma_wait3A_327 = tpu.memref_slice %arg6[%dma_wait3A_324, %dma_wait3A_325, %dma_wait3A_326] : memref<4x80x128xf32, #tpu.memory_space<vmem>> -> memref<1x80x128xf32, #tpu.memory_space<vmem>>
      %dma_wait3A_328 = tpu.memref_squeeze %dma_wait3A_327 : memref<1x80x128xf32, #tpu.memory_space<vmem>> -> memref<80x128xf32, #tpu.memory_space<vmem>>
      %dma_wait3A_329 = arith.constant 0 : i32
      %dma_wait3A_330 = tpu.memref_slice %arg5[%dma_wait3A_329] : memref<10240xi32, #tpu.memory_space<vmem>> -> memref<80xi32, #tpu.memory_space<vmem>>
      %dma_wait3A_331 = arith.constant 0 : i32
      %dma_wait3A_332 = arith.constant 0 : i32
      %dma_wait3A_333 = tpu.memref_slice %arg2[%dma_wait3A_331, %dma_wait3A_332] : memref<16384x128xf32, #tpu.memory_space<hbm>> -> memref<16384x128xf32, #tpu.memory_space<hbm>>
      tpu.wait_indirect_dma semaphore(%arg8 : memref<!tpu.dma_semaphore, #tpu.memory_space<semaphore_mem>>) src(%dma_wait3A_333 : memref<16384x128xf32, #tpu.memory_space<hbm>>) dst(%dma_wait3A_328 : memref<80x128xf32, #tpu.memory_space<vmem>>)
      %mul3A_334 = arith.constant 80 : i32
      %mul3A_335 = arith.muli %add3A_323, %mul3A_334 : i32
      %add3A_336 = arith.addi %mul3A_4, %mul3A_335 : i32
      %dma_start3A_337 = arith.constant 1 : i32
      %dma_start3A_338 = arith.constant 0 : i32
      %dma_start3A_339 = arith.constant 0 : i32
      %dma_start3A_340 = tpu.memref_slice %arg6[%dma_start3A_337, %dma_start3A_338, %dma_start3A_339] : memref<4x80x128xf32, #tpu.memory_space<vmem>> -> memref<1x80x128xf32, #tpu.memory_space<vmem>>
      %dma_start3A_341 = tpu.memref_squeeze %dma_start3A_340 : memref<1x80x128xf32, #tpu.memory_space<vmem>> -> memref<80x128xf32, #tpu.memory_space<vmem>>
      %dma_start3A_342 = arith.constant 0 : i32
      %dma_start3A_343 = tpu.memref_slice %arg4[%add3A_336, %dma_start3A_342] : memref<327680x128xf32, #tpu.memory_space<hbm>> -> memref<80x128xf32, #tpu.memory_space<hbm>>
      %dma_start3A_344 = arith.constant 0 : i32
      %dma_start3A_345 = tpu.memref_slice %arg4[%add3A_336, %dma_start3A_344] : memref<327680x128xf32, #tpu.memory_space<hbm>> -> memref<80x128xf32, #tpu.memory_space<hbm>>
      %dma_start3A_346 = arith.constant 0 : i32
      %dma_start3A_347 = arith.constant 0 : i32
      %dma_start3A_348 = tpu.memref_slice %arg6[%dma_start3A_337, %dma_start3A_346, %dma_start3A_347] : memref<4x80x128xf32, #tpu.memory_space<vmem>> -> memref<1x80x128xf32, #tpu.memory_space<vmem>>
      %dma_start3A_349 = tpu.memref_squeeze %dma_start3A_348 : memref<1x80x128xf32, #tpu.memory_space<vmem>> -> memref<80x128xf32, #tpu.memory_space<vmem>>
      tpu.enqueue_dma source(%dma_start3A_349 : memref<80x128xf32, #tpu.memory_space<vmem>>) target(%dma_start3A_345 : memref<80x128xf32, #tpu.memory_space<hbm>>) target_semaphore(%arg12 : memref<!tpu.dma_semaphore, #tpu.memory_space<semaphore_mem>>)
      %add3A_350 = arith.constant 3 : i32
      %add3A_351 = arith.addi %add3A_323, %add3A_350 : i32
      %lt3A_352 = arith.constant 128 : i32
      %lt3A_353 = arith.cmpi slt, %add3A_351, %lt3A_352 : i32
      %convert_element_type3A_354 = arith.extui %lt3A_353 : i1 to i32
      %cond3A_355 = arith.constant 0 : i32
      %cond3A_356 = arith.cmpi ne, %convert_element_type3A_354, %cond3A_355 : i32
      scf.if %cond3A_356 {
        %dma_wait3A_432 = arith.constant 0 : i32
        %dma_wait3A_433 = arith.constant 0 : i32
        %dma_wait3A_434 = arith.constant 0 : i32
        %dma_wait3A_435 = tpu.memref_slice %arg6[%dma_wait3A_432, %dma_wait3A_433, %dma_wait3A_434] : memref<4x80x128xf32, #tpu.memory_space<vmem>> -> memref<1x80x128xf32, #tpu.memory_space<vmem>>
        %dma_wait3A_436 = tpu.memref_squeeze %dma_wait3A_435 : memref<1x80x128xf32, #tpu.memory_space<vmem>> -> memref<80x128xf32, #tpu.memory_space<vmem>>
        %dma_wait3A_437 = arith.constant 0 : i32
        %dma_wait3A_438 = arith.constant 0 : i32
        %dma_wait3A_439 = tpu.memref_slice %arg4[%dma_wait3A_437, %dma_wait3A_438] : memref<327680x128xf32, #tpu.memory_space<hbm>> -> memref<80x128xf32, #tpu.memory_space<hbm>>
        %dma_wait3A_440 = arith.constant 0 : i32
        %dma_wait3A_441 = arith.constant 0 : i32
        %dma_wait3A_442 = tpu.memref_slice %arg4[%dma_wait3A_440, %dma_wait3A_441] : memref<327680x128xf32, #tpu.memory_space<hbm>> -> memref<80x128xf32, #tpu.memory_space<hbm>>
        %dma_wait3A_443 = arith.constant 0 : i32
        %dma_wait3A_444 = arith.constant 0 : i32
        %dma_wait3A_445 = tpu.memref_slice %arg6[%dma_wait3A_432, %dma_wait3A_443, %dma_wait3A_444] : memref<4x80x128xf32, #tpu.memory_space<vmem>> -> memref<1x80x128xf32, #tpu.memory_space<vmem>>
        %dma_wait3A_446 = tpu.memref_squeeze %dma_wait3A_445 : memref<1x80x128xf32, #tpu.memory_space<vmem>> -> memref<80x128xf32, #tpu.memory_space<vmem>>
        tpu.wait_dma2 semaphore(%arg11 : memref<!tpu.dma_semaphore, #tpu.memory_space<semaphore_mem>>) src(%dma_wait3A_446 : memref<80x128xf32, #tpu.memory_space<vmem>>) dst(%dma_wait3A_442 : memref<80x128xf32, #tpu.memory_space<hbm>>)
        %add3A_447 = arith.constant 3 : i32
        %add3A_448 = arith.addi %add3A_323, %add3A_447 : i32
        %mul3A_449 = arith.constant 80 : i32
        %mul3A_450 = arith.muli %add3A_448, %mul3A_449 : i32
        %dma_start3A_451 = arith.constant 0 : i32
        %dma_start3A_452 = arith.constant 0 : i32
        %dma_start3A_453 = arith.constant 0 : i32
        %dma_start3A_454 = tpu.memref_slice %arg6[%dma_start3A_451, %dma_start3A_452, %dma_start3A_453] : memref<4x80x128xf32, #tpu.memory_space<vmem>> -> memref<1x80x128xf32, #tpu.memory_space<vmem>>
        %dma_start3A_455 = tpu.memref_squeeze %dma_start3A_454 : memref<1x80x128xf32, #tpu.memory_space<vmem>> -> memref<80x128xf32, #tpu.memory_space<vmem>>
        %dma_start3A_456 = tpu.memref_slice %arg5[%mul3A_450] : memref<10240xi32, #tpu.memory_space<vmem>> -> memref<80xi32, #tpu.memory_space<vmem>>
        %dma_start3A_457 = arith.constant 0 : i32
        %dma_start3A_458 = arith.constant 0 : i32
        %dma_start3A_459 = tpu.memref_slice %arg2[%dma_start3A_457, %dma_start3A_458] : memref<16384x128xf32, #tpu.memory_space<hbm>> -> memref<16384x128xf32, #tpu.memory_space<hbm>>
        tpu.enqueue_indirect_dma source(%dma_start3A_459 : memref<16384x128xf32, #tpu.memory_space<hbm>>) target(%dma_start3A_455 : memref<80x128xf32, #tpu.memory_space<vmem>>) offsets(%dma_start3A_456 : memref<80xi32, #tpu.memory_space<vmem>>) semaphore(%arg7 : memref<!tpu.dma_semaphore, #tpu.memory_space<semaphore_mem>>)
      } else {
      }
      %mul3A_357 = arith.constant 4 : i32
      %mul3A_358 = arith.muli %scan3A_284, %mul3A_357 : i32
      %add3A_359 = arith.constant 2 : i32
      %add3A_360 = arith.addi %mul3A_358, %add3A_359 : i32
      %dma_wait3A_361 = arith.constant 2 : i32
      %dma_wait3A_362 = arith.constant 0 : i32
      %dma_wait3A_363 = arith.constant 0 : i32
      %dma_wait3A_364 = tpu.memref_slice %arg6[%dma_wait3A_361, %dma_wait3A_362, %dma_wait3A_363] : memref<4x80x128xf32, #tpu.memory_space<vmem>> -> memref<1x80x128xf32, #tpu.memory_space<vmem>>
      %dma_wait3A_365 = tpu.memref_squeeze %dma_wait3A_364 : memref<1x80x128xf32, #tpu.memory_space<vmem>> -> memref<80x128xf32, #tpu.memory_space<vmem>>
      %dma_wait3A_366 = arith.constant 0 : i32
      %dma_wait3A_367 = tpu.memref_slice %arg5[%dma_wait3A_366] : memref<10240xi32, #tpu.memory_space<vmem>> -> memref<80xi32, #tpu.memory_space<vmem>>
      %dma_wait3A_368 = arith.constant 0 : i32
      %dma_wait3A_369 = arith.constant 0 : i32
      %dma_wait3A_370 = tpu.memref_slice %arg2[%dma_wait3A_368, %dma_wait3A_369] : memref<16384x128xf32, #tpu.memory_space<hbm>> -> memref<16384x128xf32, #tpu.memory_space<hbm>>
      tpu.wait_indirect_dma semaphore(%arg9 : memref<!tpu.dma_semaphore, #tpu.memory_space<semaphore_mem>>) src(%dma_wait3A_370 : memref<16384x128xf32, #tpu.memory_space<hbm>>) dst(%dma_wait3A_365 : memref<80x128xf32, #tpu.memory_space<vmem>>)
      %mul3A_371 = arith.constant 80 : i32
      %mul3A_372 = arith.muli %add3A_360, %mul3A_371 : i32
      %add3A_373 = arith.addi %mul3A_4, %mul3A_372 : i32
      %dma_start3A_374 = arith.constant 2 : i32
      %dma_start3A_375 = arith.constant 0 : i32
      %dma_start3A_376 = arith.constant 0 : i32
      %dma_start3A_377 = tpu.memref_slice %arg6[%dma_start3A_374, %dma_start3A_375, %dma_start3A_376] : memref<4x80x128xf32, #tpu.memory_space<vmem>> -> memref<1x80x128xf32, #tpu.memory_space<vmem>>
      %dma_start3A_378 = tpu.memref_squeeze %dma_start3A_377 : memref<1x80x128xf32, #tpu.memory_space<vmem>> -> memref<80x128xf32, #tpu.memory_space<vmem>>
      %dma_start3A_379 = arith.constant 0 : i32
      %dma_start3A_380 = tpu.memref_slice %arg4[%add3A_373, %dma_start3A_379] : memref<327680x128xf32, #tpu.memory_space<hbm>> -> memref<80x128xf32, #tpu.memory_space<hbm>>
      %dma_start3A_381 = arith.constant 0 : i32
      %dma_start3A_382 = tpu.memref_slice %arg4[%add3A_373, %dma_start3A_381] : memref<327680x128xf32, #tpu.memory_space<hbm>> -> memref<80x128xf32, #tpu.memory_space<hbm>>
      %dma_start3A_383 = arith.constant 0 : i32
      %dma_start3A_384 = arith.constant 0 : i32
      %dma_start3A_385 = tpu.memref_slice %arg6[%dma_start3A_374, %dma_start3A_383, %dma_start3A_384] : memref<4x80x128xf32, #tpu.memory_space<vmem>> -> memref<1x80x128xf32, #tpu.memory_space<vmem>>
      %dma_start3A_386 = tpu.memref_squeeze %dma_start3A_385 : memref<1x80x128xf32, #tpu.memory_space<vmem>> -> memref<80x128xf32, #tpu.memory_space<vmem>>
      tpu.enqueue_dma source(%dma_start3A_386 : memref<80x128xf32, #tpu.memory_space<vmem>>) target(%dma_start3A_382 : memref<80x128xf32, #tpu.memory_space<hbm>>) target_semaphore(%arg13 : memref<!tpu.dma_semaphore, #tpu.memory_space<semaphore_mem>>)
      %add3A_387 = arith.constant 3 : i32
      %add3A_388 = arith.addi %add3A_360, %add3A_387 : i32
      %lt3A_389 = arith.constant 128 : i32
      %lt3A_390 = arith.cmpi slt, %add3A_388, %lt3A_389 : i32
      %convert_element_type3A_391 = arith.extui %lt3A_390 : i1 to i32
      %cond3A_392 = arith.constant 0 : i32
      %cond3A_393 = arith.cmpi ne, %convert_element_type3A_391, %cond3A_392 : i32
      scf.if %cond3A_393 {
        %dma_wait3A_432 = arith.constant 1 : i32
        %dma_wait3A_433 = arith.constant 0 : i32
        %dma_wait3A_434 = arith.constant 0 : i32
        %dma_wait3A_435 = tpu.memref_slice %arg6[%dma_wait3A_432, %dma_wait3A_433, %dma_wait3A_434] : memref<4x80x128xf32, #tpu.memory_space<vmem>> -> memref<1x80x128xf32, #tpu.memory_space<vmem>>
        %dma_wait3A_436 = tpu.memref_squeeze %dma_wait3A_435 : memref<1x80x128xf32, #tpu.memory_space<vmem>> -> memref<80x128xf32, #tpu.memory_space<vmem>>
        %dma_wait3A_437 = arith.constant 0 : i32
        %dma_wait3A_438 = arith.constant 0 : i32
        %dma_wait3A_439 = tpu.memref_slice %arg4[%dma_wait3A_437, %dma_wait3A_438] : memref<327680x128xf32, #tpu.memory_space<hbm>> -> memref<80x128xf32, #tpu.memory_space<hbm>>
        %dma_wait3A_440 = arith.constant 0 : i32
        %dma_wait3A_441 = arith.constant 0 : i32
        %dma_wait3A_442 = tpu.memref_slice %arg4[%dma_wait3A_440, %dma_wait3A_441] : memref<327680x128xf32, #tpu.memory_space<hbm>> -> memref<80x128xf32, #tpu.memory_space<hbm>>
        %dma_wait3A_443 = arith.constant 0 : i32
        %dma_wait3A_444 = arith.constant 0 : i32
        %dma_wait3A_445 = tpu.memref_slice %arg6[%dma_wait3A_432, %dma_wait3A_443, %dma_wait3A_444] : memref<4x80x128xf32, #tpu.memory_space<vmem>> -> memref<1x80x128xf32, #tpu.memory_space<vmem>>
        %dma_wait3A_446 = tpu.memref_squeeze %dma_wait3A_445 : memref<1x80x128xf32, #tpu.memory_space<vmem>> -> memref<80x128xf32, #tpu.memory_space<vmem>>
        tpu.wait_dma2 semaphore(%arg12 : memref<!tpu.dma_semaphore, #tpu.memory_space<semaphore_mem>>) src(%dma_wait3A_446 : memref<80x128xf32, #tpu.memory_space<vmem>>) dst(%dma_wait3A_442 : memref<80x128xf32, #tpu.memory_space<hbm>>)
        %add3A_447 = arith.constant 3 : i32
        %add3A_448 = arith.addi %add3A_360, %add3A_447 : i32
        %mul3A_449 = arith.constant 80 : i32
        %mul3A_450 = arith.muli %add3A_448, %mul3A_449 : i32
        %dma_start3A_451 = arith.constant 1 : i32
        %dma_start3A_452 = arith.constant 0 : i32
        %dma_start3A_453 = arith.constant 0 : i32
        %dma_start3A_454 = tpu.memref_slice %arg6[%dma_start3A_451, %dma_start3A_452, %dma_start3A_453] : memref<4x80x128xf32, #tpu.memory_space<vmem>> -> memref<1x80x128xf32, #tpu.memory_space<vmem>>
        %dma_start3A_455 = tpu.memref_squeeze %dma_start3A_454 : memref<1x80x128xf32, #tpu.memory_space<vmem>> -> memref<80x128xf32, #tpu.memory_space<vmem>>
        %dma_start3A_456 = tpu.memref_slice %arg5[%mul3A_450] : memref<10240xi32, #tpu.memory_space<vmem>> -> memref<80xi32, #tpu.memory_space<vmem>>
        %dma_start3A_457 = arith.constant 0 : i32
        %dma_start3A_458 = arith.constant 0 : i32
        %dma_start3A_459 = tpu.memref_slice %arg2[%dma_start3A_457, %dma_start3A_458] : memref<16384x128xf32, #tpu.memory_space<hbm>> -> memref<16384x128xf32, #tpu.memory_space<hbm>>
        tpu.enqueue_indirect_dma source(%dma_start3A_459 : memref<16384x128xf32, #tpu.memory_space<hbm>>) target(%dma_start3A_455 : memref<80x128xf32, #tpu.memory_space<vmem>>) offsets(%dma_start3A_456 : memref<80xi32, #tpu.memory_space<vmem>>) semaphore(%arg8 : memref<!tpu.dma_semaphore, #tpu.memory_space<semaphore_mem>>)
      } else {
      }
      %mul3A_394 = arith.constant 4 : i32
      %mul3A_395 = arith.muli %scan3A_284, %mul3A_394 : i32
      %add3A_396 = arith.constant 3 : i32
      %add3A_397 = arith.addi %mul3A_395, %add3A_396 : i32
      %dma_wait3A_398 = arith.constant 3 : i32
      %dma_wait3A_399 = arith.constant 0 : i32
      %dma_wait3A_400 = arith.constant 0 : i32
      %dma_wait3A_401 = tpu.memref_slice %arg6[%dma_wait3A_398, %dma_wait3A_399, %dma_wait3A_400] : memref<4x80x128xf32, #tpu.memory_space<vmem>> -> memref<1x80x128xf32, #tpu.memory_space<vmem>>
      %dma_wait3A_402 = tpu.memref_squeeze %dma_wait3A_401 : memref<1x80x128xf32, #tpu.memory_space<vmem>> -> memref<80x128xf32, #tpu.memory_space<vmem>>
      %dma_wait3A_403 = arith.constant 0 : i32
      %dma_wait3A_404 = tpu.memref_slice %arg5[%dma_wait3A_403] : memref<10240xi32, #tpu.memory_space<vmem>> -> memref<80xi32, #tpu.memory_space<vmem>>
      %dma_wait3A_405 = arith.constant 0 : i32
      %dma_wait3A_406 = arith.constant 0 : i32
      %dma_wait3A_407 = tpu.memref_slice %arg2[%dma_wait3A_405, %dma_wait3A_406] : memref<16384x128xf32, #tpu.memory_space<hbm>> -> memref<16384x128xf32, #tpu.memory_space<hbm>>
      tpu.wait_indirect_dma semaphore(%arg10 : memref<!tpu.dma_semaphore, #tpu.memory_space<semaphore_mem>>) src(%dma_wait3A_407 : memref<16384x128xf32, #tpu.memory_space<hbm>>) dst(%dma_wait3A_402 : memref<80x128xf32, #tpu.memory_space<vmem>>)
      %mul3A_408 = arith.constant 80 : i32
      %mul3A_409 = arith.muli %add3A_397, %mul3A_408 : i32
      %add3A_410 = arith.addi %mul3A_4, %mul3A_409 : i32
      %dma_start3A_411 = arith.constant 3 : i32
      %dma_start3A_412 = arith.constant 0 : i32
      %dma_start3A_413 = arith.constant 0 : i32
      %dma_start3A_414 = tpu.memref_slice %arg6[%dma_start3A_411, %dma_start3A_412, %dma_start3A_413] : memref<4x80x128xf32, #tpu.memory_space<vmem>> -> memref<1x80x128xf32, #tpu.memory_space<vmem>>
      %dma_start3A_415 = tpu.memref_squeeze %dma_start3A_414 : memref<1x80x128xf32, #tpu.memory_space<vmem>> -> memref<80x128xf32, #tpu.memory_space<vmem>>
      %dma_start3A_416 = arith.constant 0 : i32
      %dma_start3A_417 = tpu.memref_slice %arg4[%add3A_410, %dma_start3A_416] : memref<327680x128xf32, #tpu.memory_space<hbm>> -> memref<80x128xf32, #tpu.memory_space<hbm>>
      %dma_start3A_418 = arith.constant 0 : i32
      %dma_start3A_419 = tpu.memref_slice %arg4[%add3A_410, %dma_start3A_418] : memref<327680x128xf32, #tpu.memory_space<hbm>> -> memref<80x128xf32, #tpu.memory_space<hbm>>
      %dma_start3A_420 = arith.constant 0 : i32
      %dma_start3A_421 = arith.constant 0 : i32
      %dma_start3A_422 = tpu.memref_slice %arg6[%dma_start3A_411, %dma_start3A_420, %dma_start3A_421] : memref<4x80x128xf32, #tpu.memory_space<vmem>> -> memref<1x80x128xf32, #tpu.memory_space<vmem>>
      %dma_start3A_423 = tpu.memref_squeeze %dma_start3A_422 : memref<1x80x128xf32, #tpu.memory_space<vmem>> -> memref<80x128xf32, #tpu.memory_space<vmem>>
      tpu.enqueue_dma source(%dma_start3A_423 : memref<80x128xf32, #tpu.memory_space<vmem>>) target(%dma_start3A_419 : memref<80x128xf32, #tpu.memory_space<hbm>>) target_semaphore(%arg14 : memref<!tpu.dma_semaphore, #tpu.memory_space<semaphore_mem>>)
      %add3A_424 = arith.constant 3 : i32
      %add3A_425 = arith.addi %add3A_397, %add3A_424 : i32
      %lt3A_426 = arith.constant 128 : i32
      %lt3A_427 = arith.cmpi slt, %add3A_425, %lt3A_426 : i32
      %convert_element_type3A_428 = arith.extui %lt3A_427 : i1 to i32
      %cond3A_429 = arith.constant 0 : i32
      %cond3A_430 = arith.cmpi ne, %convert_element_type3A_428, %cond3A_429 : i32
      scf.if %cond3A_430 {
        %dma_wait3A_432 = arith.constant 2 : i32
        %dma_wait3A_433 = arith.constant 0 : i32
        %dma_wait3A_434 = arith.constant 0 : i32
        %dma_wait3A_435 = tpu.memref_slice %arg6[%dma_wait3A_432, %dma_wait3A_433, %dma_wait3A_434] : memref<4x80x128xf32, #tpu.memory_space<vmem>> -> memref<1x80x128xf32, #tpu.memory_space<vmem>>
        %dma_wait3A_436 = tpu.memref_squeeze %dma_wait3A_435 : memref<1x80x128xf32, #tpu.memory_space<vmem>> -> memref<80x128xf32, #tpu.memory_space<vmem>>
        %dma_wait3A_437 = arith.constant 0 : i32
        %dma_wait3A_438 = arith.constant 0 : i32
        %dma_wait3A_439 = tpu.memref_slice %arg4[%dma_wait3A_437, %dma_wait3A_438] : memref<327680x128xf32, #tpu.memory_space<hbm>> -> memref<80x128xf32, #tpu.memory_space<hbm>>
        %dma_wait3A_440 = arith.constant 0 : i32
        %dma_wait3A_441 = arith.constant 0 : i32
        %dma_wait3A_442 = tpu.memref_slice %arg4[%dma_wait3A_440, %dma_wait3A_441] : memref<327680x128xf32, #tpu.memory_space<hbm>> -> memref<80x128xf32, #tpu.memory_space<hbm>>
        %dma_wait3A_443 = arith.constant 0 : i32
        %dma_wait3A_444 = arith.constant 0 : i32
        %dma_wait3A_445 = tpu.memref_slice %arg6[%dma_wait3A_432, %dma_wait3A_443, %dma_wait3A_444] : memref<4x80x128xf32, #tpu.memory_space<vmem>> -> memref<1x80x128xf32, #tpu.memory_space<vmem>>
        %dma_wait3A_446 = tpu.memref_squeeze %dma_wait3A_445 : memref<1x80x128xf32, #tpu.memory_space<vmem>> -> memref<80x128xf32, #tpu.memory_space<vmem>>
        tpu.wait_dma2 semaphore(%arg13 : memref<!tpu.dma_semaphore, #tpu.memory_space<semaphore_mem>>) src(%dma_wait3A_446 : memref<80x128xf32, #tpu.memory_space<vmem>>) dst(%dma_wait3A_442 : memref<80x128xf32, #tpu.memory_space<hbm>>)
        %add3A_447 = arith.constant 3 : i32
        %add3A_448 = arith.addi %add3A_397, %add3A_447 : i32
        %mul3A_449 = arith.constant 80 : i32
        %mul3A_450 = arith.muli %add3A_448, %mul3A_449 : i32
        %dma_start3A_451 = arith.constant 2 : i32
        %dma_start3A_452 = arith.constant 0 : i32
        %dma_start3A_453 = arith.constant 0 : i32
        %dma_start3A_454 = tpu.memref_slice %arg6[%dma_start3A_451, %dma_start3A_452, %dma_start3A_453] : memref<4x80x128xf32, #tpu.memory_space<vmem>> -> memref<1x80x128xf32, #tpu.memory_space<vmem>>
        %dma_start3A_455 = tpu.memref_squeeze %dma_start3A_454 : memref<1x80x128xf32, #tpu.memory_space<vmem>> -> memref<80x128xf32, #tpu.memory_space<vmem>>
        %dma_start3A_456 = tpu.memref_slice %arg5[%mul3A_450] : memref<10240xi32, #tpu.memory_space<vmem>> -> memref<80xi32, #tpu.memory_space<vmem>>
        %dma_start3A_457 = arith.constant 0 : i32
        %dma_start3A_458 = arith.constant 0 : i32
        %dma_start3A_459 = tpu.memref_slice %arg2[%dma_start3A_457, %dma_start3A_458] : memref<16384x128xf32, #tpu.memory_space<hbm>> -> memref<16384x128xf32, #tpu.memory_space<hbm>>
        tpu.enqueue_indirect_dma source(%dma_start3A_459 : memref<16384x128xf32, #tpu.memory_space<hbm>>) target(%dma_start3A_455 : memref<80x128xf32, #tpu.memory_space<vmem>>) offsets(%dma_start3A_456 : memref<80xi32, #tpu.memory_space<vmem>>) semaphore(%arg9 : memref<!tpu.dma_semaphore, #tpu.memory_space<semaphore_mem>>)
      } else {
      }
      %scan3A_431 = arith.constant 0 : i32
      scf.yield %scan3A_431 : i32
    }
    %scan3A_223 = arith.constant 31 : i32
    %dma_wait3A_224 = arith.constant 0 : i32
    %dma_wait3A_225 = arith.constant 0 : i32
    %dma_wait3A_226 = arith.constant 0 : i32
    %dma_wait3A_227 = tpu.memref_slice %arg6[%dma_wait3A_224, %dma_wait3A_225, %dma_wait3A_226] : memref<4x80x128xf32, #tpu.memory_space<vmem>> -> memref<1x80x128xf32, #tpu.memory_space<vmem>>
    %dma_wait3A_228 = tpu.memref_squeeze %dma_wait3A_227 : memref<1x80x128xf32, #tpu.memory_space<vmem>> -> memref<80x128xf32, #tpu.memory_space<vmem>>
    %dma_wait3A_229 = arith.constant 0 : i32
    %dma_wait3A_230 = arith.constant 0 : i32
    %dma_wait3A_231 = tpu.memref_slice %arg4[%dma_wait3A_229, %dma_wait3A_230] : memref<327680x128xf32, #tpu.memory_space<hbm>> -> memref<80x128xf32, #tpu.memory_space<hbm>>
    %dma_wait3A_232 = arith.constant 0 : i32
    %dma_wait3A_233 = arith.constant 0 : i32
    %dma_wait3A_234 = tpu.memref_slice %arg4[%dma_wait3A_232, %dma_wait3A_233] : memref<327680x128xf32, #tpu.memory_space<hbm>> -> memref<80x128xf32, #tpu.memory_space<hbm>>
    %dma_wait3A_235 = arith.constant 0 : i32
    %dma_wait3A_236 = arith.constant 0 : i32
    %dma_wait3A_237 = tpu.memref_slice %arg6[%dma_wait3A_224, %dma_wait3A_235, %dma_wait3A_236] : memref<4x80x128xf32, #tpu.memory_space<vmem>> -> memref<1x80x128xf32, #tpu.memory_space<vmem>>
    %dma_wait3A_238 = tpu.memref_squeeze %dma_wait3A_237 : memref<1x80x128xf32, #tpu.memory_space<vmem>> -> memref<80x128xf32, #tpu.memory_space<vmem>>
    tpu.wait_dma2 semaphore(%arg11 : memref<!tpu.dma_semaphore, #tpu.memory_space<semaphore_mem>>) src(%dma_wait3A_238 : memref<80x128xf32, #tpu.memory_space<vmem>>) dst(%dma_wait3A_234 : memref<80x128xf32, #tpu.memory_space<hbm>>)
    %dma_wait3A_239 = arith.constant 1 : i32
    %dma_wait3A_240 = arith.constant 0 : i32
    %dma_wait3A_241 = arith.constant 0 : i32
    %dma_wait3A_242 = tpu.memref_slice %arg6[%dma_wait3A_239, %dma_wait3A_240, %dma_wait3A_241] : memref<4x80x128xf32, #tpu.memory_space<vmem>> -> memref<1x80x128xf32, #tpu.memory_space<vmem>>
    %dma_wait3A_243 = tpu.memref_squeeze %dma_wait3A_242 : memref<1x80x128xf32, #tpu.memory_space<vmem>> -> memref<80x128xf32, #tpu.memory_space<vmem>>
    %dma_wait3A_244 = arith.constant 0 : i32
    %dma_wait3A_245 = arith.constant 0 : i32
    %dma_wait3A_246 = tpu.memref_slice %arg4[%dma_wait3A_244, %dma_wait3A_245] : memref<327680x128xf32, #tpu.memory_space<hbm>> -> memref<80x128xf32, #tpu.memory_space<hbm>>
    %dma_wait3A_247 = arith.constant 0 : i32
    %dma_wait3A_248 = arith.constant 0 : i32
    %dma_wait3A_249 = tpu.memref_slice %arg4[%dma_wait3A_247, %dma_wait3A_248] : memref<327680x128xf32, #tpu.memory_space<hbm>> -> memref<80x128xf32, #tpu.memory_space<hbm>>
    %dma_wait3A_250 = arith.constant 0 : i32
    %dma_wait3A_251 = arith.constant 0 : i32
    %dma_wait3A_252 = tpu.memref_slice %arg6[%dma_wait3A_239, %dma_wait3A_250, %dma_wait3A_251] : memref<4x80x128xf32, #tpu.memory_space<vmem>> -> memref<1x80x128xf32, #tpu.memory_space<vmem>>
    %dma_wait3A_253 = tpu.memref_squeeze %dma_wait3A_252 : memref<1x80x128xf32, #tpu.memory_space<vmem>> -> memref<80x128xf32, #tpu.memory_space<vmem>>
    tpu.wait_dma2 semaphore(%arg12 : memref<!tpu.dma_semaphore, #tpu.memory_space<semaphore_mem>>) src(%dma_wait3A_253 : memref<80x128xf32, #tpu.memory_space<vmem>>) dst(%dma_wait3A_249 : memref<80x128xf32, #tpu.memory_space<hbm>>)
    %dma_wait3A_254 = arith.constant 2 : i32
    %dma_wait3A_255 = arith.constant 0 : i32
    %dma_wait3A_256 = arith.constant 0 : i32
    %dma_wait3A_257 = tpu.memref_slice %arg6[%dma_wait3A_254, %dma_wait3A_255, %dma_wait3A_256] : memref<4x80x128xf32, #tpu.memory_space<vmem>> -> memref<1x80x128xf32, #tpu.memory_space<vmem>>
    %dma_wait3A_258 = tpu.memref_squeeze %dma_wait3A_257 : memref<1x80x128xf32, #tpu.memory_space<vmem>> -> memref<80x128xf32, #tpu.memory_space<vmem>>
    %dma_wait3A_259 = arith.constant 0 : i32
    %dma_wait3A_260 = arith.constant 0 : i32
    %dma_wait3A_261 = tpu.memref_slice %arg4[%dma_wait3A_259, %dma_wait3A_260] : memref<327680x128xf32, #tpu.memory_space<hbm>> -> memref<80x128xf32, #tpu.memory_space<hbm>>
    %dma_wait3A_262 = arith.constant 0 : i32
    %dma_wait3A_263 = arith.constant 0 : i32
    %dma_wait3A_264 = tpu.memref_slice %arg4[%dma_wait3A_262, %dma_wait3A_263] : memref<327680x128xf32, #tpu.memory_space<hbm>> -> memref<80x128xf32, #tpu.memory_space<hbm>>
    %dma_wait3A_265 = arith.constant 0 : i32
    %dma_wait3A_266 = arith.constant 0 : i32
    %dma_wait3A_267 = tpu.memref_slice %arg6[%dma_wait3A_254, %dma_wait3A_265, %dma_wait3A_266] : memref<4x80x128xf32, #tpu.memory_space<vmem>> -> memref<1x80x128xf32, #tpu.memory_space<vmem>>
    %dma_wait3A_268 = tpu.memref_squeeze %dma_wait3A_267 : memref<1x80x128xf32, #tpu.memory_space<vmem>> -> memref<80x128xf32, #tpu.memory_space<vmem>>
    tpu.wait_dma2 semaphore(%arg13 : memref<!tpu.dma_semaphore, #tpu.memory_space<semaphore_mem>>) src(%dma_wait3A_268 : memref<80x128xf32, #tpu.memory_space<vmem>>) dst(%dma_wait3A_264 : memref<80x128xf32, #tpu.memory_space<hbm>>)
    %dma_wait3A_269 = arith.constant 3 : i32
    %dma_wait3A_270 = arith.constant 0 : i32
    %dma_wait3A_271 = arith.constant 0 : i32
    %dma_wait3A_272 = tpu.memref_slice %arg6[%dma_wait3A_269, %dma_wait3A_270, %dma_wait3A_271] : memref<4x80x128xf32, #tpu.memory_space<vmem>> -> memref<1x80x128xf32, #tpu.memory_space<vmem>>
    %dma_wait3A_273 = tpu.memref_squeeze %dma_wait3A_272 : memref<1x80x128xf32, #tpu.memory_space<vmem>> -> memref<80x128xf32, #tpu.memory_space<vmem>>
    %dma_wait3A_274 = arith.constant 0 : i32
    %dma_wait3A_275 = arith.constant 0 : i32
    %dma_wait3A_276 = tpu.memref_slice %arg4[%dma_wait3A_274, %dma_wait3A_275] : memref<327680x128xf32, #tpu.memory_space<hbm>> -> memref<80x128xf32, #tpu.memory_space<hbm>>
    %dma_wait3A_277 = arith.constant 0 : i32
    %dma_wait3A_278 = arith.constant 0 : i32
    %dma_wait3A_279 = tpu.memref_slice %arg4[%dma_wait3A_277, %dma_wait3A_278] : memref<327680x128xf32, #tpu.memory_space<hbm>> -> memref<80x128xf32, #tpu.memory_space<hbm>>
    %dma_wait3A_280 = arith.constant 0 : i32
    %dma_wait3A_281 = arith.constant 0 : i32
    %dma_wait3A_282 = tpu.memref_slice %arg6[%dma_wait3A_269, %dma_wait3A_280, %dma_wait3A_281] : memref<4x80x128xf32, #tpu.memory_space<vmem>> -> memref<1x80x128xf32, #tpu.memory_space<vmem>>
    %dma_wait3A_283 = tpu.memref_squeeze %dma_wait3A_282 : memref<1x80x128xf32, #tpu.memory_space<vmem>> -> memref<80x128xf32, #tpu.memory_space<vmem>>
    tpu.wait_dma2 semaphore(%arg14 : memref<!tpu.dma_semaphore, #tpu.memory_space<semaphore_mem>>) src(%dma_wait3A_283 : memref<80x128xf32, #tpu.memory_space<vmem>>) dst(%dma_wait3A_279 : memref<80x128xf32, #tpu.memory_space<hbm>>)
    return
  }
}

module attributes {stable_mosaic.version = 14 : i64} {
  func.func @_conv_body(%arg0: i32, %arg1: i32, %arg2: memref<1x2560x128xf32, #tpu.memory_space<vmem>>, %arg3: memref<1x128x128xf32, #tpu.memory_space<vmem>>, %arg4: memref<6x128xf32, #tpu.memory_space<vmem>>, %arg5: memref<1x128x128xf32, #tpu.memory_space<vmem>>, %arg6: memref<1x1x128xf32, #tpu.memory_space<vmem>>, %arg7: memref<1x1x128xf32, #tpu.memory_space<vmem>>) attributes {dimension_semantics = [#tpu.dimension_semantics<arbitrary>, #tpu.dimension_semantics<arbitrary>], iteration_bounds = array<i64: 16, 8>, scalar_prefetch = 0 : i64, scratch_operands = 0 : i64, tpu.core_type = #tpu.core_type<tc>, window_params = [{transform_indices = @transform_0, window_bounds = array<i64: 1, 2560, 128>}, {transform_indices = @transform_1, window_bounds = array<i64: 1, 128, 128>}, {pipeline_mode = #tpu.pipeline_mode<synchronous>, transform_indices = @transform_2, window_bounds = array<i64: 6, 128>}, {transform_indices = @transform_3, window_bounds = array<i64: 1, 128, 128>}, {transform_indices = @transform_4, window_bounds = array<i64: 1, 1, 128>}, {transform_indices = @transform_5, window_bounds = array<i64: 1, 1, 128>}]} {
    %get3A = arith.constant 0 : index
    %get3A_0 = arith.constant 0 : index
    %get3A_1 = arith.constant 0 : index
    %get3A_2 = vector.load %arg2[%get3A, %get3A_0, %get3A_1] : memref<1x2560x128xf32, #tpu.memory_space<vmem>>, vector<1x2560x128xf32>
    %get3A_3 = vector.shape_cast %get3A_2 : vector<1x2560x128xf32> to vector<2560x128xf32>
    %reshape3A = vector.shape_cast %get3A_3 : vector<2560x128xf32> to vector<128x20x128xf32>
    %get3A_4 = arith.constant 0 : index
    %get3A_5 = arith.constant 0 : index
    %get3A_6 = arith.constant 0 : index
    %get3A_7 = vector.load %arg3[%get3A_4, %get3A_5, %get3A_6] : memref<1x128x128xf32, #tpu.memory_space<vmem>>, vector<1x128x128xf32>
    %get3A_8 = vector.shape_cast %get3A_7 : vector<1x128x128xf32> to vector<128x128xf32>
    %slice3A = vector.extract_strided_slice %reshape3A {offsets = [0, 0, 0], sizes = [128, 20, 3], strides = [1, 1, 1]} : vector<128x20x128xf32> to vector<128x20x3xf32>
    %slice3A_9 = vector.extract_strided_slice %get3A_8 {offsets = [0, 0], sizes = [128, 3], strides = [1, 1]} : vector<128x128xf32> to vector<128x3xf32>
    %broadcast_in_dim3A = vector.shape_cast %slice3A_9 : vector<128x3xf32> to vector<128x1x3xf32>
    %sub3A = vector.broadcast %broadcast_in_dim3A : vector<128x1x3xf32> to vector<128x20x3xf32>
    %sub3A_10 = arith.subf %slice3A, %sub3A : vector<128x20x3xf32>
    %slice3A_11 = vector.extract_strided_slice %get3A_8 {offsets = [0, 0], sizes = [128, 3], strides = [1, 1]} : vector<128x128xf32> to vector<128x3xf32>
    %broadcast_in_dim3A_12 = vector.shape_cast %slice3A_11 : vector<128x3xf32> to vector<128x1x3xf32>
    %broadcast_in_dim3A_13 = vector.shape_cast %broadcast_in_dim3A_12 : vector<128x1x3xf32> to vector<128x1x3xf32>
    %broadcast_in_dim3A_14 = vector.broadcast %broadcast_in_dim3A_13 : vector<128x1x3xf32> to vector<128x20x3xf32>
    %concatenate3A = tpu.concatenate %sub3A_10, %broadcast_in_dim3A_14 in 2 : vector<128x20x3xf32>, vector<128x20x3xf32> -> vector<128x20x6xf32>
    %reshape3A_15 = vector.shape_cast %concatenate3A : vector<128x20x6xf32> to vector<2560x6xf32>
    %get3A_16 = arith.constant 0 : index
    %get3A_17 = arith.constant 0 : index
    %get3A_18 = vector.load %arg4[%get3A_16, %get3A_17] : memref<6x128xf32, #tpu.memory_space<vmem>>, vector<6x128xf32>
    %dot_general3A = arith.constant dense<0.000000e+00> : vector<2560x128xf32>
    %dot_general3A_19 = tpu.matmul %reshape3A_15, %get3A_18, %dot_general3A {dimension_numbers = #tpu.dot_dimension_numbers<[1], [0], [0], [1], [0, 0, 1, 1], [], []>, transpose_lhs_hint = false} : vector<2560x6xf32>, vector<6x128xf32>, vector<2560x128xf32> -> vector<2560x128xf32>
    %reshape3A_20 = vector.shape_cast %dot_general3A_19 : vector<2560x128xf32> to vector<128x20x128xf32>
    %reduce_max3A = arith.constant dense<0xFF800000> : vector<128x128xf32>
    %reduce_max3A_21 = vector.multi_reduction <maximumf>, %reshape3A_20, %reduce_max3A [1] : vector<128x20x128xf32> to vector<128x128xf32>
    %swap3A = arith.constant 0 : index
    %swap3A_22 = arith.constant 0 : index
    %swap3A_23 = arith.constant 0 : index
    %swap3A_24 = vector.load %arg5[%swap3A, %swap3A_22, %swap3A_23] : memref<1x128x128xf32, #tpu.memory_space<vmem>>, vector<1x128x128xf32>
    %swap3A_25 = vector.shape_cast %swap3A_24 : vector<1x128x128xf32> to vector<128x128xf32>
    %swap3A_26 = vector.shape_cast %reduce_max3A_21 : vector<128x128xf32> to vector<1x128x128xf32>
    tpu.vector_store %arg5[%swap3A, %swap3A_22, %swap3A_23], %swap3A_26 {strides = array<i32>} : memref<1x128x128xf32, #tpu.memory_space<vmem>>, vector<1x128x128xf32>,
    %reduce_sum3A = arith.constant dense<0.000000e+00> : vector<128xf32>
    %reduce_sum3A_27 = vector.multi_reduction <add>, %dot_general3A_19, %reduce_sum3A [0] : vector<2560x128xf32> to vector<128xf32>
    %swap3A_28 = arith.constant 0 : index
    %swap3A_29 = arith.constant 0 : index
    %swap3A_30 = arith.constant 0 : index
    %swap3A_31 = vector.load %arg6[%swap3A_28, %swap3A_29, %swap3A_30] : memref<1x1x128xf32, #tpu.memory_space<vmem>>, vector<1x1x128xf32>
    %swap3A_32 = vector.shape_cast %swap3A_31 : vector<1x1x128xf32> to vector<128xf32>
    %swap3A_33 = vector.shape_cast %reduce_sum3A_27 : vector<128xf32> to vector<1x1x128xf32>
    tpu.vector_store %arg6[%swap3A_28, %swap3A_29, %swap3A_30], %swap3A_33 {strides = array<i32>} : memref<1x1x128xf32, #tpu.memory_space<vmem>>, vector<1x1x128xf32>,
    %mul3A = arith.mulf %dot_general3A_19, %dot_general3A_19 : vector<2560x128xf32>
    %reduce_sum3A_34 = arith.constant dense<0.000000e+00> : vector<128xf32>
    %reduce_sum3A_35 = vector.multi_reduction <add>, %mul3A, %reduce_sum3A_34 [0] : vector<2560x128xf32> to vector<128xf32>
    %swap3A_36 = arith.constant 0 : index
    %swap3A_37 = arith.constant 0 : index
    %swap3A_38 = arith.constant 0 : index
    %swap3A_39 = vector.load %arg7[%swap3A_36, %swap3A_37, %swap3A_38] : memref<1x1x128xf32, #tpu.memory_space<vmem>>, vector<1x1x128xf32>
    %swap3A_40 = vector.shape_cast %swap3A_39 : vector<1x1x128xf32> to vector<128xf32>
    %swap3A_41 = vector.shape_cast %reduce_sum3A_35 : vector<128xf32> to vector<1x1x128xf32>
    tpu.vector_store %arg7[%swap3A_36, %swap3A_37, %swap3A_38], %swap3A_41 {strides = array<i32>} : memref<1x1x128xf32, #tpu.memory_space<vmem>>, vector<1x1x128xf32>,
    return
  }
  func.func @transform_0(%arg0: i32, %arg1: i32) -> (i32, i32, i32) {
    %c0_i32 = arith.constant 0 : i32
    %c0_i32_0 = arith.constant 0 : i32
    return %arg0, %arg1, %c0_i32 : i32, i32, i32
  }
  func.func @transform_1(%arg0: i32, %arg1: i32) -> (i32, i32, i32) {
    %c0_i32 = arith.constant 0 : i32
    %c0_i32_0 = arith.constant 0 : i32
    return %arg0, %arg1, %c0_i32 : i32, i32, i32
  }
  func.func @transform_2(%arg0: i32, %arg1: i32) -> (i32, i32) {
    %c0_i32 = arith.constant 0 : i32
    %c0_i32_0 = arith.constant 0 : i32
    %c0_i32_1 = arith.constant 0 : i32
    return %c0_i32, %c0_i32_0 : i32, i32
  }
  func.func @transform_3(%arg0: i32, %arg1: i32) -> (i32, i32, i32) {
    %c0_i32 = arith.constant 0 : i32
    %c0_i32_0 = arith.constant 0 : i32
    return %arg0, %arg1, %c0_i32 : i32, i32, i32
  }
  func.func @transform_4(%arg0: i32, %arg1: i32) -> (i32, i32, i32) {
    %mul3A = arith.constant 8 : i32
    %mul3A_0 = arith.muli %arg0, %mul3A : i32
    %add3A = arith.addi %mul3A_0, %arg1 : i32
    %c0_i32 = arith.constant 0 : i32
    %c0_i32_1 = arith.constant 0 : i32
    %c0_i32_2 = arith.constant 0 : i32
    return %add3A, %c0_i32, %c0_i32_1 : i32, i32, i32
  }
  func.func @transform_5(%arg0: i32, %arg1: i32) -> (i32, i32, i32) {
    %mul3A = arith.constant 8 : i32
    %mul3A_0 = arith.muli %arg0, %mul3A : i32
    %add3A = arith.addi %mul3A_0, %arg1 : i32
    %c0_i32 = arith.constant 0 : i32
    %c0_i32_1 = arith.constant 0 : i32
    %c0_i32_2 = arith.constant 0 : i32
    return %add3A, %c0_i32, %c0_i32_1 : i32, i32, i32
  }
}

module attributes {stable_mosaic.version = 14 : i64} {
  func.func @_topk_body(%arg0: i32, %arg1: i32, %arg2: memref<1x1024x128xf32, #tpu.memory_space<vmem>>, %arg3: memref<1x1024x128xf32, #tpu.memory_space<vmem>>, %arg4: memref<1x1024x20xi32, #tpu.memory_space<vmem>>) attributes {dimension_semantics = [#tpu.dimension_semantics<arbitrary>, #tpu.dimension_semantics<arbitrary>], iteration_bounds = array<i64: 16, 1>, scalar_prefetch = 0 : i64, scratch_operands = 0 : i64, tpu.core_type = #tpu.core_type<tc>, window_params = [{transform_indices = @transform_0, window_bounds = array<i64: 1, 1024, 128>}, {transform_indices = @transform_1, window_bounds = array<i64: 1, 1024, 128>}, {transform_indices = @transform_2, window_bounds = array<i64: 1, 1024, 20>}]} {
    %get3A = arith.constant 0 : index
    %get3A_0 = arith.constant 0 : index
    %get3A_1 = arith.constant 0 : index
    %get3A_2 = vector.load %arg2[%get3A, %get3A_0, %get3A_1] : memref<1x1024x128xf32, #tpu.memory_space<vmem>>, vector<1x1024x128xf32>
    %get3A_3 = vector.shape_cast %get3A_2 : vector<1x1024x128xf32> to vector<1024x128xf32>
    %get3A_4 = arith.constant 0 : index
    %get3A_5 = arith.constant 0 : index
    %get3A_6 = arith.constant 0 : index
    %get3A_7 = vector.load %arg3[%get3A_4, %get3A_5, %get3A_6] : memref<1x1024x128xf32, #tpu.memory_space<vmem>>, vector<1x1024x128xf32>
    %get3A_8 = vector.shape_cast %get3A_7 : vector<1x1024x128xf32> to vector<1024x128xf32>
    %dot_general3A = arith.constant dense<0.000000e+00> : vector<1024x1024xf32>
    %dot_general3A_9 = tpu.matmul %get3A_3, %get3A_8, %dot_general3A {dimension_numbers = #tpu.dot_dimension_numbers<[1], [1], [0], [0], [0, 0, 1, 0], [], []>, transpose_lhs_hint = false} : vector<1024x128xf32>, vector<1024x128xf32>, vector<1024x1024xf32> -> vector<1024x1024xf32>
    %mul3A = arith.mulf %get3A_3, %get3A_3 : vector<1024x128xf32>
    %reduce_sum3A = arith.constant dense<0.000000e+00> : vector<1024xf32>
    %reduce_sum3A_10 = vector.multi_reduction <add>, %mul3A, %reduce_sum3A [1] : vector<1024x128xf32> to vector<1024xf32>
    %mul3A_11 = arith.mulf %get3A_8, %get3A_8 : vector<1024x128xf32>
    %reduce_sum3A_12 = arith.constant dense<0.000000e+00> : vector<1024xf32>
    %reduce_sum3A_13 = vector.multi_reduction <add>, %mul3A_11, %reduce_sum3A_12 [1] : vector<1024x128xf32> to vector<1024xf32>
    %mul3A_14 = arith.constant 2.000000e+00 : f32
    %mul3A_15 = vector.broadcast %mul3A_14 : f32 to vector<1024x1024xf32>
    %mul3A_16 = arith.mulf %mul3A_15, %dot_general3A_9 : vector<1024x1024xf32>
    %broadcast_in_dim3A = vector.shape_cast %reduce_sum3A_10 : vector<1024xf32> to vector<1024x1xf32>
    %sub3A = vector.broadcast %broadcast_in_dim3A : vector<1024x1xf32> to vector<1024x1024xf32>
    %sub3A_17 = arith.subf %mul3A_16, %sub3A : vector<1024x1024xf32>
    %broadcast_in_dim3A_18 = vector.shape_cast %reduce_sum3A_13 : vector<1024xf32> to vector<1x1024xf32>
    %sub3A_19 = vector.broadcast %broadcast_in_dim3A_18 : vector<1x1024xf32> to vector<1024x1024xf32>
    %sub3A_20 = arith.subf %sub3A_17, %sub3A_19 : vector<1024x1024xf32>
    %iota3A = tpu.iota {dimensions = array<i32: 1>} : vector<1024x1024xi32>
    %mul3A_21 = arith.constant 1024 : i32
    %mul3A_22 = arith.muli %arg0, %mul3A_21 : i32
    %reduce_max3A = arith.constant dense<0xFF800000> : vector<1024xf32>
    %reduce_max3A_23 = vector.multi_reduction <maximumf>, %sub3A_20, %reduce_max3A [1] : vector<1024x1024xf32> to vector<1024xf32>
    %broadcast_in_dim3A_24 = vector.shape_cast %reduce_max3A_23 : vector<1024xf32> to vector<1024x1xf32>
    %eq3A = vector.broadcast %broadcast_in_dim3A_24 : vector<1024x1xf32> to vector<1024x1024xf32>
    %eq3A_25 = arith.cmpf oeq, %sub3A_20, %eq3A : vector<1024x1024xf32>
    %jit3A = arith.constant 1024 : i32
    %broadcast_in_dim3A_26 = vector.broadcast %jit3A : i32 to vector<1024x1024xi32>
    %select_n3A = arith.select %eq3A_25, %iota3A, %broadcast_in_dim3A_26 : vector<1024x1024xi1>, vector<1024x1024xi32>
    %reduce_min3A = arith.constant dense<2147483647> : vector<1024xi32>
    %reduce_min3A_27 = vector.multi_reduction <minsi>, %select_n3A, %reduce_min3A [1] : vector<1024x1024xi32> to vector<1024xi32>
    %add3A = vector.broadcast %mul3A_22 : i32 to vector<1024xi32>
    %add3A_28 = arith.addi %reduce_min3A_27, %add3A : vector<1024xi32>
    %swap3A = arith.constant 0 : index
    %swap3A_29 = arith.constant 0 : index
    %swap3A_30 = arith.constant 0 : index
    %swap3A_31 = vector.load %arg4[%swap3A, %swap3A_29, %swap3A_30] : memref<1x1024x20xi32, #tpu.memory_space<vmem>>, vector<1x1024x1xi32>
    %swap3A_32 = vector.shape_cast %swap3A_31 : vector<1x1024x1xi32> to vector<1024xi32>
    %swap3A_33 = vector.shape_cast %add3A_28 : vector<1024xi32> to vector<1x1024x1xi32>
    tpu.vector_store %arg4[%swap3A, %swap3A_29, %swap3A_30], %swap3A_33 {strides = array<i32>} : memref<1x1024x20xi32, #tpu.memory_space<vmem>>, vector<1x1024x1xi32>,
    %broadcast_in_dim3A_34 = vector.shape_cast %reduce_min3A_27 : vector<1024xi32> to vector<1024x1xi32>
    %eq3A_35 = vector.broadcast %broadcast_in_dim3A_34 : vector<1024x1xi32> to vector<1024x1024xi32>
    %eq3A_36 = arith.cmpi eq, %iota3A, %eq3A_35 : vector<1024x1024xi32>
    %jit3A_37 = arith.constant -1.000000e+30 : f32
    %broadcast_in_dim3A_38 = vector.broadcast %jit3A_37 : f32 to vector<1024x1024xf32>
    %select_n3A_39 = arith.select %eq3A_36, %broadcast_in_dim3A_38, %sub3A_20 : vector<1024x1024xi1>, vector<1024x1024xf32>
    %reduce_max3A_40 = arith.constant dense<0xFF800000> : vector<1024xf32>
    %reduce_max3A_41 = vector.multi_reduction <maximumf>, %select_n3A_39, %reduce_max3A_40 [1] : vector<1024x1024xf32> to vector<1024xf32>
    %broadcast_in_dim3A_42 = vector.shape_cast %reduce_max3A_41 : vector<1024xf32> to vector<1024x1xf32>
    %eq3A_43 = vector.broadcast %broadcast_in_dim3A_42 : vector<1024x1xf32> to vector<1024x1024xf32>
    %eq3A_44 = arith.cmpf oeq, %select_n3A_39, %eq3A_43 : vector<1024x1024xf32>
    %jit3A_45 = arith.constant 1024 : i32
    %broadcast_in_dim3A_46 = vector.broadcast %jit3A_45 : i32 to vector<1024x1024xi32>
    %select_n3A_47 = arith.select %eq3A_44, %iota3A, %broadcast_in_dim3A_46 : vector<1024x1024xi1>, vector<1024x1024xi32>
    %reduce_min3A_48 = arith.constant dense<2147483647> : vector<1024xi32>
    %reduce_min3A_49 = vector.multi_reduction <minsi>, %select_n3A_47, %reduce_min3A_48 [1] : vector<1024x1024xi32> to vector<1024xi32>
    %add3A_50 = vector.broadcast %mul3A_22 : i32 to vector<1024xi32>
    %add3A_51 = arith.addi %reduce_min3A_49, %add3A_50 : vector<1024xi32>
    %swap3A_52 = arith.constant 0 : index
    %swap3A_53 = arith.constant 0 : index
    %swap3A_54 = arith.constant 1 : index
    %swap3A_55 = vector.load %arg4[%swap3A_52, %swap3A_53, %swap3A_54] : memref<1x1024x20xi32, #tpu.memory_space<vmem>>, vector<1x1024x1xi32>
    %swap3A_56 = vector.shape_cast %swap3A_55 : vector<1x1024x1xi32> to vector<1024xi32>
    %swap3A_57 = vector.shape_cast %add3A_51 : vector<1024xi32> to vector<1x1024x1xi32>
    tpu.vector_store %arg4[%swap3A_52, %swap3A_53, %swap3A_54], %swap3A_57 {strides = array<i32>} : memref<1x1024x20xi32, #tpu.memory_space<vmem>>, vector<1x1024x1xi32>,
    %broadcast_in_dim3A_58 = vector.shape_cast %reduce_min3A_49 : vector<1024xi32> to vector<1024x1xi32>
    %eq3A_59 = vector.broadcast %broadcast_in_dim3A_58 : vector<1024x1xi32> to vector<1024x1024xi32>
    %eq3A_60 = arith.cmpi eq, %iota3A, %eq3A_59 : vector<1024x1024xi32>
    %jit3A_61 = arith.constant -1.000000e+30 : f32
    %broadcast_in_dim3A_62 = vector.broadcast %jit3A_61 : f32 to vector<1024x1024xf32>
    %select_n3A_63 = arith.select %eq3A_60, %broadcast_in_dim3A_62, %select_n3A_39 : vector<1024x1024xi1>, vector<1024x1024xf32>
    %reduce_max3A_64 = arith.constant dense<0xFF800000> : vector<1024xf32>
    %reduce_max3A_65 = vector.multi_reduction <maximumf>, %select_n3A_63, %reduce_max3A_64 [1] : vector<1024x1024xf32> to vector<1024xf32>
    %broadcast_in_dim3A_66 = vector.shape_cast %reduce_max3A_65 : vector<1024xf32> to vector<1024x1xf32>
    %eq3A_67 = vector.broadcast %broadcast_in_dim3A_66 : vector<1024x1xf32> to vector<1024x1024xf32>
    %eq3A_68 = arith.cmpf oeq, %select_n3A_63, %eq3A_67 : vector<1024x1024xf32>
    %jit3A_69 = arith.constant 1024 : i32
    %broadcast_in_dim3A_70 = vector.broadcast %jit3A_69 : i32 to vector<1024x1024xi32>
    %select_n3A_71 = arith.select %eq3A_68, %iota3A, %broadcast_in_dim3A_70 : vector<1024x1024xi1>, vector<1024x1024xi32>
    %reduce_min3A_72 = arith.constant dense<2147483647> : vector<1024xi32>
    %reduce_min3A_73 = vector.multi_reduction <minsi>, %select_n3A_71, %reduce_min3A_72 [1] : vector<1024x1024xi32> to vector<1024xi32>
    %add3A_74 = vector.broadcast %mul3A_22 : i32 to vector<1024xi32>
    %add3A_75 = arith.addi %reduce_min3A_73, %add3A_74 : vector<1024xi32>
    %swap3A_76 = arith.constant 0 : index
    %swap3A_77 = arith.constant 0 : index
    %swap3A_78 = arith.constant 2 : index
    %swap3A_79 = vector.load %arg4[%swap3A_76, %swap3A_77, %swap3A_78] : memref<1x1024x20xi32, #tpu.memory_space<vmem>>, vector<1x1024x1xi32>
    %swap3A_80 = vector.shape_cast %swap3A_79 : vector<1x1024x1xi32> to vector<1024xi32>
    %swap3A_81 = vector.shape_cast %add3A_75 : vector<1024xi32> to vector<1x1024x1xi32>
    tpu.vector_store %arg4[%swap3A_76, %swap3A_77, %swap3A_78], %swap3A_81 {strides = array<i32>} : memref<1x1024x20xi32, #tpu.memory_space<vmem>>, vector<1x1024x1xi32>,
    %broadcast_in_dim3A_82 = vector.shape_cast %reduce_min3A_73 : vector<1024xi32> to vector<1024x1xi32>
    %eq3A_83 = vector.broadcast %broadcast_in_dim3A_82 : vector<1024x1xi32> to vector<1024x1024xi32>
    %eq3A_84 = arith.cmpi eq, %iota3A, %eq3A_83 : vector<1024x1024xi32>
    %jit3A_85 = arith.constant -1.000000e+30 : f32
    %broadcast_in_dim3A_86 = vector.broadcast %jit3A_85 : f32 to vector<1024x1024xf32>
    %select_n3A_87 = arith.select %eq3A_84, %broadcast_in_dim3A_86, %select_n3A_63 : vector<1024x1024xi1>, vector<1024x1024xf32>
    %reduce_max3A_88 = arith.constant dense<0xFF800000> : vector<1024xf32>
    %reduce_max3A_89 = vector.multi_reduction <maximumf>, %select_n3A_87, %reduce_max3A_88 [1] : vector<1024x1024xf32> to vector<1024xf32>
    %broadcast_in_dim3A_90 = vector.shape_cast %reduce_max3A_89 : vector<1024xf32> to vector<1024x1xf32>
    %eq3A_91 = vector.broadcast %broadcast_in_dim3A_90 : vector<1024x1xf32> to vector<1024x1024xf32>
    %eq3A_92 = arith.cmpf oeq, %select_n3A_87, %eq3A_91 : vector<1024x1024xf32>
    %jit3A_93 = arith.constant 1024 : i32
    %broadcast_in_dim3A_94 = vector.broadcast %jit3A_93 : i32 to vector<1024x1024xi32>
    %select_n3A_95 = arith.select %eq3A_92, %iota3A, %broadcast_in_dim3A_94 : vector<1024x1024xi1>, vector<1024x1024xi32>
    %reduce_min3A_96 = arith.constant dense<2147483647> : vector<1024xi32>
    %reduce_min3A_97 = vector.multi_reduction <minsi>, %select_n3A_95, %reduce_min3A_96 [1] : vector<1024x1024xi32> to vector<1024xi32>
    %add3A_98 = vector.broadcast %mul3A_22 : i32 to vector<1024xi32>
    %add3A_99 = arith.addi %reduce_min3A_97, %add3A_98 : vector<1024xi32>
    %swap3A_100 = arith.constant 0 : index
    %swap3A_101 = arith.constant 0 : index
    %swap3A_102 = arith.constant 3 : index
    %swap3A_103 = vector.load %arg4[%swap3A_100, %swap3A_101, %swap3A_102] : memref<1x1024x20xi32, #tpu.memory_space<vmem>>, vector<1x1024x1xi32>
    %swap3A_104 = vector.shape_cast %swap3A_103 : vector<1x1024x1xi32> to vector<1024xi32>
    %swap3A_105 = vector.shape_cast %add3A_99 : vector<1024xi32> to vector<1x1024x1xi32>
    tpu.vector_store %arg4[%swap3A_100, %swap3A_101, %swap3A_102], %swap3A_105 {strides = array<i32>} : memref<1x1024x20xi32, #tpu.memory_space<vmem>>, vector<1x1024x1xi32>,
    %broadcast_in_dim3A_106 = vector.shape_cast %reduce_min3A_97 : vector<1024xi32> to vector<1024x1xi32>
    %eq3A_107 = vector.broadcast %broadcast_in_dim3A_106 : vector<1024x1xi32> to vector<1024x1024xi32>
    %eq3A_108 = arith.cmpi eq, %iota3A, %eq3A_107 : vector<1024x1024xi32>
    %jit3A_109 = arith.constant -1.000000e+30 : f32
    %broadcast_in_dim3A_110 = vector.broadcast %jit3A_109 : f32 to vector<1024x1024xf32>
    %select_n3A_111 = arith.select %eq3A_108, %broadcast_in_dim3A_110, %select_n3A_87 : vector<1024x1024xi1>, vector<1024x1024xf32>
    %reduce_max3A_112 = arith.constant dense<0xFF800000> : vector<1024xf32>
    %reduce_max3A_113 = vector.multi_reduction <maximumf>, %select_n3A_111, %reduce_max3A_112 [1] : vector<1024x1024xf32> to vector<1024xf32>
    %broadcast_in_dim3A_114 = vector.shape_cast %reduce_max3A_113 : vector<1024xf32> to vector<1024x1xf32>
    %eq3A_115 = vector.broadcast %broadcast_in_dim3A_114 : vector<1024x1xf32> to vector<1024x1024xf32>
    %eq3A_116 = arith.cmpf oeq, %select_n3A_111, %eq3A_115 : vector<1024x1024xf32>
    %jit3A_117 = arith.constant 1024 : i32
    %broadcast_in_dim3A_118 = vector.broadcast %jit3A_117 : i32 to vector<1024x1024xi32>
    %select_n3A_119 = arith.select %eq3A_116, %iota3A, %broadcast_in_dim3A_118 : vector<1024x1024xi1>, vector<1024x1024xi32>
    %reduce_min3A_120 = arith.constant dense<2147483647> : vector<1024xi32>
    %reduce_min3A_121 = vector.multi_reduction <minsi>, %select_n3A_119, %reduce_min3A_120 [1] : vector<1024x1024xi32> to vector<1024xi32>
    %add3A_122 = vector.broadcast %mul3A_22 : i32 to vector<1024xi32>
    %add3A_123 = arith.addi %reduce_min3A_121, %add3A_122 : vector<1024xi32>
    %swap3A_124 = arith.constant 0 : index
    %swap3A_125 = arith.constant 0 : index
    %swap3A_126 = arith.constant 4 : index
    %swap3A_127 = vector.load %arg4[%swap3A_124, %swap3A_125, %swap3A_126] : memref<1x1024x20xi32, #tpu.memory_space<vmem>>, vector<1x1024x1xi32>
    %swap3A_128 = vector.shape_cast %swap3A_127 : vector<1x1024x1xi32> to vector<1024xi32>
    %swap3A_129 = vector.shape_cast %add3A_123 : vector<1024xi32> to vector<1x1024x1xi32>
    tpu.vector_store %arg4[%swap3A_124, %swap3A_125, %swap3A_126], %swap3A_129 {strides = array<i32>} : memref<1x1024x20xi32, #tpu.memory_space<vmem>>, vector<1x1024x1xi32>,
    %broadcast_in_dim3A_130 = vector.shape_cast %reduce_min3A_121 : vector<1024xi32> to vector<1024x1xi32>
    %eq3A_131 = vector.broadcast %broadcast_in_dim3A_130 : vector<1024x1xi32> to vector<1024x1024xi32>
    %eq3A_132 = arith.cmpi eq, %iota3A, %eq3A_131 : vector<1024x1024xi32>
    %jit3A_133 = arith.constant -1.000000e+30 : f32
    %broadcast_in_dim3A_134 = vector.broadcast %jit3A_133 : f32 to vector<1024x1024xf32>
    %select_n3A_135 = arith.select %eq3A_132, %broadcast_in_dim3A_134, %select_n3A_111 : vector<1024x1024xi1>, vector<1024x1024xf32>
    %reduce_max3A_136 = arith.constant dense<0xFF800000> : vector<1024xf32>
    %reduce_max3A_137 = vector.multi_reduction <maximumf>, %select_n3A_135, %reduce_max3A_136 [1] : vector<1024x1024xf32> to vector<1024xf32>
    %broadcast_in_dim3A_138 = vector.shape_cast %reduce_max3A_137 : vector<1024xf32> to vector<1024x1xf32>
    %eq3A_139 = vector.broadcast %broadcast_in_dim3A_138 : vector<1024x1xf32> to vector<1024x1024xf32>
    %eq3A_140 = arith.cmpf oeq, %select_n3A_135, %eq3A_139 : vector<1024x1024xf32>
    %jit3A_141 = arith.constant 1024 : i32
    %broadcast_in_dim3A_142 = vector.broadcast %jit3A_141 : i32 to vector<1024x1024xi32>
    %select_n3A_143 = arith.select %eq3A_140, %iota3A, %broadcast_in_dim3A_142 : vector<1024x1024xi1>, vector<1024x1024xi32>
    %reduce_min3A_144 = arith.constant dense<2147483647> : vector<1024xi32>
    %reduce_min3A_145 = vector.multi_reduction <minsi>, %select_n3A_143, %reduce_min3A_144 [1] : vector<1024x1024xi32> to vector<1024xi32>
    %add3A_146 = vector.broadcast %mul3A_22 : i32 to vector<1024xi32>
    %add3A_147 = arith.addi %reduce_min3A_145, %add3A_146 : vector<1024xi32>
    %swap3A_148 = arith.constant 0 : index
    %swap3A_149 = arith.constant 0 : index
    %swap3A_150 = arith.constant 5 : index
    %swap3A_151 = vector.load %arg4[%swap3A_148, %swap3A_149, %swap3A_150] : memref<1x1024x20xi32, #tpu.memory_space<vmem>>, vector<1x1024x1xi32>
    %swap3A_152 = vector.shape_cast %swap3A_151 : vector<1x1024x1xi32> to vector<1024xi32>
    %swap3A_153 = vector.shape_cast %add3A_147 : vector<1024xi32> to vector<1x1024x1xi32>
    tpu.vector_store %arg4[%swap3A_148, %swap3A_149, %swap3A_150], %swap3A_153 {strides = array<i32>} : memref<1x1024x20xi32, #tpu.memory_space<vmem>>, vector<1x1024x1xi32>,
    %broadcast_in_dim3A_154 = vector.shape_cast %reduce_min3A_145 : vector<1024xi32> to vector<1024x1xi32>
    %eq3A_155 = vector.broadcast %broadcast_in_dim3A_154 : vector<1024x1xi32> to vector<1024x1024xi32>
    %eq3A_156 = arith.cmpi eq, %iota3A, %eq3A_155 : vector<1024x1024xi32>
    %jit3A_157 = arith.constant -1.000000e+30 : f32
    %broadcast_in_dim3A_158 = vector.broadcast %jit3A_157 : f32 to vector<1024x1024xf32>
    %select_n3A_159 = arith.select %eq3A_156, %broadcast_in_dim3A_158, %select_n3A_135 : vector<1024x1024xi1>, vector<1024x1024xf32>
    %reduce_max3A_160 = arith.constant dense<0xFF800000> : vector<1024xf32>
    %reduce_max3A_161 = vector.multi_reduction <maximumf>, %select_n3A_159, %reduce_max3A_160 [1] : vector<1024x1024xf32> to vector<1024xf32>
    %broadcast_in_dim3A_162 = vector.shape_cast %reduce_max3A_161 : vector<1024xf32> to vector<1024x1xf32>
    %eq3A_163 = vector.broadcast %broadcast_in_dim3A_162 : vector<1024x1xf32> to vector<1024x1024xf32>
    %eq3A_164 = arith.cmpf oeq, %select_n3A_159, %eq3A_163 : vector<1024x1024xf32>
    %jit3A_165 = arith.constant 1024 : i32
    %broadcast_in_dim3A_166 = vector.broadcast %jit3A_165 : i32 to vector<1024x1024xi32>
    %select_n3A_167 = arith.select %eq3A_164, %iota3A, %broadcast_in_dim3A_166 : vector<1024x1024xi1>, vector<1024x1024xi32>
    %reduce_min3A_168 = arith.constant dense<2147483647> : vector<1024xi32>
    %reduce_min3A_169 = vector.multi_reduction <minsi>, %select_n3A_167, %reduce_min3A_168 [1] : vector<1024x1024xi32> to vector<1024xi32>
    %add3A_170 = vector.broadcast %mul3A_22 : i32 to vector<1024xi32>
    %add3A_171 = arith.addi %reduce_min3A_169, %add3A_170 : vector<1024xi32>
    %swap3A_172 = arith.constant 0 : index
    %swap3A_173 = arith.constant 0 : index
    %swap3A_174 = arith.constant 6 : index
    %swap3A_175 = vector.load %arg4[%swap3A_172, %swap3A_173, %swap3A_174] : memref<1x1024x20xi32, #tpu.memory_space<vmem>>, vector<1x1024x1xi32>
    %swap3A_176 = vector.shape_cast %swap3A_175 : vector<1x1024x1xi32> to vector<1024xi32>
    %swap3A_177 = vector.shape_cast %add3A_171 : vector<1024xi32> to vector<1x1024x1xi32>
    tpu.vector_store %arg4[%swap3A_172, %swap3A_173, %swap3A_174], %swap3A_177 {strides = array<i32>} : memref<1x1024x20xi32, #tpu.memory_space<vmem>>, vector<1x1024x1xi32>,
    %broadcast_in_dim3A_178 = vector.shape_cast %reduce_min3A_169 : vector<1024xi32> to vector<1024x1xi32>
    %eq3A_179 = vector.broadcast %broadcast_in_dim3A_178 : vector<1024x1xi32> to vector<1024x1024xi32>
    %eq3A_180 = arith.cmpi eq, %iota3A, %eq3A_179 : vector<1024x1024xi32>
    %jit3A_181 = arith.constant -1.000000e+30 : f32
    %broadcast_in_dim3A_182 = vector.broadcast %jit3A_181 : f32 to vector<1024x1024xf32>
    %select_n3A_183 = arith.select %eq3A_180, %broadcast_in_dim3A_182, %select_n3A_159 : vector<1024x1024xi1>, vector<1024x1024xf32>
    %reduce_max3A_184 = arith.constant dense<0xFF800000> : vector<1024xf32>
    %reduce_max3A_185 = vector.multi_reduction <maximumf>, %select_n3A_183, %reduce_max3A_184 [1] : vector<1024x1024xf32> to vector<1024xf32>
    %broadcast_in_dim3A_186 = vector.shape_cast %reduce_max3A_185 : vector<1024xf32> to vector<1024x1xf32>
    %eq3A_187 = vector.broadcast %broadcast_in_dim3A_186 : vector<1024x1xf32> to vector<1024x1024xf32>
    %eq3A_188 = arith.cmpf oeq, %select_n3A_183, %eq3A_187 : vector<1024x1024xf32>
    %jit3A_189 = arith.constant 1024 : i32
    %broadcast_in_dim3A_190 = vector.broadcast %jit3A_189 : i32 to vector<1024x1024xi32>
    %select_n3A_191 = arith.select %eq3A_188, %iota3A, %broadcast_in_dim3A_190 : vector<1024x1024xi1>, vector<1024x1024xi32>
    %reduce_min3A_192 = arith.constant dense<2147483647> : vector<1024xi32>
    %reduce_min3A_193 = vector.multi_reduction <minsi>, %select_n3A_191, %reduce_min3A_192 [1] : vector<1024x1024xi32> to vector<1024xi32>
    %add3A_194 = vector.broadcast %mul3A_22 : i32 to vector<1024xi32>
    %add3A_195 = arith.addi %reduce_min3A_193, %add3A_194 : vector<1024xi32>
    %swap3A_196 = arith.constant 0 : index
    %swap3A_197 = arith.constant 0 : index
    %swap3A_198 = arith.constant 7 : index
    %swap3A_199 = vector.load %arg4[%swap3A_196, %swap3A_197, %swap3A_198] : memref<1x1024x20xi32, #tpu.memory_space<vmem>>, vector<1x1024x1xi32>
    %swap3A_200 = vector.shape_cast %swap3A_199 : vector<1x1024x1xi32> to vector<1024xi32>
    %swap3A_201 = vector.shape_cast %add3A_195 : vector<1024xi32> to vector<1x1024x1xi32>
    tpu.vector_store %arg4[%swap3A_196, %swap3A_197, %swap3A_198], %swap3A_201 {strides = array<i32>} : memref<1x1024x20xi32, #tpu.memory_space<vmem>>, vector<1x1024x1xi32>,
    %broadcast_in_dim3A_202 = vector.shape_cast %reduce_min3A_193 : vector<1024xi32> to vector<1024x1xi32>
    %eq3A_203 = vector.broadcast %broadcast_in_dim3A_202 : vector<1024x1xi32> to vector<1024x1024xi32>
    %eq3A_204 = arith.cmpi eq, %iota3A, %eq3A_203 : vector<1024x1024xi32>
    %jit3A_205 = arith.constant -1.000000e+30 : f32
    %broadcast_in_dim3A_206 = vector.broadcast %jit3A_205 : f32 to vector<1024x1024xf32>
    %select_n3A_207 = arith.select %eq3A_204, %broadcast_in_dim3A_206, %select_n3A_183 : vector<1024x1024xi1>, vector<1024x1024xf32>
    %reduce_max3A_208 = arith.constant dense<0xFF800000> : vector<1024xf32>
    %reduce_max3A_209 = vector.multi_reduction <maximumf>, %select_n3A_207, %reduce_max3A_208 [1] : vector<1024x1024xf32> to vector<1024xf32>
    %broadcast_in_dim3A_210 = vector.shape_cast %reduce_max3A_209 : vector<1024xf32> to vector<1024x1xf32>
    %eq3A_211 = vector.broadcast %broadcast_in_dim3A_210 : vector<1024x1xf32> to vector<1024x1024xf32>
    %eq3A_212 = arith.cmpf oeq, %select_n3A_207, %eq3A_211 : vector<1024x1024xf32>
    %jit3A_213 = arith.constant 1024 : i32
    %broadcast_in_dim3A_214 = vector.broadcast %jit3A_213 : i32 to vector<1024x1024xi32>
    %select_n3A_215 = arith.select %eq3A_212, %iota3A, %broadcast_in_dim3A_214 : vector<1024x1024xi1>, vector<1024x1024xi32>
    %reduce_min3A_216 = arith.constant dense<2147483647> : vector<1024xi32>
    %reduce_min3A_217 = vector.multi_reduction <minsi>, %select_n3A_215, %reduce_min3A_216 [1] : vector<1024x1024xi32> to vector<1024xi32>
    %add3A_218 = vector.broadcast %mul3A_22 : i32 to vector<1024xi32>
    %add3A_219 = arith.addi %reduce_min3A_217, %add3A_218 : vector<1024xi32>
    %swap3A_220 = arith.constant 0 : index
    %swap3A_221 = arith.constant 0 : index
    %swap3A_222 = arith.constant 8 : index
    %swap3A_223 = vector.load %arg4[%swap3A_220, %swap3A_221, %swap3A_222] : memref<1x1024x20xi32, #tpu.memory_space<vmem>>, vector<1x1024x1xi32>
    %swap3A_224 = vector.shape_cast %swap3A_223 : vector<1x1024x1xi32> to vector<1024xi32>
    %swap3A_225 = vector.shape_cast %add3A_219 : vector<1024xi32> to vector<1x1024x1xi32>
    tpu.vector_store %arg4[%swap3A_220, %swap3A_221, %swap3A_222], %swap3A_225 {strides = array<i32>} : memref<1x1024x20xi32, #tpu.memory_space<vmem>>, vector<1x1024x1xi32>,
    %broadcast_in_dim3A_226 = vector.shape_cast %reduce_min3A_217 : vector<1024xi32> to vector<1024x1xi32>
    %eq3A_227 = vector.broadcast %broadcast_in_dim3A_226 : vector<1024x1xi32> to vector<1024x1024xi32>
    %eq3A_228 = arith.cmpi eq, %iota3A, %eq3A_227 : vector<1024x1024xi32>
    %jit3A_229 = arith.constant -1.000000e+30 : f32
    %broadcast_in_dim3A_230 = vector.broadcast %jit3A_229 : f32 to vector<1024x1024xf32>
    %select_n3A_231 = arith.select %eq3A_228, %broadcast_in_dim3A_230, %select_n3A_207 : vector<1024x1024xi1>, vector<1024x1024xf32>
    %reduce_max3A_232 = arith.constant dense<0xFF800000> : vector<1024xf32>
    %reduce_max3A_233 = vector.multi_reduction <maximumf>, %select_n3A_231, %reduce_max3A_232 [1] : vector<1024x1024xf32> to vector<1024xf32>
    %broadcast_in_dim3A_234 = vector.shape_cast %reduce_max3A_233 : vector<1024xf32> to vector<1024x1xf32>
    %eq3A_235 = vector.broadcast %broadcast_in_dim3A_234 : vector<1024x1xf32> to vector<1024x1024xf32>
    %eq3A_236 = arith.cmpf oeq, %select_n3A_231, %eq3A_235 : vector<1024x1024xf32>
    %jit3A_237 = arith.constant 1024 : i32
    %broadcast_in_dim3A_238 = vector.broadcast %jit3A_237 : i32 to vector<1024x1024xi32>
    %select_n3A_239 = arith.select %eq3A_236, %iota3A, %broadcast_in_dim3A_238 : vector<1024x1024xi1>, vector<1024x1024xi32>
    %reduce_min3A_240 = arith.constant dense<2147483647> : vector<1024xi32>
    %reduce_min3A_241 = vector.multi_reduction <minsi>, %select_n3A_239, %reduce_min3A_240 [1] : vector<1024x1024xi32> to vector<1024xi32>
    %add3A_242 = vector.broadcast %mul3A_22 : i32 to vector<1024xi32>
    %add3A_243 = arith.addi %reduce_min3A_241, %add3A_242 : vector<1024xi32>
    %swap3A_244 = arith.constant 0 : index
    %swap3A_245 = arith.constant 0 : index
    %swap3A_246 = arith.constant 9 : index
    %swap3A_247 = vector.load %arg4[%swap3A_244, %swap3A_245, %swap3A_246] : memref<1x1024x20xi32, #tpu.memory_space<vmem>>, vector<1x1024x1xi32>
    %swap3A_248 = vector.shape_cast %swap3A_247 : vector<1x1024x1xi32> to vector<1024xi32>
    %swap3A_249 = vector.shape_cast %add3A_243 : vector<1024xi32> to vector<1x1024x1xi32>
    tpu.vector_store %arg4[%swap3A_244, %swap3A_245, %swap3A_246], %swap3A_249 {strides = array<i32>} : memref<1x1024x20xi32, #tpu.memory_space<vmem>>, vector<1x1024x1xi32>,
    %broadcast_in_dim3A_250 = vector.shape_cast %reduce_min3A_241 : vector<1024xi32> to vector<1024x1xi32>
    %eq3A_251 = vector.broadcast %broadcast_in_dim3A_250 : vector<1024x1xi32> to vector<1024x1024xi32>
    %eq3A_252 = arith.cmpi eq, %iota3A, %eq3A_251 : vector<1024x1024xi32>
    %jit3A_253 = arith.constant -1.000000e+30 : f32
    %broadcast_in_dim3A_254 = vector.broadcast %jit3A_253 : f32 to vector<1024x1024xf32>
    %select_n3A_255 = arith.select %eq3A_252, %broadcast_in_dim3A_254, %select_n3A_231 : vector<1024x1024xi1>, vector<1024x1024xf32>
    %reduce_max3A_256 = arith.constant dense<0xFF800000> : vector<1024xf32>
    %reduce_max3A_257 = vector.multi_reduction <maximumf>, %select_n3A_255, %reduce_max3A_256 [1] : vector<1024x1024xf32> to vector<1024xf32>
    %broadcast_in_dim3A_258 = vector.shape_cast %reduce_max3A_257 : vector<1024xf32> to vector<1024x1xf32>
    %eq3A_259 = vector.broadcast %broadcast_in_dim3A_258 : vector<1024x1xf32> to vector<1024x1024xf32>
    %eq3A_260 = arith.cmpf oeq, %select_n3A_255, %eq3A_259 : vector<1024x1024xf32>
    %jit3A_261 = arith.constant 1024 : i32
    %broadcast_in_dim3A_262 = vector.broadcast %jit3A_261 : i32 to vector<1024x1024xi32>
    %select_n3A_263 = arith.select %eq3A_260, %iota3A, %broadcast_in_dim3A_262 : vector<1024x1024xi1>, vector<1024x1024xi32>
    %reduce_min3A_264 = arith.constant dense<2147483647> : vector<1024xi32>
    %reduce_min3A_265 = vector.multi_reduction <minsi>, %select_n3A_263, %reduce_min3A_264 [1] : vector<1024x1024xi32> to vector<1024xi32>
    %add3A_266 = vector.broadcast %mul3A_22 : i32 to vector<1024xi32>
    %add3A_267 = arith.addi %reduce_min3A_265, %add3A_266 : vector<1024xi32>
    %swap3A_268 = arith.constant 0 : index
    %swap3A_269 = arith.constant 0 : index
    %swap3A_270 = arith.constant 10 : index
    %swap3A_271 = vector.load %arg4[%swap3A_268, %swap3A_269, %swap3A_270] : memref<1x1024x20xi32, #tpu.memory_space<vmem>>, vector<1x1024x1xi32>
    %swap3A_272 = vector.shape_cast %swap3A_271 : vector<1x1024x1xi32> to vector<1024xi32>
    %swap3A_273 = vector.shape_cast %add3A_267 : vector<1024xi32> to vector<1x1024x1xi32>
    tpu.vector_store %arg4[%swap3A_268, %swap3A_269, %swap3A_270], %swap3A_273 {strides = array<i32>} : memref<1x1024x20xi32, #tpu.memory_space<vmem>>, vector<1x1024x1xi32>,
    %broadcast_in_dim3A_274 = vector.shape_cast %reduce_min3A_265 : vector<1024xi32> to vector<1024x1xi32>
    %eq3A_275 = vector.broadcast %broadcast_in_dim3A_274 : vector<1024x1xi32> to vector<1024x1024xi32>
    %eq3A_276 = arith.cmpi eq, %iota3A, %eq3A_275 : vector<1024x1024xi32>
    %jit3A_277 = arith.constant -1.000000e+30 : f32
    %broadcast_in_dim3A_278 = vector.broadcast %jit3A_277 : f32 to vector<1024x1024xf32>
    %select_n3A_279 = arith.select %eq3A_276, %broadcast_in_dim3A_278, %select_n3A_255 : vector<1024x1024xi1>, vector<1024x1024xf32>
    %reduce_max3A_280 = arith.constant dense<0xFF800000> : vector<1024xf32>
    %reduce_max3A_281 = vector.multi_reduction <maximumf>, %select_n3A_279, %reduce_max3A_280 [1] : vector<1024x1024xf32> to vector<1024xf32>
    %broadcast_in_dim3A_282 = vector.shape_cast %reduce_max3A_281 : vector<1024xf32> to vector<1024x1xf32>
    %eq3A_283 = vector.broadcast %broadcast_in_dim3A_282 : vector<1024x1xf32> to vector<1024x1024xf32>
    %eq3A_284 = arith.cmpf oeq, %select_n3A_279, %eq3A_283 : vector<1024x1024xf32>
    %jit3A_285 = arith.constant 1024 : i32
    %broadcast_in_dim3A_286 = vector.broadcast %jit3A_285 : i32 to vector<1024x1024xi32>
    %select_n3A_287 = arith.select %eq3A_284, %iota3A, %broadcast_in_dim3A_286 : vector<1024x1024xi1>, vector<1024x1024xi32>
    %reduce_min3A_288 = arith.constant dense<2147483647> : vector<1024xi32>
    %reduce_min3A_289 = vector.multi_reduction <minsi>, %select_n3A_287, %reduce_min3A_288 [1] : vector<1024x1024xi32> to vector<1024xi32>
    %add3A_290 = vector.broadcast %mul3A_22 : i32 to vector<1024xi32>
    %add3A_291 = arith.addi %reduce_min3A_289, %add3A_290 : vector<1024xi32>
    %swap3A_292 = arith.constant 0 : index
    %swap3A_293 = arith.constant 0 : index
    %swap3A_294 = arith.constant 11 : index
    %swap3A_295 = vector.load %arg4[%swap3A_292, %swap3A_293, %swap3A_294] : memref<1x1024x20xi32, #tpu.memory_space<vmem>>, vector<1x1024x1xi32>
    %swap3A_296 = vector.shape_cast %swap3A_295 : vector<1x1024x1xi32> to vector<1024xi32>
    %swap3A_297 = vector.shape_cast %add3A_291 : vector<1024xi32> to vector<1x1024x1xi32>
    tpu.vector_store %arg4[%swap3A_292, %swap3A_293, %swap3A_294], %swap3A_297 {strides = array<i32>} : memref<1x1024x20xi32, #tpu.memory_space<vmem>>, vector<1x1024x1xi32>,
    %broadcast_in_dim3A_298 = vector.shape_cast %reduce_min3A_289 : vector<1024xi32> to vector<1024x1xi32>
    %eq3A_299 = vector.broadcast %broadcast_in_dim3A_298 : vector<1024x1xi32> to vector<1024x1024xi32>
    %eq3A_300 = arith.cmpi eq, %iota3A, %eq3A_299 : vector<1024x1024xi32>
    %jit3A_301 = arith.constant -1.000000e+30 : f32
    %broadcast_in_dim3A_302 = vector.broadcast %jit3A_301 : f32 to vector<1024x1024xf32>
    %select_n3A_303 = arith.select %eq3A_300, %broadcast_in_dim3A_302, %select_n3A_279 : vector<1024x1024xi1>, vector<1024x1024xf32>
    %reduce_max3A_304 = arith.constant dense<0xFF800000> : vector<1024xf32>
    %reduce_max3A_305 = vector.multi_reduction <maximumf>, %select_n3A_303, %reduce_max3A_304 [1] : vector<1024x1024xf32> to vector<1024xf32>
    %broadcast_in_dim3A_306 = vector.shape_cast %reduce_max3A_305 : vector<1024xf32> to vector<1024x1xf32>
    %eq3A_307 = vector.broadcast %broadcast_in_dim3A_306 : vector<1024x1xf32> to vector<1024x1024xf32>
    %eq3A_308 = arith.cmpf oeq, %select_n3A_303, %eq3A_307 : vector<1024x1024xf32>
    %jit3A_309 = arith.constant 1024 : i32
    %broadcast_in_dim3A_310 = vector.broadcast %jit3A_309 : i32 to vector<1024x1024xi32>
    %select_n3A_311 = arith.select %eq3A_308, %iota3A, %broadcast_in_dim3A_310 : vector<1024x1024xi1>, vector<1024x1024xi32>
    %reduce_min3A_312 = arith.constant dense<2147483647> : vector<1024xi32>
    %reduce_min3A_313 = vector.multi_reduction <minsi>, %select_n3A_311, %reduce_min3A_312 [1] : vector<1024x1024xi32> to vector<1024xi32>
    %add3A_314 = vector.broadcast %mul3A_22 : i32 to vector<1024xi32>
    %add3A_315 = arith.addi %reduce_min3A_313, %add3A_314 : vector<1024xi32>
    %swap3A_316 = arith.constant 0 : index
    %swap3A_317 = arith.constant 0 : index
    %swap3A_318 = arith.constant 12 : index
    %swap3A_319 = vector.load %arg4[%swap3A_316, %swap3A_317, %swap3A_318] : memref<1x1024x20xi32, #tpu.memory_space<vmem>>, vector<1x1024x1xi32>
    %swap3A_320 = vector.shape_cast %swap3A_319 : vector<1x1024x1xi32> to vector<1024xi32>
    %swap3A_321 = vector.shape_cast %add3A_315 : vector<1024xi32> to vector<1x1024x1xi32>
    tpu.vector_store %arg4[%swap3A_316, %swap3A_317, %swap3A_318], %swap3A_321 {strides = array<i32>} : memref<1x1024x20xi32, #tpu.memory_space<vmem>>, vector<1x1024x1xi32>,
    %broadcast_in_dim3A_322 = vector.shape_cast %reduce_min3A_313 : vector<1024xi32> to vector<1024x1xi32>
    %eq3A_323 = vector.broadcast %broadcast_in_dim3A_322 : vector<1024x1xi32> to vector<1024x1024xi32>
    %eq3A_324 = arith.cmpi eq, %iota3A, %eq3A_323 : vector<1024x1024xi32>
    %jit3A_325 = arith.constant -1.000000e+30 : f32
    %broadcast_in_dim3A_326 = vector.broadcast %jit3A_325 : f32 to vector<1024x1024xf32>
    %select_n3A_327 = arith.select %eq3A_324, %broadcast_in_dim3A_326, %select_n3A_303 : vector<1024x1024xi1>, vector<1024x1024xf32>
    %reduce_max3A_328 = arith.constant dense<0xFF800000> : vector<1024xf32>
    %reduce_max3A_329 = vector.multi_reduction <maximumf>, %select_n3A_327, %reduce_max3A_328 [1] : vector<1024x1024xf32> to vector<1024xf32>
    %broadcast_in_dim3A_330 = vector.shape_cast %reduce_max3A_329 : vector<1024xf32> to vector<1024x1xf32>
    %eq3A_331 = vector.broadcast %broadcast_in_dim3A_330 : vector<1024x1xf32> to vector<1024x1024xf32>
    %eq3A_332 = arith.cmpf oeq, %select_n3A_327, %eq3A_331 : vector<1024x1024xf32>
    %jit3A_333 = arith.constant 1024 : i32
    %broadcast_in_dim3A_334 = vector.broadcast %jit3A_333 : i32 to vector<1024x1024xi32>
    %select_n3A_335 = arith.select %eq3A_332, %iota3A, %broadcast_in_dim3A_334 : vector<1024x1024xi1>, vector<1024x1024xi32>
    %reduce_min3A_336 = arith.constant dense<2147483647> : vector<1024xi32>
    %reduce_min3A_337 = vector.multi_reduction <minsi>, %select_n3A_335, %reduce_min3A_336 [1] : vector<1024x1024xi32> to vector<1024xi32>
    %add3A_338 = vector.broadcast %mul3A_22 : i32 to vector<1024xi32>
    %add3A_339 = arith.addi %reduce_min3A_337, %add3A_338 : vector<1024xi32>
    %swap3A_340 = arith.constant 0 : index
    %swap3A_341 = arith.constant 0 : index
    %swap3A_342 = arith.constant 13 : index
    %swap3A_343 = vector.load %arg4[%swap3A_340, %swap3A_341, %swap3A_342] : memref<1x1024x20xi32, #tpu.memory_space<vmem>>, vector<1x1024x1xi32>
    %swap3A_344 = vector.shape_cast %swap3A_343 : vector<1x1024x1xi32> to vector<1024xi32>
    %swap3A_345 = vector.shape_cast %add3A_339 : vector<1024xi32> to vector<1x1024x1xi32>
    tpu.vector_store %arg4[%swap3A_340, %swap3A_341, %swap3A_342], %swap3A_345 {strides = array<i32>} : memref<1x1024x20xi32, #tpu.memory_space<vmem>>, vector<1x1024x1xi32>,
    %broadcast_in_dim3A_346 = vector.shape_cast %reduce_min3A_337 : vector<1024xi32> to vector<1024x1xi32>
    %eq3A_347 = vector.broadcast %broadcast_in_dim3A_346 : vector<1024x1xi32> to vector<1024x1024xi32>
    %eq3A_348 = arith.cmpi eq, %iota3A, %eq3A_347 : vector<1024x1024xi32>
    %jit3A_349 = arith.constant -1.000000e+30 : f32
    %broadcast_in_dim3A_350 = vector.broadcast %jit3A_349 : f32 to vector<1024x1024xf32>
    %select_n3A_351 = arith.select %eq3A_348, %broadcast_in_dim3A_350, %select_n3A_327 : vector<1024x1024xi1>, vector<1024x1024xf32>
    %reduce_max3A_352 = arith.constant dense<0xFF800000> : vector<1024xf32>
    %reduce_max3A_353 = vector.multi_reduction <maximumf>, %select_n3A_351, %reduce_max3A_352 [1] : vector<1024x1024xf32> to vector<1024xf32>
    %broadcast_in_dim3A_354 = vector.shape_cast %reduce_max3A_353 : vector<1024xf32> to vector<1024x1xf32>
    %eq3A_355 = vector.broadcast %broadcast_in_dim3A_354 : vector<1024x1xf32> to vector<1024x1024xf32>
    %eq3A_356 = arith.cmpf oeq, %select_n3A_351, %eq3A_355 : vector<1024x1024xf32>
    %jit3A_357 = arith.constant 1024 : i32
    %broadcast_in_dim3A_358 = vector.broadcast %jit3A_357 : i32 to vector<1024x1024xi32>
    %select_n3A_359 = arith.select %eq3A_356, %iota3A, %broadcast_in_dim3A_358 : vector<1024x1024xi1>, vector<1024x1024xi32>
    %reduce_min3A_360 = arith.constant dense<2147483647> : vector<1024xi32>
    %reduce_min3A_361 = vector.multi_reduction <minsi>, %select_n3A_359, %reduce_min3A_360 [1] : vector<1024x1024xi32> to vector<1024xi32>
    %add3A_362 = vector.broadcast %mul3A_22 : i32 to vector<1024xi32>
    %add3A_363 = arith.addi %reduce_min3A_361, %add3A_362 : vector<1024xi32>
    %swap3A_364 = arith.constant 0 : index
    %swap3A_365 = arith.constant 0 : index
    %swap3A_366 = arith.constant 14 : index
    %swap3A_367 = vector.load %arg4[%swap3A_364, %swap3A_365, %swap3A_366] : memref<1x1024x20xi32, #tpu.memory_space<vmem>>, vector<1x1024x1xi32>
    %swap3A_368 = vector.shape_cast %swap3A_367 : vector<1x1024x1xi32> to vector<1024xi32>
    %swap3A_369 = vector.shape_cast %add3A_363 : vector<1024xi32> to vector<1x1024x1xi32>
    tpu.vector_store %arg4[%swap3A_364, %swap3A_365, %swap3A_366], %swap3A_369 {strides = array<i32>} : memref<1x1024x20xi32, #tpu.memory_space<vmem>>, vector<1x1024x1xi32>,
    %broadcast_in_dim3A_370 = vector.shape_cast %reduce_min3A_361 : vector<1024xi32> to vector<1024x1xi32>
    %eq3A_371 = vector.broadcast %broadcast_in_dim3A_370 : vector<1024x1xi32> to vector<1024x1024xi32>
    %eq3A_372 = arith.cmpi eq, %iota3A, %eq3A_371 : vector<1024x1024xi32>
    %jit3A_373 = arith.constant -1.000000e+30 : f32
    %broadcast_in_dim3A_374 = vector.broadcast %jit3A_373 : f32 to vector<1024x1024xf32>
    %select_n3A_375 = arith.select %eq3A_372, %broadcast_in_dim3A_374, %select_n3A_351 : vector<1024x1024xi1>, vector<1024x1024xf32>
    %reduce_max3A_376 = arith.constant dense<0xFF800000> : vector<1024xf32>
    %reduce_max3A_377 = vector.multi_reduction <maximumf>, %select_n3A_375, %reduce_max3A_376 [1] : vector<1024x1024xf32> to vector<1024xf32>
    %broadcast_in_dim3A_378 = vector.shape_cast %reduce_max3A_377 : vector<1024xf32> to vector<1024x1xf32>
    %eq3A_379 = vector.broadcast %broadcast_in_dim3A_378 : vector<1024x1xf32> to vector<1024x1024xf32>
    %eq3A_380 = arith.cmpf oeq, %select_n3A_375, %eq3A_379 : vector<1024x1024xf32>
    %jit3A_381 = arith.constant 1024 : i32
    %broadcast_in_dim3A_382 = vector.broadcast %jit3A_381 : i32 to vector<1024x1024xi32>
    %select_n3A_383 = arith.select %eq3A_380, %iota3A, %broadcast_in_dim3A_382 : vector<1024x1024xi1>, vector<1024x1024xi32>
    %reduce_min3A_384 = arith.constant dense<2147483647> : vector<1024xi32>
    %reduce_min3A_385 = vector.multi_reduction <minsi>, %select_n3A_383, %reduce_min3A_384 [1] : vector<1024x1024xi32> to vector<1024xi32>
    %add3A_386 = vector.broadcast %mul3A_22 : i32 to vector<1024xi32>
    %add3A_387 = arith.addi %reduce_min3A_385, %add3A_386 : vector<1024xi32>
    %swap3A_388 = arith.constant 0 : index
    %swap3A_389 = arith.constant 0 : index
    %swap3A_390 = arith.constant 15 : index
    %swap3A_391 = vector.load %arg4[%swap3A_388, %swap3A_389, %swap3A_390] : memref<1x1024x20xi32, #tpu.memory_space<vmem>>, vector<1x1024x1xi32>
    %swap3A_392 = vector.shape_cast %swap3A_391 : vector<1x1024x1xi32> to vector<1024xi32>
    %swap3A_393 = vector.shape_cast %add3A_387 : vector<1024xi32> to vector<1x1024x1xi32>
    tpu.vector_store %arg4[%swap3A_388, %swap3A_389, %swap3A_390], %swap3A_393 {strides = array<i32>} : memref<1x1024x20xi32, #tpu.memory_space<vmem>>, vector<1x1024x1xi32>,
    %broadcast_in_dim3A_394 = vector.shape_cast %reduce_min3A_385 : vector<1024xi32> to vector<1024x1xi32>
    %eq3A_395 = vector.broadcast %broadcast_in_dim3A_394 : vector<1024x1xi32> to vector<1024x1024xi32>
    %eq3A_396 = arith.cmpi eq, %iota3A, %eq3A_395 : vector<1024x1024xi32>
    %jit3A_397 = arith.constant -1.000000e+30 : f32
    %broadcast_in_dim3A_398 = vector.broadcast %jit3A_397 : f32 to vector<1024x1024xf32>
    %select_n3A_399 = arith.select %eq3A_396, %broadcast_in_dim3A_398, %select_n3A_375 : vector<1024x1024xi1>, vector<1024x1024xf32>
    %reduce_max3A_400 = arith.constant dense<0xFF800000> : vector<1024xf32>
    %reduce_max3A_401 = vector.multi_reduction <maximumf>, %select_n3A_399, %reduce_max3A_400 [1] : vector<1024x1024xf32> to vector<1024xf32>
    %broadcast_in_dim3A_402 = vector.shape_cast %reduce_max3A_401 : vector<1024xf32> to vector<1024x1xf32>
    %eq3A_403 = vector.broadcast %broadcast_in_dim3A_402 : vector<1024x1xf32> to vector<1024x1024xf32>
    %eq3A_404 = arith.cmpf oeq, %select_n3A_399, %eq3A_403 : vector<1024x1024xf32>
    %jit3A_405 = arith.constant 1024 : i32
    %broadcast_in_dim3A_406 = vector.broadcast %jit3A_405 : i32 to vector<1024x1024xi32>
    %select_n3A_407 = arith.select %eq3A_404, %iota3A, %broadcast_in_dim3A_406 : vector<1024x1024xi1>, vector<1024x1024xi32>
    %reduce_min3A_408 = arith.constant dense<2147483647> : vector<1024xi32>
    %reduce_min3A_409 = vector.multi_reduction <minsi>, %select_n3A_407, %reduce_min3A_408 [1] : vector<1024x1024xi32> to vector<1024xi32>
    %add3A_410 = vector.broadcast %mul3A_22 : i32 to vector<1024xi32>
    %add3A_411 = arith.addi %reduce_min3A_409, %add3A_410 : vector<1024xi32>
    %swap3A_412 = arith.constant 0 : index
    %swap3A_413 = arith.constant 0 : index
    %swap3A_414 = arith.constant 16 : index
    %swap3A_415 = vector.load %arg4[%swap3A_412, %swap3A_413, %swap3A_414] : memref<1x1024x20xi32, #tpu.memory_space<vmem>>, vector<1x1024x1xi32>
    %swap3A_416 = vector.shape_cast %swap3A_415 : vector<1x1024x1xi32> to vector<1024xi32>
    %swap3A_417 = vector.shape_cast %add3A_411 : vector<1024xi32> to vector<1x1024x1xi32>
    tpu.vector_store %arg4[%swap3A_412, %swap3A_413, %swap3A_414], %swap3A_417 {strides = array<i32>} : memref<1x1024x20xi32, #tpu.memory_space<vmem>>, vector<1x1024x1xi32>,
    %broadcast_in_dim3A_418 = vector.shape_cast %reduce_min3A_409 : vector<1024xi32> to vector<1024x1xi32>
    %eq3A_419 = vector.broadcast %broadcast_in_dim3A_418 : vector<1024x1xi32> to vector<1024x1024xi32>
    %eq3A_420 = arith.cmpi eq, %iota3A, %eq3A_419 : vector<1024x1024xi32>
    %jit3A_421 = arith.constant -1.000000e+30 : f32
    %broadcast_in_dim3A_422 = vector.broadcast %jit3A_421 : f32 to vector<1024x1024xf32>
    %select_n3A_423 = arith.select %eq3A_420, %broadcast_in_dim3A_422, %select_n3A_399 : vector<1024x1024xi1>, vector<1024x1024xf32>
    %reduce_max3A_424 = arith.constant dense<0xFF800000> : vector<1024xf32>
    %reduce_max3A_425 = vector.multi_reduction <maximumf>, %select_n3A_423, %reduce_max3A_424 [1] : vector<1024x1024xf32> to vector<1024xf32>
    %broadcast_in_dim3A_426 = vector.shape_cast %reduce_max3A_425 : vector<1024xf32> to vector<1024x1xf32>
    %eq3A_427 = vector.broadcast %broadcast_in_dim3A_426 : vector<1024x1xf32> to vector<1024x1024xf32>
    %eq3A_428 = arith.cmpf oeq, %select_n3A_423, %eq3A_427 : vector<1024x1024xf32>
    %jit3A_429 = arith.constant 1024 : i32
    %broadcast_in_dim3A_430 = vector.broadcast %jit3A_429 : i32 to vector<1024x1024xi32>
    %select_n3A_431 = arith.select %eq3A_428, %iota3A, %broadcast_in_dim3A_430 : vector<1024x1024xi1>, vector<1024x1024xi32>
    %reduce_min3A_432 = arith.constant dense<2147483647> : vector<1024xi32>
    %reduce_min3A_433 = vector.multi_reduction <minsi>, %select_n3A_431, %reduce_min3A_432 [1] : vector<1024x1024xi32> to vector<1024xi32>
    %add3A_434 = vector.broadcast %mul3A_22 : i32 to vector<1024xi32>
    %add3A_435 = arith.addi %reduce_min3A_433, %add3A_434 : vector<1024xi32>
    %swap3A_436 = arith.constant 0 : index
    %swap3A_437 = arith.constant 0 : index
    %swap3A_438 = arith.constant 17 : index
    %swap3A_439 = vector.load %arg4[%swap3A_436, %swap3A_437, %swap3A_438] : memref<1x1024x20xi32, #tpu.memory_space<vmem>>, vector<1x1024x1xi32>
    %swap3A_440 = vector.shape_cast %swap3A_439 : vector<1x1024x1xi32> to vector<1024xi32>
    %swap3A_441 = vector.shape_cast %add3A_435 : vector<1024xi32> to vector<1x1024x1xi32>
    tpu.vector_store %arg4[%swap3A_436, %swap3A_437, %swap3A_438], %swap3A_441 {strides = array<i32>} : memref<1x1024x20xi32, #tpu.memory_space<vmem>>, vector<1x1024x1xi32>,
    %broadcast_in_dim3A_442 = vector.shape_cast %reduce_min3A_433 : vector<1024xi32> to vector<1024x1xi32>
    %eq3A_443 = vector.broadcast %broadcast_in_dim3A_442 : vector<1024x1xi32> to vector<1024x1024xi32>
    %eq3A_444 = arith.cmpi eq, %iota3A, %eq3A_443 : vector<1024x1024xi32>
    %jit3A_445 = arith.constant -1.000000e+30 : f32
    %broadcast_in_dim3A_446 = vector.broadcast %jit3A_445 : f32 to vector<1024x1024xf32>
    %select_n3A_447 = arith.select %eq3A_444, %broadcast_in_dim3A_446, %select_n3A_423 : vector<1024x1024xi1>, vector<1024x1024xf32>
    %reduce_max3A_448 = arith.constant dense<0xFF800000> : vector<1024xf32>
    %reduce_max3A_449 = vector.multi_reduction <maximumf>, %select_n3A_447, %reduce_max3A_448 [1] : vector<1024x1024xf32> to vector<1024xf32>
    %broadcast_in_dim3A_450 = vector.shape_cast %reduce_max3A_449 : vector<1024xf32> to vector<1024x1xf32>
    %eq3A_451 = vector.broadcast %broadcast_in_dim3A_450 : vector<1024x1xf32> to vector<1024x1024xf32>
    %eq3A_452 = arith.cmpf oeq, %select_n3A_447, %eq3A_451 : vector<1024x1024xf32>
    %jit3A_453 = arith.constant 1024 : i32
    %broadcast_in_dim3A_454 = vector.broadcast %jit3A_453 : i32 to vector<1024x1024xi32>
    %select_n3A_455 = arith.select %eq3A_452, %iota3A, %broadcast_in_dim3A_454 : vector<1024x1024xi1>, vector<1024x1024xi32>
    %reduce_min3A_456 = arith.constant dense<2147483647> : vector<1024xi32>
    %reduce_min3A_457 = vector.multi_reduction <minsi>, %select_n3A_455, %reduce_min3A_456 [1] : vector<1024x1024xi32> to vector<1024xi32>
    %add3A_458 = vector.broadcast %mul3A_22 : i32 to vector<1024xi32>
    %add3A_459 = arith.addi %reduce_min3A_457, %add3A_458 : vector<1024xi32>
    %swap3A_460 = arith.constant 0 : index
    %swap3A_461 = arith.constant 0 : index
    %swap3A_462 = arith.constant 18 : index
    %swap3A_463 = vector.load %arg4[%swap3A_460, %swap3A_461, %swap3A_462] : memref<1x1024x20xi32, #tpu.memory_space<vmem>>, vector<1x1024x1xi32>
    %swap3A_464 = vector.shape_cast %swap3A_463 : vector<1x1024x1xi32> to vector<1024xi32>
    %swap3A_465 = vector.shape_cast %add3A_459 : vector<1024xi32> to vector<1x1024x1xi32>
    tpu.vector_store %arg4[%swap3A_460, %swap3A_461, %swap3A_462], %swap3A_465 {strides = array<i32>} : memref<1x1024x20xi32, #tpu.memory_space<vmem>>, vector<1x1024x1xi32>,
    %broadcast_in_dim3A_466 = vector.shape_cast %reduce_min3A_457 : vector<1024xi32> to vector<1024x1xi32>
    %eq3A_467 = vector.broadcast %broadcast_in_dim3A_466 : vector<1024x1xi32> to vector<1024x1024xi32>
    %eq3A_468 = arith.cmpi eq, %iota3A, %eq3A_467 : vector<1024x1024xi32>
    %jit3A_469 = arith.constant -1.000000e+30 : f32
    %broadcast_in_dim3A_470 = vector.broadcast %jit3A_469 : f32 to vector<1024x1024xf32>
    %select_n3A_471 = arith.select %eq3A_468, %broadcast_in_dim3A_470, %select_n3A_447 : vector<1024x1024xi1>, vector<1024x1024xf32>
    %reduce_max3A_472 = arith.constant dense<0xFF800000> : vector<1024xf32>
    %reduce_max3A_473 = vector.multi_reduction <maximumf>, %select_n3A_471, %reduce_max3A_472 [1] : vector<1024x1024xf32> to vector<1024xf32>
    %broadcast_in_dim3A_474 = vector.shape_cast %reduce_max3A_473 : vector<1024xf32> to vector<1024x1xf32>
    %eq3A_475 = vector.broadcast %broadcast_in_dim3A_474 : vector<1024x1xf32> to vector<1024x1024xf32>
    %eq3A_476 = arith.cmpf oeq, %select_n3A_471, %eq3A_475 : vector<1024x1024xf32>
    %jit3A_477 = arith.constant 1024 : i32
    %broadcast_in_dim3A_478 = vector.broadcast %jit3A_477 : i32 to vector<1024x1024xi32>
    %select_n3A_479 = arith.select %eq3A_476, %iota3A, %broadcast_in_dim3A_478 : vector<1024x1024xi1>, vector<1024x1024xi32>
    %reduce_min3A_480 = arith.constant dense<2147483647> : vector<1024xi32>
    %reduce_min3A_481 = vector.multi_reduction <minsi>, %select_n3A_479, %reduce_min3A_480 [1] : vector<1024x1024xi32> to vector<1024xi32>
    %add3A_482 = vector.broadcast %mul3A_22 : i32 to vector<1024xi32>
    %add3A_483 = arith.addi %reduce_min3A_481, %add3A_482 : vector<1024xi32>
    %swap3A_484 = arith.constant 0 : index
    %swap3A_485 = arith.constant 0 : index
    %swap3A_486 = arith.constant 19 : index
    %swap3A_487 = vector.load %arg4[%swap3A_484, %swap3A_485, %swap3A_486] : memref<1x1024x20xi32, #tpu.memory_space<vmem>>, vector<1x1024x1xi32>
    %swap3A_488 = vector.shape_cast %swap3A_487 : vector<1x1024x1xi32> to vector<1024xi32>
    %swap3A_489 = vector.shape_cast %add3A_483 : vector<1024xi32> to vector<1x1024x1xi32>
    tpu.vector_store %arg4[%swap3A_484, %swap3A_485, %swap3A_486], %swap3A_489 {strides = array<i32>} : memref<1x1024x20xi32, #tpu.memory_space<vmem>>, vector<1x1024x1xi32>,
    return
  }
  func.func @transform_0(%arg0: i32, %arg1: i32) -> (i32, i32, i32) {
    %c0_i32 = arith.constant 0 : i32
    %c0_i32_0 = arith.constant 0 : i32
    return %arg0, %arg1, %c0_i32 : i32, i32, i32
  }
  func.func @transform_1(%arg0: i32, %arg1: i32) -> (i32, i32, i32) {
    %c0_i32 = arith.constant 0 : i32
    %c0_i32_0 = arith.constant 0 : i32
    %c0_i32_1 = arith.constant 0 : i32
    return %arg0, %c0_i32, %c0_i32_0 : i32, i32, i32
  }
  func.func @transform_2(%arg0: i32, %arg1: i32) -> (i32, i32, i32) {
    %c0_i32 = arith.constant 0 : i32
    %c0_i32_0 = arith.constant 0 : i32
    return %arg0, %arg1, %c0_i32 : i32, i32, i32
  }
}

module attributes {stable_mosaic.version = 14 : i64} {
  func.func @_norm_body(%arg0: i32, %arg1: memref<1x1024x128xf32, #tpu.memory_space<vmem>>, %arg2: memref<128x1x128xf32, #tpu.memory_space<vmem>>, %arg3: memref<128x1x128xf32, #tpu.memory_space<vmem>>, %arg4: memref<1x1024x128xf32, #tpu.memory_space<vmem>>) attributes {dimension_semantics = [#tpu.dimension_semantics<arbitrary>], iteration_bounds = array<i64: 16>, scalar_prefetch = 0 : i64, scratch_operands = 0 : i64, tpu.core_type = #tpu.core_type<tc>, window_params = [{transform_indices = @transform_0, window_bounds = array<i64: 1, 1024, 128>}, {pipeline_mode = #tpu.pipeline_mode<synchronous>, transform_indices = @transform_1, window_bounds = array<i64: 128, 1, 128>}, {pipeline_mode = #tpu.pipeline_mode<synchronous>, transform_indices = @transform_2, window_bounds = array<i64: 128, 1, 128>}, {transform_indices = @transform_3, window_bounds = array<i64: 1, 1024, 128>}]} {
    %get3A = arith.constant 0 : index
    %get3A_0 = arith.constant 0 : index
    %get3A_1 = arith.constant 0 : index
    %get3A_2 = vector.load %arg2[%get3A, %get3A_0, %get3A_1] : memref<128x1x128xf32, #tpu.memory_space<vmem>>, vector<128x1x128xf32>
    %reduce_sum3A = arith.constant dense<0.000000e+00> : vector<128xf32>
    %reduce_sum3A_3 = vector.multi_reduction <add>, %get3A_2, %reduce_sum3A [0, 1] : vector<128x1x128xf32> to vector<128xf32>
    %get3A_4 = arith.constant 0 : index
    %get3A_5 = arith.constant 0 : index
    %get3A_6 = arith.constant 0 : index
    %get3A_7 = vector.load %arg3[%get3A_4, %get3A_5, %get3A_6] : memref<128x1x128xf32, #tpu.memory_space<vmem>>, vector<128x1x128xf32>
    %reduce_sum3A_8 = arith.constant dense<0.000000e+00> : vector<128xf32>
    %reduce_sum3A_9 = vector.multi_reduction <add>, %get3A_7, %reduce_sum3A_8 [0, 1] : vector<128x1x128xf32> to vector<128xf32>
    %div3A = arith.constant 3.276800e+05 : f32
    %div3A_10 = vector.broadcast %div3A : f32 to vector<128xf32>
    %div3A_11 = arith.divf %reduce_sum3A_3, %div3A_10 : vector<128xf32>
    %div3A_12 = arith.constant 3.276800e+05 : f32
    %div3A_13 = vector.broadcast %div3A_12 : f32 to vector<128xf32>
    %div3A_14 = arith.divf %reduce_sum3A_9, %div3A_13 : vector<128xf32>
    %mul3A = arith.mulf %div3A_11, %div3A_11 : vector<128xf32>
    %sub3A = arith.subf %div3A_14, %mul3A : vector<128xf32>
    %add3A = arith.constant 9.99999974E-6 : f32
    %add3A_15 = vector.broadcast %add3A : f32 to vector<128xf32>
    %add3A_16 = arith.addf %sub3A, %add3A_15 : vector<128xf32>
    %sqrt3A = math.sqrt %add3A_16 : vector<128xf32>
    %get3A_17 = arith.constant 0 : index
    %get3A_18 = arith.constant 0 : index
    %get3A_19 = arith.constant 0 : index
    %get3A_20 = vector.load %arg1[%get3A_17, %get3A_18, %get3A_19] : memref<1x1024x128xf32, #tpu.memory_space<vmem>>, vector<1x1024x128xf32>
    %get3A_21 = vector.shape_cast %get3A_20 : vector<1x1024x128xf32> to vector<1024x128xf32>
    %broadcast_in_dim3A = vector.shape_cast %div3A_11 : vector<128xf32> to vector<1x128xf32>
    %sub3A_22 = vector.broadcast %broadcast_in_dim3A : vector<1x128xf32> to vector<1024x128xf32>
    %sub3A_23 = arith.subf %get3A_21, %sub3A_22 : vector<1024x128xf32>
    %broadcast_in_dim3A_24 = vector.shape_cast %sqrt3A : vector<128xf32> to vector<1x128xf32>
    %div3A_25 = vector.broadcast %broadcast_in_dim3A_24 : vector<1x128xf32> to vector<1024x128xf32>
    %div3A_26 = arith.divf %sub3A_23, %div3A_25 : vector<1024x128xf32>
    %ge3A = arith.constant 0.000000e+00 : f32
    %ge3A_27 = vector.broadcast %ge3A : f32 to vector<1024x128xf32>
    %ge3A_28 = arith.cmpf oge, %div3A_26, %ge3A_27 : vector<1024x128xf32>
    %mul3A_29 = arith.constant 2.000000e-01 : f32
    %mul3A_30 = vector.broadcast %mul3A_29 : f32 to vector<1024x128xf32>
    %mul3A_31 = arith.mulf %mul3A_30, %div3A_26 : vector<1024x128xf32>
    %select_n3A = arith.select %ge3A_28, %div3A_26, %mul3A_31 : vector<1024x128xi1>, vector<1024x128xf32>
    %swap3A = arith.constant 0 : index
    %swap3A_32 = arith.constant 0 : index
    %swap3A_33 = arith.constant 0 : index
    %swap3A_34 = vector.load %arg4[%swap3A, %swap3A_32, %swap3A_33] : memref<1x1024x128xf32, #tpu.memory_space<vmem>>, vector<1x1024x128xf32>
    %swap3A_35 = vector.shape_cast %swap3A_34 : vector<1x1024x128xf32> to vector<1024x128xf32>
    %swap3A_36 = vector.shape_cast %select_n3A : vector<1024x128xf32> to vector<1x1024x128xf32>
    tpu.vector_store %arg4[%swap3A, %swap3A_32, %swap3A_33], %swap3A_36 {strides = array<i32>} : memref<1x1024x128xf32, #tpu.memory_space<vmem>>, vector<1x1024x128xf32>,
    return
  }
  func.func @transform_0(%arg0: i32) -> (i32, i32, i32) {
    %c0_i32 = arith.constant 0 : i32
    %c0_i32_0 = arith.constant 0 : i32
    %c0_i32_1 = arith.constant 0 : i32
    return %arg0, %c0_i32, %c0_i32_0 : i32, i32, i32
  }
  func.func @transform_1(%arg0: i32) -> (i32, i32, i32) {
    %c0_i32 = arith.constant 0 : i32
    %c0_i32_0 = arith.constant 0 : i32
    %c0_i32_1 = arith.constant 0 : i32
    %c0_i32_2 = arith.constant 0 : i32
    return %c0_i32, %c0_i32_0, %c0_i32_1 : i32, i32, i32
  }
  func.func @transform_2(%arg0: i32) -> (i32, i32, i32) {
    %c0_i32 = arith.constant 0 : i32
    %c0_i32_0 = arith.constant 0 : i32
    %c0_i32_1 = arith.constant 0 : i32
    %c0_i32_2 = arith.constant 0 : i32
    return %c0_i32, %c0_i32_0, %c0_i32_1 : i32, i32, i32
  }
  func.func @transform_3(%arg0: i32) -> (i32, i32, i32) {
    %c0_i32 = arith.constant 0 : i32
    %c0_i32_0 = arith.constant 0 : i32
    %c0_i32_1 = arith.constant 0 : i32
    return %arg0, %c0_i32, %c0_i32_0 : i32, i32, i32
  }
}

module attributes {stable_mosaic.version = 14 : i64} {
  func.func @_conv_body(%arg0: i32, %arg1: i32, %arg2: memref<1x2560x128xf32, #tpu.memory_space<vmem>>, %arg3: memref<1x128x128xf32, #tpu.memory_space<vmem>>, %arg4: memref<128x128xf32, #tpu.memory_space<vmem>>, %arg5: memref<1x128x128xf32, #tpu.memory_space<vmem>>, %arg6: memref<1x1x128xf32, #tpu.memory_space<vmem>>, %arg7: memref<1x1x128xf32, #tpu.memory_space<vmem>>) attributes {dimension_semantics = [#tpu.dimension_semantics<arbitrary>, #tpu.dimension_semantics<arbitrary>], iteration_bounds = array<i64: 16, 8>, scalar_prefetch = 0 : i64, scratch_operands = 0 : i64, tpu.core_type = #tpu.core_type<tc>, window_params = [{transform_indices = @transform_0, window_bounds = array<i64: 1, 2560, 128>}, {transform_indices = @transform_1, window_bounds = array<i64: 1, 128, 128>}, {pipeline_mode = #tpu.pipeline_mode<synchronous>, transform_indices = @transform_2, window_bounds = array<i64: 128, 128>}, {transform_indices = @transform_3, window_bounds = array<i64: 1, 128, 128>}, {transform_indices = @transform_4, window_bounds = array<i64: 1, 1, 128>}, {transform_indices = @transform_5, window_bounds = array<i64: 1, 1, 128>}]} {
    %get3A = arith.constant 0 : index
    %get3A_0 = arith.constant 0 : index
    %get3A_1 = arith.constant 0 : index
    %get3A_2 = vector.load %arg2[%get3A, %get3A_0, %get3A_1] : memref<1x2560x128xf32, #tpu.memory_space<vmem>>, vector<1x2560x128xf32>
    %get3A_3 = vector.shape_cast %get3A_2 : vector<1x2560x128xf32> to vector<2560x128xf32>
    %reshape3A = vector.shape_cast %get3A_3 : vector<2560x128xf32> to vector<128x20x128xf32>
    %get3A_4 = arith.constant 0 : index
    %get3A_5 = arith.constant 0 : index
    %get3A_6 = arith.constant 0 : index
    %get3A_7 = vector.load %arg3[%get3A_4, %get3A_5, %get3A_6] : memref<1x128x128xf32, #tpu.memory_space<vmem>>, vector<1x128x128xf32>
    %get3A_8 = vector.shape_cast %get3A_7 : vector<1x128x128xf32> to vector<128x128xf32>
    %slice3A = vector.extract_strided_slice %reshape3A {offsets = [0, 0, 0], sizes = [128, 20, 64], strides = [1, 1, 1]} : vector<128x20x128xf32> to vector<128x20x64xf32>
    %slice3A_9 = vector.extract_strided_slice %get3A_8 {offsets = [0, 0], sizes = [128, 64], strides = [1, 1]} : vector<128x128xf32> to vector<128x64xf32>
    %broadcast_in_dim3A = vector.shape_cast %slice3A_9 : vector<128x64xf32> to vector<128x1x64xf32>
    %sub3A = vector.broadcast %broadcast_in_dim3A : vector<128x1x64xf32> to vector<128x20x64xf32>
    %sub3A_10 = arith.subf %slice3A, %sub3A : vector<128x20x64xf32>
    %slice3A_11 = vector.extract_strided_slice %get3A_8 {offsets = [0, 0], sizes = [128, 64], strides = [1, 1]} : vector<128x128xf32> to vector<128x64xf32>
    %broadcast_in_dim3A_12 = vector.shape_cast %slice3A_11 : vector<128x64xf32> to vector<128x1x64xf32>
    %broadcast_in_dim3A_13 = vector.shape_cast %broadcast_in_dim3A_12 : vector<128x1x64xf32> to vector<128x1x64xf32>
    %broadcast_in_dim3A_14 = vector.broadcast %broadcast_in_dim3A_13 : vector<128x1x64xf32> to vector<128x20x64xf32>
    %concatenate3A = tpu.concatenate %sub3A_10, %broadcast_in_dim3A_14 in 2 : vector<128x20x64xf32>, vector<128x20x64xf32> -> vector<128x20x128xf32>
    %reshape3A_15 = vector.shape_cast %concatenate3A : vector<128x20x128xf32> to vector<2560x128xf32>
    %get3A_16 = arith.constant 0 : index
    %get3A_17 = arith.constant 0 : index
    %get3A_18 = vector.load %arg4[%get3A_16, %get3A_17] : memref<128x128xf32, #tpu.memory_space<vmem>>, vector<128x128xf32>
    %dot_general3A = arith.constant dense<0.000000e+00> : vector<2560x128xf32>
    %dot_general3A_19 = tpu.matmul %reshape3A_15, %get3A_18, %dot_general3A {dimension_numbers = #tpu.dot_dimension_numbers<[1], [0], [0], [1], [0, 0, 1, 1], [], []>, transpose_lhs_hint = false} : vector<2560x128xf32>, vector<128x128xf32>, vector<2560x128xf32> -> vector<2560x128xf32>
    %reshape3A_20 = vector.shape_cast %dot_general3A_19 : vector<2560x128xf32> to vector<128x20x128xf32>
    %reduce_max3A = arith.constant dense<0xFF800000> : vector<128x128xf32>
    %reduce_max3A_21 = vector.multi_reduction <maximumf>, %reshape3A_20, %reduce_max3A [1] : vector<128x20x128xf32> to vector<128x128xf32>
    %swap3A = arith.constant 0 : index
    %swap3A_22 = arith.constant 0 : index
    %swap3A_23 = arith.constant 0 : index
    %swap3A_24 = vector.load %arg5[%swap3A, %swap3A_22, %swap3A_23] : memref<1x128x128xf32, #tpu.memory_space<vmem>>, vector<1x128x128xf32>
    %swap3A_25 = vector.shape_cast %swap3A_24 : vector<1x128x128xf32> to vector<128x128xf32>
    %swap3A_26 = vector.shape_cast %reduce_max3A_21 : vector<128x128xf32> to vector<1x128x128xf32>
    tpu.vector_store %arg5[%swap3A, %swap3A_22, %swap3A_23], %swap3A_26 {strides = array<i32>} : memref<1x128x128xf32, #tpu.memory_space<vmem>>, vector<1x128x128xf32>,
    %reduce_sum3A = arith.constant dense<0.000000e+00> : vector<128xf32>
    %reduce_sum3A_27 = vector.multi_reduction <add>, %dot_general3A_19, %reduce_sum3A [0] : vector<2560x128xf32> to vector<128xf32>
    %swap3A_28 = arith.constant 0 : index
    %swap3A_29 = arith.constant 0 : index
    %swap3A_30 = arith.constant 0 : index
    %swap3A_31 = vector.load %arg6[%swap3A_28, %swap3A_29, %swap3A_30] : memref<1x1x128xf32, #tpu.memory_space<vmem>>, vector<1x1x128xf32>
    %swap3A_32 = vector.shape_cast %swap3A_31 : vector<1x1x128xf32> to vector<128xf32>
    %swap3A_33 = vector.shape_cast %reduce_sum3A_27 : vector<128xf32> to vector<1x1x128xf32>
    tpu.vector_store %arg6[%swap3A_28, %swap3A_29, %swap3A_30], %swap3A_33 {strides = array<i32>} : memref<1x1x128xf32, #tpu.memory_space<vmem>>, vector<1x1x128xf32>,
    %mul3A = arith.mulf %dot_general3A_19, %dot_general3A_19 : vector<2560x128xf32>
    %reduce_sum3A_34 = arith.constant dense<0.000000e+00> : vector<128xf32>
    %reduce_sum3A_35 = vector.multi_reduction <add>, %mul3A, %reduce_sum3A_34 [0] : vector<2560x128xf32> to vector<128xf32>
    %swap3A_36 = arith.constant 0 : index
    %swap3A_37 = arith.constant 0 : index
    %swap3A_38 = arith.constant 0 : index
    %swap3A_39 = vector.load %arg7[%swap3A_36, %swap3A_37, %swap3A_38] : memref<1x1x128xf32, #tpu.memory_space<vmem>>, vector<1x1x128xf32>
    %swap3A_40 = vector.shape_cast %swap3A_39 : vector<1x1x128xf32> to vector<128xf32>
    %swap3A_41 = vector.shape_cast %reduce_sum3A_35 : vector<128xf32> to vector<1x1x128xf32>
    tpu.vector_store %arg7[%swap3A_36, %swap3A_37, %swap3A_38], %swap3A_41 {strides = array<i32>} : memref<1x1x128xf32, #tpu.memory_space<vmem>>, vector<1x1x128xf32>,
    return
  }
  func.func @transform_0(%arg0: i32, %arg1: i32) -> (i32, i32, i32) {
    %c0_i32 = arith.constant 0 : i32
    %c0_i32_0 = arith.constant 0 : i32
    return %arg0, %arg1, %c0_i32 : i32, i32, i32
  }
  func.func @transform_1(%arg0: i32, %arg1: i32) -> (i32, i32, i32) {
    %c0_i32 = arith.constant 0 : i32
    %c0_i32_0 = arith.constant 0 : i32
    return %arg0, %arg1, %c0_i32 : i32, i32, i32
  }
  func.func @transform_2(%arg0: i32, %arg1: i32) -> (i32, i32) {
    %c0_i32 = arith.constant 0 : i32
    %c0_i32_0 = arith.constant 0 : i32
    %c0_i32_1 = arith.constant 0 : i32
    return %c0_i32, %c0_i32_0 : i32, i32
  }
  func.func @transform_3(%arg0: i32, %arg1: i32) -> (i32, i32, i32) {
    %c0_i32 = arith.constant 0 : i32
    %c0_i32_0 = arith.constant 0 : i32
    return %arg0, %arg1, %c0_i32 : i32, i32, i32
  }
  func.func @transform_4(%arg0: i32, %arg1: i32) -> (i32, i32, i32) {
    %mul3A = arith.constant 8 : i32
    %mul3A_0 = arith.muli %arg0, %mul3A : i32
    %add3A = arith.addi %mul3A_0, %arg1 : i32
    %c0_i32 = arith.constant 0 : i32
    %c0_i32_1 = arith.constant 0 : i32
    %c0_i32_2 = arith.constant 0 : i32
    return %add3A, %c0_i32, %c0_i32_1 : i32, i32, i32
  }
  func.func @transform_5(%arg0: i32, %arg1: i32) -> (i32, i32, i32) {
    %mul3A = arith.constant 8 : i32
    %mul3A_0 = arith.muli %arg0, %mul3A : i32
    %add3A = arith.addi %mul3A_0, %arg1 : i32
    %c0_i32 = arith.constant 0 : i32
    %c0_i32_1 = arith.constant 0 : i32
    %c0_i32_2 = arith.constant 0 : i32
    return %add3A, %c0_i32, %c0_i32_1 : i32, i32, i32
  }
}

module attributes {stable_mosaic.version = 14 : i64} {
  func.func @_conv_body(%arg0: i32, %arg1: i32, %arg2: memref<1x2560x128xf32, #tpu.memory_space<vmem>>, %arg3: memref<1x128x128xf32, #tpu.memory_space<vmem>>, %arg4: memref<256x256xf32, #tpu.memory_space<vmem>>, %arg5: memref<1x128x256xf32, #tpu.memory_space<vmem>>, %arg6: memref<1x1x256xf32, #tpu.memory_space<vmem>>, %arg7: memref<1x1x256xf32, #tpu.memory_space<vmem>>) attributes {dimension_semantics = [#tpu.dimension_semantics<arbitrary>, #tpu.dimension_semantics<arbitrary>], iteration_bounds = array<i64: 16, 8>, scalar_prefetch = 0 : i64, scratch_operands = 0 : i64, tpu.core_type = #tpu.core_type<tc>, window_params = [{transform_indices = @transform_0, window_bounds = array<i64: 1, 2560, 128>}, {transform_indices = @transform_1, window_bounds = array<i64: 1, 128, 128>}, {pipeline_mode = #tpu.pipeline_mode<synchronous>, transform_indices = @transform_2, window_bounds = array<i64: 256, 256>}, {transform_indices = @transform_3, window_bounds = array<i64: 1, 128, 256>}, {transform_indices = @transform_4, window_bounds = array<i64: 1, 1, 256>}, {transform_indices = @transform_5, window_bounds = array<i64: 1, 1, 256>}]} {
    %get3A = arith.constant 0 : index
    %get3A_0 = arith.constant 0 : index
    %get3A_1 = arith.constant 0 : index
    %get3A_2 = vector.load %arg2[%get3A, %get3A_0, %get3A_1] : memref<1x2560x128xf32, #tpu.memory_space<vmem>>, vector<1x2560x128xf32>
    %get3A_3 = vector.shape_cast %get3A_2 : vector<1x2560x128xf32> to vector<2560x128xf32>
    %reshape3A = vector.shape_cast %get3A_3 : vector<2560x128xf32> to vector<128x20x128xf32>
    %get3A_4 = arith.constant 0 : index
    %get3A_5 = arith.constant 0 : index
    %get3A_6 = arith.constant 0 : index
    %get3A_7 = vector.load %arg3[%get3A_4, %get3A_5, %get3A_6] : memref<1x128x128xf32, #tpu.memory_space<vmem>>, vector<1x128x128xf32>
    %get3A_8 = vector.shape_cast %get3A_7 : vector<1x128x128xf32> to vector<128x128xf32>
    %broadcast_in_dim3A = vector.shape_cast %get3A_8 : vector<128x128xf32> to vector<128x1x128xf32>
    %sub3A = vector.broadcast %broadcast_in_dim3A : vector<128x1x128xf32> to vector<128x20x128xf32>
    %sub3A_9 = arith.subf %reshape3A, %sub3A : vector<128x20x128xf32>
    %broadcast_in_dim3A_10 = vector.shape_cast %get3A_8 : vector<128x128xf32> to vector<128x1x128xf32>
    %broadcast_in_dim3A_11 = vector.shape_cast %broadcast_in_dim3A_10 : vector<128x1x128xf32> to vector<128x1x128xf32>
    %broadcast_in_dim3A_12 = vector.broadcast %broadcast_in_dim3A_11 : vector<128x1x128xf32> to vector<128x20x128xf32>
    %concatenate3A = tpu.concatenate %sub3A_9, %broadcast_in_dim3A_12 in 2 : vector<128x20x128xf32>, vector<128x20x128xf32> -> vector<128x20x256xf32>
    %reshape3A_13 = vector.shape_cast %concatenate3A : vector<128x20x256xf32> to vector<2560x256xf32>
    %get3A_14 = arith.constant 0 : index
    %get3A_15 = arith.constant 0 : index
    %get3A_16 = vector.load %arg4[%get3A_14, %get3A_15] : memref<256x256xf32, #tpu.memory_space<vmem>>, vector<256x256xf32>
    %dot_general3A = arith.constant dense<0.000000e+00> : vector<2560x256xf32>
    %dot_general3A_17 = tpu.matmul %reshape3A_13, %get3A_16, %dot_general3A {dimension_numbers = #tpu.dot_dimension_numbers<[1], [0], [0], [1], [0, 0, 1, 1], [], []>, transpose_lhs_hint = false} : vector<2560x256xf32>, vector<256x256xf32>, vector<2560x256xf32> -> vector<2560x256xf32>
    %reshape3A_18 = vector.shape_cast %dot_general3A_17 : vector<2560x256xf32> to vector<128x20x256xf32>
    %reduce_max3A = arith.constant dense<0xFF800000> : vector<128x256xf32>
    %reduce_max3A_19 = vector.multi_reduction <maximumf>, %reshape3A_18, %reduce_max3A [1] : vector<128x20x256xf32> to vector<128x256xf32>
    %swap3A = arith.constant 0 : index
    %swap3A_20 = arith.constant 0 : index
    %swap3A_21 = arith.constant 0 : index
    %swap3A_22 = vector.load %arg5[%swap3A, %swap3A_20, %swap3A_21] : memref<1x128x256xf32, #tpu.memory_space<vmem>>, vector<1x128x256xf32>
    %swap3A_23 = vector.shape_cast %swap3A_22 : vector<1x128x256xf32> to vector<128x256xf32>
    %swap3A_24 = vector.shape_cast %reduce_max3A_19 : vector<128x256xf32> to vector<1x128x256xf32>
    tpu.vector_store %arg5[%swap3A, %swap3A_20, %swap3A_21], %swap3A_24 {strides = array<i32>} : memref<1x128x256xf32, #tpu.memory_space<vmem>>, vector<1x128x256xf32>,
    %reduce_sum3A = arith.constant dense<0.000000e+00> : vector<256xf32>
    %reduce_sum3A_25 = vector.multi_reduction <add>, %dot_general3A_17, %reduce_sum3A [0] : vector<2560x256xf32> to vector<256xf32>
    %swap3A_26 = arith.constant 0 : index
    %swap3A_27 = arith.constant 0 : index
    %swap3A_28 = arith.constant 0 : index
    %swap3A_29 = vector.load %arg6[%swap3A_26, %swap3A_27, %swap3A_28] : memref<1x1x256xf32, #tpu.memory_space<vmem>>, vector<1x1x256xf32>
    %swap3A_30 = vector.shape_cast %swap3A_29 : vector<1x1x256xf32> to vector<256xf32>
    %swap3A_31 = vector.shape_cast %reduce_sum3A_25 : vector<256xf32> to vector<1x1x256xf32>
    tpu.vector_store %arg6[%swap3A_26, %swap3A_27, %swap3A_28], %swap3A_31 {strides = array<i32>} : memref<1x1x256xf32, #tpu.memory_space<vmem>>, vector<1x1x256xf32>,
    %mul3A = arith.mulf %dot_general3A_17, %dot_general3A_17 : vector<2560x256xf32>
    %reduce_sum3A_32 = arith.constant dense<0.000000e+00> : vector<256xf32>
    %reduce_sum3A_33 = vector.multi_reduction <add>, %mul3A, %reduce_sum3A_32 [0] : vector<2560x256xf32> to vector<256xf32>
    %swap3A_34 = arith.constant 0 : index
    %swap3A_35 = arith.constant 0 : index
    %swap3A_36 = arith.constant 0 : index
    %swap3A_37 = vector.load %arg7[%swap3A_34, %swap3A_35, %swap3A_36] : memref<1x1x256xf32, #tpu.memory_space<vmem>>, vector<1x1x256xf32>
    %swap3A_38 = vector.shape_cast %swap3A_37 : vector<1x1x256xf32> to vector<256xf32>
    %swap3A_39 = vector.shape_cast %reduce_sum3A_33 : vector<256xf32> to vector<1x1x256xf32>
    tpu.vector_store %arg7[%swap3A_34, %swap3A_35, %swap3A_36], %swap3A_39 {strides = array<i32>} : memref<1x1x256xf32, #tpu.memory_space<vmem>>, vector<1x1x256xf32>,
    return
  }
  func.func @transform_0(%arg0: i32, %arg1: i32) -> (i32, i32, i32) {
    %c0_i32 = arith.constant 0 : i32
    %c0_i32_0 = arith.constant 0 : i32
    return %arg0, %arg1, %c0_i32 : i32, i32, i32
  }
  func.func @transform_1(%arg0: i32, %arg1: i32) -> (i32, i32, i32) {
    %c0_i32 = arith.constant 0 : i32
    %c0_i32_0 = arith.constant 0 : i32
    return %arg0, %arg1, %c0_i32 : i32, i32, i32
  }
  func.func @transform_2(%arg0: i32, %arg1: i32) -> (i32, i32) {
    %c0_i32 = arith.constant 0 : i32
    %c0_i32_0 = arith.constant 0 : i32
    %c0_i32_1 = arith.constant 0 : i32
    return %c0_i32, %c0_i32_0 : i32, i32
  }
  func.func @transform_3(%arg0: i32, %arg1: i32) -> (i32, i32, i32) {
    %c0_i32 = arith.constant 0 : i32
    %c0_i32_0 = arith.constant 0 : i32
    return %arg0, %arg1, %c0_i32 : i32, i32, i32
  }
  func.func @transform_4(%arg0: i32, %arg1: i32) -> (i32, i32, i32) {
    %mul3A = arith.constant 8 : i32
    %mul3A_0 = arith.muli %arg0, %mul3A : i32
    %add3A = arith.addi %mul3A_0, %arg1 : i32
    %c0_i32 = arith.constant 0 : i32
    %c0_i32_1 = arith.constant 0 : i32
    %c0_i32_2 = arith.constant 0 : i32
    return %add3A, %c0_i32, %c0_i32_1 : i32, i32, i32
  }
  func.func @transform_5(%arg0: i32, %arg1: i32) -> (i32, i32, i32) {
    %mul3A = arith.constant 8 : i32
    %mul3A_0 = arith.muli %arg0, %mul3A : i32
    %add3A = arith.addi %mul3A_0, %arg1 : i32
    %c0_i32 = arith.constant 0 : i32
    %c0_i32_1 = arith.constant 0 : i32
    %c0_i32_2 = arith.constant 0 : i32
    return %add3A, %c0_i32, %c0_i32_1 : i32, i32, i32
  }
}

module attributes {stable_mosaic.version = 14 : i64} {
  func.func @_norm_body(%arg0: i32, %arg1: memref<1x1024x256xf32, #tpu.memory_space<vmem>>, %arg2: memref<128x1x256xf32, #tpu.memory_space<vmem>>, %arg3: memref<128x1x256xf32, #tpu.memory_space<vmem>>, %arg4: memref<1x1024x256xf32, #tpu.memory_space<vmem>>) attributes {dimension_semantics = [#tpu.dimension_semantics<arbitrary>], iteration_bounds = array<i64: 16>, scalar_prefetch = 0 : i64, scratch_operands = 0 : i64, tpu.core_type = #tpu.core_type<tc>, window_params = [{transform_indices = @transform_0, window_bounds = array<i64: 1, 1024, 256>}, {pipeline_mode = #tpu.pipeline_mode<synchronous>, transform_indices = @transform_1, window_bounds = array<i64: 128, 1, 256>}, {pipeline_mode = #tpu.pipeline_mode<synchronous>, transform_indices = @transform_2, window_bounds = array<i64: 128, 1, 256>}, {transform_indices = @transform_3, window_bounds = array<i64: 1, 1024, 256>}]} {
    %get3A = arith.constant 0 : index
    %get3A_0 = arith.constant 0 : index
    %get3A_1 = arith.constant 0 : index
    %get3A_2 = vector.load %arg2[%get3A, %get3A_0, %get3A_1] : memref<128x1x256xf32, #tpu.memory_space<vmem>>, vector<128x1x256xf32>
    %reduce_sum3A = arith.constant dense<0.000000e+00> : vector<256xf32>
    %reduce_sum3A_3 = vector.multi_reduction <add>, %get3A_2, %reduce_sum3A [0, 1] : vector<128x1x256xf32> to vector<256xf32>
    %get3A_4 = arith.constant 0 : index
    %get3A_5 = arith.constant 0 : index
    %get3A_6 = arith.constant 0 : index
    %get3A_7 = vector.load %arg3[%get3A_4, %get3A_5, %get3A_6] : memref<128x1x256xf32, #tpu.memory_space<vmem>>, vector<128x1x256xf32>
    %reduce_sum3A_8 = arith.constant dense<0.000000e+00> : vector<256xf32>
    %reduce_sum3A_9 = vector.multi_reduction <add>, %get3A_7, %reduce_sum3A_8 [0, 1] : vector<128x1x256xf32> to vector<256xf32>
    %div3A = arith.constant 3.276800e+05 : f32
    %div3A_10 = vector.broadcast %div3A : f32 to vector<256xf32>
    %div3A_11 = arith.divf %reduce_sum3A_3, %div3A_10 : vector<256xf32>
    %div3A_12 = arith.constant 3.276800e+05 : f32
    %div3A_13 = vector.broadcast %div3A_12 : f32 to vector<256xf32>
    %div3A_14 = arith.divf %reduce_sum3A_9, %div3A_13 : vector<256xf32>
    %mul3A = arith.mulf %div3A_11, %div3A_11 : vector<256xf32>
    %sub3A = arith.subf %div3A_14, %mul3A : vector<256xf32>
    %add3A = arith.constant 9.99999974E-6 : f32
    %add3A_15 = vector.broadcast %add3A : f32 to vector<256xf32>
    %add3A_16 = arith.addf %sub3A, %add3A_15 : vector<256xf32>
    %sqrt3A = math.sqrt %add3A_16 : vector<256xf32>
    %get3A_17 = arith.constant 0 : index
    %get3A_18 = arith.constant 0 : index
    %get3A_19 = arith.constant 0 : index
    %get3A_20 = vector.load %arg1[%get3A_17, %get3A_18, %get3A_19] : memref<1x1024x256xf32, #tpu.memory_space<vmem>>, vector<1x1024x256xf32>
    %get3A_21 = vector.shape_cast %get3A_20 : vector<1x1024x256xf32> to vector<1024x256xf32>
    %broadcast_in_dim3A = vector.shape_cast %div3A_11 : vector<256xf32> to vector<1x256xf32>
    %sub3A_22 = vector.broadcast %broadcast_in_dim3A : vector<1x256xf32> to vector<1024x256xf32>
    %sub3A_23 = arith.subf %get3A_21, %sub3A_22 : vector<1024x256xf32>
    %broadcast_in_dim3A_24 = vector.shape_cast %sqrt3A : vector<256xf32> to vector<1x256xf32>
    %div3A_25 = vector.broadcast %broadcast_in_dim3A_24 : vector<1x256xf32> to vector<1024x256xf32>
    %div3A_26 = arith.divf %sub3A_23, %div3A_25 : vector<1024x256xf32>
    %ge3A = arith.constant 0.000000e+00 : f32
    %ge3A_27 = vector.broadcast %ge3A : f32 to vector<1024x256xf32>
    %ge3A_28 = arith.cmpf oge, %div3A_26, %ge3A_27 : vector<1024x256xf32>
    %mul3A_29 = arith.constant 2.000000e-01 : f32
    %mul3A_30 = vector.broadcast %mul3A_29 : f32 to vector<1024x256xf32>
    %mul3A_31 = arith.mulf %mul3A_30, %div3A_26 : vector<1024x256xf32>
    %select_n3A = arith.select %ge3A_28, %div3A_26, %mul3A_31 : vector<1024x256xi1>, vector<1024x256xf32>
    %swap3A = arith.constant 0 : index
    %swap3A_32 = arith.constant 0 : index
    %swap3A_33 = arith.constant 0 : index
    %swap3A_34 = vector.load %arg4[%swap3A, %swap3A_32, %swap3A_33] : memref<1x1024x256xf32, #tpu.memory_space<vmem>>, vector<1x1024x256xf32>
    %swap3A_35 = vector.shape_cast %swap3A_34 : vector<1x1024x256xf32> to vector<1024x256xf32>
    %swap3A_36 = vector.shape_cast %select_n3A : vector<1024x256xf32> to vector<1x1024x256xf32>
    tpu.vector_store %arg4[%swap3A, %swap3A_32, %swap3A_33], %swap3A_36 {strides = array<i32>} : memref<1x1024x256xf32, #tpu.memory_space<vmem>>, vector<1x1024x256xf32>,
    return
  }
  func.func @transform_0(%arg0: i32) -> (i32, i32, i32) {
    %c0_i32 = arith.constant 0 : i32
    %c0_i32_0 = arith.constant 0 : i32
    %c0_i32_1 = arith.constant 0 : i32
    return %arg0, %c0_i32, %c0_i32_0 : i32, i32, i32
  }
  func.func @transform_1(%arg0: i32) -> (i32, i32, i32) {
    %c0_i32 = arith.constant 0 : i32
    %c0_i32_0 = arith.constant 0 : i32
    %c0_i32_1 = arith.constant 0 : i32
    %c0_i32_2 = arith.constant 0 : i32
    return %c0_i32, %c0_i32_0, %c0_i32_1 : i32, i32, i32
  }
  func.func @transform_2(%arg0: i32) -> (i32, i32, i32) {
    %c0_i32 = arith.constant 0 : i32
    %c0_i32_0 = arith.constant 0 : i32
    %c0_i32_1 = arith.constant 0 : i32
    %c0_i32_2 = arith.constant 0 : i32
    return %c0_i32, %c0_i32_0, %c0_i32_1 : i32, i32, i32
  }
  func.func @transform_3(%arg0: i32) -> (i32, i32, i32) {
    %c0_i32 = arith.constant 0 : i32
    %c0_i32_0 = arith.constant 0 : i32
    %c0_i32_1 = arith.constant 0 : i32
    return %arg0, %c0_i32, %c0_i32_0 : i32, i32, i32
  }
}

module attributes {stable_mosaic.version = 14 : i64} {
  func.func @_final_body(%arg0: i32, %arg1: memref<1x1024x128xf32, #tpu.memory_space<vmem>>, %arg2: memref<1x1024x128xf32, #tpu.memory_space<vmem>>, %arg3: memref<1x1024x128xf32, #tpu.memory_space<vmem>>, %arg4: memref<1x1024x256xf32, #tpu.memory_space<vmem>>, %arg5: memref<1024x512xf32, #tpu.memory_space<vmem>>, %arg6: memref<1x1024x1024xf32, #tpu.memory_space<vmem>>, %arg7: memref<1x1x1024xf32, #tpu.memory_space<vmem>>, %arg8: memref<1x1x1024xf32, #tpu.memory_space<vmem>>) attributes {dimension_semantics = [#tpu.dimension_semantics<arbitrary>], iteration_bounds = array<i64: 16>, scalar_prefetch = 0 : i64, scratch_operands = 0 : i64, tpu.core_type = #tpu.core_type<tc>, window_params = [{transform_indices = @transform_0, window_bounds = array<i64: 1, 1024, 128>}, {transform_indices = @transform_1, window_bounds = array<i64: 1, 1024, 128>}, {transform_indices = @transform_2, window_bounds = array<i64: 1, 1024, 128>}, {transform_indices = @transform_3, window_bounds = array<i64: 1, 1024, 256>}, {pipeline_mode = #tpu.pipeline_mode<synchronous>, transform_indices = @transform_4, window_bounds = array<i64: 1024, 512>}, {transform_indices = @transform_5, window_bounds = array<i64: 1, 1024, 1024>}, {transform_indices = @transform_6, window_bounds = array<i64: 1, 1, 1024>}, {transform_indices = @transform_7, window_bounds = array<i64: 1, 1, 1024>}]} {
    %get3A = arith.constant 0 : index
    %get3A_0 = arith.constant 0 : index
    %get3A_1 = arith.constant 0 : index
    %get3A_2 = vector.load %arg1[%get3A, %get3A_0, %get3A_1] : memref<1x1024x128xf32, #tpu.memory_space<vmem>>, vector<1x1024x128xf32>
    %get3A_3 = vector.shape_cast %get3A_2 : vector<1x1024x128xf32> to vector<1024x128xf32>
    %slice3A = vector.extract_strided_slice %get3A_3 {offsets = [0, 0], sizes = [1024, 64], strides = [1, 1]} : vector<1024x128xf32> to vector<1024x64xf32>
    %get3A_4 = arith.constant 0 : index
    %get3A_5 = arith.constant 0 : index
    %get3A_6 = arith.constant 0 : index
    %get3A_7 = vector.load %arg2[%get3A_4, %get3A_5, %get3A_6] : memref<1x1024x128xf32, #tpu.memory_space<vmem>>, vector<1x1024x128xf32>
    %get3A_8 = vector.shape_cast %get3A_7 : vector<1x1024x128xf32> to vector<1024x128xf32>
    %slice3A_9 = vector.extract_strided_slice %get3A_8 {offsets = [0, 0], sizes = [1024, 64], strides = [1, 1]} : vector<1024x128xf32> to vector<1024x64xf32>
    %get3A_10 = arith.constant 0 : index
    %get3A_11 = arith.constant 0 : index
    %get3A_12 = arith.constant 0 : index
    %get3A_13 = vector.load %arg3[%get3A_10, %get3A_11, %get3A_12] : memref<1x1024x128xf32, #tpu.memory_space<vmem>>, vector<1x1024x128xf32>
    %get3A_14 = vector.shape_cast %get3A_13 : vector<1x1024x128xf32> to vector<1024x128xf32>
    %get3A_15 = arith.constant 0 : index
    %get3A_16 = arith.constant 0 : index
    %get3A_17 = arith.constant 0 : index
    %get3A_18 = vector.load %arg4[%get3A_15, %get3A_16, %get3A_17] : memref<1x1024x256xf32, #tpu.memory_space<vmem>>, vector<1x1024x256xf32>
    %get3A_19 = vector.shape_cast %get3A_18 : vector<1x1024x256xf32> to vector<1024x256xf32>
    %concatenate3A = tpu.concatenate %slice3A, %slice3A_9, %get3A_14, %get3A_19 in 1 : vector<1024x64xf32>, vector<1024x64xf32>, vector<1024x128xf32>, vector<1024x256xf32> -> vector<1024x512xf32>
    %get3A_20 = arith.constant 0 : index
    %get3A_21 = arith.constant 0 : index
    %get3A_22 = vector.load %arg5[%get3A_20, %get3A_21] : memref<1024x512xf32, #tpu.memory_space<vmem>>, vector<1024x512xf32>
    %dot_general3A = arith.constant dense<0.000000e+00> : vector<1024x1024xf32>
    %dot_general3A_23 = tpu.matmul %get3A_22, %concatenate3A, %dot_general3A {dimension_numbers = #tpu.dot_dimension_numbers<[1], [1], [0], [0], [0, 0, 1, 0], [], []>, transpose_lhs_hint = false} : vector<1024x512xf32>, vector<1024x512xf32>, vector<1024x1024xf32> -> vector<1024x1024xf32>
    %swap3A = arith.constant 0 : index
    %swap3A_24 = arith.constant 0 : index
    %swap3A_25 = arith.constant 0 : index
    %swap3A_26 = vector.load %arg6[%swap3A, %swap3A_24, %swap3A_25] : memref<1x1024x1024xf32, #tpu.memory_space<vmem>>, vector<1x1024x1024xf32>
    %swap3A_27 = vector.shape_cast %swap3A_26 : vector<1x1024x1024xf32> to vector<1024x1024xf32>
    %swap3A_28 = vector.shape_cast %dot_general3A_23 : vector<1024x1024xf32> to vector<1x1024x1024xf32>
    tpu.vector_store %arg6[%swap3A, %swap3A_24, %swap3A_25], %swap3A_28 {strides = array<i32>} : memref<1x1024x1024xf32, #tpu.memory_space<vmem>>, vector<1x1024x1024xf32>,
    %reduce_sum3A = arith.constant dense<0.000000e+00> : vector<1024xf32>
    %reduce_sum3A_29 = vector.multi_reduction <add>, %dot_general3A_23, %reduce_sum3A [1] : vector<1024x1024xf32> to vector<1024xf32>
    %swap3A_30 = arith.constant 0 : index
    %swap3A_31 = arith.constant 0 : index
    %swap3A_32 = arith.constant 0 : index
    %swap3A_33 = vector.load %arg7[%swap3A_30, %swap3A_31, %swap3A_32] : memref<1x1x1024xf32, #tpu.memory_space<vmem>>, vector<1x1x1024xf32>
    %swap3A_34 = vector.shape_cast %swap3A_33 : vector<1x1x1024xf32> to vector<1024xf32>
    %swap3A_35 = vector.shape_cast %reduce_sum3A_29 : vector<1024xf32> to vector<1x1x1024xf32>
    tpu.vector_store %arg7[%swap3A_30, %swap3A_31, %swap3A_32], %swap3A_35 {strides = array<i32>} : memref<1x1x1024xf32, #tpu.memory_space<vmem>>, vector<1x1x1024xf32>,
    %mul3A = arith.mulf %dot_general3A_23, %dot_general3A_23 : vector<1024x1024xf32>
    %reduce_sum3A_36 = arith.constant dense<0.000000e+00> : vector<1024xf32>
    %reduce_sum3A_37 = vector.multi_reduction <add>, %mul3A, %reduce_sum3A_36 [1] : vector<1024x1024xf32> to vector<1024xf32>
    %swap3A_38 = arith.constant 0 : index
    %swap3A_39 = arith.constant 0 : index
    %swap3A_40 = arith.constant 0 : index
    %swap3A_41 = vector.load %arg8[%swap3A_38, %swap3A_39, %swap3A_40] : memref<1x1x1024xf32, #tpu.memory_space<vmem>>, vector<1x1x1024xf32>
    %swap3A_42 = vector.shape_cast %swap3A_41 : vector<1x1x1024xf32> to vector<1024xf32>
    %swap3A_43 = vector.shape_cast %reduce_sum3A_37 : vector<1024xf32> to vector<1x1x1024xf32>
    tpu.vector_store %arg8[%swap3A_38, %swap3A_39, %swap3A_40], %swap3A_43 {strides = array<i32>} : memref<1x1x1024xf32, #tpu.memory_space<vmem>>, vector<1x1x1024xf32>,
    return
  }
  func.func @transform_0(%arg0: i32) -> (i32, i32, i32) {
    %c0_i32 = arith.constant 0 : i32
    %c0_i32_0 = arith.constant 0 : i32
    %c0_i32_1 = arith.constant 0 : i32
    return %arg0, %c0_i32, %c0_i32_0 : i32, i32, i32
  }
  func.func @transform_1(%arg0: i32) -> (i32, i32, i32) {
    %c0_i32 = arith.constant 0 : i32
    %c0_i32_0 = arith.constant 0 : i32
    %c0_i32_1 = arith.constant 0 : i32
    return %arg0, %c0_i32, %c0_i32_0 : i32, i32, i32
  }
  func.func @transform_2(%arg0: i32) -> (i32, i32, i32) {
    %c0_i32 = arith.constant 0 : i32
    %c0_i32_0 = arith.constant 0 : i32
    %c0_i32_1 = arith.constant 0 : i32
    return %arg0, %c0_i32, %c0_i32_0 : i32, i32, i32
  }
  func.func @transform_3(%arg0: i32) -> (i32, i32, i32) {
    %c0_i32 = arith.constant 0 : i32
    %c0_i32_0 = arith.constant 0 : i32
    %c0_i32_1 = arith.constant 0 : i32
    return %arg0, %c0_i32, %c0_i32_0 : i32, i32, i32
  }
  func.func @transform_4(%arg0: i32) -> (i32, i32) {
    %c0_i32 = arith.constant 0 : i32
    %c0_i32_0 = arith.constant 0 : i32
    %c0_i32_1 = arith.constant 0 : i32
    return %c0_i32, %c0_i32_0 : i32, i32
  }
  func.func @transform_5(%arg0: i32) -> (i32, i32, i32) {
    %c0_i32 = arith.constant 0 : i32
    %c0_i32_0 = arith.constant 0 : i32
    %c0_i32_1 = arith.constant 0 : i32
    return %arg0, %c0_i32, %c0_i32_0 : i32, i32, i32
  }
  func.func @transform_6(%arg0: i32) -> (i32, i32, i32) {
    %c0_i32 = arith.constant 0 : i32
    %c0_i32_0 = arith.constant 0 : i32
    %c0_i32_1 = arith.constant 0 : i32
    return %arg0, %c0_i32, %c0_i32_0 : i32, i32, i32
  }
  func.func @transform_7(%arg0: i32) -> (i32, i32, i32) {
    %c0_i32 = arith.constant 0 : i32
    %c0_i32_0 = arith.constant 0 : i32
    %c0_i32_1 = arith.constant 0 : i32
    return %arg0, %c0_i32, %c0_i32_0 : i32, i32, i32
  }
}

module attributes {stable_mosaic.version = 14 : i64} {
  func.func @_final_norm_body(%arg0: i32, %arg1: memref<1x1024x1024xf32, #tpu.memory_space<vmem>>, %arg2: memref<16x1x1024xf32, #tpu.memory_space<vmem>>, %arg3: memref<16x1x1024xf32, #tpu.memory_space<vmem>>, %arg4: memref<1x1024x1024xf32, #tpu.memory_space<vmem>>) attributes {dimension_semantics = [#tpu.dimension_semantics<arbitrary>], iteration_bounds = array<i64: 16>, scalar_prefetch = 0 : i64, scratch_operands = 0 : i64, tpu.core_type = #tpu.core_type<tc>, window_params = [{transform_indices = @transform_0, window_bounds = array<i64: 1, 1024, 1024>}, {pipeline_mode = #tpu.pipeline_mode<synchronous>, transform_indices = @transform_1, window_bounds = array<i64: 16, 1, 1024>}, {pipeline_mode = #tpu.pipeline_mode<synchronous>, transform_indices = @transform_2, window_bounds = array<i64: 16, 1, 1024>}, {transform_indices = @transform_3, window_bounds = array<i64: 1, 1024, 1024>}]} {
    %get3A = arith.constant 0 : index
    %get3A_0 = arith.constant 0 : index
    %get3A_1 = arith.constant 0 : index
    %get3A_2 = vector.load %arg2[%get3A, %get3A_0, %get3A_1] : memref<16x1x1024xf32, #tpu.memory_space<vmem>>, vector<16x1x1024xf32>
    %reduce_sum3A = arith.constant dense<0.000000e+00> : vector<1024xf32>
    %reduce_sum3A_3 = vector.multi_reduction <add>, %get3A_2, %reduce_sum3A [0, 1] : vector<16x1x1024xf32> to vector<1024xf32>
    %div3A = arith.constant 1.638400e+04 : f32
    %div3A_4 = vector.broadcast %div3A : f32 to vector<1024xf32>
    %div3A_5 = arith.divf %reduce_sum3A_3, %div3A_4 : vector<1024xf32>
    %get3A_6 = arith.constant 0 : index
    %get3A_7 = arith.constant 0 : index
    %get3A_8 = arith.constant 0 : index
    %get3A_9 = vector.load %arg3[%get3A_6, %get3A_7, %get3A_8] : memref<16x1x1024xf32, #tpu.memory_space<vmem>>, vector<16x1x1024xf32>
    %reduce_sum3A_10 = arith.constant dense<0.000000e+00> : vector<1024xf32>
    %reduce_sum3A_11 = vector.multi_reduction <add>, %get3A_9, %reduce_sum3A_10 [0, 1] : vector<16x1x1024xf32> to vector<1024xf32>
    %div3A_12 = arith.constant 1.638400e+04 : f32
    %div3A_13 = vector.broadcast %div3A_12 : f32 to vector<1024xf32>
    %div3A_14 = arith.divf %reduce_sum3A_11, %div3A_13 : vector<1024xf32>
    %mul3A = arith.mulf %div3A_5, %div3A_5 : vector<1024xf32>
    %sub3A = arith.subf %div3A_14, %mul3A : vector<1024xf32>
    %add3A = arith.constant 9.99999974E-6 : f32
    %add3A_15 = vector.broadcast %add3A : f32 to vector<1024xf32>
    %add3A_16 = arith.addf %sub3A, %add3A_15 : vector<1024xf32>
    %sqrt3A = math.sqrt %add3A_16 : vector<1024xf32>
    %get3A_17 = arith.constant 0 : index
    %get3A_18 = arith.constant 0 : index
    %get3A_19 = arith.constant 0 : index
    %get3A_20 = vector.load %arg1[%get3A_17, %get3A_18, %get3A_19] : memref<1x1024x1024xf32, #tpu.memory_space<vmem>>, vector<1x1024x1024xf32>
    %get3A_21 = vector.shape_cast %get3A_20 : vector<1x1024x1024xf32> to vector<1024x1024xf32>
    %broadcast_in_dim3A = vector.shape_cast %div3A_5 : vector<1024xf32> to vector<1024x1xf32>
    %sub3A_22 = vector.broadcast %broadcast_in_dim3A : vector<1024x1xf32> to vector<1024x1024xf32>
    %sub3A_23 = arith.subf %get3A_21, %sub3A_22 : vector<1024x1024xf32>
    %broadcast_in_dim3A_24 = vector.shape_cast %sqrt3A : vector<1024xf32> to vector<1024x1xf32>
    %div3A_25 = vector.broadcast %broadcast_in_dim3A_24 : vector<1024x1xf32> to vector<1024x1024xf32>
    %div3A_26 = arith.divf %sub3A_23, %div3A_25 : vector<1024x1024xf32>
    %ge3A = arith.constant 0.000000e+00 : f32
    %ge3A_27 = vector.broadcast %ge3A : f32 to vector<1024x1024xf32>
    %ge3A_28 = arith.cmpf oge, %div3A_26, %ge3A_27 : vector<1024x1024xf32>
    %mul3A_29 = arith.constant 2.000000e-01 : f32
    %mul3A_30 = vector.broadcast %mul3A_29 : f32 to vector<1024x1024xf32>
    %mul3A_31 = arith.mulf %mul3A_30, %div3A_26 : vector<1024x1024xf32>
    %select_n3A = arith.select %ge3A_28, %div3A_26, %mul3A_31 : vector<1024x1024xi1>, vector<1024x1024xf32>
    %swap3A = arith.constant 0 : index
    %swap3A_32 = arith.constant 0 : index
    %swap3A_33 = arith.constant 0 : index
    %swap3A_34 = vector.load %arg4[%swap3A, %swap3A_32, %swap3A_33] : memref<1x1024x1024xf32, #tpu.memory_space<vmem>>, vector<1x1024x1024xf32>
    %swap3A_35 = vector.shape_cast %swap3A_34 : vector<1x1024x1024xf32> to vector<1024x1024xf32>
    %swap3A_36 = vector.shape_cast %select_n3A : vector<1024x1024xf32> to vector<1x1024x1024xf32>
    tpu.vector_store %arg4[%swap3A, %swap3A_32, %swap3A_33], %swap3A_36 {strides = array<i32>} : memref<1x1024x1024xf32, #tpu.memory_space<vmem>>, vector<1x1024x1024xf32>,
    return
  }
  func.func @transform_0(%arg0: i32) -> (i32, i32, i32) {
    %c0_i32 = arith.constant 0 : i32
    %c0_i32_0 = arith.constant 0 : i32
    %c0_i32_1 = arith.constant 0 : i32
    return %arg0, %c0_i32, %c0_i32_0 : i32, i32, i32
  }
  func.func @transform_1(%arg0: i32) -> (i32, i32, i32) {
    %c0_i32 = arith.constant 0 : i32
    %c0_i32_0 = arith.constant 0 : i32
    %c0_i32_1 = arith.constant 0 : i32
    %c0_i32_2 = arith.constant 0 : i32
    return %c0_i32, %c0_i32_0, %c0_i32_1 : i32, i32, i32
  }
  func.func @transform_2(%arg0: i32) -> (i32, i32, i32) {
    %c0_i32 = arith.constant 0 : i32
    %c0_i32_0 = arith.constant 0 : i32
    %c0_i32_1 = arith.constant 0 : i32
    %c0_i32_2 = arith.constant 0 : i32
    return %c0_i32, %c0_i32_0, %c0_i32_1 : i32, i32, i32
  }
  func.func @transform_3(%arg0: i32) -> (i32, i32, i32) {
    %c0_i32 = arith.constant 0 : i32
    %c0_i32_0 = arith.constant 0 : i32
    %c0_i32_1 = arith.constant 0 : i32
    return %arg0, %c0_i32, %c0_i32_0 : i32, i32, i32
  }
}

</mosaic_0001>

<sc_bundles>
// kernel: kernel.20.cloned.1.call-start
scs
__scs_entry_jumppad:
0x0: {  	(pc) =	sbr.rel $0x88, $3  }
0x1: {  	(tag) =	ssettag $0x0;
	lr =	simm.s32 $0x1  }
0x2: {  	[smem:$0x3F9B] =	sst lr;
	_ =	strace $0xD0000000  }
0x3: {  	_ = 	snop  }
0x4: {  	_ = 	snop  }
0x5: {  	_ = 	snop  }
0x6: {  	_ = 	snop  }
0x7: {  	_ = 	snop  }
__scs_overlays_trampoline_lowered:
0x8: {  	[smem:$0x3FAA] =	sst s0  }
0x9: {  	[smem:$0x3FAB] =	sst s1  }
0xa: {  	[smem:$0x3FAC] =	sst s2  }
0xb: {  	[smem:$0x3FAD] =	sst s3  }
0xc: {  	[smem:$0x3FAE] =	sst s4  }
0xd: {  	[smem:$0x3FAF] =	sst s5  }
0xe: {  	[smem:$0x3FB0] =	sst s6  }
0xf: {  	[smem:$0x3FB1] =	sst s7  }
0x10: {  	[smem:$0x3FB2] =	sst s8  }
0x11: {  	[smem:$0x3FB3] =	sst s9;
	s0 =	simm.s32 @!p0 $0x0  }
0x12: {  	s1 =	sld [smem:$0x3F99];
	s0 =	simm.s32 @p0 $0x1  }
0x13: {  	[smem:$0x3FB4] =	sst s0;
	s0 =	simm.s32 @!p1 $0x0  }
0x14: {  	s2 =	sld [smem:$0x3F98];
	s0 =	simm.s32 @p1 $0x1  }
0x15: {  	[smem:$0x3FB5] =	sst s0;
	s0 =	simm.s32 @!p2 $0x0  }
0x16: {  	s3 =	sld [smem:$0x3FDB];
	s0 =	simm.s32 @p2 $0x1  }
0x17: {  	s4 =	simm.s32 $0x1BF5;
	[smem:$0x3FB7] =	sst s0  }
0x18: {  	s0 =	sld [smem:$0x3F9A];
	_ =	swait.ge [sflag:s4], $0x0  }
0x19: {  	s7 =	sld [smem:$0x3F9B]  }
0x1a: {  	s8 =	sadd.s32 $0xFFFFE003, lr  }
0x1b: {  	s9 =	sadd.s32 $0xFFFFFEF7, lr;
	s5 =	simm.s32 $0xFFFFFFFF;
	p2 =	slt.u32 s8, $0xFFFFF086  }
0x1c: {  	p1 =	slt.u32 s9, $0xF7A;
	s5 =	simm.s32 @!p2 $0x0  }
0x1d: {  	s5 =	simm.s32 @p1 $0x1;
	p0 =	seq.s32 s7, s2  }
0x1e: {  	s7 =	smul.u32 @!p0 $0xF7A, s2;
	p2 =	seq.s32 @!p0 s5, $0x0  }
0x1f: {  	s9 =	smul.u32 $0xF7A, s1;
	s8 =	simm.s32 @!p0 $0x1BF5;
	p2 =	por !p2, p0  }
0x20: {  	[sflag:s8] =	ssyncset.s32 @!p0 $0xFFFFF086;
	s6 =	sadd.s32 @!p0 s3, s7;
	s7 =	simm.s32 @!p0 $0x108  }
0x21: {  	s3 =	sadd.s32 s3, s9;
	s6 =	sadd.s32 @!p0 $0x88, s6;
	s7 =	simm.s32 @p2 $0x1082  }
0x22: {  	[simem:s7], [sflag:s8] =	dma.local @!p0 [hbm:s6], $0xF7A  }
0x23: {  	s9 =	sor.u32 $0xD0000000, s2;
	s6 =	simm.s32 $0x108;
	_ =	swait.ge @!p0 [sflag:s8], $0x0  }
0x24: {  	s3 =	sadd.s32 $0x88, s3;
	s6 =	simm.s32 @!p1 $0x1082;
	[sflag:s4] =	ssyncset.s32 $0xFFFFF086  }
0x25: {  	[simem:s6], [sflag:s4] =	dma.local [hbm:s3], $0xF7A  }
0x26: {  	[smem:$0x3F9B] =	sst s1;
	(tag) =	ssettag s2;
	_ =	strace s9  }
0x27: {  	s1 =	sld [smem:$0x3FAB]  }
0x28: {  	s2 =	sld [smem:$0x3FAC]  }
0x29: {  	s4 =	sld [smem:$0x3FAE]  }
0x2a: {  	p0 =	seq.s32 s5, $0x0;
	s5 =	sld [smem:$0x3FAF]  }
0x2b: {  	s6 =	sld [smem:$0x3FB0]  }
0x2c: {  	s7 =	sld [smem:$0x3FB1]  }
0x2d: {  	s3 =	simm.s32 $0x108;
	s8 =	sld [smem:$0x3FB2]  }
0x2e: {  	s3 =	simm.s32 @!p0 $0x1082;
	s9 =	sld [smem:$0x3FB3]  }
0x2f: {  	lr =	sadd.s32 s0, s3;
	s0 =	sld [smem:$0x3FAA]  }
0x30: {  	s3 =	sld [smem:$0x3FAD]  }
0x31: {  	[smem:$0x3FB6] =	sst s10  }
0x32: {  	s10 =	sld [smem:$0x3FB4];
	_ =	sdelay $0x3  }
0x33: {  	p0 =	seq.s32 s10, $0x1;
	s10 =	sld [smem:$0x3FB6];
	_ =	sdelay $0x3  }
0x34: {  	[smem:$0x3FB6] =	sst s10  }
0x35: {  	s10 =	sld [smem:$0x3FB5];
	_ =	sdelay $0x3  }
0x36: {  	p1 =	seq.s32 s10, $0x1;
	s10 =	sld [smem:$0x3FB6];
	_ =	sdelay $0x3  }
0x37: {  	[smem:$0x3FB6] =	sst s10  }
0x38: {  	s10 =	sld [smem:$0x3FB7]  }
0x39: {  	_ = 	snop;
	(pc) =	sbr.ind lr, $3  }
0x3a: {  	_ = 	snop  }
0x3b: {  	_ = 	snop  }
0x3c: {  	p2 =	seq.s32 s10, $0x1;
	s10 =	sld [smem:$0x3FB6]  }
0x3d: {  	_ =	shalt  }
0x3e: {  	_ =	shalt  }
0x3f: {  	_ =	shalt  }
0x40: {  	_ =	shalt  }
0x41: {  	_ =	shalt  }
0x42: {  	_ =	shalt  }
0x43: {  	_ =	shalt  }
0x44: {  	_ =	shalt  }
0x45: {  	_ =	shalt  }
0x46: {  	_ =	shalt  }
0x47: {  	_ =	shalt  }
0x48: {  	_ =	shalt  }
0x49: {  	_ =	shalt  }
0x4a: {  	_ =	shalt  }
0x4b: {  	_ =	shalt  }
0x4c: {  	_ =	shalt  }
0x4d: {  	_ =	shalt  }
0x4e: {  	_ =	shalt  }
0x4f: {  	_ =	shalt  }
0x50: {  	_ =	shalt  }
0x51: {  	_ =	shalt  }
0x52: {  	_ =	shalt  }
0x53: {  	_ =	shalt  }
0x54: {  	_ =	shalt  }
0x55: {  	_ =	shalt  }
0x56: {  	_ =	shalt  }
0x57: {  	_ =	shalt  }
0x58: {  	_ =	shalt  }
0x59: {  	_ =	shalt  }
0x5a: {  	_ =	shalt  }
0x5b: {  	_ =	shalt  }
0x5c: {  	_ =	shalt  }
0x5d: {  	_ =	shalt  }
0x5e: {  	_ =	shalt  }
0x5f: {  	_ =	shalt  }
0x60: {  	_ =	shalt  }
0x61: {  	_ =	shalt  }
0x62: {  	_ =	shalt  }
0x63: {  	_ =	shalt  }
0x64: {  	_ =	shalt  }
0x65: {  	_ =	shalt  }
0x66: {  	_ =	shalt  }
0x67: {  	_ =	shalt  }
0x68: {  	_ =	shalt  }
0x69: {  	_ =	shalt  }
0x6a: {  	_ =	shalt  }
0x6b: {  	_ =	shalt  }
0x6c: {  	_ =	shalt  }
0x6d: {  	_ =	shalt  }
0x6e: {  	_ =	shalt  }
0x6f: {  	_ =	shalt  }
0x70: {  	_ =	shalt  }
0x71: {  	_ =	shalt  }
0x72: {  	_ =	shalt  }
0x73: {  	_ =	shalt  }
0x74: {  	_ =	shalt  }
0x75: {  	_ =	shalt  }
0x76: {  	_ =	shalt  }
0x77: {  	_ =	shalt  }
0x78: {  	_ =	shalt  }
0x79: {  	_ =	shalt  }
0x7a: {  	_ =	shalt  }
0x7b: {  	_ =	shalt  }
0x7c: {  	_ =	shalt  }
0x7d: {  	_ =	shalt  }
0x7e: {  	_ =	shalt  }
0x7f: {  	_ =	shalt  }
0x80: {  	_ =	shalt  }
0x81: {  	_ =	shalt  }
0x82: {  	_ =	shalt  }
0x83: {  	_ =	shalt  }
0x84: {  	_ =	shalt  }
0x85: {  	_ =	shalt  }
0x86: {  	_ =	shalt  }
0x87: {  	_ =	shalt  }
.Lfunc_end0:
.L_simem_size_0:
called_computation_lowered:
.L_overlay_start_0:
0x88: {  	s2 =	sld [smem:$0x3FD9]  }
0x89: {  	s3 =	sld [smem:$0x3FFE];
	_ =	sdelay $0x1  }
0x8a: {  	s1 =	srdreg.scid  }
0x8b: {  	s0 =	sand.u32 $0x1, s1  }
0x8c: {  	s17 =	sshll.u32 s0, $0xA;
	s2 =	sadd.s32 s3, s2  }
0x8d: {  	s2 =	sadd.s32 s2, s17  }
0x8e: {  	[smem:$0x3FC2] =	sst s2  }
0x8f: {  	_ = 	snop  }
0x90: {  	s2 =	sld [smem:$0x3FD0];
	(tm) =	ssettm $0x1  }
0x91: {  	s18 =	sld [smem:$0x3FFB];
	_ =	sdelay $0x3  }
0x92: {  	_ =	strace s18  }
0x93: {  	s3 =	sld [smem:$0x3FFC];
	_ =	sdelay $0x3  }
0x94: {  	_ =	strace s3  }
0x95: {  	s3 =	sld [smem:$0x3FFD];
	_ =	sdelay $0x3  }
0x96: {  	_ =	strace s3  }
0x97: {  	_ =	strace $0x8FFFFFFF  }
0x98: {  	s19 =	sld [smem:$0x3FDB];
	_ =	sdelay $0x1  }
0x99: {  	s4 =	simm.s32 $_scs_section_size  }
0x9a: {  	s5 =	simm.s32 $_size__tile_overlayer_lowered;
	s6 =	simm.s32 $_tile_overlayer_lowered  }
0x9b: {  	s22 =	simm.s32 $0x1BFF;
	s21 =	sshll.u32 s6, $0x1;
	s3 =	sadd.s32 s4, s19  }
0x9c: {  	s7 =	simm.s32 $0x0;
	s20 =	sshll.u32 s5, $0x1;
	s5 =	sadd.s32 s21, s3  }
0x9d: {  	[timem:s7], [sflag:s22] =	dma.local [hbm:s5], s20  }
0x9e: {  	_ =	swait.ge [sflag:s22], s20  }
0x9f: {  	s4 =	ssub.s32 $0x0, s20;
	[sflag:s22] =	ssyncset.done $0x0  }
0xa0: {  	[sflag:s22] =	ssyncadd.s32 s4;
	_ =	sdelay $0x1  }
0xa1: {  	s23 =	simm.s32 $0x1B8B  }
0xa2: {  	_ =	swait.ge [sflag:s23], $0x1  }
0xa3: {  	[sflag:s23] =	ssyncset.done $0x0  }
0xa4: {  	s25 =	simm.s32 $0x1B8E;
	s24 =	sld [smem:$0x3FFE];
	[sflag:s23] =	ssyncadd.s32 $0xFFFFFFFF  }
0xa5: {  	s26 =	simm.s32 $execute0_lowered;
	[smem:$0x3FD2] =	sst s25  }
0xa6: {  	s5 =	sshll.u32 s26, $0x1;
	_ =	strace $0x80000046;
	[dreg:$0x1] =	wrdreg $0xFFFFFFFF  }
0xa7: {  	s28 =	simm.s32 $_size_execute0_lowered;
	s3 =	sadd.s32 s3, s5;
	[dreg:$0x0] =	wrdreg $0x0  }
0xa8: {  	s5 =	sshll.u32 s28, $0x1;
	[dreg:$0x2] =	wrdreg s3  }
0xa9: {  	[dreg:$0x3] =	wrdreg s5  }
0xaa: {  	[dreg:$0x4] =	wrdreg $0xC0  }
0xab: {  	_ =	task [dreg:s7], $0x5FFFF  }
0xac: {  	[dreg:$0x1] =	wrdreg $0xFFFFFFFF  }
0xad: {  	[dreg:$0x0] =	wrdreg $0x60  }
0xae: {  	[dreg:$0x2] =	wrdreg s2  }
0xaf: {  	[dreg:$0x3] =	wrdreg s24  }
0xb0: {  	[dreg:$0x4] =	wrdreg $0x9  }
0xb1: {  	_ =	task.clear_ibuf [dreg:s7], $0x5FFFF;
	_ =	strace $0x90000046  }
0xb2: {  	s29 =	simm.s32 $0x9;
	_ =	strace $0x80000048  }
0xb3: {  	_ =	swait.ge [sflag:s29], $0x1  }
0xb4: {  	[sflag:s29] =	ssyncadd.s32 $0xFFFFFFFF  }
0xb5: {  	_ =	strace $0x90000048  }
0xb6: {  	_ =	sfence  }
0xb7: {  	s30 =	sld [smem:$0x0];
	_ =	sdelay $0x2  }
0xb8: {  	s31 =	sshll.u32 s1, $0xD;
	s1 =	sshrl.u32 s1, $0x2  }
0xb9: {  	s3 =	sand.u32 $0x4000, s31;
	s1 =	sadd.s32 s1, s30  }
0xba: {  	s0 =	sor.u32 s3, s0;
	s1 =	sshll.u32 s1, $0x11  }
0xbb: {  	s0 =	sor.u32 s1, s0  }
0xbc: {  	s0 =	sadd.s32 $0x8F2B, s0  }
0xbd: {  	[sflag:s0] =	ssyncadd.remote.s32 $0x1  }
0xbe: {  	_ =	sfence.sel $0xFFFF  }
0xbf: {  	[dreg:$0x0] =	wrdreg $0xFFFFFFFF;
	(pc) =	sbr.abs _section_cstart, $3  }
0xc0: {  	[dreg:$0x1] =	wrdreg $0xFFFFFFFF  }
0xc1: {  	_ =	task.clear_ibuf [dreg:s7], $0x2FFFF;
	_ =	strace $0x9FFFFFFF  }
0xc2: {  	(tm) =	ssettm $0x7FFFFFFF  }
0xc3: {  	_ =	shalt  }
tec
execute0_lowered:
.L_overlay_start_1:
0x0: {  	(tag) =	ssettag $0x1  }
0x1: {  	s2 =	rddreg [dreg:$0x0]  }
0x2: {  	s0 =	srdreg.scid;
	s8 =	stileid.u32  }
0x3: {  	s1 =	rddreg [dreg:$0x1];
	s3 =	simm.s32 $0x0;
	s12 =	simm.s32 $0x9  }
0x4: {  	s13 =	simm.s32 $0x50;
	s14 =	simm.s32 $0x2800;
	s15 =	simm.s32 $0x5000  }
0x5: {  	s17 =	simm.s32 $0x7800;
	s18 =	simm.s32 $0x1;
	s20 =	simm.s32 $0xA000  }
0x6: {  	s21 =	simm.s32 $0x2;
	s22 =	simm.s32 $0x5;
	s24 =	simm.s32 $0x3  }
0x7: {  	s25 =	simm.s32 $0x6;
	s28 =	simm.s32 $0x4;
	s29 =	simm.s32 $0x7  }
0x8: {  	s31 =	simm.s32 $0x8;
	s0 =	sand.u32 $0x1, s0;
	s4 =	sshll.u32 s8, $0x1  }
0x9: {  	s10 =	smul.u32 $0x50000, s8;
	s4 =	sor.u32 s0, s4;
	s6 =	ssub.s32 $0x2, s0  }
0xa: {  	[smem:$0x7FF] =	sst s3;
	s5 =	smul.u32 $0x2800, s4;
	s7 =	sshrl.u32 s6, $0x1  }
0xb: {  	_ =	strace $0x80000047;
	s0 =	smul.u32 $0x28000, s0;
	s9 =	ssub.s32 s6, s7  }
0xc: {  	s4 =	smul.u32 $0x28000, s4;
	s5 =	sshrl.u32 s5, $0x3;
	s9 =	smax.u32 s9, $0x1  }
.Ltmp0:
0xd: {  	s5 =	sadd.s32 s5, s1;
	s1 =	sadd.s32 $0xE600, s1;
	(pc) =	sbr.rel .LBB2_1-.Ltmp0, $4  }
0xe: {  	s4 =	sadd.s32 s1, s4;
	s5 =	sadd.s32 $0x4600, s5;
	s1 =	sadd.s32 s10, s1  }
0xf: {  	[dreg:$0x3] =	wrdreg s5;
	s30 =	sadd.s32 $0x500, s4;
	s7 =	sadd.s32 $0xA00, s4  }
0x10: {  	s8 =	sadd.s32 $0xF00, s4;
	s10 =	sadd.s32 $0x27600, s4;
	s0 =	sadd.s32 s0, s1  }
0x11: {  	s1 =	simm.s32 $0x0;
	[dreg:$0x4] =	wrdreg s30;
	s0 =	sadd.s32 $0x1400, s0  }
.LBB2_4:
0x12: {  	_ =	swait.ge [sflag:s22], $0x2800  }
0x13: {  	[sflag:s22] =	ssyncset.done $0x0  }
0x14: {  	[sflag:s22] =	ssyncadd.s32 $0xFFFFD800  }
0x15: {  	_ =	swait.ge [sflag:s25], $0x2800  }
0x16: {  	[sflag:s25] =	ssyncset.done $0x0  }
0x17: {  	s1 =	sadd.s32 $0x1, s1;
	[sflag:s25] =	ssyncadd.s32 $0xFFFFD800  }
0x18: {  	p0 =	sne.s32 s1, s9;
	_ =	swait.ge [sflag:s29], $0x2800  }
.Ltmp1:
0x19: {  	[sflag:s29] =	ssyncset.done $0x0;
	(pc) =	sbr.rel @!p0 .LBB2_5-.Ltmp1, $4  }
0x1a: {  	[sflag:s29] =	ssyncadd.s32 $0xFFFFD800  }
0x1b: {  	_ =	swait.ge [sflag:s31], $0x2800  }
0x1c: {  	[sflag:s31] =	ssyncset.done $0x0  }
0x1d: {  	[sflag:s31] =	ssyncadd.s32 $0xFFFFD800  }
.LBB2_1:
0x1e: {  	s5 =	rddreg [dreg:$0x3]  }
0x1f: {  	[tilespmem:s3], [sflag:$0x9] =	stream.linear.gather [hbm4b:s5+s3], $0x2800, $0x38;
	[tilespmem:$0xC800] =	vst v63  }
0x20: {  	_ =	swait.ge [sflag:s12], $0x2800  }
0x21: {  	[sflag:s12] =	ssyncset.done $0x0  }
0x22: {  	[sflag:s12] =	ssyncadd.s32 $0xFFFFD800  }
0x23: {  	[tilespmem:s14], [sflag:$0x1] =	stream.indirect.gather [hbm4b:s2+s13], $0x80, s3, s13, $0xb8;
	[tilespmem:$0xC800] =	vst v63  }
0x24: {  	_ = 	snop  }
0x25: {  	[tilespmem:s15], [sflag:$0x2] =	stream.indirect.gather [hbm4b:s2+s13], $0x80, s13, s13, $0xb8;
	[tilespmem:$0xC800] =	vst v63  }
0x26: {  	s11 =	simm.s32 $0xA0  }
0x27: {  	[tilespmem:s17], [sflag:$0x3] =	stream.indirect.gather [hbm4b:s2+s13], $0x80, s11, s13, $0xb8;
	[tilespmem:$0xC800] =	vst v63  }
0x28: {  	_ =	swait.ge [sflag:s18], $0x2800  }
0x29: {  	[sflag:s18] =	ssyncset.done $0x0  }
0x2a: {  	[sflag:s18] =	ssyncadd.s32 $0xFFFFD800  }
0x2b: {  	[hbm4b:s4+s3] =	stream.linear.scatter [tilespmem:s14], [sflag:$0x5], $0x2800, $0x38;
	[tilespmem:$0xC800] =	vst v63  }
0x2c: {  	s16 =	simm.s32 $0xF0  }
0x2d: {  	[tilespmem:s20], [sflag:$0x4] =	stream.indirect.gather [hbm4b:s2+s13], $0x80, s16, s13, $0xb8;
	[tilespmem:$0xC800] =	vst v63  }
0x2e: {  	_ =	swait.ge [sflag:s21], $0x2800  }
0x2f: {  	[sflag:s21] =	ssyncset.done $0x0  }
0x30: {  	s19 =	rddreg [dreg:$0x4];
	[sflag:s21] =	ssyncadd.s32 $0xFFFFD800  }
0x31: {  	[hbm4b:s19+s3] =	stream.linear.scatter [tilespmem:s15], [sflag:$0x6], $0x2800, $0x38;
	[tilespmem:$0xC800] =	vst v63  }
0x32: {  	_ =	swait.ge [sflag:s22], $0x2800  }
0x33: {  	[sflag:s22] =	ssyncset.done $0x0  }
0x34: {  	s23 =	simm.s32 $0x140;
	[sflag:s22] =	ssyncadd.s32 $0xFFFFD800  }
0x35: {  	[tilespmem:s14], [sflag:$0x1] =	stream.indirect.gather [hbm4b:s2+s13], $0x80, s23, s13, $0xb8;
	[tilespmem:$0xC800] =	vst v63  }
0x36: {  	_ =	swait.ge [sflag:s24], $0x2800  }
0x37: {  	[sflag:s24] =	ssyncset.done $0x0  }
0x38: {  	[sflag:s24] =	ssyncadd.s32 $0xFFFFD800  }
0x39: {  	[hbm4b:s7+s3] =	stream.linear.scatter [tilespmem:s17], [sflag:$0x7], $0x2800, $0x38;
	[tilespmem:$0xC800] =	vst v63  }
0x3a: {  	_ =	swait.ge [sflag:s25], $0x2800  }
0x3b: {  	[sflag:s25] =	ssyncset.done $0x0  }
0x3c: {  	s26 =	simm.s32 $0x190;
	[sflag:s25] =	ssyncadd.s32 $0xFFFFD800  }
0x3d: {  	[tilespmem:s15], [sflag:$0x2] =	stream.indirect.gather [hbm4b:s2+s13], $0x80, s26, s13, $0xb8;
	[tilespmem:$0xC800] =	vst v63  }
0x3e: {  	_ =	swait.ge [sflag:s28], $0x2800  }
0x3f: {  	[sflag:s28] =	ssyncset.done $0x0  }
0x40: {  	[sflag:s28] =	ssyncadd.s32 $0xFFFFD800  }
0x41: {  	[hbm4b:s8+s3] =	stream.linear.scatter [tilespmem:s20], [sflag:$0x8], $0x2800, $0x38;
	[tilespmem:$0xC800] =	vst v63  }
0x42: {  	_ =	swait.ge [sflag:s29], $0x2800  }
0x43: {  	s30 =	simm.s32 $0x1E0;
	[sflag:s29] =	ssyncset.done $0x0  }
0x44: {  	s11 =	smov.u32 s0;
	s16 =	simm.s32 $0x0;
	[sflag:s29] =	ssyncadd.s32 $0xFFFFD800  }
0x45: {  	[tilespmem:s17], [sflag:$0x3] =	stream.indirect.gather [hbm4b:s2+s13], $0x80, s30, s13, $0xb8;
	[tilespmem:$0xC800] =	vst v63  }
.LBB2_2:
0x46: {  	_ =	swait.ge [sflag:s18], $0x2800  }
0x47: {  	[sflag:s18] =	ssyncset.done $0x0  }
0x48: {  	[sflag:s18] =	ssyncadd.s32 $0xFFFFD800  }
0x49: {  	[hbm4b:s11+s3] =	stream.linear.scatter [tilespmem:s14], [sflag:$0x5], $0x2800, $0x38;
	[tilespmem:$0xC800] =	vst v63  }
0x4a: {  	_ =	swait.ge [sflag:s31], $0x2800  }
0x4b: {  	s19 =	sshra.s32 s16, $0x2;
	[sflag:s31] =	ssyncset.done $0x0  }
0x4c: {  	s23 =	sadd.s32 $0x230, s19;
	[sflag:s31] =	ssyncadd.s32 $0xFFFFD800  }
0x4d: {  	[tilespmem:s20], [sflag:$0x4] =	stream.indirect.gather [hbm4b:s2+s13], $0x80, s23, s13, $0xb8;
	[tilespmem:$0xC800] =	vst v63  }
0x4e: {  	_ =	swait.ge [sflag:s21], $0x2800  }
0x4f: {  	p0 =	seq.s32 s16, $0x9600;
	[sflag:s21] =	ssyncset.done $0x0  }
0x50: {  	s26 =	sadd.s32 $0x500, s11;
	s23 =	simm.s32 @p0 $0x3;
	[sflag:s21] =	ssyncadd.s32 $0xFFFFD800  }
0x51: {  	[hbm4b:s26+s3] =	stream.linear.scatter [tilespmem:s15], [sflag:$0x6], $0x2800, $0x38;
	[tilespmem:$0xC800] =	vst v63  }
0x52: {  	_ =	swait.ge @p0 [sflag:s23], $0x2800  }
0x53: {  	[sflag:s23] =	ssyncset.done @p0 $0x0  }
0x54: {  	s26 =	simm.s32 @p0 $0x7800;
	[sflag:s23] =	ssyncadd.s32 @p0 $0xFFFFD800;
	s23 =	simm.s32 @p0 $0x0  }
0x55: {  	[hbm4b:s10+s23] =	stream.linear.scatter @p0 [tilespmem:s26], [sflag:$0x7], $0x2800, $0x38;
	[tilespmem:$0xC800] =	vst v63  }
0x56: {  	s23 =	simm.s32 @!p0 $0x5  }
0x57: {  	_ =	swait.ge @!p0 [sflag:s23], $0x2800  }
0x58: {  	[sflag:s23] =	ssyncset.done @!p0 $0x0  }
0x59: {  	[sflag:s23] =	ssyncadd.s32 @!p0 $0xFFFFD800;
	s23 =	sshra.s32 @!p0 s16, $0x2  }
0x5a: {  	s30 =	simm.s32 @!p0 $0x50;
	s5 =	simm.s32 @!p0 $0x2800;
	s26 =	sadd.s32 @!p0 $0x280, s23  }
0x5b: {  	[tilespmem:s5], [sflag:$0x1] =	stream.indirect.gather @!p0 [hbm4b:s2+s30], $0x80, s26, s30, $0xb8;
	[tilespmem:$0xC800] =	vst v63  }
0x5c: {  	s5 =	simm.s32 @!p0 $0x3  }
0x5d: {  	_ =	swait.ge @!p0 [sflag:s5], $0x2800  }
0x5e: {  	s6 =	simm.s32 @!p0 $0x7800;
	[sflag:s5] =	ssyncset.done @!p0 $0x0  }
0x5f: {  	s26 =	simm.s32 @!p0 $0x0;
	[sflag:s5] =	ssyncadd.s32 @!p0 $0xFFFFD800;
	s5 =	sadd.s32 @!p0 $0xA00, s11  }
0x60: {  	[hbm4b:s5+s26] =	stream.linear.scatter @!p0 [tilespmem:s6], [sflag:$0x7], $0x2800, $0x38;
	[tilespmem:$0xC800] =	vst v63  }
0x61: {  	s5 =	simm.s32 @!p0 $0x6  }
0x62: {  	_ =	swait.ge @!p0 [sflag:s5], $0x2800  }
0x63: {  	[sflag:s5] =	ssyncset.done @!p0 $0x0  }
0x64: {  	s6 =	simm.s32 @!p0 $0x5000;
	[sflag:s5] =	ssyncadd.s32 @!p0 $0xFFFFD800;
	s5 =	sadd.s32 @!p0 $0x2D0, s23  }
0x65: {  	[tilespmem:s6], [sflag:$0x2] =	stream.indirect.gather @!p0 [hbm4b:s2+s30], $0x80, s5, s30, $0xb8;
	[tilespmem:$0xC800] =	vst v63  }
.Ltmp2:
0x66: {  	_ = 	snop;
	(pc) =	sbr.rel @p0 .LBB2_4-.Ltmp2, $4  }
0x67: {  	_ =	swait.ge [sflag:s28], $0x2800  }
0x68: {  	[sflag:s28] =	ssyncset.done $0x0  }
0x69: {  	s30 =	sadd.s32 $0xF00, s11;
	[sflag:s28] =	ssyncadd.s32 $0xFFFFD800  }
0x6a: {  	[hbm4b:s30+s3] =	stream.linear.scatter [tilespmem:s20], [sflag:$0x8], $0x2800, $0x38;
	[tilespmem:$0xC800] =	vst v63  }
.Ltmp3:
0x6b: {  	(pc) =	sbr.rel .LBB2_2-.Ltmp3, $4  }
0x6c: {  	_ =	swait.ge [sflag:s29], $0x2800  }
0x6d: {  	s5 =	sadd.s32 $0x320, s19;
	[sflag:s29] =	ssyncset.done $0x0  }
0x6e: {  	s16 =	sadd.s32 $0x500, s16;
	s11 =	sadd.s32 $0x1400, s11;
	[sflag:s29] =	ssyncadd.s32 $0xFFFFD800  }
0x6f: {  	[tilespmem:s17], [sflag:$0x3] =	stream.indirect.gather [hbm4b:s2+s13], $0x80, s5, s13, $0xb8;
	[tilespmem:$0xC800] =	vst v63  }
.LBB2_5:
0x70: {  	_ =	sfence.sel $0x180000  }
0x71: {  	[bflag:$0x0] =	sbarrier.arrive $0xFFFF  }
0x72: {  	_ =	strace $0x90000047  }
0x73: {  	s0 =	stileid.u32;
	[bflag:$0x2] =	sbarrier.arrive $0xFFFF  }
0x74: {  	p0 =	sne.s32 s0, $0x0;
	s0 =	rddreg [dreg:$0x2]  }
0x75: {  	s0 =	sadd.s32 @!p0 $0x100000, s0  }
0x76: {  	[sflag:s0] =	ssyncadd.tile.s32 @!p0 $0x1;
	_ =	shalt  }
.Lfunc_end2:
_tile_overlayer_lowered:
.L_overlay_start_2:
0x77: {  	(tag) =	ssettag $0x2  }
0x78: {  	s0 =	rddreg [dreg:$0x0];
	s2 =	stileid.u32  }
0x79: {  	s1 =	rddreg [dreg:$0x1];
	p0 =	sne.s32 s2, $0x0  }
0x7a: {  	s3 =	rddreg [dreg:$0x2];
	[bflag:$0x3] =	sbarrier.arrive $0xFFFF;
	s2 =	simm.s32 @!p0 $0x1C09  }
0x7b: {  	[timem:s3], [sflag:s2] =	dma.local @!p0 [hbm:s0], s1  }
0x7c: {  	s0 =	simm.s32 @!p0 $0x9  }
0x7d: {  	_ =	swait.ge @!p0 [sflag:s0], s1  }
0x7e: {  	s1 =	ssub.s32 @!p0 $0x0, s1;
	[sflag:s0] =	ssyncset.done @!p0 $0x0  }
0x7f: {  	[sflag:s0] =	ssyncadd.s32 @!p0 s1  }
0x80: {  	[bflag:$0x3] =	sbarrier.arrive $0xFFFF  }
0x81: {  	_ =	shalt  }

// kernel: kernel.23.cloned.1.call-start
scs
__scs_entry_jumppad:
0x0: {  	(pc) =	sbr.rel $0x88, $3  }
0x1: {  	(tag) =	ssettag $0x0;
	lr =	simm.s32 $0x1  }
0x2: {  	[smem:$0x3F9B] =	sst lr;
	_ =	strace $0xD0000000  }
0x3: {  	_ = 	snop  }
0x4: {  	_ = 	snop  }
0x5: {  	_ = 	snop  }
0x6: {  	_ = 	snop  }
0x7: {  	_ = 	snop  }
__scs_overlays_trampoline_lowered:
0x8: {  	[smem:$0x3FAA] =	sst s0  }
0x9: {  	[smem:$0x3FAB] =	sst s1  }
0xa: {  	[smem:$0x3FAC] =	sst s2  }
0xb: {  	[smem:$0x3FAD] =	sst s3  }
0xc: {  	[smem:$0x3FAE] =	sst s4  }
0xd: {  	[smem:$0x3FAF] =	sst s5  }
0xe: {  	[smem:$0x3FB0] =	sst s6  }
0xf: {  	[smem:$0x3FB1] =	sst s7  }
0x10: {  	[smem:$0x3FB2] =	sst s8  }
0x11: {  	[smem:$0x3FB3] =	sst s9;
	s0 =	simm.s32 @!p0 $0x0  }
0x12: {  	s1 =	sld [smem:$0x3F99];
	s0 =	simm.s32 @p0 $0x1  }
0x13: {  	[smem:$0x3FB4] =	sst s0;
	s0 =	simm.s32 @!p1 $0x0  }
0x14: {  	s2 =	sld [smem:$0x3F98];
	s0 =	simm.s32 @p1 $0x1  }
0x15: {  	[smem:$0x3FB5] =	sst s0;
	s0 =	simm.s32 @!p2 $0x0  }
0x16: {  	s3 =	sld [smem:$0x3FDB];
	s0 =	simm.s32 @p2 $0x1  }
0x17: {  	s4 =	simm.s32 $0x1BF5;
	[smem:$0x3FB7] =	sst s0  }
0x18: {  	s0 =	sld [smem:$0x3F9A];
	_ =	swait.ge [sflag:s4], $0x0  }
0x19: {  	s7 =	sld [smem:$0x3F9B]  }
0x1a: {  	s8 =	sadd.s32 $0xFFFFE003, lr  }
0x1b: {  	s9 =	sadd.s32 $0xFFFFFEF7, lr;
	s5 =	simm.s32 $0xFFFFFFFF;
	p2 =	slt.u32 s8, $0xFFFFF086  }
0x1c: {  	p1 =	slt.u32 s9, $0xF7A;
	s5 =	simm.s32 @!p2 $0x0  }
0x1d: {  	s5 =	simm.s32 @p1 $0x1;
	p0 =	seq.s32 s7, s2  }
0x1e: {  	s7 =	smul.u32 @!p0 $0xF7A, s2;
	p2 =	seq.s32 @!p0 s5, $0x0  }
0x1f: {  	s9 =	smul.u32 $0xF7A, s1;
	s8 =	simm.s32 @!p0 $0x1BF5;
	p2 =	por !p2, p0  }
0x20: {  	[sflag:s8] =	ssyncset.s32 @!p0 $0xFFFFF086;
	s6 =	sadd.s32 @!p0 s3, s7;
	s7 =	simm.s32 @!p0 $0x108  }
0x21: {  	s3 =	sadd.s32 s3, s9;
	s6 =	sadd.s32 @!p0 $0x88, s6;
	s7 =	simm.s32 @p2 $0x1082  }
0x22: {  	[simem:s7], [sflag:s8] =	dma.local @!p0 [hbm:s6], $0xF7A  }
0x23: {  	s9 =	sor.u32 $0xD0000000, s2;
	s6 =	simm.s32 $0x108;
	_ =	swait.ge @!p0 [sflag:s8], $0x0  }
0x24: {  	s3 =	sadd.s32 $0x88, s3;
	s6 =	simm.s32 @!p1 $0x1082;
	[sflag:s4] =	ssyncset.s32 $0xFFFFF086  }
0x25: {  	[simem:s6], [sflag:s4] =	dma.local [hbm:s3], $0xF7A  }
0x26: {  	[smem:$0x3F9B] =	sst s1;
	(tag) =	ssettag s2;
	_ =	strace s9  }
0x27: {  	s1 =	sld [smem:$0x3FAB]  }
0x28: {  	s2 =	sld [smem:$0x3FAC]  }
0x29: {  	s4 =	sld [smem:$0x3FAE]  }
0x2a: {  	p0 =	seq.s32 s5, $0x0;
	s5 =	sld [smem:$0x3FAF]  }
0x2b: {  	s6 =	sld [smem:$0x3FB0]  }
0x2c: {  	s7 =	sld [smem:$0x3FB1]  }
0x2d: {  	s3 =	simm.s32 $0x108;
	s8 =	sld [smem:$0x3FB2]  }
0x2e: {  	s3 =	simm.s32 @!p0 $0x1082;
	s9 =	sld [smem:$0x3FB3]  }
0x2f: {  	lr =	sadd.s32 s0, s3;
	s0 =	sld [smem:$0x3FAA]  }
0x30: {  	s3 =	sld [smem:$0x3FAD]  }
0x31: {  	[smem:$0x3FB6] =	sst s10  }
0x32: {  	s10 =	sld [smem:$0x3FB4];
	_ =	sdelay $0x3  }
0x33: {  	p0 =	seq.s32 s10, $0x1;
	s10 =	sld [smem:$0x3FB6];
	_ =	sdelay $0x3  }
0x34: {  	[smem:$0x3FB6] =	sst s10  }
0x35: {  	s10 =	sld [smem:$0x3FB5];
	_ =	sdelay $0x3  }
0x36: {  	p1 =	seq.s32 s10, $0x1;
	s10 =	sld [smem:$0x3FB6];
	_ =	sdelay $0x3  }
0x37: {  	[smem:$0x3FB6] =	sst s10  }
0x38: {  	s10 =	sld [smem:$0x3FB7]  }
0x39: {  	_ = 	snop;
	(pc) =	sbr.ind lr, $3  }
0x3a: {  	_ = 	snop  }
0x3b: {  	_ = 	snop  }
0x3c: {  	p2 =	seq.s32 s10, $0x1;
	s10 =	sld [smem:$0x3FB6]  }
0x3d: {  	_ =	shalt  }
0x3e: {  	_ =	shalt  }
0x3f: {  	_ =	shalt  }
0x40: {  	_ =	shalt  }
0x41: {  	_ =	shalt  }
0x42: {  	_ =	shalt  }
0x43: {  	_ =	shalt  }
0x44: {  	_ =	shalt  }
0x45: {  	_ =	shalt  }
0x46: {  	_ =	shalt  }
0x47: {  	_ =	shalt  }
0x48: {  	_ =	shalt  }
0x49: {  	_ =	shalt  }
0x4a: {  	_ =	shalt  }
0x4b: {  	_ =	shalt  }
0x4c: {  	_ =	shalt  }
0x4d: {  	_ =	shalt  }
0x4e: {  	_ =	shalt  }
0x4f: {  	_ =	shalt  }
0x50: {  	_ =	shalt  }
0x51: {  	_ =	shalt  }
0x52: {  	_ =	shalt  }
0x53: {  	_ =	shalt  }
0x54: {  	_ =	shalt  }
0x55: {  	_ =	shalt  }
0x56: {  	_ =	shalt  }
0x57: {  	_ =	shalt  }
0x58: {  	_ =	shalt  }
0x59: {  	_ =	shalt  }
0x5a: {  	_ =	shalt  }
0x5b: {  	_ =	shalt  }
0x5c: {  	_ =	shalt  }
0x5d: {  	_ =	shalt  }
0x5e: {  	_ =	shalt  }
0x5f: {  	_ =	shalt  }
0x60: {  	_ =	shalt  }
0x61: {  	_ =	shalt  }
0x62: {  	_ =	shalt  }
0x63: {  	_ =	shalt  }
0x64: {  	_ =	shalt  }
0x65: {  	_ =	shalt  }
0x66: {  	_ =	shalt  }
0x67: {  	_ =	shalt  }
0x68: {  	_ =	shalt  }
0x69: {  	_ =	shalt  }
0x6a: {  	_ =	shalt  }
0x6b: {  	_ =	shalt  }
0x6c: {  	_ =	shalt  }
0x6d: {  	_ =	shalt  }
0x6e: {  	_ =	shalt  }
0x6f: {  	_ =	shalt  }
0x70: {  	_ =	shalt  }
0x71: {  	_ =	shalt  }
0x72: {  	_ =	shalt  }
0x73: {  	_ =	shalt  }
0x74: {  	_ =	shalt  }
0x75: {  	_ =	shalt  }
0x76: {  	_ =	shalt  }
0x77: {  	_ =	shalt  }
0x78: {  	_ =	shalt  }
0x79: {  	_ =	shalt  }
0x7a: {  	_ =	shalt  }
0x7b: {  	_ =	shalt  }
0x7c: {  	_ =	shalt  }
0x7d: {  	_ =	shalt  }
0x7e: {  	_ =	shalt  }
0x7f: {  	_ =	shalt  }
0x80: {  	_ =	shalt  }
0x81: {  	_ =	shalt  }
0x82: {  	_ =	shalt  }
0x83: {  	_ =	shalt  }
0x84: {  	_ =	shalt  }
0x85: {  	_ =	shalt  }
0x86: {  	_ =	shalt  }
0x87: {  	_ =	shalt  }
.Lfunc_end0:
.L_simem_size_0:
called_computation.1_lowered:
.L_overlay_start_0:
0x88: {  	s2 =	sld [smem:$0x3FD9]  }
0x89: {  	s3 =	sld [smem:$0x3FFE];
	_ =	sdelay $0x1  }
0x8a: {  	s1 =	srdreg.scid  }
0x8b: {  	s0 =	sand.u32 $0x1, s1  }
0x8c: {  	s17 =	sshll.u32 s0, $0xA;
	s2 =	sadd.s32 s3, s2  }
0x8d: {  	s2 =	sadd.s32 s2, s17  }
0x8e: {  	[smem:$0x3FC2] =	sst s2  }
0x8f: {  	_ = 	snop  }
0x90: {  	s2 =	sld [smem:$0x3FD0];
	(tm) =	ssettm $0x1  }
0x91: {  	s18 =	sld [smem:$0x3FFB];
	_ =	sdelay $0x3  }
0x92: {  	_ =	strace s18  }
0x93: {  	s3 =	sld [smem:$0x3FFC];
	_ =	sdelay $0x3  }
0x94: {  	_ =	strace s3  }
0x95: {  	s3 =	sld [smem:$0x3FFD];
	_ =	sdelay $0x3  }
0x96: {  	_ =	strace s3  }
0x97: {  	_ =	strace $0x8FFFFFFF  }
0x98: {  	s19 =	sld [smem:$0x3FDB];
	_ =	sdelay $0x1  }
0x99: {  	s4 =	simm.s32 $_scs_section_size  }
0x9a: {  	s5 =	simm.s32 $_size__tile_overlayer_lowered;
	s6 =	simm.s32 $_tile_overlayer_lowered  }
0x9b: {  	s22 =	simm.s32 $0x1BFF;
	s21 =	sshll.u32 s6, $0x1;
	s3 =	sadd.s32 s4, s19  }
0x9c: {  	s7 =	simm.s32 $0x0;
	s20 =	sshll.u32 s5, $0x1;
	s5 =	sadd.s32 s21, s3  }
0x9d: {  	[timem:s7], [sflag:s22] =	dma.local [hbm:s5], s20  }
0x9e: {  	_ =	swait.ge [sflag:s22], s20  }
0x9f: {  	s4 =	ssub.s32 $0x0, s20;
	[sflag:s22] =	ssyncset.done $0x0  }
0xa0: {  	[sflag:s22] =	ssyncadd.s32 s4;
	_ =	sdelay $0x1  }
0xa1: {  	s23 =	simm.s32 $0x1B8B  }
0xa2: {  	_ =	swait.ge [sflag:s23], $0x1  }
0xa3: {  	[sflag:s23] =	ssyncset.done $0x0  }
0xa4: {  	s25 =	simm.s32 $0x1B8E;
	s24 =	sld [smem:$0x3FFE];
	[sflag:s23] =	ssyncadd.s32 $0xFFFFFFFF  }
0xa5: {  	s26 =	simm.s32 $execute0_lowered;
	[smem:$0x3FD2] =	sst s25  }
0xa6: {  	s5 =	sshll.u32 s26, $0x1;
	_ =	strace $0x80000049;
	[dreg:$0x1] =	wrdreg $0xFFFFFFFF  }
0xa7: {  	s28 =	simm.s32 $_size_execute0_lowered;
	s3 =	sadd.s32 s3, s5;
	[dreg:$0x0] =	wrdreg $0x0  }
0xa8: {  	s5 =	sshll.u32 s28, $0x1;
	[dreg:$0x2] =	wrdreg s3  }
0xa9: {  	[dreg:$0x3] =	wrdreg s5  }
0xaa: {  	[dreg:$0x4] =	wrdreg $0xC0  }
0xab: {  	_ =	task [dreg:s7], $0x5FFFF  }
0xac: {  	[dreg:$0x1] =	wrdreg $0xFFFFFFFF  }
0xad: {  	[dreg:$0x0] =	wrdreg $0x60  }
0xae: {  	[dreg:$0x2] =	wrdreg s24  }
0xaf: {  	[dreg:$0x3] =	wrdreg s2  }
0xb0: {  	[dreg:$0x4] =	wrdreg $0x9  }
0xb1: {  	_ =	task.clear_ibuf [dreg:s7], $0x5FFFF;
	_ =	strace $0x90000049  }
0xb2: {  	s29 =	simm.s32 $0x9;
	_ =	strace $0x8000004B  }
0xb3: {  	_ =	swait.ge [sflag:s29], $0x1  }
0xb4: {  	[sflag:s29] =	ssyncadd.s32 $0xFFFFFFFF  }
0xb5: {  	_ =	strace $0x9000004B  }
0xb6: {  	_ =	sfence  }
0xb7: {  	s30 =	sld [smem:$0x0];
	_ =	sdelay $0x2  }
0xb8: {  	s31 =	sshll.u32 s1, $0xD;
	s1 =	sshrl.u32 s1, $0x2  }
0xb9: {  	s3 =	sand.u32 $0x4000, s31;
	s1 =	sadd.s32 s1, s30  }
0xba: {  	s0 =	sor.u32 s3, s0;
	s1 =	sshll.u32 s1, $0x11  }
0xbb: {  	s0 =	sor.u32 s1, s0  }
0xbc: {  	s0 =	sadd.s32 $0x8F2B, s0  }
0xbd: {  	[sflag:s0] =	ssyncadd.remote.s32 $0x1  }
0xbe: {  	_ =	sfence.sel $0xFFFF  }
0xbf: {  	[dreg:$0x0] =	wrdreg $0xFFFFFFFF;
	(pc) =	sbr.abs _section_cstart, $3  }
0xc0: {  	[dreg:$0x1] =	wrdreg $0xFFFFFFFF  }
0xc1: {  	_ =	task.clear_ibuf [dreg:s7], $0x2FFFF;
	_ =	strace $0x9FFFFFFF  }
0xc2: {  	(tm) =	ssettm $0x7FFFFFFF  }
0xc3: {  	_ =	shalt  }
tec
execute0_lowered:
.L_overlay_start_1:
0x0: {  	(tag) =	ssettag $0x1  }
0x1: {  	s0 =	rddreg [dreg:$0x0]  }
0x2: {  	s1 =	srdreg.scid;
	s10 =	stileid.u32  }
0x3: {  	s5 =	rddreg [dreg:$0x1];
	s2 =	simm.s32 $0x0;
	s12 =	simm.s32 $0x9  }
0x4: {  	s13 =	simm.s32 $0x50;
	s14 =	simm.s32 $0x2800;
	s15 =	simm.s32 $0x5000  }
0x5: {  	s17 =	simm.s32 $0x7800;
	s18 =	simm.s32 $0x1;
	s20 =	simm.s32 $0xA000  }
0x6: {  	s21 =	simm.s32 $0x2;
	s22 =	simm.s32 $0x5;
	s24 =	simm.s32 $0x3  }
0x7: {  	s25 =	simm.s32 $0x6;
	s28 =	simm.s32 $0x4;
	s29 =	simm.s32 $0x7  }
0x8: {  	s1 =	sand.u32 $0x1, s1;
	s3 =	sshll.u32 s10, $0x1;
	s10 =	smul.u32 $0x50000, s10  }
0x9: {  	s3 =	sor.u32 s1, s3;
	s4 =	ssub.s32 $0x2, s1;
	s1 =	smul.u32 $0x28000, s1  }
0xa: {  	s31 =	simm.s32 $0x8;
	[smem:$0x7FF] =	sst s2;
	s6 =	smul.u32 $0x2800, s3  }
0xb: {  	_ =	strace $0x8000004A;
	s7 =	sshrl.u32 s4, $0x1;
	s8 =	smul.u32 $0x28000, s3  }
0xc: {  	s3 =	sadd.s32 $0x4600, s0;
	s0 =	sadd.s32 $0x44600, s0;
	s9 =	ssub.s32 s4, s7  }
.Ltmp0:
0xd: {  	s6 =	sshrl.u32 s6, $0x3;
	s4 =	sadd.s32 s0, s8;
	(pc) =	sbr.rel .LBB2_1-.Ltmp0, $4  }
0xe: {  	s0 =	sadd.s32 s10, s0;
	s9 =	smax.u32 s9, $0x1;
	s5 =	sadd.s32 s5, s6  }
0xf: {  	s30 =	sadd.s32 $0x500, s4;
	s7 =	sadd.s32 $0xA00, s4;
	s8 =	sadd.s32 $0xF00, s4  }
0x10: {  	s10 =	sadd.s32 $0x27600, s4;
	s0 =	sadd.s32 s1, s0;
	[dreg:$0x3] =	wrdreg s5  }
0x11: {  	s1 =	simm.s32 $0x0;
	[dreg:$0x4] =	wrdreg s30;
	s0 =	sadd.s32 $0x1400, s0  }
.LBB2_4:
0x12: {  	_ =	swait.ge [sflag:s22], $0x2800  }
0x13: {  	[sflag:s22] =	ssyncset.done $0x0  }
0x14: {  	[sflag:s22] =	ssyncadd.s32 $0xFFFFD800  }
0x15: {  	_ =	swait.ge [sflag:s25], $0x2800  }
0x16: {  	[sflag:s25] =	ssyncset.done $0x0  }
0x17: {  	s1 =	sadd.s32 $0x1, s1;
	[sflag:s25] =	ssyncadd.s32 $0xFFFFD800  }
0x18: {  	p0 =	sne.s32 s1, s9;
	_ =	swait.ge [sflag:s29], $0x2800  }
.Ltmp1:
0x19: {  	[sflag:s29] =	ssyncset.done $0x0;
	(pc) =	sbr.rel @!p0 .LBB2_5-.Ltmp1, $4  }
0x1a: {  	[sflag:s29] =	ssyncadd.s32 $0xFFFFD800  }
0x1b: {  	_ =	swait.ge [sflag:s31], $0x2800  }
0x1c: {  	[sflag:s31] =	ssyncset.done $0x0  }
0x1d: {  	[sflag:s31] =	ssyncadd.s32 $0xFFFFD800  }
.LBB2_1:
0x1e: {  	s5 =	rddreg [dreg:$0x3]  }
0x1f: {  	[tilespmem:s2], [sflag:$0x9] =	stream.linear.gather [hbm4b:s5+s2], $0x2800, $0x38;
	[tilespmem:$0xC800] =	vst v63  }
0x20: {  	_ =	swait.ge [sflag:s12], $0x2800  }
0x21: {  	[sflag:s12] =	ssyncset.done $0x0  }
0x22: {  	[sflag:s12] =	ssyncadd.s32 $0xFFFFD800  }
0x23: {  	[tilespmem:s14], [sflag:$0x1] =	stream.indirect.gather [hbm4b:s3+s13], $0x80, s2, s13, $0xb8;
	[tilespmem:$0xC800] =	vst v63  }
0x24: {  	_ = 	snop  }
0x25: {  	[tilespmem:s15], [sflag:$0x2] =	stream.indirect.gather [hbm4b:s3+s13], $0x80, s13, s13, $0xb8;
	[tilespmem:$0xC800] =	vst v63  }
0x26: {  	s11 =	simm.s32 $0xA0  }
0x27: {  	[tilespmem:s17], [sflag:$0x3] =	stream.indirect.gather [hbm4b:s3+s13], $0x80, s11, s13, $0xb8;
	[tilespmem:$0xC800] =	vst v63  }
0x28: {  	_ =	swait.ge [sflag:s18], $0x2800  }
0x29: {  	[sflag:s18] =	ssyncset.done $0x0  }
0x2a: {  	[sflag:s18] =	ssyncadd.s32 $0xFFFFD800  }
0x2b: {  	[hbm4b:s4+s2] =	stream.linear.scatter [tilespmem:s14], [sflag:$0x5], $0x2800, $0x38;
	[tilespmem:$0xC800] =	vst v63  }
0x2c: {  	s16 =	simm.s32 $0xF0  }
0x2d: {  	[tilespmem:s20], [sflag:$0x4] =	stream.indirect.gather [hbm4b:s3+s13], $0x80, s16, s13, $0xb8;
	[tilespmem:$0xC800] =	vst v63  }
0x2e: {  	_ =	swait.ge [sflag:s21], $0x2800  }
0x2f: {  	[sflag:s21] =	ssyncset.done $0x0  }
0x30: {  	s19 =	rddreg [dreg:$0x4];
	[sflag:s21] =	ssyncadd.s32 $0xFFFFD800  }
0x31: {  	[hbm4b:s19+s2] =	stream.linear.scatter [tilespmem:s15], [sflag:$0x6], $0x2800, $0x38;
	[tilespmem:$0xC800] =	vst v63  }
0x32: {  	_ =	swait.ge [sflag:s22], $0x2800  }
0x33: {  	[sflag:s22] =	ssyncset.done $0x0  }
0x34: {  	s23 =	simm.s32 $0x140;
	[sflag:s22] =	ssyncadd.s32 $0xFFFFD800  }
0x35: {  	[tilespmem:s14], [sflag:$0x1] =	stream.indirect.gather [hbm4b:s3+s13], $0x80, s23, s13, $0xb8;
	[tilespmem:$0xC800] =	vst v63  }
0x36: {  	_ =	swait.ge [sflag:s24], $0x2800  }
0x37: {  	[sflag:s24] =	ssyncset.done $0x0  }
0x38: {  	[sflag:s24] =	ssyncadd.s32 $0xFFFFD800  }
0x39: {  	[hbm4b:s7+s2] =	stream.linear.scatter [tilespmem:s17], [sflag:$0x7], $0x2800, $0x38;
	[tilespmem:$0xC800] =	vst v63  }
0x3a: {  	_ =	swait.ge [sflag:s25], $0x2800  }
0x3b: {  	[sflag:s25] =	ssyncset.done $0x0  }
0x3c: {  	s26 =	simm.s32 $0x190;
	[sflag:s25] =	ssyncadd.s32 $0xFFFFD800  }
0x3d: {  	[tilespmem:s15], [sflag:$0x2] =	stream.indirect.gather [hbm4b:s3+s13], $0x80, s26, s13, $0xb8;
	[tilespmem:$0xC800] =	vst v63  }
0x3e: {  	_ =	swait.ge [sflag:s28], $0x2800  }
0x3f: {  	[sflag:s28] =	ssyncset.done $0x0  }
0x40: {  	[sflag:s28] =	ssyncadd.s32 $0xFFFFD800  }
0x41: {  	[hbm4b:s8+s2] =	stream.linear.scatter [tilespmem:s20], [sflag:$0x8], $0x2800, $0x38;
	[tilespmem:$0xC800] =	vst v63  }
0x42: {  	_ =	swait.ge [sflag:s29], $0x2800  }
0x43: {  	s30 =	simm.s32 $0x1E0;
	[sflag:s29] =	ssyncset.done $0x0  }
0x44: {  	s11 =	smov.u32 s0;
	s16 =	simm.s32 $0x0;
	[sflag:s29] =	ssyncadd.s32 $0xFFFFD800  }
0x45: {  	[tilespmem:s17], [sflag:$0x3] =	stream.indirect.gather [hbm4b:s3+s13], $0x80, s30, s13, $0xb8;
	[tilespmem:$0xC800] =	vst v63  }
.LBB2_2:
0x46: {  	_ =	swait.ge [sflag:s18], $0x2800  }
0x47: {  	[sflag:s18] =	ssyncset.done $0x0  }
0x48: {  	[sflag:s18] =	ssyncadd.s32 $0xFFFFD800  }
0x49: {  	[hbm4b:s11+s2] =	stream.linear.scatter [tilespmem:s14], [sflag:$0x5], $0x2800, $0x38;
	[tilespmem:$0xC800] =	vst v63  }
0x4a: {  	_ =	swait.ge [sflag:s31], $0x2800  }
0x4b: {  	s19 =	sshra.s32 s16, $0x2;
	[sflag:s31] =	ssyncset.done $0x0  }
0x4c: {  	s23 =	sadd.s32 $0x230, s19;
	[sflag:s31] =	ssyncadd.s32 $0xFFFFD800  }
0x4d: {  	[tilespmem:s20], [sflag:$0x4] =	stream.indirect.gather [hbm4b:s3+s13], $0x80, s23, s13, $0xb8;
	[tilespmem:$0xC800] =	vst v63  }
0x4e: {  	_ =	swait.ge [sflag:s21], $0x2800  }
0x4f: {  	p0 =	seq.s32 s16, $0x9600;
	[sflag:s21] =	ssyncset.done $0x0  }
0x50: {  	s26 =	sadd.s32 $0x500, s11;
	s23 =	simm.s32 @p0 $0x3;
	[sflag:s21] =	ssyncadd.s32 $0xFFFFD800  }
0x51: {  	[hbm4b:s26+s2] =	stream.linear.scatter [tilespmem:s15], [sflag:$0x6], $0x2800, $0x38;
	[tilespmem:$0xC800] =	vst v63  }
0x52: {  	_ =	swait.ge @p0 [sflag:s23], $0x2800  }
0x53: {  	[sflag:s23] =	ssyncset.done @p0 $0x0  }
0x54: {  	s26 =	simm.s32 @p0 $0x7800;
	[sflag:s23] =	ssyncadd.s32 @p0 $0xFFFFD800;
	s23 =	simm.s32 @p0 $0x0  }
0x55: {  	[hbm4b:s10+s23] =	stream.linear.scatter @p0 [tilespmem:s26], [sflag:$0x7], $0x2800, $0x38;
	[tilespmem:$0xC800] =	vst v63  }
0x56: {  	s23 =	simm.s32 @!p0 $0x5  }
0x57: {  	_ =	swait.ge @!p0 [sflag:s23], $0x2800  }
0x58: {  	[sflag:s23] =	ssyncset.done @!p0 $0x0  }
0x59: {  	[sflag:s23] =	ssyncadd.s32 @!p0 $0xFFFFD800;
	s23 =	sshra.s32 @!p0 s16, $0x2  }
0x5a: {  	s30 =	simm.s32 @!p0 $0x50;
	s5 =	simm.s32 @!p0 $0x2800;
	s26 =	sadd.s32 @!p0 $0x280, s23  }
0x5b: {  	[tilespmem:s5], [sflag:$0x1] =	stream.indirect.gather @!p0 [hbm4b:s3+s30], $0x80, s26, s30, $0xb8;
	[tilespmem:$0xC800] =	vst v63  }
0x5c: {  	s5 =	simm.s32 @!p0 $0x3  }
0x5d: {  	_ =	swait.ge @!p0 [sflag:s5], $0x2800  }
0x5e: {  	s6 =	simm.s32 @!p0 $0x7800;
	[sflag:s5] =	ssyncset.done @!p0 $0x0  }
0x5f: {  	s26 =	simm.s32 @!p0 $0x0;
	[sflag:s5] =	ssyncadd.s32 @!p0 $0xFFFFD800;
	s5 =	sadd.s32 @!p0 $0xA00, s11  }
0x60: {  	[hbm4b:s5+s26] =	stream.linear.scatter @!p0 [tilespmem:s6], [sflag:$0x7], $0x2800, $0x38;
	[tilespmem:$0xC800] =	vst v63  }
0x61: {  	s5 =	simm.s32 @!p0 $0x6  }
0x62: {  	_ =	swait.ge @!p0 [sflag:s5], $0x2800  }
0x63: {  	[sflag:s5] =	ssyncset.done @!p0 $0x0  }
0x64: {  	s6 =	simm.s32 @!p0 $0x5000;
	[sflag:s5] =	ssyncadd.s32 @!p0 $0xFFFFD800;
	s5 =	sadd.s32 @!p0 $0x2D0, s23  }
0x65: {  	[tilespmem:s6], [sflag:$0x2] =	stream.indirect.gather @!p0 [hbm4b:s3+s30], $0x80, s5, s30, $0xb8;
	[tilespmem:$0xC800] =	vst v63  }
.Ltmp2:
0x66: {  	_ = 	snop;
	(pc) =	sbr.rel @p0 .LBB2_4-.Ltmp2, $4  }
0x67: {  	_ =	swait.ge [sflag:s28], $0x2800  }
0x68: {  	[sflag:s28] =	ssyncset.done $0x0  }
0x69: {  	s30 =	sadd.s32 $0xF00, s11;
	[sflag:s28] =	ssyncadd.s32 $0xFFFFD800  }
0x6a: {  	[hbm4b:s30+s2] =	stream.linear.scatter [tilespmem:s20], [sflag:$0x8], $0x2800, $0x38;
	[tilespmem:$0xC800] =	vst v63  }
.Ltmp3:
0x6b: {  	(pc) =	sbr.rel .LBB2_2-.Ltmp3, $4  }
0x6c: {  	_ =	swait.ge [sflag:s29], $0x2800  }
0x6d: {  	s5 =	sadd.s32 $0x320, s19;
	[sflag:s29] =	ssyncset.done $0x0  }
0x6e: {  	s16 =	sadd.s32 $0x500, s16;
	s11 =	sadd.s32 $0x1400, s11;
	[sflag:s29] =	ssyncadd.s32 $0xFFFFD800  }
0x6f: {  	[tilespmem:s17], [sflag:$0x3] =	stream.indirect.gather [hbm4b:s3+s13], $0x80, s5, s13, $0xb8;
	[tilespmem:$0xC800] =	vst v63  }
.LBB2_5:
0x70: {  	_ =	sfence.sel $0x180000  }
0x71: {  	[bflag:$0x0] =	sbarrier.arrive $0xFFFF  }
0x72: {  	_ =	strace $0x9000004A  }
0x73: {  	s0 =	stileid.u32;
	[bflag:$0x2] =	sbarrier.arrive $0xFFFF  }
0x74: {  	p0 =	sne.s32 s0, $0x0;
	s0 =	rddreg [dreg:$0x2]  }
0x75: {  	s0 =	sadd.s32 @!p0 $0x100000, s0  }
0x76: {  	[sflag:s0] =	ssyncadd.tile.s32 @!p0 $0x1;
	_ =	shalt  }
.Lfunc_end2:
_tile_overlayer_lowered:
.L_overlay_start_2:
0x77: {  	(tag) =	ssettag $0x2  }
0x78: {  	s0 =	rddreg [dreg:$0x0];
	s2 =	stileid.u32  }
0x79: {  	s1 =	rddreg [dreg:$0x1];
	p0 =	sne.s32 s2, $0x0  }
0x7a: {  	s3 =	rddreg [dreg:$0x2];
	[bflag:$0x3] =	sbarrier.arrive $0xFFFF;
	s2 =	simm.s32 @!p0 $0x1C09  }
0x7b: {  	[timem:s3], [sflag:s2] =	dma.local @!p0 [hbm:s0], s1  }
0x7c: {  	s0 =	simm.s32 @!p0 $0x9  }
0x7d: {  	_ =	swait.ge @!p0 [sflag:s0], s1  }
0x7e: {  	s1 =	ssub.s32 @!p0 $0x0, s1;
	[sflag:s0] =	ssyncset.done @!p0 $0x0  }
0x7f: {  	[sflag:s0] =	ssyncadd.s32 @!p0 s1  }
0x80: {  	[bflag:$0x3] =	sbarrier.arrive $0xFFFF  }
0x81: {  	_ =	shalt  }

// kernel: kernel.26.cloned.1.call-start
scs
__scs_entry_jumppad:
0x0: {  	(pc) =	sbr.rel $0x88, $3  }
0x1: {  	(tag) =	ssettag $0x0;
	lr =	simm.s32 $0x1  }
0x2: {  	[smem:$0x3F9B] =	sst lr;
	_ =	strace $0xD0000000  }
0x3: {  	_ = 	snop  }
0x4: {  	_ = 	snop  }
0x5: {  	_ = 	snop  }
0x6: {  	_ = 	snop  }
0x7: {  	_ = 	snop  }
__scs_overlays_trampoline_lowered:
0x8: {  	[smem:$0x3FAA] =	sst s0  }
0x9: {  	[smem:$0x3FAB] =	sst s1  }
0xa: {  	[smem:$0x3FAC] =	sst s2  }
0xb: {  	[smem:$0x3FAD] =	sst s3  }
0xc: {  	[smem:$0x3FAE] =	sst s4  }
0xd: {  	[smem:$0x3FAF] =	sst s5  }
0xe: {  	[smem:$0x3FB0] =	sst s6  }
0xf: {  	[smem:$0x3FB1] =	sst s7  }
0x10: {  	[smem:$0x3FB2] =	sst s8  }
0x11: {  	[smem:$0x3FB3] =	sst s9;
	s0 =	simm.s32 @!p0 $0x0  }
0x12: {  	s1 =	sld [smem:$0x3F99];
	s0 =	simm.s32 @p0 $0x1  }
0x13: {  	[smem:$0x3FB4] =	sst s0;
	s0 =	simm.s32 @!p1 $0x0  }
0x14: {  	s2 =	sld [smem:$0x3F98];
	s0 =	simm.s32 @p1 $0x1  }
0x15: {  	[smem:$0x3FB5] =	sst s0;
	s0 =	simm.s32 @!p2 $0x0  }
0x16: {  	s3 =	sld [smem:$0x3FDB];
	s0 =	simm.s32 @p2 $0x1  }
0x17: {  	s4 =	simm.s32 $0x1BF5;
	[smem:$0x3FB7] =	sst s0  }
0x18: {  	s0 =	sld [smem:$0x3F9A];
	_ =	swait.ge [sflag:s4], $0x0  }
0x19: {  	s7 =	sld [smem:$0x3F9B]  }
0x1a: {  	s8 =	sadd.s32 $0xFFFFE003, lr  }
0x1b: {  	s9 =	sadd.s32 $0xFFFFFEF7, lr;
	s5 =	simm.s32 $0xFFFFFFFF;
	p2 =	slt.u32 s8, $0xFFFFF086  }
0x1c: {  	p1 =	slt.u32 s9, $0xF7A;
	s5 =	simm.s32 @!p2 $0x0  }
0x1d: {  	s5 =	simm.s32 @p1 $0x1;
	p0 =	seq.s32 s7, s2  }
0x1e: {  	s7 =	smul.u32 @!p0 $0xF7A, s2;
	p2 =	seq.s32 @!p0 s5, $0x0  }
0x1f: {  	s9 =	smul.u32 $0xF7A, s1;
	s8 =	simm.s32 @!p0 $0x1BF5;
	p2 =	por !p2, p0  }
0x20: {  	[sflag:s8] =	ssyncset.s32 @!p0 $0xFFFFF086;
	s6 =	sadd.s32 @!p0 s3, s7;
	s7 =	simm.s32 @!p0 $0x108  }
0x21: {  	s3 =	sadd.s32 s3, s9;
	s6 =	sadd.s32 @!p0 $0x88, s6;
	s7 =	simm.s32 @p2 $0x1082  }
0x22: {  	[simem:s7], [sflag:s8] =	dma.local @!p0 [hbm:s6], $0xF7A  }
0x23: {  	s9 =	sor.u32 $0xD0000000, s2;
	s6 =	simm.s32 $0x108;
	_ =	swait.ge @!p0 [sflag:s8], $0x0  }
0x24: {  	s3 =	sadd.s32 $0x88, s3;
	s6 =	simm.s32 @!p1 $0x1082;
	[sflag:s4] =	ssyncset.s32 $0xFFFFF086  }
0x25: {  	[simem:s6], [sflag:s4] =	dma.local [hbm:s3], $0xF7A  }
0x26: {  	[smem:$0x3F9B] =	sst s1;
	(tag) =	ssettag s2;
	_ =	strace s9  }
0x27: {  	s1 =	sld [smem:$0x3FAB]  }
0x28: {  	s2 =	sld [smem:$0x3FAC]  }
0x29: {  	s4 =	sld [smem:$0x3FAE]  }
0x2a: {  	p0 =	seq.s32 s5, $0x0;
	s5 =	sld [smem:$0x3FAF]  }
0x2b: {  	s6 =	sld [smem:$0x3FB0]  }
0x2c: {  	s7 =	sld [smem:$0x3FB1]  }
0x2d: {  	s3 =	simm.s32 $0x108;
	s8 =	sld [smem:$0x3FB2]  }
0x2e: {  	s3 =	simm.s32 @!p0 $0x1082;
	s9 =	sld [smem:$0x3FB3]  }
0x2f: {  	lr =	sadd.s32 s0, s3;
	s0 =	sld [smem:$0x3FAA]  }
0x30: {  	s3 =	sld [smem:$0x3FAD]  }
0x31: {  	[smem:$0x3FB6] =	sst s10  }
0x32: {  	s10 =	sld [smem:$0x3FB4];
	_ =	sdelay $0x3  }
0x33: {  	p0 =	seq.s32 s10, $0x1;
	s10 =	sld [smem:$0x3FB6];
	_ =	sdelay $0x3  }
0x34: {  	[smem:$0x3FB6] =	sst s10  }
0x35: {  	s10 =	sld [smem:$0x3FB5];
	_ =	sdelay $0x3  }
0x36: {  	p1 =	seq.s32 s10, $0x1;
	s10 =	sld [smem:$0x3FB6];
	_ =	sdelay $0x3  }
0x37: {  	[smem:$0x3FB6] =	sst s10  }
0x38: {  	s10 =	sld [smem:$0x3FB7]  }
0x39: {  	_ = 	snop;
	(pc) =	sbr.ind lr, $3  }
0x3a: {  	_ = 	snop  }
0x3b: {  	_ = 	snop  }
0x3c: {  	p2 =	seq.s32 s10, $0x1;
	s10 =	sld [smem:$0x3FB6]  }
0x3d: {  	_ =	shalt  }
0x3e: {  	_ =	shalt  }
0x3f: {  	_ =	shalt  }
0x40: {  	_ =	shalt  }
0x41: {  	_ =	shalt  }
0x42: {  	_ =	shalt  }
0x43: {  	_ =	shalt  }
0x44: {  	_ =	shalt  }
0x45: {  	_ =	shalt  }
0x46: {  	_ =	shalt  }
0x47: {  	_ =	shalt  }
0x48: {  	_ =	shalt  }
0x49: {  	_ =	shalt  }
0x4a: {  	_ =	shalt  }
0x4b: {  	_ =	shalt  }
0x4c: {  	_ =	shalt  }
0x4d: {  	_ =	shalt  }
0x4e: {  	_ =	shalt  }
0x4f: {  	_ =	shalt  }
0x50: {  	_ =	shalt  }
0x51: {  	_ =	shalt  }
0x52: {  	_ =	shalt  }
0x53: {  	_ =	shalt  }
0x54: {  	_ =	shalt  }
0x55: {  	_ =	shalt  }
0x56: {  	_ =	shalt  }
0x57: {  	_ =	shalt  }
0x58: {  	_ =	shalt  }
0x59: {  	_ =	shalt  }
0x5a: {  	_ =	shalt  }
0x5b: {  	_ =	shalt  }
0x5c: {  	_ =	shalt  }
0x5d: {  	_ =	shalt  }
0x5e: {  	_ =	shalt  }
0x5f: {  	_ =	shalt  }
0x60: {  	_ =	shalt  }
0x61: {  	_ =	shalt  }
0x62: {  	_ =	shalt  }
0x63: {  	_ =	shalt  }
0x64: {  	_ =	shalt  }
0x65: {  	_ =	shalt  }
0x66: {  	_ =	shalt  }
0x67: {  	_ =	shalt  }
0x68: {  	_ =	shalt  }
0x69: {  	_ =	shalt  }
0x6a: {  	_ =	shalt  }
0x6b: {  	_ =	shalt  }
0x6c: {  	_ =	shalt  }
0x6d: {  	_ =	shalt  }
0x6e: {  	_ =	shalt  }
0x6f: {  	_ =	shalt  }
0x70: {  	_ =	shalt  }
0x71: {  	_ =	shalt  }
0x72: {  	_ =	shalt  }
0x73: {  	_ =	shalt  }
0x74: {  	_ =	shalt  }
0x75: {  	_ =	shalt  }
0x76: {  	_ =	shalt  }
0x77: {  	_ =	shalt  }
0x78: {  	_ =	shalt  }
0x79: {  	_ =	shalt  }
0x7a: {  	_ =	shalt  }
0x7b: {  	_ =	shalt  }
0x7c: {  	_ =	shalt  }
0x7d: {  	_ =	shalt  }
0x7e: {  	_ =	shalt  }
0x7f: {  	_ =	shalt  }
0x80: {  	_ =	shalt  }
0x81: {  	_ =	shalt  }
0x82: {  	_ =	shalt  }
0x83: {  	_ =	shalt  }
0x84: {  	_ =	shalt  }
0x85: {  	_ =	shalt  }
0x86: {  	_ =	shalt  }
0x87: {  	_ =	shalt  }
.Lfunc_end0:
.L_simem_size_0:
called_computation.2_lowered:
.L_overlay_start_0:
0x88: {  	s2 =	sld [smem:$0x3FD9]  }
0x89: {  	s3 =	sld [smem:$0x3FFE];
	_ =	sdelay $0x1  }
0x8a: {  	s1 =	srdreg.scid  }
0x8b: {  	s0 =	sand.u32 $0x1, s1  }
0x8c: {  	s17 =	sshll.u32 s0, $0xA;
	s2 =	sadd.s32 s3, s2  }
0x8d: {  	s2 =	sadd.s32 s2, s17  }
0x8e: {  	[smem:$0x3FC2] =	sst s2  }
0x8f: {  	_ = 	snop  }
0x90: {  	s2 =	sld [smem:$0x3FD0];
	(tm) =	ssettm $0x1  }
0x91: {  	s18 =	sld [smem:$0x3FFB];
	_ =	sdelay $0x3  }
0x92: {  	_ =	strace s18  }
0x93: {  	s3 =	sld [smem:$0x3FFC];
	_ =	sdelay $0x3  }
0x94: {  	_ =	strace s3  }
0x95: {  	s3 =	sld [smem:$0x3FFD];
	_ =	sdelay $0x3  }
0x96: {  	_ =	strace s3  }
0x97: {  	_ =	strace $0x8FFFFFFF  }
0x98: {  	s19 =	sld [smem:$0x3FDB];
	_ =	sdelay $0x1  }
0x99: {  	s4 =	simm.s32 $_scs_section_size  }
0x9a: {  	s5 =	simm.s32 $_size__tile_overlayer_lowered;
	s6 =	simm.s32 $_tile_overlayer_lowered  }
0x9b: {  	s22 =	simm.s32 $0x1BFF;
	s21 =	sshll.u32 s6, $0x1;
	s3 =	sadd.s32 s4, s19  }
0x9c: {  	s7 =	simm.s32 $0x0;
	s20 =	sshll.u32 s5, $0x1;
	s5 =	sadd.s32 s21, s3  }
0x9d: {  	[timem:s7], [sflag:s22] =	dma.local [hbm:s5], s20  }
0x9e: {  	_ =	swait.ge [sflag:s22], s20  }
0x9f: {  	s4 =	ssub.s32 $0x0, s20;
	[sflag:s22] =	ssyncset.done $0x0  }
0xa0: {  	[sflag:s22] =	ssyncadd.s32 s4;
	_ =	sdelay $0x1  }
0xa1: {  	s23 =	simm.s32 $0x1B8B  }
0xa2: {  	_ =	swait.ge [sflag:s23], $0x1  }
0xa3: {  	[sflag:s23] =	ssyncset.done $0x0  }
0xa4: {  	s25 =	simm.s32 $0x1B8E;
	s24 =	sld [smem:$0x3FFE];
	[sflag:s23] =	ssyncadd.s32 $0xFFFFFFFF  }
0xa5: {  	s26 =	simm.s32 $execute0_lowered;
	[smem:$0x3FD2] =	sst s25  }
0xa6: {  	s5 =	sshll.u32 s26, $0x1;
	_ =	strace $0x8000004C;
	[dreg:$0x1] =	wrdreg $0xFFFFFFFF  }
0xa7: {  	s28 =	simm.s32 $_size_execute0_lowered;
	s3 =	sadd.s32 s3, s5;
	[dreg:$0x0] =	wrdreg $0x0  }
0xa8: {  	s5 =	sshll.u32 s28, $0x1;
	[dreg:$0x2] =	wrdreg s3  }
0xa9: {  	[dreg:$0x3] =	wrdreg s5  }
0xaa: {  	[dreg:$0x4] =	wrdreg $0xC0  }
0xab: {  	_ =	task [dreg:s7], $0x5FFFF  }
0xac: {  	[dreg:$0x1] =	wrdreg $0xFFFFFFFF  }
0xad: {  	[dreg:$0x0] =	wrdreg $0x60  }
0xae: {  	[dreg:$0x2] =	wrdreg s24  }
0xaf: {  	[dreg:$0x3] =	wrdreg s2  }
0xb0: {  	[dreg:$0x4] =	wrdreg $0x9  }
0xb1: {  	_ =	task.clear_ibuf [dreg:s7], $0x5FFFF;
	_ =	strace $0x9000004C  }
0xb2: {  	s29 =	simm.s32 $0x9;
	_ =	strace $0x8000004E  }
0xb3: {  	_ =	swait.ge [sflag:s29], $0x1  }
0xb4: {  	[sflag:s29] =	ssyncadd.s32 $0xFFFFFFFF  }
0xb5: {  	_ =	strace $0x9000004E  }
0xb6: {  	_ =	sfence  }
0xb7: {  	s30 =	sld [smem:$0x0];
	_ =	sdelay $0x2  }
0xb8: {  	s31 =	sshll.u32 s1, $0xD;
	s1 =	sshrl.u32 s1, $0x2  }
0xb9: {  	s3 =	sand.u32 $0x4000, s31;
	s1 =	sadd.s32 s1, s30  }
0xba: {  	s0 =	sor.u32 s3, s0;
	s1 =	sshll.u32 s1, $0x11  }
0xbb: {  	s0 =	sor.u32 s1, s0  }
0xbc: {  	s0 =	sadd.s32 $0x8F2B, s0  }
0xbd: {  	[sflag:s0] =	ssyncadd.remote.s32 $0x1  }
0xbe: {  	_ =	sfence.sel $0xFFFF  }
0xbf: {  	[dreg:$0x0] =	wrdreg $0xFFFFFFFF;
	(pc) =	sbr.abs _section_cstart, $3  }
0xc0: {  	[dreg:$0x1] =	wrdreg $0xFFFFFFFF  }
0xc1: {  	_ =	task.clear_ibuf [dreg:s7], $0x2FFFF;
	_ =	strace $0x9FFFFFFF  }
0xc2: {  	(tm) =	ssettm $0x7FFFFFFF  }
0xc3: {  	_ =	shalt  }
tec
execute0_lowered:
.L_overlay_start_1:
0x0: {  	(tag) =	ssettag $0x1  }
0x1: {  	s0 =	rddreg [dreg:$0x0]  }
0x2: {  	s1 =	srdreg.scid;
	s10 =	stileid.u32  }
0x3: {  	s5 =	rddreg [dreg:$0x1];
	s2 =	simm.s32 $0x0;
	s12 =	simm.s32 $0x9  }
0x4: {  	s13 =	simm.s32 $0x50;
	s14 =	simm.s32 $0x2800;
	s15 =	simm.s32 $0x5000  }
0x5: {  	s17 =	simm.s32 $0x7800;
	s18 =	simm.s32 $0x1;
	s20 =	simm.s32 $0xA000  }
0x6: {  	s21 =	simm.s32 $0x2;
	s22 =	simm.s32 $0x5;
	s24 =	simm.s32 $0x3  }
0x7: {  	s25 =	simm.s32 $0x6;
	s28 =	simm.s32 $0x4;
	s29 =	simm.s32 $0x7  }
0x8: {  	s1 =	sand.u32 $0x1, s1;
	s3 =	sshll.u32 s10, $0x1;
	s10 =	smul.u32 $0x50000, s10  }
0x9: {  	s3 =	sor.u32 s1, s3;
	s4 =	ssub.s32 $0x2, s1;
	s1 =	smul.u32 $0x28000, s1  }
0xa: {  	s31 =	simm.s32 $0x8;
	[smem:$0x7FF] =	sst s2;
	s6 =	smul.u32 $0x2800, s3  }
0xb: {  	_ =	strace $0x8000004D;
	s7 =	sshrl.u32 s4, $0x1;
	s8 =	smul.u32 $0x28000, s3  }
0xc: {  	s3 =	sadd.s32 $0x44600, s0;
	s0 =	sadd.s32 $0x84600, s0;
	s9 =	ssub.s32 s4, s7  }
.Ltmp0:
0xd: {  	s6 =	sshrl.u32 s6, $0x3;
	s4 =	sadd.s32 s0, s8;
	(pc) =	sbr.rel .LBB2_1-.Ltmp0, $4  }
0xe: {  	s0 =	sadd.s32 s10, s0;
	s9 =	smax.u32 s9, $0x1;
	s5 =	sadd.s32 s5, s6  }
0xf: {  	s30 =	sadd.s32 $0x500, s4;
	s7 =	sadd.s32 $0xA00, s4;
	s8 =	sadd.s32 $0xF00, s4  }
0x10: {  	s10 =	sadd.s32 $0x27600, s4;
	s0 =	sadd.s32 s1, s0;
	[dreg:$0x3] =	wrdreg s5  }
0x11: {  	s1 =	simm.s32 $0x0;
	[dreg:$0x4] =	wrdreg s30;
	s0 =	sadd.s32 $0x1400, s0  }
.LBB2_4:
0x12: {  	_ =	swait.ge [sflag:s22], $0x2800  }
0x13: {  	[sflag:s22] =	ssyncset.done $0x0  }
0x14: {  	[sflag:s22] =	ssyncadd.s32 $0xFFFFD800  }
0x15: {  	_ =	swait.ge [sflag:s25], $0x2800  }
0x16: {  	[sflag:s25] =	ssyncset.done $0x0  }
0x17: {  	s1 =	sadd.s32 $0x1, s1;
	[sflag:s25] =	ssyncadd.s32 $0xFFFFD800  }
0x18: {  	p0 =	sne.s32 s1, s9;
	_ =	swait.ge [sflag:s29], $0x2800  }
.Ltmp1:
0x19: {  	[sflag:s29] =	ssyncset.done $0x0;
	(pc) =	sbr.rel @!p0 .LBB2_5-.Ltmp1, $4  }
0x1a: {  	[sflag:s29] =	ssyncadd.s32 $0xFFFFD800  }
0x1b: {  	_ =	swait.ge [sflag:s31], $0x2800  }
0x1c: {  	[sflag:s31] =	ssyncset.done $0x0  }
0x1d: {  	[sflag:s31] =	ssyncadd.s32 $0xFFFFD800  }
.LBB2_1:
0x1e: {  	s5 =	rddreg [dreg:$0x3]  }
0x1f: {  	[tilespmem:s2], [sflag:$0x9] =	stream.linear.gather [hbm4b:s5+s2], $0x2800, $0x38;
	[tilespmem:$0xC800] =	vst v63  }
0x20: {  	_ =	swait.ge [sflag:s12], $0x2800  }
0x21: {  	[sflag:s12] =	ssyncset.done $0x0  }
0x22: {  	[sflag:s12] =	ssyncadd.s32 $0xFFFFD800  }
0x23: {  	[tilespmem:s14], [sflag:$0x1] =	stream.indirect.gather [hbm4b:s3+s13], $0x80, s2, s13, $0xb8;
	[tilespmem:$0xC800] =	vst v63  }
0x24: {  	_ = 	snop  }
0x25: {  	[tilespmem:s15], [sflag:$0x2] =	stream.indirect.gather [hbm4b:s3+s13], $0x80, s13, s13, $0xb8;
	[tilespmem:$0xC800] =	vst v63  }
0x26: {  	s11 =	simm.s32 $0xA0  }
0x27: {  	[tilespmem:s17], [sflag:$0x3] =	stream.indirect.gather [hbm4b:s3+s13], $0x80, s11, s13, $0xb8;
	[tilespmem:$0xC800] =	vst v63  }
0x28: {  	_ =	swait.ge [sflag:s18], $0x2800  }
0x29: {  	[sflag:s18] =	ssyncset.done $0x0  }
0x2a: {  	[sflag:s18] =	ssyncadd.s32 $0xFFFFD800  }
0x2b: {  	[hbm4b:s4+s2] =	stream.linear.scatter [tilespmem:s14], [sflag:$0x5], $0x2800, $0x38;
	[tilespmem:$0xC800] =	vst v63  }
0x2c: {  	s16 =	simm.s32 $0xF0  }
0x2d: {  	[tilespmem:s20], [sflag:$0x4] =	stream.indirect.gather [hbm4b:s3+s13], $0x80, s16, s13, $0xb8;
	[tilespmem:$0xC800] =	vst v63  }
0x2e: {  	_ =	swait.ge [sflag:s21], $0x2800  }
0x2f: {  	[sflag:s21] =	ssyncset.done $0x0  }
0x30: {  	s19 =	rddreg [dreg:$0x4];
	[sflag:s21] =	ssyncadd.s32 $0xFFFFD800  }
0x31: {  	[hbm4b:s19+s2] =	stream.linear.scatter [tilespmem:s15], [sflag:$0x6], $0x2800, $0x38;
	[tilespmem:$0xC800] =	vst v63  }
0x32: {  	_ =	swait.ge [sflag:s22], $0x2800  }
0x33: {  	[sflag:s22] =	ssyncset.done $0x0  }
0x34: {  	s23 =	simm.s32 $0x140;
	[sflag:s22] =	ssyncadd.s32 $0xFFFFD800  }
0x35: {  	[tilespmem:s14], [sflag:$0x1] =	stream.indirect.gather [hbm4b:s3+s13], $0x80, s23, s13, $0xb8;
	[tilespmem:$0xC800] =	vst v63  }
0x36: {  	_ =	swait.ge [sflag:s24], $0x2800  }
0x37: {  	[sflag:s24] =	ssyncset.done $0x0  }
0x38: {  	[sflag:s24] =	ssyncadd.s32 $0xFFFFD800  }
0x39: {  	[hbm4b:s7+s2] =	stream.linear.scatter [tilespmem:s17], [sflag:$0x7], $0x2800, $0x38;
	[tilespmem:$0xC800] =	vst v63  }
0x3a: {  	_ =	swait.ge [sflag:s25], $0x2800  }
0x3b: {  	[sflag:s25] =	ssyncset.done $0x0  }
0x3c: {  	s26 =	simm.s32 $0x190;
	[sflag:s25] =	ssyncadd.s32 $0xFFFFD800  }
0x3d: {  	[tilespmem:s15], [sflag:$0x2] =	stream.indirect.gather [hbm4b:s3+s13], $0x80, s26, s13, $0xb8;
	[tilespmem:$0xC800] =	vst v63  }
0x3e: {  	_ =	swait.ge [sflag:s28], $0x2800  }
0x3f: {  	[sflag:s28] =	ssyncset.done $0x0  }
0x40: {  	[sflag:s28] =	ssyncadd.s32 $0xFFFFD800  }
0x41: {  	[hbm4b:s8+s2] =	stream.linear.scatter [tilespmem:s20], [sflag:$0x8], $0x2800, $0x38;
	[tilespmem:$0xC800] =	vst v63  }
0x42: {  	_ =	swait.ge [sflag:s29], $0x2800  }
0x43: {  	s30 =	simm.s32 $0x1E0;
	[sflag:s29] =	ssyncset.done $0x0  }
0x44: {  	s11 =	smov.u32 s0;
	s16 =	simm.s32 $0x0;
	[sflag:s29] =	ssyncadd.s32 $0xFFFFD800  }
0x45: {  	[tilespmem:s17], [sflag:$0x3] =	stream.indirect.gather [hbm4b:s3+s13], $0x80, s30, s13, $0xb8;
	[tilespmem:$0xC800] =	vst v63  }
.LBB2_2:
0x46: {  	_ =	swait.ge [sflag:s18], $0x2800  }
0x47: {  	[sflag:s18] =	ssyncset.done $0x0  }
0x48: {  	[sflag:s18] =	ssyncadd.s32 $0xFFFFD800  }
0x49: {  	[hbm4b:s11+s2] =	stream.linear.scatter [tilespmem:s14], [sflag:$0x5], $0x2800, $0x38;
	[tilespmem:$0xC800] =	vst v63  }
0x4a: {  	_ =	swait.ge [sflag:s31], $0x2800  }
0x4b: {  	s19 =	sshra.s32 s16, $0x2;
	[sflag:s31] =	ssyncset.done $0x0  }
0x4c: {  	s23 =	sadd.s32 $0x230, s19;
	[sflag:s31] =	ssyncadd.s32 $0xFFFFD800  }
0x4d: {  	[tilespmem:s20], [sflag:$0x4] =	stream.indirect.gather [hbm4b:s3+s13], $0x80, s23, s13, $0xb8;
	[tilespmem:$0xC800] =	vst v63  }
0x4e: {  	_ =	swait.ge [sflag:s21], $0x2800  }
0x4f: {  	p0 =	seq.s32 s16, $0x9600;
	[sflag:s21] =	ssyncset.done $0x0  }
0x50: {  	s26 =	sadd.s32 $0x500, s11;
	s23 =	simm.s32 @p0 $0x3;
	[sflag:s21] =	ssyncadd.s32 $0xFFFFD800  }
0x51: {  	[hbm4b:s26+s2] =	stream.linear.scatter [tilespmem:s15], [sflag:$0x6], $0x2800, $0x38;
	[tilespmem:$0xC800] =	vst v63  }
0x52: {  	_ =	swait.ge @p0 [sflag:s23], $0x2800  }
0x53: {  	[sflag:s23] =	ssyncset.done @p0 $0x0  }
0x54: {  	s26 =	simm.s32 @p0 $0x7800;
	[sflag:s23] =	ssyncadd.s32 @p0 $0xFFFFD800;
	s23 =	simm.s32 @p0 $0x0  }
0x55: {  	[hbm4b:s10+s23] =	stream.linear.scatter @p0 [tilespmem:s26], [sflag:$0x7], $0x2800, $0x38;
	[tilespmem:$0xC800] =	vst v63  }
0x56: {  	s23 =	simm.s32 @!p0 $0x5  }
0x57: {  	_ =	swait.ge @!p0 [sflag:s23], $0x2800  }
0x58: {  	[sflag:s23] =	ssyncset.done @!p0 $0x0  }
0x59: {  	[sflag:s23] =	ssyncadd.s32 @!p0 $0xFFFFD800;
	s23 =	sshra.s32 @!p0 s16, $0x2  }
0x5a: {  	s30 =	simm.s32 @!p0 $0x50;
	s5 =	simm.s32 @!p0 $0x2800;
	s26 =	sadd.s32 @!p0 $0x280, s23  }
0x5b: {  	[tilespmem:s5], [sflag:$0x1] =	stream.indirect.gather @!p0 [hbm4b:s3+s30], $0x80, s26, s30, $0xb8;
	[tilespmem:$0xC800] =	vst v63  }
0x5c: {  	s5 =	simm.s32 @!p0 $0x3  }
0x5d: {  	_ =	swait.ge @!p0 [sflag:s5], $0x2800  }
0x5e: {  	s6 =	simm.s32 @!p0 $0x7800;
	[sflag:s5] =	ssyncset.done @!p0 $0x0  }
0x5f: {  	s26 =	simm.s32 @!p0 $0x0;
	[sflag:s5] =	ssyncadd.s32 @!p0 $0xFFFFD800;
	s5 =	sadd.s32 @!p0 $0xA00, s11  }
0x60: {  	[hbm4b:s5+s26] =	stream.linear.scatter @!p0 [tilespmem:s6], [sflag:$0x7], $0x2800, $0x38;
	[tilespmem:$0xC800] =	vst v63  }
0x61: {  	s5 =	simm.s32 @!p0 $0x6  }
0x62: {  	_ =	swait.ge @!p0 [sflag:s5], $0x2800  }
0x63: {  	[sflag:s5] =	ssyncset.done @!p0 $0x0  }
0x64: {  	s6 =	simm.s32 @!p0 $0x5000;
	[sflag:s5] =	ssyncadd.s32 @!p0 $0xFFFFD800;
	s5 =	sadd.s32 @!p0 $0x2D0, s23  }
0x65: {  	[tilespmem:s6], [sflag:$0x2] =	stream.indirect.gather @!p0 [hbm4b:s3+s30], $0x80, s5, s30, $0xb8;
	[tilespmem:$0xC800] =	vst v63  }
.Ltmp2:
0x66: {  	_ = 	snop;
	(pc) =	sbr.rel @p0 .LBB2_4-.Ltmp2, $4  }
0x67: {  	_ =	swait.ge [sflag:s28], $0x2800  }
0x68: {  	[sflag:s28] =	ssyncset.done $0x0  }
0x69: {  	s30 =	sadd.s32 $0xF00, s11;
	[sflag:s28] =	ssyncadd.s32 $0xFFFFD800  }
0x6a: {  	[hbm4b:s30+s2] =	stream.linear.scatter [tilespmem:s20], [sflag:$0x8], $0x2800, $0x38;
	[tilespmem:$0xC800] =	vst v63  }
.Ltmp3:
0x6b: {  	(pc) =	sbr.rel .LBB2_2-.Ltmp3, $4  }
0x6c: {  	_ =	swait.ge [sflag:s29], $0x2800  }
0x6d: {  	s5 =	sadd.s32 $0x320, s19;
	[sflag:s29] =	ssyncset.done $0x0  }
0x6e: {  	s16 =	sadd.s32 $0x500, s16;
	s11 =	sadd.s32 $0x1400, s11;
	[sflag:s29] =	ssyncadd.s32 $0xFFFFD800  }
0x6f: {  	[tilespmem:s17], [sflag:$0x3] =	stream.indirect.gather [hbm4b:s3+s13], $0x80, s5, s13, $0xb8;
	[tilespmem:$0xC800] =	vst v63  }
.LBB2_5:
0x70: {  	_ =	sfence.sel $0x180000  }
0x71: {  	[bflag:$0x0] =	sbarrier.arrive $0xFFFF  }
0x72: {  	_ =	strace $0x9000004D  }
0x73: {  	s0 =	stileid.u32;
	[bflag:$0x2] =	sbarrier.arrive $0xFFFF  }
0x74: {  	p0 =	sne.s32 s0, $0x0;
	s0 =	rddreg [dreg:$0x2]  }
0x75: {  	s0 =	sadd.s32 @!p0 $0x100000, s0  }
0x76: {  	[sflag:s0] =	ssyncadd.tile.s32 @!p0 $0x1;
	_ =	shalt  }
.Lfunc_end2:
_tile_overlayer_lowered:
.L_overlay_start_2:
0x77: {  	(tag) =	ssettag $0x2  }
0x78: {  	s0 =	rddreg [dreg:$0x0];
	s2 =	stileid.u32  }
0x79: {  	s1 =	rddreg [dreg:$0x1];
	p0 =	sne.s32 s2, $0x0  }
0x7a: {  	s3 =	rddreg [dreg:$0x2];
	[bflag:$0x3] =	sbarrier.arrive $0xFFFF;
	s2 =	simm.s32 @!p0 $0x1C09  }
0x7b: {  	[timem:s3], [sflag:s2] =	dma.local @!p0 [hbm:s0], s1  }
0x7c: {  	s0 =	simm.s32 @!p0 $0x9  }
0x7d: {  	_ =	swait.ge @!p0 [sflag:s0], s1  }
0x7e: {  	s1 =	ssub.s32 @!p0 $0x0, s1;
	[sflag:s0] =	ssyncset.done @!p0 $0x0  }
0x7f: {  	[sflag:s0] =	ssyncadd.s32 @!p0 s1  }
0x80: {  	[bflag:$0x3] =	sbarrier.arrive $0xFFFF  }
0x81: {  	_ =	shalt  }

// kernel: kernel.29.cloned.1.call-start
scs
__scs_entry_jumppad:
0x0: {  	(pc) =	sbr.rel $0x88, $3  }
0x1: {  	(tag) =	ssettag $0x0;
	lr =	simm.s32 $0x1  }
0x2: {  	[smem:$0x3F9B] =	sst lr;
	_ =	strace $0xD0000000  }
0x3: {  	_ = 	snop  }
0x4: {  	_ = 	snop  }
0x5: {  	_ = 	snop  }
0x6: {  	_ = 	snop  }
0x7: {  	_ = 	snop  }
__scs_overlays_trampoline_lowered:
0x8: {  	[smem:$0x3FAA] =	sst s0  }
0x9: {  	[smem:$0x3FAB] =	sst s1  }
0xa: {  	[smem:$0x3FAC] =	sst s2  }
0xb: {  	[smem:$0x3FAD] =	sst s3  }
0xc: {  	[smem:$0x3FAE] =	sst s4  }
0xd: {  	[smem:$0x3FAF] =	sst s5  }
0xe: {  	[smem:$0x3FB0] =	sst s6  }
0xf: {  	[smem:$0x3FB1] =	sst s7  }
0x10: {  	[smem:$0x3FB2] =	sst s8  }
0x11: {  	[smem:$0x3FB3] =	sst s9;
	s0 =	simm.s32 @!p0 $0x0  }
0x12: {  	s1 =	sld [smem:$0x3F99];
	s0 =	simm.s32 @p0 $0x1  }
0x13: {  	[smem:$0x3FB4] =	sst s0;
	s0 =	simm.s32 @!p1 $0x0  }
0x14: {  	s2 =	sld [smem:$0x3F98];
	s0 =	simm.s32 @p1 $0x1  }
0x15: {  	[smem:$0x3FB5] =	sst s0;
	s0 =	simm.s32 @!p2 $0x0  }
0x16: {  	s3 =	sld [smem:$0x3FDB];
	s0 =	simm.s32 @p2 $0x1  }
0x17: {  	s4 =	simm.s32 $0x1BF5;
	[smem:$0x3FB7] =	sst s0  }
0x18: {  	s0 =	sld [smem:$0x3F9A];
	_ =	swait.ge [sflag:s4], $0x0  }
0x19: {  	s7 =	sld [smem:$0x3F9B]  }
0x1a: {  	s8 =	sadd.s32 $0xFFFFE003, lr  }
0x1b: {  	s9 =	sadd.s32 $0xFFFFFEF7, lr;
	s5 =	simm.s32 $0xFFFFFFFF;
	p2 =	slt.u32 s8, $0xFFFFF086  }
0x1c: {  	p1 =	slt.u32 s9, $0xF7A;
	s5 =	simm.s32 @!p2 $0x0  }
0x1d: {  	s5 =	simm.s32 @p1 $0x1;
	p0 =	seq.s32 s7, s2  }
0x1e: {  	s7 =	smul.u32 @!p0 $0xF7A, s2;
	p2 =	seq.s32 @!p0 s5, $0x0  }
0x1f: {  	s9 =	smul.u32 $0xF7A, s1;
	s8 =	simm.s32 @!p0 $0x1BF5;
	p2 =	por !p2, p0  }
0x20: {  	[sflag:s8] =	ssyncset.s32 @!p0 $0xFFFFF086;
	s6 =	sadd.s32 @!p0 s3, s7;
	s7 =	simm.s32 @!p0 $0x108  }
0x21: {  	s3 =	sadd.s32 s3, s9;
	s6 =	sadd.s32 @!p0 $0x88, s6;
	s7 =	simm.s32 @p2 $0x1082  }
0x22: {  	[simem:s7], [sflag:s8] =	dma.local @!p0 [hbm:s6], $0xF7A  }
0x23: {  	s9 =	sor.u32 $0xD0000000, s2;
	s6 =	simm.s32 $0x108;
	_ =	swait.ge @!p0 [sflag:s8], $0x0  }
0x24: {  	s3 =	sadd.s32 $0x88, s3;
	s6 =	simm.s32 @!p1 $0x1082;
	[sflag:s4] =	ssyncset.s32 $0xFFFFF086  }
0x25: {  	[simem:s6], [sflag:s4] =	dma.local [hbm:s3], $0xF7A  }
0x26: {  	[smem:$0x3F9B] =	sst s1;
	(tag) =	ssettag s2;
	_ =	strace s9  }
0x27: {  	s1 =	sld [smem:$0x3FAB]  }
0x28: {  	s2 =	sld [smem:$0x3FAC]  }
0x29: {  	s4 =	sld [smem:$0x3FAE]  }
0x2a: {  	p0 =	seq.s32 s5, $0x0;
	s5 =	sld [smem:$0x3FAF]  }
0x2b: {  	s6 =	sld [smem:$0x3FB0]  }
0x2c: {  	s7 =	sld [smem:$0x3FB1]  }
0x2d: {  	s3 =	simm.s32 $0x108;
	s8 =	sld [smem:$0x3FB2]  }
0x2e: {  	s3 =	simm.s32 @!p0 $0x1082;
	s9 =	sld [smem:$0x3FB3]  }
0x2f: {  	lr =	sadd.s32 s0, s3;
	s0 =	sld [smem:$0x3FAA]  }
0x30: {  	s3 =	sld [smem:$0x3FAD]  }
0x31: {  	[smem:$0x3FB6] =	sst s10  }
0x32: {  	s10 =	sld [smem:$0x3FB4];
	_ =	sdelay $0x3  }
0x33: {  	p0 =	seq.s32 s10, $0x1;
	s10 =	sld [smem:$0x3FB6];
	_ =	sdelay $0x3  }
0x34: {  	[smem:$0x3FB6] =	sst s10  }
0x35: {  	s10 =	sld [smem:$0x3FB5];
	_ =	sdelay $0x3  }
0x36: {  	p1 =	seq.s32 s10, $0x1;
	s10 =	sld [smem:$0x3FB6];
	_ =	sdelay $0x3  }
0x37: {  	[smem:$0x3FB6] =	sst s10  }
0x38: {  	s10 =	sld [smem:$0x3FB7]  }
0x39: {  	_ = 	snop;
	(pc) =	sbr.ind lr, $3  }
0x3a: {  	_ = 	snop  }
0x3b: {  	_ = 	snop  }
0x3c: {  	p2 =	seq.s32 s10, $0x1;
	s10 =	sld [smem:$0x3FB6]  }
0x3d: {  	_ =	shalt  }
0x3e: {  	_ =	shalt  }
0x3f: {  	_ =	shalt  }
0x40: {  	_ =	shalt  }
0x41: {  	_ =	shalt  }
0x42: {  	_ =	shalt  }
0x43: {  	_ =	shalt  }
0x44: {  	_ =	shalt  }
0x45: {  	_ =	shalt  }
0x46: {  	_ =	shalt  }
0x47: {  	_ =	shalt  }
0x48: {  	_ =	shalt  }
0x49: {  	_ =	shalt  }
0x4a: {  	_ =	shalt  }
0x4b: {  	_ =	shalt  }
0x4c: {  	_ =	shalt  }
0x4d: {  	_ =	shalt  }
0x4e: {  	_ =	shalt  }
0x4f: {  	_ =	shalt  }
0x50: {  	_ =	shalt  }
0x51: {  	_ =	shalt  }
0x52: {  	_ =	shalt  }
0x53: {  	_ =	shalt  }
0x54: {  	_ =	shalt  }
0x55: {  	_ =	shalt  }
0x56: {  	_ =	shalt  }
0x57: {  	_ =	shalt  }
0x58: {  	_ =	shalt  }
0x59: {  	_ =	shalt  }
0x5a: {  	_ =	shalt  }
0x5b: {  	_ =	shalt  }
0x5c: {  	_ =	shalt  }
0x5d: {  	_ =	shalt  }
0x5e: {  	_ =	shalt  }
0x5f: {  	_ =	shalt  }
0x60: {  	_ =	shalt  }
0x61: {  	_ =	shalt  }
0x62: {  	_ =	shalt  }
0x63: {  	_ =	shalt  }
0x64: {  	_ =	shalt  }
0x65: {  	_ =	shalt  }
0x66: {  	_ =	shalt  }
0x67: {  	_ =	shalt  }
0x68: {  	_ =	shalt  }
0x69: {  	_ =	shalt  }
0x6a: {  	_ =	shalt  }
0x6b: {  	_ =	shalt  }
0x6c: {  	_ =	shalt  }
0x6d: {  	_ =	shalt  }
0x6e: {  	_ =	shalt  }
0x6f: {  	_ =	shalt  }
0x70: {  	_ =	shalt  }
0x71: {  	_ =	shalt  }
0x72: {  	_ =	shalt  }
0x73: {  	_ =	shalt  }
0x74: {  	_ =	shalt  }
0x75: {  	_ =	shalt  }
0x76: {  	_ =	shalt  }
0x77: {  	_ =	shalt  }
0x78: {  	_ =	shalt  }
0x79: {  	_ =	shalt  }
0x7a: {  	_ =	shalt  }
0x7b: {  	_ =	shalt  }
0x7c: {  	_ =	shalt  }
0x7d: {  	_ =	shalt  }
0x7e: {  	_ =	shalt  }
0x7f: {  	_ =	shalt  }
0x80: {  	_ =	shalt  }
0x81: {  	_ =	shalt  }
0x82: {  	_ =	shalt  }
0x83: {  	_ =	shalt  }
0x84: {  	_ =	shalt  }
0x85: {  	_ =	shalt  }
0x86: {  	_ =	shalt  }
0x87: {  	_ =	shalt  }
.Lfunc_end0:
.L_simem_size_0:
called_computation.3_lowered:
.L_overlay_start_0:
0x88: {  	s2 =	sld [smem:$0x3FD9]  }
0x89: {  	s3 =	sld [smem:$0x3FFE];
	_ =	sdelay $0x1  }
0x8a: {  	s1 =	srdreg.scid  }
0x8b: {  	s0 =	sand.u32 $0x1, s1  }
0x8c: {  	s17 =	sshll.u32 s0, $0xA;
	s2 =	sadd.s32 s3, s2  }
0x8d: {  	s2 =	sadd.s32 s2, s17  }
0x8e: {  	[smem:$0x3FC2] =	sst s2  }
0x8f: {  	_ = 	snop  }
0x90: {  	s2 =	sld [smem:$0x3FD0];
	(tm) =	ssettm $0x1  }
0x91: {  	s18 =	sld [smem:$0x3FFB];
	_ =	sdelay $0x3  }
0x92: {  	_ =	strace s18  }
0x93: {  	s3 =	sld [smem:$0x3FFC];
	_ =	sdelay $0x3  }
0x94: {  	_ =	strace s3  }
0x95: {  	s3 =	sld [smem:$0x3FFD];
	_ =	sdelay $0x3  }
0x96: {  	_ =	strace s3  }
0x97: {  	_ =	strace $0x8FFFFFFF  }
0x98: {  	s19 =	sld [smem:$0x3FDB];
	_ =	sdelay $0x1  }
0x99: {  	s4 =	simm.s32 $_scs_section_size  }
0x9a: {  	s5 =	simm.s32 $_size__tile_overlayer_lowered;
	s6 =	simm.s32 $_tile_overlayer_lowered  }
0x9b: {  	s22 =	simm.s32 $0x1BFF;
	s21 =	sshll.u32 s6, $0x1;
	s3 =	sadd.s32 s4, s19  }
0x9c: {  	s7 =	simm.s32 $0x0;
	s20 =	sshll.u32 s5, $0x1;
	s5 =	sadd.s32 s21, s3  }
0x9d: {  	[timem:s7], [sflag:s22] =	dma.local [hbm:s5], s20  }
0x9e: {  	_ =	swait.ge [sflag:s22], s20  }
0x9f: {  	s4 =	ssub.s32 $0x0, s20;
	[sflag:s22] =	ssyncset.done $0x0  }
0xa0: {  	[sflag:s22] =	ssyncadd.s32 s4;
	_ =	sdelay $0x1  }
0xa1: {  	s23 =	simm.s32 $0x1B8B  }
0xa2: {  	_ =	swait.ge [sflag:s23], $0x1  }
0xa3: {  	[sflag:s23] =	ssyncset.done $0x0  }
0xa4: {  	s25 =	simm.s32 $0x1B8E;
	s24 =	sld [smem:$0x3FFE];
	[sflag:s23] =	ssyncadd.s32 $0xFFFFFFFF  }
0xa5: {  	s26 =	simm.s32 $execute0_lowered;
	[smem:$0x3FD2] =	sst s25  }
0xa6: {  	s5 =	sshll.u32 s26, $0x1;
	_ =	strace $0x8000004F;
	[dreg:$0x1] =	wrdreg $0xFFFFFFFF  }
0xa7: {  	s28 =	simm.s32 $_size_execute0_lowered;
	s3 =	sadd.s32 s3, s5;
	[dreg:$0x0] =	wrdreg $0x0  }
0xa8: {  	s5 =	sshll.u32 s28, $0x1;
	[dreg:$0x2] =	wrdreg s3  }
0xa9: {  	[dreg:$0x3] =	wrdreg s5  }
0xaa: {  	[dreg:$0x4] =	wrdreg $0xC0  }
0xab: {  	_ =	task [dreg:s7], $0x5FFFF  }
0xac: {  	[dreg:$0x1] =	wrdreg $0xFFFFFFFF  }
0xad: {  	[dreg:$0x0] =	wrdreg $0x60  }
0xae: {  	[dreg:$0x2] =	wrdreg s24  }
0xaf: {  	[dreg:$0x3] =	wrdreg s2  }
0xb0: {  	[dreg:$0x4] =	wrdreg $0x9  }
0xb1: {  	_ =	task.clear_ibuf [dreg:s7], $0x5FFFF;
	_ =	strace $0x9000004F  }
0xb2: {  	s29 =	simm.s32 $0x9;
	_ =	strace $0x80000051  }
0xb3: {  	_ =	swait.ge [sflag:s29], $0x1  }
0xb4: {  	[sflag:s29] =	ssyncadd.s32 $0xFFFFFFFF  }
0xb5: {  	_ =	strace $0x90000051  }
0xb6: {  	_ =	sfence  }
0xb7: {  	s30 =	sld [smem:$0x0];
	_ =	sdelay $0x2  }
0xb8: {  	s31 =	sshll.u32 s1, $0xD;
	s1 =	sshrl.u32 s1, $0x2  }
0xb9: {  	s3 =	sand.u32 $0x4000, s31;
	s1 =	sadd.s32 s1, s30  }
0xba: {  	s0 =	sor.u32 s3, s0;
	s1 =	sshll.u32 s1, $0x11  }
0xbb: {  	s0 =	sor.u32 s1, s0  }
0xbc: {  	s0 =	sadd.s32 $0x8F2B, s0  }
0xbd: {  	[sflag:s0] =	ssyncadd.remote.s32 $0x1  }
0xbe: {  	_ =	sfence.sel $0xFFFF  }
0xbf: {  	[dreg:$0x0] =	wrdreg $0xFFFFFFFF;
	(pc) =	sbr.abs _section_cstart, $3  }
0xc0: {  	[dreg:$0x1] =	wrdreg $0xFFFFFFFF  }
0xc1: {  	_ =	task.clear_ibuf [dreg:s7], $0x2FFFF;
	_ =	strace $0x9FFFFFFF  }
0xc2: {  	(tm) =	ssettm $0x7FFFFFFF  }
0xc3: {  	_ =	shalt  }
tec
execute0_lowered:
.L_overlay_start_1:
0x0: {  	(tag) =	ssettag $0x1  }
0x1: {  	s0 =	rddreg [dreg:$0x0]  }
0x2: {  	s1 =	srdreg.scid;
	s10 =	stileid.u32  }
0x3: {  	s5 =	rddreg [dreg:$0x1];
	s2 =	simm.s32 $0x0;
	s12 =	simm.s32 $0x9  }
0x4: {  	s13 =	simm.s32 $0x50;
	s14 =	simm.s32 $0x2800;
	s15 =	simm.s32 $0x5000  }
0x5: {  	s17 =	simm.s32 $0x7800;
	s18 =	simm.s32 $0x1;
	s20 =	simm.s32 $0xA000  }
0x6: {  	s21 =	simm.s32 $0x2;
	s22 =	simm.s32 $0x5;
	s24 =	simm.s32 $0x3  }
0x7: {  	s25 =	simm.s32 $0x6;
	s28 =	simm.s32 $0x4;
	s29 =	simm.s32 $0x7  }
0x8: {  	s1 =	sand.u32 $0x1, s1;
	s3 =	sshll.u32 s10, $0x1;
	s10 =	smul.u32 $0x50000, s10  }
0x9: {  	s3 =	sor.u32 s1, s3;
	s4 =	ssub.s32 $0x2, s1;
	s1 =	smul.u32 $0x28000, s1  }
0xa: {  	s31 =	simm.s32 $0x8;
	[smem:$0x7FF] =	sst s2;
	s6 =	smul.u32 $0x2800, s3  }
0xb: {  	_ =	strace $0x80000050;
	s7 =	sshrl.u32 s4, $0x1;
	s8 =	smul.u32 $0x28000, s3  }
0xc: {  	s3 =	sadd.s32 $0x84600, s0;
	s0 =	sadd.s32 $0xC4600, s0;
	s9 =	ssub.s32 s4, s7  }
.Ltmp0:
0xd: {  	s6 =	sshrl.u32 s6, $0x3;
	s4 =	sadd.s32 s0, s8;
	(pc) =	sbr.rel .LBB2_1-.Ltmp0, $4  }
0xe: {  	s0 =	sadd.s32 s10, s0;
	s9 =	smax.u32 s9, $0x1;
	s5 =	sadd.s32 s5, s6  }
0xf: {  	s30 =	sadd.s32 $0x500, s4;
	s7 =	sadd.s32 $0xA00, s4;
	s8 =	sadd.s32 $0xF00, s4  }
0x10: {  	s10 =	sadd.s32 $0x27600, s4;
	s0 =	sadd.s32 s1, s0;
	[dreg:$0x3] =	wrdreg s5  }
0x11: {  	s1 =	simm.s32 $0x0;
	[dreg:$0x4] =	wrdreg s30;
	s0 =	sadd.s32 $0x1400, s0  }
.LBB2_4:
0x12: {  	_ =	swait.ge [sflag:s22], $0x2800  }
0x13: {  	[sflag:s22] =	ssyncset.done $0x0  }
0x14: {  	[sflag:s22] =	ssyncadd.s32 $0xFFFFD800  }
0x15: {  	_ =	swait.ge [sflag:s25], $0x2800  }
0x16: {  	[sflag:s25] =	ssyncset.done $0x0  }
0x17: {  	s1 =	sadd.s32 $0x1, s1;
	[sflag:s25] =	ssyncadd.s32 $0xFFFFD800  }
0x18: {  	p0 =	sne.s32 s1, s9;
	_ =	swait.ge [sflag:s29], $0x2800  }
.Ltmp1:
0x19: {  	[sflag:s29] =	ssyncset.done $0x0;
	(pc) =	sbr.rel @!p0 .LBB2_5-.Ltmp1, $4  }
0x1a: {  	[sflag:s29] =	ssyncadd.s32 $0xFFFFD800  }
0x1b: {  	_ =	swait.ge [sflag:s31], $0x2800  }
0x1c: {  	[sflag:s31] =	ssyncset.done $0x0  }
0x1d: {  	[sflag:s31] =	ssyncadd.s32 $0xFFFFD800  }
.LBB2_1:
0x1e: {  	s5 =	rddreg [dreg:$0x3]  }
0x1f: {  	[tilespmem:s2], [sflag:$0x9] =	stream.linear.gather [hbm4b:s5+s2], $0x2800, $0x38;
	[tilespmem:$0xC800] =	vst v63  }
0x20: {  	_ =	swait.ge [sflag:s12], $0x2800  }
0x21: {  	[sflag:s12] =	ssyncset.done $0x0  }
0x22: {  	[sflag:s12] =	ssyncadd.s32 $0xFFFFD800  }
0x23: {  	[tilespmem:s14], [sflag:$0x1] =	stream.indirect.gather [hbm4b:s3+s13], $0x80, s2, s13, $0xb8;
	[tilespmem:$0xC800] =	vst v63  }
0x24: {  	_ = 	snop  }
0x25: {  	[tilespmem:s15], [sflag:$0x2] =	stream.indirect.gather [hbm4b:s3+s13], $0x80, s13, s13, $0xb8;
	[tilespmem:$0xC800] =	vst v63  }
0x26: {  	s11 =	simm.s32 $0xA0  }
0x27: {  	[tilespmem:s17], [sflag:$0x3] =	stream.indirect.gather [hbm4b:s3+s13], $0x80, s11, s13, $0xb8;
	[tilespmem:$0xC800] =	vst v63  }
0x28: {  	_ =	swait.ge [sflag:s18], $0x2800  }
0x29: {  	[sflag:s18] =	ssyncset.done $0x0  }
0x2a: {  	[sflag:s18] =	ssyncadd.s32 $0xFFFFD800  }
0x2b: {  	[hbm4b:s4+s2] =	stream.linear.scatter [tilespmem:s14], [sflag:$0x5], $0x2800, $0x38;
	[tilespmem:$0xC800] =	vst v63  }
0x2c: {  	s16 =	simm.s32 $0xF0  }
0x2d: {  	[tilespmem:s20], [sflag:$0x4] =	stream.indirect.gather [hbm4b:s3+s13], $0x80, s16, s13, $0xb8;
	[tilespmem:$0xC800] =	vst v63  }
0x2e: {  	_ =	swait.ge [sflag:s21], $0x2800  }
0x2f: {  	[sflag:s21] =	ssyncset.done $0x0  }
0x30: {  	s19 =	rddreg [dreg:$0x4];
	[sflag:s21] =	ssyncadd.s32 $0xFFFFD800  }
0x31: {  	[hbm4b:s19+s2] =	stream.linear.scatter [tilespmem:s15], [sflag:$0x6], $0x2800, $0x38;
	[tilespmem:$0xC800] =	vst v63  }
0x32: {  	_ =	swait.ge [sflag:s22], $0x2800  }
0x33: {  	[sflag:s22] =	ssyncset.done $0x0  }
0x34: {  	s23 =	simm.s32 $0x140;
	[sflag:s22] =	ssyncadd.s32 $0xFFFFD800  }
0x35: {  	[tilespmem:s14], [sflag:$0x1] =	stream.indirect.gather [hbm4b:s3+s13], $0x80, s23, s13, $0xb8;
	[tilespmem:$0xC800] =	vst v63  }
0x36: {  	_ =	swait.ge [sflag:s24], $0x2800  }
0x37: {  	[sflag:s24] =	ssyncset.done $0x0  }
0x38: {  	[sflag:s24] =	ssyncadd.s32 $0xFFFFD800  }
0x39: {  	[hbm4b:s7+s2] =	stream.linear.scatter [tilespmem:s17], [sflag:$0x7], $0x2800, $0x38;
	[tilespmem:$0xC800] =	vst v63  }
0x3a: {  	_ =	swait.ge [sflag:s25], $0x2800  }
0x3b: {  	[sflag:s25] =	ssyncset.done $0x0  }
0x3c: {  	s26 =	simm.s32 $0x190;
	[sflag:s25] =	ssyncadd.s32 $0xFFFFD800  }
0x3d: {  	[tilespmem:s15], [sflag:$0x2] =	stream.indirect.gather [hbm4b:s3+s13], $0x80, s26, s13, $0xb8;
	[tilespmem:$0xC800] =	vst v63  }
0x3e: {  	_ =	swait.ge [sflag:s28], $0x2800  }
0x3f: {  	[sflag:s28] =	ssyncset.done $0x0  }
0x40: {  	[sflag:s28] =	ssyncadd.s32 $0xFFFFD800  }
0x41: {  	[hbm4b:s8+s2] =	stream.linear.scatter [tilespmem:s20], [sflag:$0x8], $0x2800, $0x38;
	[tilespmem:$0xC800] =	vst v63  }
0x42: {  	_ =	swait.ge [sflag:s29], $0x2800  }
0x43: {  	s30 =	simm.s32 $0x1E0;
	[sflag:s29] =	ssyncset.done $0x0  }
0x44: {  	s11 =	smov.u32 s0;
	s16 =	simm.s32 $0x0;
	[sflag:s29] =	ssyncadd.s32 $0xFFFFD800  }
0x45: {  	[tilespmem:s17], [sflag:$0x3] =	stream.indirect.gather [hbm4b:s3+s13], $0x80, s30, s13, $0xb8;
	[tilespmem:$0xC800] =	vst v63  }
.LBB2_2:
0x46: {  	_ =	swait.ge [sflag:s18], $0x2800  }
0x47: {  	[sflag:s18] =	ssyncset.done $0x0  }
0x48: {  	[sflag:s18] =	ssyncadd.s32 $0xFFFFD800  }
0x49: {  	[hbm4b:s11+s2] =	stream.linear.scatter [tilespmem:s14], [sflag:$0x5], $0x2800, $0x38;
	[tilespmem:$0xC800] =	vst v63  }
0x4a: {  	_ =	swait.ge [sflag:s31], $0x2800  }
0x4b: {  	s19 =	sshra.s32 s16, $0x2;
	[sflag:s31] =	ssyncset.done $0x0  }
0x4c: {  	s23 =	sadd.s32 $0x230, s19;
	[sflag:s31] =	ssyncadd.s32 $0xFFFFD800  }
0x4d: {  	[tilespmem:s20], [sflag:$0x4] =	stream.indirect.gather [hbm4b:s3+s13], $0x80, s23, s13, $0xb8;
	[tilespmem:$0xC800] =	vst v63  }
0x4e: {  	_ =	swait.ge [sflag:s21], $0x2800  }
0x4f: {  	p0 =	seq.s32 s16, $0x9600;
	[sflag:s21] =	ssyncset.done $0x0  }
0x50: {  	s26 =	sadd.s32 $0x500, s11;
	s23 =	simm.s32 @p0 $0x3;
	[sflag:s21] =	ssyncadd.s32 $0xFFFFD800  }
0x51: {  	[hbm4b:s26+s2] =	stream.linear.scatter [tilespmem:s15], [sflag:$0x6], $0x2800, $0x38;
	[tilespmem:$0xC800] =	vst v63  }
0x52: {  	_ =	swait.ge @p0 [sflag:s23], $0x2800  }
0x53: {  	[sflag:s23] =	ssyncset.done @p0 $0x0  }
0x54: {  	s26 =	simm.s32 @p0 $0x7800;
	[sflag:s23] =	ssyncadd.s32 @p0 $0xFFFFD800;
	s23 =	simm.s32 @p0 $0x0  }
0x55: {  	[hbm4b:s10+s23] =	stream.linear.scatter @p0 [tilespmem:s26], [sflag:$0x7], $0x2800, $0x38;
	[tilespmem:$0xC800] =	vst v63  }
0x56: {  	s23 =	simm.s32 @!p0 $0x5  }
0x57: {  	_ =	swait.ge @!p0 [sflag:s23], $0x2800  }
0x58: {  	[sflag:s23] =	ssyncset.done @!p0 $0x0  }
0x59: {  	[sflag:s23] =	ssyncadd.s32 @!p0 $0xFFFFD800;
	s23 =	sshra.s32 @!p0 s16, $0x2  }
0x5a: {  	s30 =	simm.s32 @!p0 $0x50;
	s5 =	simm.s32 @!p0 $0x2800;
	s26 =	sadd.s32 @!p0 $0x280, s23  }
0x5b: {  	[tilespmem:s5], [sflag:$0x1] =	stream.indirect.gather @!p0 [hbm4b:s3+s30], $0x80, s26, s30, $0xb8;
	[tilespmem:$0xC800] =	vst v63  }
0x5c: {  	s5 =	simm.s32 @!p0 $0x3  }
0x5d: {  	_ =	swait.ge @!p0 [sflag:s5], $0x2800  }
0x5e: {  	s6 =	simm.s32 @!p0 $0x7800;
	[sflag:s5] =	ssyncset.done @!p0 $0x0  }
0x5f: {  	s26 =	simm.s32 @!p0 $0x0;
	[sflag:s5] =	ssyncadd.s32 @!p0 $0xFFFFD800;
	s5 =	sadd.s32 @!p0 $0xA00, s11  }
0x60: {  	[hbm4b:s5+s26] =	stream.linear.scatter @!p0 [tilespmem:s6], [sflag:$0x7], $0x2800, $0x38;
	[tilespmem:$0xC800] =	vst v63  }
0x61: {  	s5 =	simm.s32 @!p0 $0x6  }
0x62: {  	_ =	swait.ge @!p0 [sflag:s5], $0x2800  }
0x63: {  	[sflag:s5] =	ssyncset.done @!p0 $0x0  }
0x64: {  	s6 =	simm.s32 @!p0 $0x5000;
	[sflag:s5] =	ssyncadd.s32 @!p0 $0xFFFFD800;
	s5 =	sadd.s32 @!p0 $0x2D0, s23  }
0x65: {  	[tilespmem:s6], [sflag:$0x2] =	stream.indirect.gather @!p0 [hbm4b:s3+s30], $0x80, s5, s30, $0xb8;
	[tilespmem:$0xC800] =	vst v63  }
.Ltmp2:
0x66: {  	_ = 	snop;
	(pc) =	sbr.rel @p0 .LBB2_4-.Ltmp2, $4  }
0x67: {  	_ =	swait.ge [sflag:s28], $0x2800  }
0x68: {  	[sflag:s28] =	ssyncset.done $0x0  }
0x69: {  	s30 =	sadd.s32 $0xF00, s11;
	[sflag:s28] =	ssyncadd.s32 $0xFFFFD800  }
0x6a: {  	[hbm4b:s30+s2] =	stream.linear.scatter [tilespmem:s20], [sflag:$0x8], $0x2800, $0x38;
	[tilespmem:$0xC800] =	vst v63  }
.Ltmp3:
0x6b: {  	(pc) =	sbr.rel .LBB2_2-.Ltmp3, $4  }
0x6c: {  	_ =	swait.ge [sflag:s29], $0x2800  }
0x6d: {  	s5 =	sadd.s32 $0x320, s19;
	[sflag:s29] =	ssyncset.done $0x0  }
0x6e: {  	s16 =	sadd.s32 $0x500, s16;
	s11 =	sadd.s32 $0x1400, s11;
	[sflag:s29] =	ssyncadd.s32 $0xFFFFD800  }
0x6f: {  	[tilespmem:s17], [sflag:$0x3] =	stream.indirect.gather [hbm4b:s3+s13], $0x80, s5, s13, $0xb8;
	[tilespmem:$0xC800] =	vst v63  }
.LBB2_5:
0x70: {  	_ =	sfence.sel $0x180000  }
0x71: {  	[bflag:$0x0] =	sbarrier.arrive $0xFFFF  }
0x72: {  	_ =	strace $0x90000050  }
0x73: {  	s0 =	stileid.u32;
	[bflag:$0x2] =	sbarrier.arrive $0xFFFF  }
0x74: {  	p0 =	sne.s32 s0, $0x0;
	s0 =	rddreg [dreg:$0x2]  }
0x75: {  	s0 =	sadd.s32 @!p0 $0x100000, s0  }
0x76: {  	[sflag:s0] =	ssyncadd.tile.s32 @!p0 $0x1;
	_ =	shalt  }
.Lfunc_end2:
_tile_overlayer_lowered:
.L_overlay_start_2:
0x77: {  	(tag) =	ssettag $0x2  }
0x78: {  	s0 =	rddreg [dreg:$0x0];
	s2 =	stileid.u32  }
0x79: {  	s1 =	rddreg [dreg:$0x1];
	p0 =	sne.s32 s2, $0x0  }
0x7a: {  	s3 =	rddreg [dreg:$0x2];
	[bflag:$0x3] =	sbarrier.arrive $0xFFFF;
	s2 =	simm.s32 @!p0 $0x1C09  }
0x7b: {  	[timem:s3], [sflag:s2] =	dma.local @!p0 [hbm:s0], s1  }
0x7c: {  	s0 =	simm.s32 @!p0 $0x9  }
0x7d: {  	_ =	swait.ge @!p0 [sflag:s0], s1  }
0x7e: {  	s1 =	ssub.s32 @!p0 $0x0, s1;
	[sflag:s0] =	ssyncset.done @!p0 $0x0  }
0x7f: {  	[sflag:s0] =	ssyncadd.s32 @!p0 s1  }
0x80: {  	[bflag:$0x3] =	sbarrier.arrive $0xFFFF  }
0x81: {  	_ =	shalt  }

</sc_bundles>
